<compile_context>
chip_gen: v7x
topology: tpu7x:2x2x1
jax: 0.10.2.dev20260603
libtpu: 0.0.44.dev20260713+nightly
codegen_flags: <defaults>
</compile_context>

<pallas_src>
import functools

import jax
import jax.numpy as jnp
from jax import lax
from jax.experimental import pallas as pl
from jax.experimental.pallas import tpu as pltpu
from jax.experimental.pallas import tpu_sc as plsc

NUM_EMBEDDINGS = 100000
EMBED_DIM = 128
CHUNK = 128
NBUF = 4
NSLOT = 2
LANES = 16


@functools.partial(jax.jit, static_argnames=("n_tokens",))
def _sc_embedding_lookup(ids_flat, weight, *, n_tokens):
    info = plsc.get_sparse_core_info()
    nc, ns = info.num_cores, info.num_subcores
    nw = nc * ns
    per_w = n_tokens // nw
    n_chunks = per_w // CHUNK
    assert (n_chunks - 8) % NBUF == 0 and n_chunks >= 16
    mesh = plsc.VectorSubcoreMesh(core_axis_name="c", subcore_axis_name="s")

    @functools.partial(
        pl.kernel,
        out_type=jax.ShapeDtypeStruct((n_tokens, EMBED_DIM), jnp.float32),
        mesh=mesh,
        scratch_types=[
            pltpu.VMEM((per_w,), jnp.int32),
            pltpu.VMEM((NBUF, CHUNK, EMBED_DIM), jnp.float32),
            pltpu.VMEM_SHARED((ns * NSLOT * CHUNK, EMBED_DIM), jnp.float32),
            pltpu.SemaphoreType.DMA,
            pltpu.SemaphoreType.DMA,
            pltpu.SemaphoreType.DMA,
            pltpu.SemaphoreType.DMA,
            pltpu.SemaphoreType.DMA,
            pltpu.SemaphoreType.DMA,
            pltpu.SemaphoreType.DMA,
        ],
    )
    def k(ids_hbm, table_hbm, out_hbm, idx_v, rows_v, rows_sh,
          gsem0, gsem1, gsem2, gsem3, s1e, s1o, s2sem):
        gsems = (gsem0, gsem1, gsem2, gsem3)
        s1sems = (s1e, s1o)
        wid = lax.axis_index("s") * nc + lax.axis_index("c")
        base = wid * per_w
        sid = lax.axis_index("s")

        def clamp(i):
            for t in range(CHUNK // LANES):
                sl = pl.ds(i * CHUNK + t * LANES, LANES)
                v = idx_v[sl]
                idx_v[sl] = jnp.where(v >= NUM_EMBEDDINGS, 0, v)

        def step(i, ii):
            clamp(i + 1)
            fire_gather_static(i + 1, (ii + 1) % NBUF)
            wait_gather_static(i, ii)
            drain_hop2_static(i - 2, ii % NSLOT)
            fire_hop1_static(i, ii)
            drain_hop1_static(i - 1, (ii - 1) % NBUF)
            fire_hop2_static(i - 1, (ii - 1) % NBUF)

        def fire_gather_static(i, b):
            pltpu.async_copy(
                table_hbm.at[idx_v.at[pl.ds(i * CHUNK, CHUNK)]], rows_v.at[b], gsems[b]
            )

        def wait_gather_static(i, b):
            del i
            pltpu.make_async_copy(
                table_hbm.at[idx_v.at[pl.ds(0, CHUNK)]], rows_v.at[b], gsems[b]
            ).wait()

        def sh_static(b):
            return pl.ds((sid * NSLOT + b % NSLOT) * CHUNK, CHUNK)

        def fire_hop1_static(i, b):
            del i
            pltpu.async_copy(rows_v.at[b], rows_sh.at[sh_static(b)], s1sems[b % 2])

        def drain_hop1_static(i, b):
            del i
            pltpu.make_async_copy(
                rows_v.at[b], rows_sh.at[sh_static(b)], s1sems[b % 2]
            ).wait()

        def fire_hop2_static(i, b):
            pltpu.async_copy(
                rows_sh.at[sh_static(b)], out_hbm.at[pl.ds(base + i * CHUNK, CHUNK)], s2sem
            )

        def drain_hop2_static(i, b):
            del i
            pltpu.make_async_copy(
                rows_sh.at[sh_static(b)], out_hbm.at[pl.ds(base, CHUNK)], s2sem
            ).wait()

        pltpu.sync_copy(ids_hbm.at[pl.ds(base, per_w)], idx_v)

        clamp(0)
        fire_gather_static(0, 0)
        clamp(1)
        fire_gather_static(1, 1)
        wait_gather_static(0, 0)
        fire_hop1_static(0, 0)
        clamp(2)
        fire_gather_static(2, 2)
        wait_gather_static(1, 1)
        fire_hop1_static(1, 1)
        drain_hop1_static(0, 0)
        fire_hop2_static(0, 0)
        for i in range(2, 8):
            step(i, i % NBUF)

        def body(g, _):
            i0 = 8 + g * NBUF
            for b in range(NBUF):
                step(i0 + b, b)
            return 0

        n_mid = n_chunks - 1 - 8
        lax.fori_loop(0, n_mid // NBUF, body, 0)
        for i in range(n_chunks - 1 - (n_mid % NBUF), n_chunks - 1):
            step(i, i % NBUF)

        last = n_chunks - 1
        li = last % NBUF
        wait_gather_static(last, li)
        drain_hop2_static(last - 2, li % NSLOT)
        fire_hop1_static(last, li)
        drain_hop1_static(last - 1, (li - 1) % NBUF)
        fire_hop2_static(last - 1, (li - 1) % NBUF)
        drain_hop1_static(last, li)
        fire_hop2_static(last, li)
        drain_hop2_static(last - 1, (li - 1) % NBUF)
        drain_hop2_static(last, li)

    return k(ids_flat, weight)


def kernel(input_ids, weight):
    b, s = input_ids.shape
    ids_flat = input_ids.reshape(b * s).astype(jnp.int32)
    out = _sc_embedding_lookup(ids_flat, weight, n_tokens=b * s)
    return out.reshape(b, s, EMBED_DIM)

# --- scband reference (transcript-rebuilt; emitter-appended) ---
"""Pipeline reference for scband-clip-wrapper-66254165508126 (READ-ONLY COPY).

The authoritative reference and input builder live on the scoring server;
editing this copy changes nothing except your own understanding.
"""

import jax, jax.numpy as jnp
import numpy as np

NUM_EMBEDDINGS = 100000
EMBED_DIM = 128
BATCH = 4096
SEQ_LEN = 200


def setup_inputs(seed: int = 0) -> dict:
    key = jax.random.key(seed)
    k_ids, k_w = jax.random.split(key)
    input_ids = jax.random.randint(k_ids, (BATCH, SEQ_LEN), 0, NUM_EMBEDDINGS, dtype=jnp.int64 if jax.config.jax_enable_x64 else jnp.int32)
    weight = jax.random.normal(k_w, (NUM_EMBEDDINGS, EMBED_DIM), dtype=jnp.float32) * 0.02
    return {"input_ids": input_ids, "weight": weight}


def reference(input_ids, weight):
    # EmbeddingLayerWithFixes.forward with no external embeddings:
    # 1) replace_input_ids: any id >= num_embeddings is mapped to 0
    num_embeddings = weight.shape[0]
    input_ids_fwd = jnp.where(input_ids >= num_embeddings, 0, input_ids)
    # 2) wrapped nn.Embedding lookup
    out = jnp.take(weight, input_ids_fwd, axis=0)
    return out

if __name__ == "__main__":
    import jax
    _d = setup_inputs()
    print(jax.jit(kernel)(*tuple(_d.values())))

</pallas_src>

<mosaic_0001>
#map = affine_map<(d0, d1) -> (0)>
#map1 = affine_map<(d0, d1) -> (0, 0)>
module attributes {stable_mosaic.version = 14 : i64} {
  func.func @k(%arg0: i32, %arg1: i32, %arg2: memref<819200xi32, #tpu.memory_space<hbm>>, %arg3: memref<100000x128xf32, #tpu.memory_space<hbm>>, %arg4: memref<819200x128xf32, #tpu.memory_space<hbm>>, %arg5: memref<25600xi32, #tpu.memory_space<vmem>>, %arg6: memref<4x128x128xf32, #tpu.memory_space<vmem>>, %arg7: memref<4096x128xf32, #tpu.memory_space<vmem_shared>>, %arg8: memref<!tpu.dma_semaphore, #tpu.memory_space<semaphore_mem>>, %arg9: memref<!tpu.dma_semaphore, #tpu.memory_space<semaphore_mem>>, %arg10: memref<!tpu.dma_semaphore, #tpu.memory_space<semaphore_mem>>, %arg11: memref<!tpu.dma_semaphore, #tpu.memory_space<semaphore_mem>>, %arg12: memref<!tpu.dma_semaphore, #tpu.memory_space<semaphore_mem>>, %arg13: memref<!tpu.dma_semaphore, #tpu.memory_space<semaphore_mem>>, %arg14: memref<!tpu.dma_semaphore, #tpu.memory_space<semaphore_mem>>) attributes {dimension_semantics = [#tpu.dimension_semantics<core_parallel>, #tpu.dimension_semantics<subcore_parallel>], iteration_bounds = array<i64: 2, 16>, scalar_prefetch = 0 : i64, scratch_operands = 10 : i64, tpu.core_type = #tpu.core_type<sc_vector_subcore>, window_params = [{transform_indices = #map}, {transform_indices = #map1}, {transform_indices = #map1}]} {
    %mul3A = arith.constant 2 : i32
    %mul3A_0 = arith.muli %arg1, %mul3A : i32
    %add3A = arith.addi %mul3A_0, %arg0 : i32
    %mul3A_1 = arith.constant 25600 : i32
    %mul3A_2 = arith.muli %add3A, %mul3A_1 : i32
    "tpu.region"() ({
      %run_scoped3A = tpu.sem_alloc : memref<!tpu.dma_semaphore, #tpu.memory_space<semaphore_mem>>
      %dma_start3A_2209 = tpu.memref_slice %arg2[%mul3A_2] : memref<819200xi32, #tpu.memory_space<hbm>> -> memref<25600xi32, #tpu.memory_space<hbm>>
      %dma_start3A_2210 = tpu.memref_slice %arg2[%mul3A_2] : memref<819200xi32, #tpu.memory_space<hbm>> -> memref<25600xi32, #tpu.memory_space<hbm>>
      tpu.enqueue_dma source(%dma_start3A_2210 : memref<25600xi32, #tpu.memory_space<hbm>>) target(%arg5 : memref<25600xi32, #tpu.memory_space<vmem>>) target_semaphore(%run_scoped3A : memref<!tpu.dma_semaphore, #tpu.memory_space<semaphore_mem>>)
      %dma_wait3A_2211 = tpu.memref_slice %arg2[%mul3A_2] : memref<819200xi32, #tpu.memory_space<hbm>> -> memref<25600xi32, #tpu.memory_space<hbm>>
      %dma_wait3A_2212 = tpu.memref_slice %arg2[%mul3A_2] : memref<819200xi32, #tpu.memory_space<hbm>> -> memref<25600xi32, #tpu.memory_space<hbm>>
      tpu.wait_dma2 semaphore(%run_scoped3A : memref<!tpu.dma_semaphore, #tpu.memory_space<semaphore_mem>>) src(%dma_wait3A_2212 : memref<25600xi32, #tpu.memory_space<hbm>>) dst(%arg5 : memref<25600xi32, #tpu.memory_space<vmem>>)
      tpu.yield
    }) : () -> ()
    %get3A = arith.constant 0 : index
    %get3A_3 = tpu.vector_load %arg5[%get3A] {strides = array<i32>} : memref<25600xi32, #tpu.memory_space<vmem>>, vector<16xi32>,
    %get3A_4 = vector.shape_cast %get3A_3 : vector<16xi32> to vector<16xi32>
    %ge3A = arith.constant 100000 : i32
    %ge3A_5 = vector.broadcast %ge3A : i32 to vector<16xi32>
    %ge3A_6 = arith.cmpi sge, %get3A_4, %ge3A_5 : vector<16xi32>
    %jit3A = arith.constant 0 : i32
    %broadcast_in_dim3A = vector.broadcast %jit3A : i32 to vector<16xi32>
    %select_n3A = arith.select %ge3A_6, %broadcast_in_dim3A, %get3A_4 : vector<16xi1>, vector<16xi32>
    %swap3A = arith.constant 0 : index
    %swap3A_7 = tpu.vector_load %arg5[%swap3A] {strides = array<i32>} : memref<25600xi32, #tpu.memory_space<vmem>>, vector<16xi32>,
    %swap3A_8 = vector.shape_cast %swap3A_7 : vector<16xi32> to vector<16xi32>
    %swap3A_9 = vector.shape_cast %select_n3A : vector<16xi32> to vector<16xi32>
    tpu.vector_store %arg5[%swap3A], %swap3A_9 {strides = array<i32>} : memref<25600xi32, #tpu.memory_space<vmem>>, vector<16xi32>,
    %get3A_10 = arith.constant 16 : index
    %get3A_11 = tpu.vector_load %arg5[%get3A_10] {strides = array<i32>} : memref<25600xi32, #tpu.memory_space<vmem>>, vector<16xi32>,
    %get3A_12 = vector.shape_cast %get3A_11 : vector<16xi32> to vector<16xi32>
    %ge3A_13 = arith.constant 100000 : i32
    %ge3A_14 = vector.broadcast %ge3A_13 : i32 to vector<16xi32>
    %ge3A_15 = arith.cmpi sge, %get3A_12, %ge3A_14 : vector<16xi32>
    %jit3A_16 = arith.constant 0 : i32
    %broadcast_in_dim3A_17 = vector.broadcast %jit3A_16 : i32 to vector<16xi32>
    %select_n3A_18 = arith.select %ge3A_15, %broadcast_in_dim3A_17, %get3A_12 : vector<16xi1>, vector<16xi32>
    %swap3A_19 = arith.constant 16 : index
    %swap3A_20 = tpu.vector_load %arg5[%swap3A_19] {strides = array<i32>} : memref<25600xi32, #tpu.memory_space<vmem>>, vector<16xi32>,
    %swap3A_21 = vector.shape_cast %swap3A_20 : vector<16xi32> to vector<16xi32>
    %swap3A_22 = vector.shape_cast %select_n3A_18 : vector<16xi32> to vector<16xi32>
    tpu.vector_store %arg5[%swap3A_19], %swap3A_22 {strides = array<i32>} : memref<25600xi32, #tpu.memory_space<vmem>>, vector<16xi32>,
    %get3A_23 = arith.constant 32 : index
    %get3A_24 = tpu.vector_load %arg5[%get3A_23] {strides = array<i32>} : memref<25600xi32, #tpu.memory_space<vmem>>, vector<16xi32>,
    %get3A_25 = vector.shape_cast %get3A_24 : vector<16xi32> to vector<16xi32>
    %ge3A_26 = arith.constant 100000 : i32
    %ge3A_27 = vector.broadcast %ge3A_26 : i32 to vector<16xi32>
    %ge3A_28 = arith.cmpi sge, %get3A_25, %ge3A_27 : vector<16xi32>
    %jit3A_29 = arith.constant 0 : i32
    %broadcast_in_dim3A_30 = vector.broadcast %jit3A_29 : i32 to vector<16xi32>
    %select_n3A_31 = arith.select %ge3A_28, %broadcast_in_dim3A_30, %get3A_25 : vector<16xi1>, vector<16xi32>
    %swap3A_32 = arith.constant 32 : index
    %swap3A_33 = tpu.vector_load %arg5[%swap3A_32] {strides = array<i32>} : memref<25600xi32, #tpu.memory_space<vmem>>, vector<16xi32>,
    %swap3A_34 = vector.shape_cast %swap3A_33 : vector<16xi32> to vector<16xi32>
    %swap3A_35 = vector.shape_cast %select_n3A_31 : vector<16xi32> to vector<16xi32>
    tpu.vector_store %arg5[%swap3A_32], %swap3A_35 {strides = array<i32>} : memref<25600xi32, #tpu.memory_space<vmem>>, vector<16xi32>,
    %get3A_36 = arith.constant 48 : index
    %get3A_37 = tpu.vector_load %arg5[%get3A_36] {strides = array<i32>} : memref<25600xi32, #tpu.memory_space<vmem>>, vector<16xi32>,
    %get3A_38 = vector.shape_cast %get3A_37 : vector<16xi32> to vector<16xi32>
    %ge3A_39 = arith.constant 100000 : i32
    %ge3A_40 = vector.broadcast %ge3A_39 : i32 to vector<16xi32>
    %ge3A_41 = arith.cmpi sge, %get3A_38, %ge3A_40 : vector<16xi32>
    %jit3A_42 = arith.constant 0 : i32
    %broadcast_in_dim3A_43 = vector.broadcast %jit3A_42 : i32 to vector<16xi32>
    %select_n3A_44 = arith.select %ge3A_41, %broadcast_in_dim3A_43, %get3A_38 : vector<16xi1>, vector<16xi32>
    %swap3A_45 = arith.constant 48 : index
    %swap3A_46 = tpu.vector_load %arg5[%swap3A_45] {strides = array<i32>} : memref<25600xi32, #tpu.memory_space<vmem>>, vector<16xi32>,
    %swap3A_47 = vector.shape_cast %swap3A_46 : vector<16xi32> to vector<16xi32>
    %swap3A_48 = vector.shape_cast %select_n3A_44 : vector<16xi32> to vector<16xi32>
    tpu.vector_store %arg5[%swap3A_45], %swap3A_48 {strides = array<i32>} : memref<25600xi32, #tpu.memory_space<vmem>>, vector<16xi32>,
    %get3A_49 = arith.constant 64 : index
    %get3A_50 = tpu.vector_load %arg5[%get3A_49] {strides = array<i32>} : memref<25600xi32, #tpu.memory_space<vmem>>, vector<16xi32>,
    %get3A_51 = vector.shape_cast %get3A_50 : vector<16xi32> to vector<16xi32>
    %ge3A_52 = arith.constant 100000 : i32
    %ge3A_53 = vector.broadcast %ge3A_52 : i32 to vector<16xi32>
    %ge3A_54 = arith.cmpi sge, %get3A_51, %ge3A_53 : vector<16xi32>
    %jit3A_55 = arith.constant 0 : i32
    %broadcast_in_dim3A_56 = vector.broadcast %jit3A_55 : i32 to vector<16xi32>
    %select_n3A_57 = arith.select %ge3A_54, %broadcast_in_dim3A_56, %get3A_51 : vector<16xi1>, vector<16xi32>
    %swap3A_58 = arith.constant 64 : index
    %swap3A_59 = tpu.vector_load %arg5[%swap3A_58] {strides = array<i32>} : memref<25600xi32, #tpu.memory_space<vmem>>, vector<16xi32>,
    %swap3A_60 = vector.shape_cast %swap3A_59 : vector<16xi32> to vector<16xi32>
    %swap3A_61 = vector.shape_cast %select_n3A_57 : vector<16xi32> to vector<16xi32>
    tpu.vector_store %arg5[%swap3A_58], %swap3A_61 {strides = array<i32>} : memref<25600xi32, #tpu.memory_space<vmem>>, vector<16xi32>,
    %get3A_62 = arith.constant 80 : index
    %get3A_63 = tpu.vector_load %arg5[%get3A_62] {strides = array<i32>} : memref<25600xi32, #tpu.memory_space<vmem>>, vector<16xi32>,
    %get3A_64 = vector.shape_cast %get3A_63 : vector<16xi32> to vector<16xi32>
    %ge3A_65 = arith.constant 100000 : i32
    %ge3A_66 = vector.broadcast %ge3A_65 : i32 to vector<16xi32>
    %ge3A_67 = arith.cmpi sge, %get3A_64, %ge3A_66 : vector<16xi32>
    %jit3A_68 = arith.constant 0 : i32
    %broadcast_in_dim3A_69 = vector.broadcast %jit3A_68 : i32 to vector<16xi32>
    %select_n3A_70 = arith.select %ge3A_67, %broadcast_in_dim3A_69, %get3A_64 : vector<16xi1>, vector<16xi32>
    %swap3A_71 = arith.constant 80 : index
    %swap3A_72 = tpu.vector_load %arg5[%swap3A_71] {strides = array<i32>} : memref<25600xi32, #tpu.memory_space<vmem>>, vector<16xi32>,
    %swap3A_73 = vector.shape_cast %swap3A_72 : vector<16xi32> to vector<16xi32>
    %swap3A_74 = vector.shape_cast %select_n3A_70 : vector<16xi32> to vector<16xi32>
    tpu.vector_store %arg5[%swap3A_71], %swap3A_74 {strides = array<i32>} : memref<25600xi32, #tpu.memory_space<vmem>>, vector<16xi32>,
    %get3A_75 = arith.constant 96 : index
    %get3A_76 = tpu.vector_load %arg5[%get3A_75] {strides = array<i32>} : memref<25600xi32, #tpu.memory_space<vmem>>, vector<16xi32>,
    %get3A_77 = vector.shape_cast %get3A_76 : vector<16xi32> to vector<16xi32>
    %ge3A_78 = arith.constant 100000 : i32
    %ge3A_79 = vector.broadcast %ge3A_78 : i32 to vector<16xi32>
    %ge3A_80 = arith.cmpi sge, %get3A_77, %ge3A_79 : vector<16xi32>
    %jit3A_81 = arith.constant 0 : i32
    %broadcast_in_dim3A_82 = vector.broadcast %jit3A_81 : i32 to vector<16xi32>
    %select_n3A_83 = arith.select %ge3A_80, %broadcast_in_dim3A_82, %get3A_77 : vector<16xi1>, vector<16xi32>
    %swap3A_84 = arith.constant 96 : index
    %swap3A_85 = tpu.vector_load %arg5[%swap3A_84] {strides = array<i32>} : memref<25600xi32, #tpu.memory_space<vmem>>, vector<16xi32>,
    %swap3A_86 = vector.shape_cast %swap3A_85 : vector<16xi32> to vector<16xi32>
    %swap3A_87 = vector.shape_cast %select_n3A_83 : vector<16xi32> to vector<16xi32>
    tpu.vector_store %arg5[%swap3A_84], %swap3A_87 {strides = array<i32>} : memref<25600xi32, #tpu.memory_space<vmem>>, vector<16xi32>,
    %get3A_88 = arith.constant 112 : index
    %get3A_89 = tpu.vector_load %arg5[%get3A_88] {strides = array<i32>} : memref<25600xi32, #tpu.memory_space<vmem>>, vector<16xi32>,
    %get3A_90 = vector.shape_cast %get3A_89 : vector<16xi32> to vector<16xi32>
    %ge3A_91 = arith.constant 100000 : i32
    %ge3A_92 = vector.broadcast %ge3A_91 : i32 to vector<16xi32>
    %ge3A_93 = arith.cmpi sge, %get3A_90, %ge3A_92 : vector<16xi32>
    %jit3A_94 = arith.constant 0 : i32
    %broadcast_in_dim3A_95 = vector.broadcast %jit3A_94 : i32 to vector<16xi32>
    %select_n3A_96 = arith.select %ge3A_93, %broadcast_in_dim3A_95, %get3A_90 : vector<16xi1>, vector<16xi32>
    %swap3A_97 = arith.constant 112 : index
    %swap3A_98 = tpu.vector_load %arg5[%swap3A_97] {strides = array<i32>} : memref<25600xi32, #tpu.memory_space<vmem>>, vector<16xi32>,
    %swap3A_99 = vector.shape_cast %swap3A_98 : vector<16xi32> to vector<16xi32>
    %swap3A_100 = vector.shape_cast %select_n3A_96 : vector<16xi32> to vector<16xi32>
    tpu.vector_store %arg5[%swap3A_97], %swap3A_100 {strides = array<i32>} : memref<25600xi32, #tpu.memory_space<vmem>>, vector<16xi32>,
    %dma_start3A = arith.constant 0 : i32
    %dma_start3A_101 = arith.constant 0 : i32
    %dma_start3A_102 = arith.constant 0 : i32
    %dma_start3A_103 = tpu.memref_slice %arg6[%dma_start3A, %dma_start3A_101, %dma_start3A_102] : memref<4x128x128xf32, #tpu.memory_space<vmem>> -> memref<1x128x128xf32, #tpu.memory_space<vmem>>
    %dma_start3A_104 = tpu.memref_squeeze %dma_start3A_103 : memref<1x128x128xf32, #tpu.memory_space<vmem>> -> memref<128x128xf32, #tpu.memory_space<vmem>>
    %dma_start3A_105 = arith.constant 0 : i32
    %dma_start3A_106 = tpu.memref_slice %arg5[%dma_start3A_105] : memref<25600xi32, #tpu.memory_space<vmem>> -> memref<128xi32, #tpu.memory_space<vmem>>
    %dma_start3A_107 = arith.constant 0 : i32
    %dma_start3A_108 = arith.constant 0 : i32
    %dma_start3A_109 = tpu.memref_slice %arg3[%dma_start3A_107, %dma_start3A_108] : memref<100000x128xf32, #tpu.memory_space<hbm>> -> memref<100000x128xf32, #tpu.memory_space<hbm>>
    tpu.enqueue_indirect_dma source(%dma_start3A_109 : memref<100000x128xf32, #tpu.memory_space<hbm>>) target(%dma_start3A_104 : memref<128x128xf32, #tpu.memory_space<vmem>>) offsets(%dma_start3A_106 : memref<128xi32, #tpu.memory_space<vmem>>) semaphore(%arg8 : memref<!tpu.dma_semaphore, #tpu.memory_space<semaphore_mem>>)
    %get3A_110 = arith.constant 128 : index
    %get3A_111 = tpu.vector_load %arg5[%get3A_110] {strides = array<i32>} : memref<25600xi32, #tpu.memory_space<vmem>>, vector<16xi32>,
    %get3A_112 = vector.shape_cast %get3A_111 : vector<16xi32> to vector<16xi32>
    %ge3A_113 = arith.constant 100000 : i32
    %ge3A_114 = vector.broadcast %ge3A_113 : i32 to vector<16xi32>
    %ge3A_115 = arith.cmpi sge, %get3A_112, %ge3A_114 : vector<16xi32>
    %jit3A_116 = arith.constant 0 : i32
    %broadcast_in_dim3A_117 = vector.broadcast %jit3A_116 : i32 to vector<16xi32>
    %select_n3A_118 = arith.select %ge3A_115, %broadcast_in_dim3A_117, %get3A_112 : vector<16xi1>, vector<16xi32>
    %swap3A_119 = arith.constant 128 : index
    %swap3A_120 = tpu.vector_load %arg5[%swap3A_119] {strides = array<i32>} : memref<25600xi32, #tpu.memory_space<vmem>>, vector<16xi32>,
    %swap3A_121 = vector.shape_cast %swap3A_120 : vector<16xi32> to vector<16xi32>
    %swap3A_122 = vector.shape_cast %select_n3A_118 : vector<16xi32> to vector<16xi32>
    tpu.vector_store %arg5[%swap3A_119], %swap3A_122 {strides = array<i32>} : memref<25600xi32, #tpu.memory_space<vmem>>, vector<16xi32>,
    %get3A_123 = arith.constant 144 : index
    %get3A_124 = tpu.vector_load %arg5[%get3A_123] {strides = array<i32>} : memref<25600xi32, #tpu.memory_space<vmem>>, vector<16xi32>,
    %get3A_125 = vector.shape_cast %get3A_124 : vector<16xi32> to vector<16xi32>
    %ge3A_126 = arith.constant 100000 : i32
    %ge3A_127 = vector.broadcast %ge3A_126 : i32 to vector<16xi32>
    %ge3A_128 = arith.cmpi sge, %get3A_125, %ge3A_127 : vector<16xi32>
    %jit3A_129 = arith.constant 0 : i32
    %broadcast_in_dim3A_130 = vector.broadcast %jit3A_129 : i32 to vector<16xi32>
    %select_n3A_131 = arith.select %ge3A_128, %broadcast_in_dim3A_130, %get3A_125 : vector<16xi1>, vector<16xi32>
    %swap3A_132 = arith.constant 144 : index
    %swap3A_133 = tpu.vector_load %arg5[%swap3A_132] {strides = array<i32>} : memref<25600xi32, #tpu.memory_space<vmem>>, vector<16xi32>,
    %swap3A_134 = vector.shape_cast %swap3A_133 : vector<16xi32> to vector<16xi32>
    %swap3A_135 = vector.shape_cast %select_n3A_131 : vector<16xi32> to vector<16xi32>
    tpu.vector_store %arg5[%swap3A_132], %swap3A_135 {strides = array<i32>} : memref<25600xi32, #tpu.memory_space<vmem>>, vector<16xi32>,
    %get3A_136 = arith.constant 160 : index
    %get3A_137 = tpu.vector_load %arg5[%get3A_136] {strides = array<i32>} : memref<25600xi32, #tpu.memory_space<vmem>>, vector<16xi32>,
    %get3A_138 = vector.shape_cast %get3A_137 : vector<16xi32> to vector<16xi32>
    %ge3A_139 = arith.constant 100000 : i32
    %ge3A_140 = vector.broadcast %ge3A_139 : i32 to vector<16xi32>
    %ge3A_141 = arith.cmpi sge, %get3A_138, %ge3A_140 : vector<16xi32>
    %jit3A_142 = arith.constant 0 : i32
    %broadcast_in_dim3A_143 = vector.broadcast %jit3A_142 : i32 to vector<16xi32>
    %select_n3A_144 = arith.select %ge3A_141, %broadcast_in_dim3A_143, %get3A_138 : vector<16xi1>, vector<16xi32>
    %swap3A_145 = arith.constant 160 : index
    %swap3A_146 = tpu.vector_load %arg5[%swap3A_145] {strides = array<i32>} : memref<25600xi32, #tpu.memory_space<vmem>>, vector<16xi32>,
    %swap3A_147 = vector.shape_cast %swap3A_146 : vector<16xi32> to vector<16xi32>
    %swap3A_148 = vector.shape_cast %select_n3A_144 : vector<16xi32> to vector<16xi32>
    tpu.vector_store %arg5[%swap3A_145], %swap3A_148 {strides = array<i32>} : memref<25600xi32, #tpu.memory_space<vmem>>, vector<16xi32>,
    %get3A_149 = arith.constant 176 : index
    %get3A_150 = tpu.vector_load %arg5[%get3A_149] {strides = array<i32>} : memref<25600xi32, #tpu.memory_space<vmem>>, vector<16xi32>,
    %get3A_151 = vector.shape_cast %get3A_150 : vector<16xi32> to vector<16xi32>
    %ge3A_152 = arith.constant 100000 : i32
    %ge3A_153 = vector.broadcast %ge3A_152 : i32 to vector<16xi32>
    %ge3A_154 = arith.cmpi sge, %get3A_151, %ge3A_153 : vector<16xi32>
    %jit3A_155 = arith.constant 0 : i32
    %broadcast_in_dim3A_156 = vector.broadcast %jit3A_155 : i32 to vector<16xi32>
    %select_n3A_157 = arith.select %ge3A_154, %broadcast_in_dim3A_156, %get3A_151 : vector<16xi1>, vector<16xi32>
    %swap3A_158 = arith.constant 176 : index
    %swap3A_159 = tpu.vector_load %arg5[%swap3A_158] {strides = array<i32>} : memref<25600xi32, #tpu.memory_space<vmem>>, vector<16xi32>,
    %swap3A_160 = vector.shape_cast %swap3A_159 : vector<16xi32> to vector<16xi32>
    %swap3A_161 = vector.shape_cast %select_n3A_157 : vector<16xi32> to vector<16xi32>
    tpu.vector_store %arg5[%swap3A_158], %swap3A_161 {strides = array<i32>} : memref<25600xi32, #tpu.memory_space<vmem>>, vector<16xi32>,
    %get3A_162 = arith.constant 192 : index
    %get3A_163 = tpu.vector_load %arg5[%get3A_162] {strides = array<i32>} : memref<25600xi32, #tpu.memory_space<vmem>>, vector<16xi32>,
    %get3A_164 = vector.shape_cast %get3A_163 : vector<16xi32> to vector<16xi32>
    %ge3A_165 = arith.constant 100000 : i32
    %ge3A_166 = vector.broadcast %ge3A_165 : i32 to vector<16xi32>
    %ge3A_167 = arith.cmpi sge, %get3A_164, %ge3A_166 : vector<16xi32>
    %jit3A_168 = arith.constant 0 : i32
    %broadcast_in_dim3A_169 = vector.broadcast %jit3A_168 : i32 to vector<16xi32>
    %select_n3A_170 = arith.select %ge3A_167, %broadcast_in_dim3A_169, %get3A_164 : vector<16xi1>, vector<16xi32>
    %swap3A_171 = arith.constant 192 : index
    %swap3A_172 = tpu.vector_load %arg5[%swap3A_171] {strides = array<i32>} : memref<25600xi32, #tpu.memory_space<vmem>>, vector<16xi32>,
    %swap3A_173 = vector.shape_cast %swap3A_172 : vector<16xi32> to vector<16xi32>
    %swap3A_174 = vector.shape_cast %select_n3A_170 : vector<16xi32> to vector<16xi32>
    tpu.vector_store %arg5[%swap3A_171], %swap3A_174 {strides = array<i32>} : memref<25600xi32, #tpu.memory_space<vmem>>, vector<16xi32>,
    %get3A_175 = arith.constant 208 : index
    %get3A_176 = tpu.vector_load %arg5[%get3A_175] {strides = array<i32>} : memref<25600xi32, #tpu.memory_space<vmem>>, vector<16xi32>,
    %get3A_177 = vector.shape_cast %get3A_176 : vector<16xi32> to vector<16xi32>
    %ge3A_178 = arith.constant 100000 : i32
    %ge3A_179 = vector.broadcast %ge3A_178 : i32 to vector<16xi32>
    %ge3A_180 = arith.cmpi sge, %get3A_177, %ge3A_179 : vector<16xi32>
    %jit3A_181 = arith.constant 0 : i32
    %broadcast_in_dim3A_182 = vector.broadcast %jit3A_181 : i32 to vector<16xi32>
    %select_n3A_183 = arith.select %ge3A_180, %broadcast_in_dim3A_182, %get3A_177 : vector<16xi1>, vector<16xi32>
    %swap3A_184 = arith.constant 208 : index
    %swap3A_185 = tpu.vector_load %arg5[%swap3A_184] {strides = array<i32>} : memref<25600xi32, #tpu.memory_space<vmem>>, vector<16xi32>,
    %swap3A_186 = vector.shape_cast %swap3A_185 : vector<16xi32> to vector<16xi32>
    %swap3A_187 = vector.shape_cast %select_n3A_183 : vector<16xi32> to vector<16xi32>
    tpu.vector_store %arg5[%swap3A_184], %swap3A_187 {strides = array<i32>} : memref<25600xi32, #tpu.memory_space<vmem>>, vector<16xi32>,
    %get3A_188 = arith.constant 224 : index
    %get3A_189 = tpu.vector_load %arg5[%get3A_188] {strides = array<i32>} : memref<25600xi32, #tpu.memory_space<vmem>>, vector<16xi32>,
    %get3A_190 = vector.shape_cast %get3A_189 : vector<16xi32> to vector<16xi32>
    %ge3A_191 = arith.constant 100000 : i32
    %ge3A_192 = vector.broadcast %ge3A_191 : i32 to vector<16xi32>
    %ge3A_193 = arith.cmpi sge, %get3A_190, %ge3A_192 : vector<16xi32>
    %jit3A_194 = arith.constant 0 : i32
    %broadcast_in_dim3A_195 = vector.broadcast %jit3A_194 : i32 to vector<16xi32>
    %select_n3A_196 = arith.select %ge3A_193, %broadcast_in_dim3A_195, %get3A_190 : vector<16xi1>, vector<16xi32>
    %swap3A_197 = arith.constant 224 : index
    %swap3A_198 = tpu.vector_load %arg5[%swap3A_197] {strides = array<i32>} : memref<25600xi32, #tpu.memory_space<vmem>>, vector<16xi32>,
    %swap3A_199 = vector.shape_cast %swap3A_198 : vector<16xi32> to vector<16xi32>
    %swap3A_200 = vector.shape_cast %select_n3A_196 : vector<16xi32> to vector<16xi32>
    tpu.vector_store %arg5[%swap3A_197], %swap3A_200 {strides = array<i32>} : memref<25600xi32, #tpu.memory_space<vmem>>, vector<16xi32>,
    %get3A_201 = arith.constant 240 : index
    %get3A_202 = tpu.vector_load %arg5[%get3A_201] {strides = array<i32>} : memref<25600xi32, #tpu.memory_space<vmem>>, vector<16xi32>,
    %get3A_203 = vector.shape_cast %get3A_202 : vector<16xi32> to vector<16xi32>
    %ge3A_204 = arith.constant 100000 : i32
    %ge3A_205 = vector.broadcast %ge3A_204 : i32 to vector<16xi32>
    %ge3A_206 = arith.cmpi sge, %get3A_203, %ge3A_205 : vector<16xi32>
    %jit3A_207 = arith.constant 0 : i32
    %broadcast_in_dim3A_208 = vector.broadcast %jit3A_207 : i32 to vector<16xi32>
    %select_n3A_209 = arith.select %ge3A_206, %broadcast_in_dim3A_208, %get3A_203 : vector<16xi1>, vector<16xi32>
    %swap3A_210 = arith.constant 240 : index
    %swap3A_211 = tpu.vector_load %arg5[%swap3A_210] {strides = array<i32>} : memref<25600xi32, #tpu.memory_space<vmem>>, vector<16xi32>,
    %swap3A_212 = vector.shape_cast %swap3A_211 : vector<16xi32> to vector<16xi32>
    %swap3A_213 = vector.shape_cast %select_n3A_209 : vector<16xi32> to vector<16xi32>
    tpu.vector_store %arg5[%swap3A_210], %swap3A_213 {strides = array<i32>} : memref<25600xi32, #tpu.memory_space<vmem>>, vector<16xi32>,
    %dma_start3A_214 = arith.constant 1 : i32
    %dma_start3A_215 = arith.constant 0 : i32
    %dma_start3A_216 = arith.constant 0 : i32
    %dma_start3A_217 = tpu.memref_slice %arg6[%dma_start3A_214, %dma_start3A_215, %dma_start3A_216] : memref<4x128x128xf32, #tpu.memory_space<vmem>> -> memref<1x128x128xf32, #tpu.memory_space<vmem>>
    %dma_start3A_218 = tpu.memref_squeeze %dma_start3A_217 : memref<1x128x128xf32, #tpu.memory_space<vmem>> -> memref<128x128xf32, #tpu.memory_space<vmem>>
    %dma_start3A_219 = arith.constant 128 : i32
    %dma_start3A_220 = tpu.memref_slice %arg5[%dma_start3A_219] : memref<25600xi32, #tpu.memory_space<vmem>> -> memref<128xi32, #tpu.memory_space<vmem>>
    %dma_start3A_221 = arith.constant 0 : i32
    %dma_start3A_222 = arith.constant 0 : i32
    %dma_start3A_223 = tpu.memref_slice %arg3[%dma_start3A_221, %dma_start3A_222] : memref<100000x128xf32, #tpu.memory_space<hbm>> -> memref<100000x128xf32, #tpu.memory_space<hbm>>
    tpu.enqueue_indirect_dma source(%dma_start3A_223 : memref<100000x128xf32, #tpu.memory_space<hbm>>) target(%dma_start3A_218 : memref<128x128xf32, #tpu.memory_space<vmem>>) offsets(%dma_start3A_220 : memref<128xi32, #tpu.memory_space<vmem>>) semaphore(%arg9 : memref<!tpu.dma_semaphore, #tpu.memory_space<semaphore_mem>>)
    %dma_wait3A = arith.constant 0 : i32
    %dma_wait3A_224 = arith.constant 0 : i32
    %dma_wait3A_225 = arith.constant 0 : i32
    %dma_wait3A_226 = tpu.memref_slice %arg6[%dma_wait3A, %dma_wait3A_224, %dma_wait3A_225] : memref<4x128x128xf32, #tpu.memory_space<vmem>> -> memref<1x128x128xf32, #tpu.memory_space<vmem>>
    %dma_wait3A_227 = tpu.memref_squeeze %dma_wait3A_226 : memref<1x128x128xf32, #tpu.memory_space<vmem>> -> memref<128x128xf32, #tpu.memory_space<vmem>>
    %dma_wait3A_228 = arith.constant 0 : i32
    %dma_wait3A_229 = tpu.memref_slice %arg5[%dma_wait3A_228] : memref<25600xi32, #tpu.memory_space<vmem>> -> memref<128xi32, #tpu.memory_space<vmem>>
    %dma_wait3A_230 = arith.constant 0 : i32
    %dma_wait3A_231 = arith.constant 0 : i32
    %dma_wait3A_232 = tpu.memref_slice %arg3[%dma_wait3A_230, %dma_wait3A_231] : memref<100000x128xf32, #tpu.memory_space<hbm>> -> memref<100000x128xf32, #tpu.memory_space<hbm>>
    tpu.wait_indirect_dma semaphore(%arg8 : memref<!tpu.dma_semaphore, #tpu.memory_space<semaphore_mem>>) src(%dma_wait3A_232 : memref<100000x128xf32, #tpu.memory_space<hbm>>) dst(%dma_wait3A_227 : memref<128x128xf32, #tpu.memory_space<vmem>>)
    %mul3A_233 = arith.constant 2 : i32
    %mul3A_234 = arith.muli %arg1, %mul3A_233 : i32
    %add3A_235 = arith.constant 0 : i32
    %add3A_236 = arith.addi %mul3A_234, %add3A_235 : i32
    %mul3A_237 = arith.constant 128 : i32
    %mul3A_238 = arith.muli %add3A_236, %mul3A_237 : i32
    %dma_start3A_239 = arith.constant 0 : i32
    %dma_start3A_240 = arith.constant 0 : i32
    %dma_start3A_241 = arith.constant 0 : i32
    %dma_start3A_242 = tpu.memref_slice %arg6[%dma_start3A_239, %dma_start3A_240, %dma_start3A_241] : memref<4x128x128xf32, #tpu.memory_space<vmem>> -> memref<1x128x128xf32, #tpu.memory_space<vmem>>
    %dma_start3A_243 = tpu.memref_squeeze %dma_start3A_242 : memref<1x128x128xf32, #tpu.memory_space<vmem>> -> memref<128x128xf32, #tpu.memory_space<vmem>>
    %dma_start3A_244 = arith.constant 0 : i32
    %dma_start3A_245 = tpu.memref_slice %arg7[%mul3A_238, %dma_start3A_244] : memref<4096x128xf32, #tpu.memory_space<vmem_shared>> -> memref<128x128xf32, #tpu.memory_space<vmem_shared>>
    %dma_start3A_246 = arith.constant 0 : i32
    %dma_start3A_247 = tpu.memref_slice %arg7[%mul3A_238, %dma_start3A_246] : memref<4096x128xf32, #tpu.memory_space<vmem_shared>> -> memref<128x128xf32, #tpu.memory_space<vmem_shared>>
    %dma_start3A_248 = arith.constant 0 : i32
    %dma_start3A_249 = arith.constant 0 : i32
    %dma_start3A_250 = tpu.memref_slice %arg6[%dma_start3A_239, %dma_start3A_248, %dma_start3A_249] : memref<4x128x128xf32, #tpu.memory_space<vmem>> -> memref<1x128x128xf32, #tpu.memory_space<vmem>>
    %dma_start3A_251 = tpu.memref_squeeze %dma_start3A_250 : memref<1x128x128xf32, #tpu.memory_space<vmem>> -> memref<128x128xf32, #tpu.memory_space<vmem>>
    tpu.enqueue_dma source(%dma_start3A_251 : memref<128x128xf32, #tpu.memory_space<vmem>>) target(%dma_start3A_247 : memref<128x128xf32, #tpu.memory_space<vmem_shared>>) target_semaphore(%arg12 : memref<!tpu.dma_semaphore, #tpu.memory_space<semaphore_mem>>)
    %get3A_252 = arith.constant 256 : index
    %get3A_253 = tpu.vector_load %arg5[%get3A_252] {strides = array<i32>} : memref<25600xi32, #tpu.memory_space<vmem>>, vector<16xi32>,
    %get3A_254 = vector.shape_cast %get3A_253 : vector<16xi32> to vector<16xi32>
    %ge3A_255 = arith.constant 100000 : i32
    %ge3A_256 = vector.broadcast %ge3A_255 : i32 to vector<16xi32>
    %ge3A_257 = arith.cmpi sge, %get3A_254, %ge3A_256 : vector<16xi32>
    %jit3A_258 = arith.constant 0 : i32
    %broadcast_in_dim3A_259 = vector.broadcast %jit3A_258 : i32 to vector<16xi32>
    %select_n3A_260 = arith.select %ge3A_257, %broadcast_in_dim3A_259, %get3A_254 : vector<16xi1>, vector<16xi32>
    %swap3A_261 = arith.constant 256 : index
    %swap3A_262 = tpu.vector_load %arg5[%swap3A_261] {strides = array<i32>} : memref<25600xi32, #tpu.memory_space<vmem>>, vector<16xi32>,
    %swap3A_263 = vector.shape_cast %swap3A_262 : vector<16xi32> to vector<16xi32>
    %swap3A_264 = vector.shape_cast %select_n3A_260 : vector<16xi32> to vector<16xi32>
    tpu.vector_store %arg5[%swap3A_261], %swap3A_264 {strides = array<i32>} : memref<25600xi32, #tpu.memory_space<vmem>>, vector<16xi32>,
    %get3A_265 = arith.constant 272 : index
    %get3A_266 = tpu.vector_load %arg5[%get3A_265] {strides = array<i32>} : memref<25600xi32, #tpu.memory_space<vmem>>, vector<16xi32>,
    %get3A_267 = vector.shape_cast %get3A_266 : vector<16xi32> to vector<16xi32>
    %ge3A_268 = arith.constant 100000 : i32
    %ge3A_269 = vector.broadcast %ge3A_268 : i32 to vector<16xi32>
    %ge3A_270 = arith.cmpi sge, %get3A_267, %ge3A_269 : vector<16xi32>
    %jit3A_271 = arith.constant 0 : i32
    %broadcast_in_dim3A_272 = vector.broadcast %jit3A_271 : i32 to vector<16xi32>
    %select_n3A_273 = arith.select %ge3A_270, %broadcast_in_dim3A_272, %get3A_267 : vector<16xi1>, vector<16xi32>
    %swap3A_274 = arith.constant 272 : index
    %swap3A_275 = tpu.vector_load %arg5[%swap3A_274] {strides = array<i32>} : memref<25600xi32, #tpu.memory_space<vmem>>, vector<16xi32>,
    %swap3A_276 = vector.shape_cast %swap3A_275 : vector<16xi32> to vector<16xi32>
    %swap3A_277 = vector.shape_cast %select_n3A_273 : vector<16xi32> to vector<16xi32>
    tpu.vector_store %arg5[%swap3A_274], %swap3A_277 {strides = array<i32>} : memref<25600xi32, #tpu.memory_space<vmem>>, vector<16xi32>,
    %get3A_278 = arith.constant 288 : index
    %get3A_279 = tpu.vector_load %arg5[%get3A_278] {strides = array<i32>} : memref<25600xi32, #tpu.memory_space<vmem>>, vector<16xi32>,
    %get3A_280 = vector.shape_cast %get3A_279 : vector<16xi32> to vector<16xi32>
    %ge3A_281 = arith.constant 100000 : i32
    %ge3A_282 = vector.broadcast %ge3A_281 : i32 to vector<16xi32>
    %ge3A_283 = arith.cmpi sge, %get3A_280, %ge3A_282 : vector<16xi32>
    %jit3A_284 = arith.constant 0 : i32
    %broadcast_in_dim3A_285 = vector.broadcast %jit3A_284 : i32 to vector<16xi32>
    %select_n3A_286 = arith.select %ge3A_283, %broadcast_in_dim3A_285, %get3A_280 : vector<16xi1>, vector<16xi32>
    %swap3A_287 = arith.constant 288 : index
    %swap3A_288 = tpu.vector_load %arg5[%swap3A_287] {strides = array<i32>} : memref<25600xi32, #tpu.memory_space<vmem>>, vector<16xi32>,
    %swap3A_289 = vector.shape_cast %swap3A_288 : vector<16xi32> to vector<16xi32>
    %swap3A_290 = vector.shape_cast %select_n3A_286 : vector<16xi32> to vector<16xi32>
    tpu.vector_store %arg5[%swap3A_287], %swap3A_290 {strides = array<i32>} : memref<25600xi32, #tpu.memory_space<vmem>>, vector<16xi32>,
    %get3A_291 = arith.constant 304 : index
    %get3A_292 = tpu.vector_load %arg5[%get3A_291] {strides = array<i32>} : memref<25600xi32, #tpu.memory_space<vmem>>, vector<16xi32>,
    %get3A_293 = vector.shape_cast %get3A_292 : vector<16xi32> to vector<16xi32>
    %ge3A_294 = arith.constant 100000 : i32
    %ge3A_295 = vector.broadcast %ge3A_294 : i32 to vector<16xi32>
    %ge3A_296 = arith.cmpi sge, %get3A_293, %ge3A_295 : vector<16xi32>
    %jit3A_297 = arith.constant 0 : i32
    %broadcast_in_dim3A_298 = vector.broadcast %jit3A_297 : i32 to vector<16xi32>
    %select_n3A_299 = arith.select %ge3A_296, %broadcast_in_dim3A_298, %get3A_293 : vector<16xi1>, vector<16xi32>
    %swap3A_300 = arith.constant 304 : index
    %swap3A_301 = tpu.vector_load %arg5[%swap3A_300] {strides = array<i32>} : memref<25600xi32, #tpu.memory_space<vmem>>, vector<16xi32>,
    %swap3A_302 = vector.shape_cast %swap3A_301 : vector<16xi32> to vector<16xi32>
    %swap3A_303 = vector.shape_cast %select_n3A_299 : vector<16xi32> to vector<16xi32>
    tpu.vector_store %arg5[%swap3A_300], %swap3A_303 {strides = array<i32>} : memref<25600xi32, #tpu.memory_space<vmem>>, vector<16xi32>,
    %get3A_304 = arith.constant 320 : index
    %get3A_305 = tpu.vector_load %arg5[%get3A_304] {strides = array<i32>} : memref<25600xi32, #tpu.memory_space<vmem>>, vector<16xi32>,
    %get3A_306 = vector.shape_cast %get3A_305 : vector<16xi32> to vector<16xi32>
    %ge3A_307 = arith.constant 100000 : i32
    %ge3A_308 = vector.broadcast %ge3A_307 : i32 to vector<16xi32>
    %ge3A_309 = arith.cmpi sge, %get3A_306, %ge3A_308 : vector<16xi32>
    %jit3A_310 = arith.constant 0 : i32
    %broadcast_in_dim3A_311 = vector.broadcast %jit3A_310 : i32 to vector<16xi32>
    %select_n3A_312 = arith.select %ge3A_309, %broadcast_in_dim3A_311, %get3A_306 : vector<16xi1>, vector<16xi32>
    %swap3A_313 = arith.constant 320 : index
    %swap3A_314 = tpu.vector_load %arg5[%swap3A_313] {strides = array<i32>} : memref<25600xi32, #tpu.memory_space<vmem>>, vector<16xi32>,
    %swap3A_315 = vector.shape_cast %swap3A_314 : vector<16xi32> to vector<16xi32>
    %swap3A_316 = vector.shape_cast %select_n3A_312 : vector<16xi32> to vector<16xi32>
    tpu.vector_store %arg5[%swap3A_313], %swap3A_316 {strides = array<i32>} : memref<25600xi32, #tpu.memory_space<vmem>>, vector<16xi32>,
    %get3A_317 = arith.constant 336 : index
    %get3A_318 = tpu.vector_load %arg5[%get3A_317] {strides = array<i32>} : memref<25600xi32, #tpu.memory_space<vmem>>, vector<16xi32>,
    %get3A_319 = vector.shape_cast %get3A_318 : vector<16xi32> to vector<16xi32>
    %ge3A_320 = arith.constant 100000 : i32
    %ge3A_321 = vector.broadcast %ge3A_320 : i32 to vector<16xi32>
    %ge3A_322 = arith.cmpi sge, %get3A_319, %ge3A_321 : vector<16xi32>
    %jit3A_323 = arith.constant 0 : i32
    %broadcast_in_dim3A_324 = vector.broadcast %jit3A_323 : i32 to vector<16xi32>
    %select_n3A_325 = arith.select %ge3A_322, %broadcast_in_dim3A_324, %get3A_319 : vector<16xi1>, vector<16xi32>
    %swap3A_326 = arith.constant 336 : index
    %swap3A_327 = tpu.vector_load %arg5[%swap3A_326] {strides = array<i32>} : memref<25600xi32, #tpu.memory_space<vmem>>, vector<16xi32>,
    %swap3A_328 = vector.shape_cast %swap3A_327 : vector<16xi32> to vector<16xi32>
    %swap3A_329 = vector.shape_cast %select_n3A_325 : vector<16xi32> to vector<16xi32>
    tpu.vector_store %arg5[%swap3A_326], %swap3A_329 {strides = array<i32>} : memref<25600xi32, #tpu.memory_space<vmem>>, vector<16xi32>,
    %get3A_330 = arith.constant 352 : index
    %get3A_331 = tpu.vector_load %arg5[%get3A_330] {strides = array<i32>} : memref<25600xi32, #tpu.memory_space<vmem>>, vector<16xi32>,
    %get3A_332 = vector.shape_cast %get3A_331 : vector<16xi32> to vector<16xi32>
    %ge3A_333 = arith.constant 100000 : i32
    %ge3A_334 = vector.broadcast %ge3A_333 : i32 to vector<16xi32>
    %ge3A_335 = arith.cmpi sge, %get3A_332, %ge3A_334 : vector<16xi32>
    %jit3A_336 = arith.constant 0 : i32
    %broadcast_in_dim3A_337 = vector.broadcast %jit3A_336 : i32 to vector<16xi32>
    %select_n3A_338 = arith.select %ge3A_335, %broadcast_in_dim3A_337, %get3A_332 : vector<16xi1>, vector<16xi32>
    %swap3A_339 = arith.constant 352 : index
    %swap3A_340 = tpu.vector_load %arg5[%swap3A_339] {strides = array<i32>} : memref<25600xi32, #tpu.memory_space<vmem>>, vector<16xi32>,
    %swap3A_341 = vector.shape_cast %swap3A_340 : vector<16xi32> to vector<16xi32>
    %swap3A_342 = vector.shape_cast %select_n3A_338 : vector<16xi32> to vector<16xi32>
    tpu.vector_store %arg5[%swap3A_339], %swap3A_342 {strides = array<i32>} : memref<25600xi32, #tpu.memory_space<vmem>>, vector<16xi32>,
    %get3A_343 = arith.constant 368 : index
    %get3A_344 = tpu.vector_load %arg5[%get3A_343] {strides = array<i32>} : memref<25600xi32, #tpu.memory_space<vmem>>, vector<16xi32>,
    %get3A_345 = vector.shape_cast %get3A_344 : vector<16xi32> to vector<16xi32>
    %ge3A_346 = arith.constant 100000 : i32
    %ge3A_347 = vector.broadcast %ge3A_346 : i32 to vector<16xi32>
    %ge3A_348 = arith.cmpi sge, %get3A_345, %ge3A_347 : vector<16xi32>
    %jit3A_349 = arith.constant 0 : i32
    %broadcast_in_dim3A_350 = vector.broadcast %jit3A_349 : i32 to vector<16xi32>
    %select_n3A_351 = arith.select %ge3A_348, %broadcast_in_dim3A_350, %get3A_345 : vector<16xi1>, vector<16xi32>
    %swap3A_352 = arith.constant 368 : index
    %swap3A_353 = tpu.vector_load %arg5[%swap3A_352] {strides = array<i32>} : memref<25600xi32, #tpu.memory_space<vmem>>, vector<16xi32>,
    %swap3A_354 = vector.shape_cast %swap3A_353 : vector<16xi32> to vector<16xi32>
    %swap3A_355 = vector.shape_cast %select_n3A_351 : vector<16xi32> to vector<16xi32>
    tpu.vector_store %arg5[%swap3A_352], %swap3A_355 {strides = array<i32>} : memref<25600xi32, #tpu.memory_space<vmem>>, vector<16xi32>,
    %dma_start3A_356 = arith.constant 2 : i32
    %dma_start3A_357 = arith.constant 0 : i32
    %dma_start3A_358 = arith.constant 0 : i32
    %dma_start3A_359 = tpu.memref_slice %arg6[%dma_start3A_356, %dma_start3A_357, %dma_start3A_358] : memref<4x128x128xf32, #tpu.memory_space<vmem>> -> memref<1x128x128xf32, #tpu.memory_space<vmem>>
    %dma_start3A_360 = tpu.memref_squeeze %dma_start3A_359 : memref<1x128x128xf32, #tpu.memory_space<vmem>> -> memref<128x128xf32, #tpu.memory_space<vmem>>
    %dma_start3A_361 = arith.constant 256 : i32
    %dma_start3A_362 = tpu.memref_slice %arg5[%dma_start3A_361] : memref<25600xi32, #tpu.memory_space<vmem>> -> memref<128xi32, #tpu.memory_space<vmem>>
    %dma_start3A_363 = arith.constant 0 : i32
    %dma_start3A_364 = arith.constant 0 : i32
    %dma_start3A_365 = tpu.memref_slice %arg3[%dma_start3A_363, %dma_start3A_364] : memref<100000x128xf32, #tpu.memory_space<hbm>> -> memref<100000x128xf32, #tpu.memory_space<hbm>>
    tpu.enqueue_indirect_dma source(%dma_start3A_365 : memref<100000x128xf32, #tpu.memory_space<hbm>>) target(%dma_start3A_360 : memref<128x128xf32, #tpu.memory_space<vmem>>) offsets(%dma_start3A_362 : memref<128xi32, #tpu.memory_space<vmem>>) semaphore(%arg10 : memref<!tpu.dma_semaphore, #tpu.memory_space<semaphore_mem>>)
    %dma_wait3A_366 = arith.constant 1 : i32
    %dma_wait3A_367 = arith.constant 0 : i32
    %dma_wait3A_368 = arith.constant 0 : i32
    %dma_wait3A_369 = tpu.memref_slice %arg6[%dma_wait3A_366, %dma_wait3A_367, %dma_wait3A_368] : memref<4x128x128xf32, #tpu.memory_space<vmem>> -> memref<1x128x128xf32, #tpu.memory_space<vmem>>
    %dma_wait3A_370 = tpu.memref_squeeze %dma_wait3A_369 : memref<1x128x128xf32, #tpu.memory_space<vmem>> -> memref<128x128xf32, #tpu.memory_space<vmem>>
    %dma_wait3A_371 = arith.constant 0 : i32
    %dma_wait3A_372 = tpu.memref_slice %arg5[%dma_wait3A_371] : memref<25600xi32, #tpu.memory_space<vmem>> -> memref<128xi32, #tpu.memory_space<vmem>>
    %dma_wait3A_373 = arith.constant 0 : i32
    %dma_wait3A_374 = arith.constant 0 : i32
    %dma_wait3A_375 = tpu.memref_slice %arg3[%dma_wait3A_373, %dma_wait3A_374] : memref<100000x128xf32, #tpu.memory_space<hbm>> -> memref<100000x128xf32, #tpu.memory_space<hbm>>
    tpu.wait_indirect_dma semaphore(%arg9 : memref<!tpu.dma_semaphore, #tpu.memory_space<semaphore_mem>>) src(%dma_wait3A_375 : memref<100000x128xf32, #tpu.memory_space<hbm>>) dst(%dma_wait3A_370 : memref<128x128xf32, #tpu.memory_space<vmem>>)
    %mul3A_376 = arith.constant 2 : i32
    %mul3A_377 = arith.muli %arg1, %mul3A_376 : i32
    %add3A_378 = arith.constant 1 : i32
    %add3A_379 = arith.addi %mul3A_377, %add3A_378 : i32
    %mul3A_380 = arith.constant 128 : i32
    %mul3A_381 = arith.muli %add3A_379, %mul3A_380 : i32
    %dma_start3A_382 = arith.constant 1 : i32
    %dma_start3A_383 = arith.constant 0 : i32
    %dma_start3A_384 = arith.constant 0 : i32
    %dma_start3A_385 = tpu.memref_slice %arg6[%dma_start3A_382, %dma_start3A_383, %dma_start3A_384] : memref<4x128x128xf32, #tpu.memory_space<vmem>> -> memref<1x128x128xf32, #tpu.memory_space<vmem>>
    %dma_start3A_386 = tpu.memref_squeeze %dma_start3A_385 : memref<1x128x128xf32, #tpu.memory_space<vmem>> -> memref<128x128xf32, #tpu.memory_space<vmem>>
    %dma_start3A_387 = arith.constant 0 : i32
    %dma_start3A_388 = tpu.memref_slice %arg7[%mul3A_381, %dma_start3A_387] : memref<4096x128xf32, #tpu.memory_space<vmem_shared>> -> memref<128x128xf32, #tpu.memory_space<vmem_shared>>
    %dma_start3A_389 = arith.constant 0 : i32
    %dma_start3A_390 = tpu.memref_slice %arg7[%mul3A_381, %dma_start3A_389] : memref<4096x128xf32, #tpu.memory_space<vmem_shared>> -> memref<128x128xf32, #tpu.memory_space<vmem_shared>>
    %dma_start3A_391 = arith.constant 0 : i32
    %dma_start3A_392 = arith.constant 0 : i32
    %dma_start3A_393 = tpu.memref_slice %arg6[%dma_start3A_382, %dma_start3A_391, %dma_start3A_392] : memref<4x128x128xf32, #tpu.memory_space<vmem>> -> memref<1x128x128xf32, #tpu.memory_space<vmem>>
    %dma_start3A_394 = tpu.memref_squeeze %dma_start3A_393 : memref<1x128x128xf32, #tpu.memory_space<vmem>> -> memref<128x128xf32, #tpu.memory_space<vmem>>
    tpu.enqueue_dma source(%dma_start3A_394 : memref<128x128xf32, #tpu.memory_space<vmem>>) target(%dma_start3A_390 : memref<128x128xf32, #tpu.memory_space<vmem_shared>>) target_semaphore(%arg13 : memref<!tpu.dma_semaphore, #tpu.memory_space<semaphore_mem>>)
    %mul3A_395 = arith.constant 2 : i32
    %mul3A_396 = arith.muli %arg1, %mul3A_395 : i32
    %add3A_397 = arith.constant 0 : i32
    %add3A_398 = arith.addi %mul3A_396, %add3A_397 : i32
    %mul3A_399 = arith.constant 128 : i32
    %mul3A_400 = arith.muli %add3A_398, %mul3A_399 : i32
    %dma_wait3A_401 = arith.constant 0 : i32
    %dma_wait3A_402 = arith.constant 0 : i32
    %dma_wait3A_403 = arith.constant 0 : i32
    %dma_wait3A_404 = tpu.memref_slice %arg6[%dma_wait3A_401, %dma_wait3A_402, %dma_wait3A_403] : memref<4x128x128xf32, #tpu.memory_space<vmem>> -> memref<1x128x128xf32, #tpu.memory_space<vmem>>
    %dma_wait3A_405 = tpu.memref_squeeze %dma_wait3A_404 : memref<1x128x128xf32, #tpu.memory_space<vmem>> -> memref<128x128xf32, #tpu.memory_space<vmem>>
    %dma_wait3A_406 = arith.constant 0 : i32
    %dma_wait3A_407 = tpu.memref_slice %arg7[%mul3A_400, %dma_wait3A_406] : memref<4096x128xf32, #tpu.memory_space<vmem_shared>> -> memref<128x128xf32, #tpu.memory_space<vmem_shared>>
    %dma_wait3A_408 = arith.constant 0 : i32
    %dma_wait3A_409 = tpu.memref_slice %arg7[%mul3A_400, %dma_wait3A_408] : memref<4096x128xf32, #tpu.memory_space<vmem_shared>> -> memref<128x128xf32, #tpu.memory_space<vmem_shared>>
    %dma_wait3A_410 = arith.constant 0 : i32
    %dma_wait3A_411 = arith.constant 0 : i32
    %dma_wait3A_412 = tpu.memref_slice %arg6[%dma_wait3A_401, %dma_wait3A_410, %dma_wait3A_411] : memref<4x128x128xf32, #tpu.memory_space<vmem>> -> memref<1x128x128xf32, #tpu.memory_space<vmem>>
    %dma_wait3A_413 = tpu.memref_squeeze %dma_wait3A_412 : memref<1x128x128xf32, #tpu.memory_space<vmem>> -> memref<128x128xf32, #tpu.memory_space<vmem>>
    tpu.wait_dma2 semaphore(%arg12 : memref<!tpu.dma_semaphore, #tpu.memory_space<semaphore_mem>>) src(%dma_wait3A_413 : memref<128x128xf32, #tpu.memory_space<vmem>>) dst(%dma_wait3A_409 : memref<128x128xf32, #tpu.memory_space<vmem_shared>>)
    %mul3A_414 = arith.constant 2 : i32
    %mul3A_415 = arith.muli %arg1, %mul3A_414 : i32
    %add3A_416 = arith.constant 0 : i32
    %add3A_417 = arith.addi %mul3A_415, %add3A_416 : i32
    %mul3A_418 = arith.constant 128 : i32
    %mul3A_419 = arith.muli %add3A_417, %mul3A_418 : i32
    %add3A_420 = arith.constant 0 : i32
    %add3A_421 = arith.addi %mul3A_2, %add3A_420 : i32
    %dma_start3A_422 = arith.constant 0 : i32
    %dma_start3A_423 = tpu.memref_slice %arg4[%add3A_421, %dma_start3A_422] : memref<819200x128xf32, #tpu.memory_space<hbm>> -> memref<128x128xf32, #tpu.memory_space<hbm>>
    %dma_start3A_424 = arith.constant 0 : i32
    %dma_start3A_425 = tpu.memref_slice %arg7[%mul3A_419, %dma_start3A_424] : memref<4096x128xf32, #tpu.memory_space<vmem_shared>> -> memref<128x128xf32, #tpu.memory_space<vmem_shared>>
    tpu.enqueue_dma source(%dma_start3A_425 : memref<128x128xf32, #tpu.memory_space<vmem_shared>>) target(%dma_start3A_423 : memref<128x128xf32, #tpu.memory_space<hbm>>) target_semaphore(%arg14 : memref<!tpu.dma_semaphore, #tpu.memory_space<semaphore_mem>>)
    %get3A_426 = arith.constant 384 : index
    %get3A_427 = tpu.vector_load %arg5[%get3A_426] {strides = array<i32>} : memref<25600xi32, #tpu.memory_space<vmem>>, vector<16xi32>,
    %get3A_428 = vector.shape_cast %get3A_427 : vector<16xi32> to vector<16xi32>
    %ge3A_429 = arith.constant 100000 : i32
    %ge3A_430 = vector.broadcast %ge3A_429 : i32 to vector<16xi32>
    %ge3A_431 = arith.cmpi sge, %get3A_428, %ge3A_430 : vector<16xi32>
    %jit3A_432 = arith.constant 0 : i32
    %broadcast_in_dim3A_433 = vector.broadcast %jit3A_432 : i32 to vector<16xi32>
    %select_n3A_434 = arith.select %ge3A_431, %broadcast_in_dim3A_433, %get3A_428 : vector<16xi1>, vector<16xi32>
    %swap3A_435 = arith.constant 384 : index
    %swap3A_436 = tpu.vector_load %arg5[%swap3A_435] {strides = array<i32>} : memref<25600xi32, #tpu.memory_space<vmem>>, vector<16xi32>,
    %swap3A_437 = vector.shape_cast %swap3A_436 : vector<16xi32> to vector<16xi32>
    %swap3A_438 = vector.shape_cast %select_n3A_434 : vector<16xi32> to vector<16xi32>
    tpu.vector_store %arg5[%swap3A_435], %swap3A_438 {strides = array<i32>} : memref<25600xi32, #tpu.memory_space<vmem>>, vector<16xi32>,
    %get3A_439 = arith.constant 400 : index
    %get3A_440 = tpu.vector_load %arg5[%get3A_439] {strides = array<i32>} : memref<25600xi32, #tpu.memory_space<vmem>>, vector<16xi32>,
    %get3A_441 = vector.shape_cast %get3A_440 : vector<16xi32> to vector<16xi32>
    %ge3A_442 = arith.constant 100000 : i32
    %ge3A_443 = vector.broadcast %ge3A_442 : i32 to vector<16xi32>
    %ge3A_444 = arith.cmpi sge, %get3A_441, %ge3A_443 : vector<16xi32>
    %jit3A_445 = arith.constant 0 : i32
    %broadcast_in_dim3A_446 = vector.broadcast %jit3A_445 : i32 to vector<16xi32>
    %select_n3A_447 = arith.select %ge3A_444, %broadcast_in_dim3A_446, %get3A_441 : vector<16xi1>, vector<16xi32>
    %swap3A_448 = arith.constant 400 : index
    %swap3A_449 = tpu.vector_load %arg5[%swap3A_448] {strides = array<i32>} : memref<25600xi32, #tpu.memory_space<vmem>>, vector<16xi32>,
    %swap3A_450 = vector.shape_cast %swap3A_449 : vector<16xi32> to vector<16xi32>
    %swap3A_451 = vector.shape_cast %select_n3A_447 : vector<16xi32> to vector<16xi32>
    tpu.vector_store %arg5[%swap3A_448], %swap3A_451 {strides = array<i32>} : memref<25600xi32, #tpu.memory_space<vmem>>, vector<16xi32>,
    %get3A_452 = arith.constant 416 : index
    %get3A_453 = tpu.vector_load %arg5[%get3A_452] {strides = array<i32>} : memref<25600xi32, #tpu.memory_space<vmem>>, vector<16xi32>,
    %get3A_454 = vector.shape_cast %get3A_453 : vector<16xi32> to vector<16xi32>
    %ge3A_455 = arith.constant 100000 : i32
    %ge3A_456 = vector.broadcast %ge3A_455 : i32 to vector<16xi32>
    %ge3A_457 = arith.cmpi sge, %get3A_454, %ge3A_456 : vector<16xi32>
    %jit3A_458 = arith.constant 0 : i32
    %broadcast_in_dim3A_459 = vector.broadcast %jit3A_458 : i32 to vector<16xi32>
    %select_n3A_460 = arith.select %ge3A_457, %broadcast_in_dim3A_459, %get3A_454 : vector<16xi1>, vector<16xi32>
    %swap3A_461 = arith.constant 416 : index
    %swap3A_462 = tpu.vector_load %arg5[%swap3A_461] {strides = array<i32>} : memref<25600xi32, #tpu.memory_space<vmem>>, vector<16xi32>,
    %swap3A_463 = vector.shape_cast %swap3A_462 : vector<16xi32> to vector<16xi32>
    %swap3A_464 = vector.shape_cast %select_n3A_460 : vector<16xi32> to vector<16xi32>
    tpu.vector_store %arg5[%swap3A_461], %swap3A_464 {strides = array<i32>} : memref<25600xi32, #tpu.memory_space<vmem>>, vector<16xi32>,
    %get3A_465 = arith.constant 432 : index
    %get3A_466 = tpu.vector_load %arg5[%get3A_465] {strides = array<i32>} : memref<25600xi32, #tpu.memory_space<vmem>>, vector<16xi32>,
    %get3A_467 = vector.shape_cast %get3A_466 : vector<16xi32> to vector<16xi32>
    %ge3A_468 = arith.constant 100000 : i32
    %ge3A_469 = vector.broadcast %ge3A_468 : i32 to vector<16xi32>
    %ge3A_470 = arith.cmpi sge, %get3A_467, %ge3A_469 : vector<16xi32>
    %jit3A_471 = arith.constant 0 : i32
    %broadcast_in_dim3A_472 = vector.broadcast %jit3A_471 : i32 to vector<16xi32>
    %select_n3A_473 = arith.select %ge3A_470, %broadcast_in_dim3A_472, %get3A_467 : vector<16xi1>, vector<16xi32>
    %swap3A_474 = arith.constant 432 : index
    %swap3A_475 = tpu.vector_load %arg5[%swap3A_474] {strides = array<i32>} : memref<25600xi32, #tpu.memory_space<vmem>>, vector<16xi32>,
    %swap3A_476 = vector.shape_cast %swap3A_475 : vector<16xi32> to vector<16xi32>
    %swap3A_477 = vector.shape_cast %select_n3A_473 : vector<16xi32> to vector<16xi32>
    tpu.vector_store %arg5[%swap3A_474], %swap3A_477 {strides = array<i32>} : memref<25600xi32, #tpu.memory_space<vmem>>, vector<16xi32>,
    %get3A_478 = arith.constant 448 : index
    %get3A_479 = tpu.vector_load %arg5[%get3A_478] {strides = array<i32>} : memref<25600xi32, #tpu.memory_space<vmem>>, vector<16xi32>,
    %get3A_480 = vector.shape_cast %get3A_479 : vector<16xi32> to vector<16xi32>
    %ge3A_481 = arith.constant 100000 : i32
    %ge3A_482 = vector.broadcast %ge3A_481 : i32 to vector<16xi32>
    %ge3A_483 = arith.cmpi sge, %get3A_480, %ge3A_482 : vector<16xi32>
    %jit3A_484 = arith.constant 0 : i32
    %broadcast_in_dim3A_485 = vector.broadcast %jit3A_484 : i32 to vector<16xi32>
    %select_n3A_486 = arith.select %ge3A_483, %broadcast_in_dim3A_485, %get3A_480 : vector<16xi1>, vector<16xi32>
    %swap3A_487 = arith.constant 448 : index
    %swap3A_488 = tpu.vector_load %arg5[%swap3A_487] {strides = array<i32>} : memref<25600xi32, #tpu.memory_space<vmem>>, vector<16xi32>,
    %swap3A_489 = vector.shape_cast %swap3A_488 : vector<16xi32> to vector<16xi32>
    %swap3A_490 = vector.shape_cast %select_n3A_486 : vector<16xi32> to vector<16xi32>
    tpu.vector_store %arg5[%swap3A_487], %swap3A_490 {strides = array<i32>} : memref<25600xi32, #tpu.memory_space<vmem>>, vector<16xi32>,
    %get3A_491 = arith.constant 464 : index
    %get3A_492 = tpu.vector_load %arg5[%get3A_491] {strides = array<i32>} : memref<25600xi32, #tpu.memory_space<vmem>>, vector<16xi32>,
    %get3A_493 = vector.shape_cast %get3A_492 : vector<16xi32> to vector<16xi32>
    %ge3A_494 = arith.constant 100000 : i32
    %ge3A_495 = vector.broadcast %ge3A_494 : i32 to vector<16xi32>
    %ge3A_496 = arith.cmpi sge, %get3A_493, %ge3A_495 : vector<16xi32>
    %jit3A_497 = arith.constant 0 : i32
    %broadcast_in_dim3A_498 = vector.broadcast %jit3A_497 : i32 to vector<16xi32>
    %select_n3A_499 = arith.select %ge3A_496, %broadcast_in_dim3A_498, %get3A_493 : vector<16xi1>, vector<16xi32>
    %swap3A_500 = arith.constant 464 : index
    %swap3A_501 = tpu.vector_load %arg5[%swap3A_500] {strides = array<i32>} : memref<25600xi32, #tpu.memory_space<vmem>>, vector<16xi32>,
    %swap3A_502 = vector.shape_cast %swap3A_501 : vector<16xi32> to vector<16xi32>
    %swap3A_503 = vector.shape_cast %select_n3A_499 : vector<16xi32> to vector<16xi32>
    tpu.vector_store %arg5[%swap3A_500], %swap3A_503 {strides = array<i32>} : memref<25600xi32, #tpu.memory_space<vmem>>, vector<16xi32>,
    %get3A_504 = arith.constant 480 : index
    %get3A_505 = tpu.vector_load %arg5[%get3A_504] {strides = array<i32>} : memref<25600xi32, #tpu.memory_space<vmem>>, vector<16xi32>,
    %get3A_506 = vector.shape_cast %get3A_505 : vector<16xi32> to vector<16xi32>
    %ge3A_507 = arith.constant 100000 : i32
    %ge3A_508 = vector.broadcast %ge3A_507 : i32 to vector<16xi32>
    %ge3A_509 = arith.cmpi sge, %get3A_506, %ge3A_508 : vector<16xi32>
    %jit3A_510 = arith.constant 0 : i32
    %broadcast_in_dim3A_511 = vector.broadcast %jit3A_510 : i32 to vector<16xi32>
    %select_n3A_512 = arith.select %ge3A_509, %broadcast_in_dim3A_511, %get3A_506 : vector<16xi1>, vector<16xi32>
    %swap3A_513 = arith.constant 480 : index
    %swap3A_514 = tpu.vector_load %arg5[%swap3A_513] {strides = array<i32>} : memref<25600xi32, #tpu.memory_space<vmem>>, vector<16xi32>,
    %swap3A_515 = vector.shape_cast %swap3A_514 : vector<16xi32> to vector<16xi32>
    %swap3A_516 = vector.shape_cast %select_n3A_512 : vector<16xi32> to vector<16xi32>
    tpu.vector_store %arg5[%swap3A_513], %swap3A_516 {strides = array<i32>} : memref<25600xi32, #tpu.memory_space<vmem>>, vector<16xi32>,
    %get3A_517 = arith.constant 496 : index
    %get3A_518 = tpu.vector_load %arg5[%get3A_517] {strides = array<i32>} : memref<25600xi32, #tpu.memory_space<vmem>>, vector<16xi32>,
    %get3A_519 = vector.shape_cast %get3A_518 : vector<16xi32> to vector<16xi32>
    %ge3A_520 = arith.constant 100000 : i32
    %ge3A_521 = vector.broadcast %ge3A_520 : i32 to vector<16xi32>
    %ge3A_522 = arith.cmpi sge, %get3A_519, %ge3A_521 : vector<16xi32>
    %jit3A_523 = arith.constant 0 : i32
    %broadcast_in_dim3A_524 = vector.broadcast %jit3A_523 : i32 to vector<16xi32>
    %select_n3A_525 = arith.select %ge3A_522, %broadcast_in_dim3A_524, %get3A_519 : vector<16xi1>, vector<16xi32>
    %swap3A_526 = arith.constant 496 : index
    %swap3A_527 = tpu.vector_load %arg5[%swap3A_526] {strides = array<i32>} : memref<25600xi32, #tpu.memory_space<vmem>>, vector<16xi32>,
    %swap3A_528 = vector.shape_cast %swap3A_527 : vector<16xi32> to vector<16xi32>
    %swap3A_529 = vector.shape_cast %select_n3A_525 : vector<16xi32> to vector<16xi32>
    tpu.vector_store %arg5[%swap3A_526], %swap3A_529 {strides = array<i32>} : memref<25600xi32, #tpu.memory_space<vmem>>, vector<16xi32>,
    %dma_start3A_530 = arith.constant 3 : i32
    %dma_start3A_531 = arith.constant 0 : i32
    %dma_start3A_532 = arith.constant 0 : i32
    %dma_start3A_533 = tpu.memref_slice %arg6[%dma_start3A_530, %dma_start3A_531, %dma_start3A_532] : memref<4x128x128xf32, #tpu.memory_space<vmem>> -> memref<1x128x128xf32, #tpu.memory_space<vmem>>
    %dma_start3A_534 = tpu.memref_squeeze %dma_start3A_533 : memref<1x128x128xf32, #tpu.memory_space<vmem>> -> memref<128x128xf32, #tpu.memory_space<vmem>>
    %dma_start3A_535 = arith.constant 384 : i32
    %dma_start3A_536 = tpu.memref_slice %arg5[%dma_start3A_535] : memref<25600xi32, #tpu.memory_space<vmem>> -> memref<128xi32, #tpu.memory_space<vmem>>
    %dma_start3A_537 = arith.constant 0 : i32
    %dma_start3A_538 = arith.constant 0 : i32
    %dma_start3A_539 = tpu.memref_slice %arg3[%dma_start3A_537, %dma_start3A_538] : memref<100000x128xf32, #tpu.memory_space<hbm>> -> memref<100000x128xf32, #tpu.memory_space<hbm>>
    tpu.enqueue_indirect_dma source(%dma_start3A_539 : memref<100000x128xf32, #tpu.memory_space<hbm>>) target(%dma_start3A_534 : memref<128x128xf32, #tpu.memory_space<vmem>>) offsets(%dma_start3A_536 : memref<128xi32, #tpu.memory_space<vmem>>) semaphore(%arg11 : memref<!tpu.dma_semaphore, #tpu.memory_space<semaphore_mem>>)
    %dma_wait3A_540 = arith.constant 2 : i32
    %dma_wait3A_541 = arith.constant 0 : i32
    %dma_wait3A_542 = arith.constant 0 : i32
    %dma_wait3A_543 = tpu.memref_slice %arg6[%dma_wait3A_540, %dma_wait3A_541, %dma_wait3A_542] : memref<4x128x128xf32, #tpu.memory_space<vmem>> -> memref<1x128x128xf32, #tpu.memory_space<vmem>>
    %dma_wait3A_544 = tpu.memref_squeeze %dma_wait3A_543 : memref<1x128x128xf32, #tpu.memory_space<vmem>> -> memref<128x128xf32, #tpu.memory_space<vmem>>
    %dma_wait3A_545 = arith.constant 0 : i32
    %dma_wait3A_546 = tpu.memref_slice %arg5[%dma_wait3A_545] : memref<25600xi32, #tpu.memory_space<vmem>> -> memref<128xi32, #tpu.memory_space<vmem>>
    %dma_wait3A_547 = arith.constant 0 : i32
    %dma_wait3A_548 = arith.constant 0 : i32
    %dma_wait3A_549 = tpu.memref_slice %arg3[%dma_wait3A_547, %dma_wait3A_548] : memref<100000x128xf32, #tpu.memory_space<hbm>> -> memref<100000x128xf32, #tpu.memory_space<hbm>>
    tpu.wait_indirect_dma semaphore(%arg10 : memref<!tpu.dma_semaphore, #tpu.memory_space<semaphore_mem>>) src(%dma_wait3A_549 : memref<100000x128xf32, #tpu.memory_space<hbm>>) dst(%dma_wait3A_544 : memref<128x128xf32, #tpu.memory_space<vmem>>)
    %mul3A_550 = arith.constant 2 : i32
    %mul3A_551 = arith.muli %arg1, %mul3A_550 : i32
    %add3A_552 = arith.constant 0 : i32
    %add3A_553 = arith.addi %mul3A_551, %add3A_552 : i32
    %mul3A_554 = arith.constant 128 : i32
    %mul3A_555 = arith.muli %add3A_553, %mul3A_554 : i32
    %dma_wait3A_556 = arith.constant 0 : i32
    %dma_wait3A_557 = tpu.memref_slice %arg4[%mul3A_2, %dma_wait3A_556] : memref<819200x128xf32, #tpu.memory_space<hbm>> -> memref<128x128xf32, #tpu.memory_space<hbm>>
    %dma_wait3A_558 = arith.constant 0 : i32
    %dma_wait3A_559 = tpu.memref_slice %arg7[%mul3A_555, %dma_wait3A_558] : memref<4096x128xf32, #tpu.memory_space<vmem_shared>> -> memref<128x128xf32, #tpu.memory_space<vmem_shared>>
    tpu.wait_dma2 semaphore(%arg14 : memref<!tpu.dma_semaphore, #tpu.memory_space<semaphore_mem>>) src(%dma_wait3A_559 : memref<128x128xf32, #tpu.memory_space<vmem_shared>>) dst(%dma_wait3A_557 : memref<128x128xf32, #tpu.memory_space<hbm>>)
    %mul3A_560 = arith.constant 2 : i32
    %mul3A_561 = arith.muli %arg1, %mul3A_560 : i32
    %add3A_562 = arith.constant 0 : i32
    %add3A_563 = arith.addi %mul3A_561, %add3A_562 : i32
    %mul3A_564 = arith.constant 128 : i32
    %mul3A_565 = arith.muli %add3A_563, %mul3A_564 : i32
    %dma_start3A_566 = arith.constant 2 : i32
    %dma_start3A_567 = arith.constant 0 : i32
    %dma_start3A_568 = arith.constant 0 : i32
    %dma_start3A_569 = tpu.memref_slice %arg6[%dma_start3A_566, %dma_start3A_567, %dma_start3A_568] : memref<4x128x128xf32, #tpu.memory_space<vmem>> -> memref<1x128x128xf32, #tpu.memory_space<vmem>>
    %dma_start3A_570 = tpu.memref_squeeze %dma_start3A_569 : memref<1x128x128xf32, #tpu.memory_space<vmem>> -> memref<128x128xf32, #tpu.memory_space<vmem>>
    %dma_start3A_571 = arith.constant 0 : i32
    %dma_start3A_572 = tpu.memref_slice %arg7[%mul3A_565, %dma_start3A_571] : memref<4096x128xf32, #tpu.memory_space<vmem_shared>> -> memref<128x128xf32, #tpu.memory_space<vmem_shared>>
    %dma_start3A_573 = arith.constant 0 : i32
    %dma_start3A_574 = tpu.memref_slice %arg7[%mul3A_565, %dma_start3A_573] : memref<4096x128xf32, #tpu.memory_space<vmem_shared>> -> memref<128x128xf32, #tpu.memory_space<vmem_shared>>
    %dma_start3A_575 = arith.constant 0 : i32
    %dma_start3A_576 = arith.constant 0 : i32
    %dma_start3A_577 = tpu.memref_slice %arg6[%dma_start3A_566, %dma_start3A_575, %dma_start3A_576] : memref<4x128x128xf32, #tpu.memory_space<vmem>> -> memref<1x128x128xf32, #tpu.memory_space<vmem>>
    %dma_start3A_578 = tpu.memref_squeeze %dma_start3A_577 : memref<1x128x128xf32, #tpu.memory_space<vmem>> -> memref<128x128xf32, #tpu.memory_space<vmem>>
    tpu.enqueue_dma source(%dma_start3A_578 : memref<128x128xf32, #tpu.memory_space<vmem>>) target(%dma_start3A_574 : memref<128x128xf32, #tpu.memory_space<vmem_shared>>) target_semaphore(%arg12 : memref<!tpu.dma_semaphore, #tpu.memory_space<semaphore_mem>>)
    %mul3A_579 = arith.constant 2 : i32
    %mul3A_580 = arith.muli %arg1, %mul3A_579 : i32
    %add3A_581 = arith.constant 1 : i32
    %add3A_582 = arith.addi %mul3A_580, %add3A_581 : i32
    %mul3A_583 = arith.constant 128 : i32
    %mul3A_584 = arith.muli %add3A_582, %mul3A_583 : i32
    %dma_wait3A_585 = arith.constant 1 : i32
    %dma_wait3A_586 = arith.constant 0 : i32
    %dma_wait3A_587 = arith.constant 0 : i32
    %dma_wait3A_588 = tpu.memref_slice %arg6[%dma_wait3A_585, %dma_wait3A_586, %dma_wait3A_587] : memref<4x128x128xf32, #tpu.memory_space<vmem>> -> memref<1x128x128xf32, #tpu.memory_space<vmem>>
    %dma_wait3A_589 = tpu.memref_squeeze %dma_wait3A_588 : memref<1x128x128xf32, #tpu.memory_space<vmem>> -> memref<128x128xf32, #tpu.memory_space<vmem>>
    %dma_wait3A_590 = arith.constant 0 : i32
    %dma_wait3A_591 = tpu.memref_slice %arg7[%mul3A_584, %dma_wait3A_590] : memref<4096x128xf32, #tpu.memory_space<vmem_shared>> -> memref<128x128xf32, #tpu.memory_space<vmem_shared>>
    %dma_wait3A_592 = arith.constant 0 : i32
    %dma_wait3A_593 = tpu.memref_slice %arg7[%mul3A_584, %dma_wait3A_592] : memref<4096x128xf32, #tpu.memory_space<vmem_shared>> -> memref<128x128xf32, #tpu.memory_space<vmem_shared>>
    %dma_wait3A_594 = arith.constant 0 : i32
    %dma_wait3A_595 = arith.constant 0 : i32
    %dma_wait3A_596 = tpu.memref_slice %arg6[%dma_wait3A_585, %dma_wait3A_594, %dma_wait3A_595] : memref<4x128x128xf32, #tpu.memory_space<vmem>> -> memref<1x128x128xf32, #tpu.memory_space<vmem>>
    %dma_wait3A_597 = tpu.memref_squeeze %dma_wait3A_596 : memref<1x128x128xf32, #tpu.memory_space<vmem>> -> memref<128x128xf32, #tpu.memory_space<vmem>>
    tpu.wait_dma2 semaphore(%arg13 : memref<!tpu.dma_semaphore, #tpu.memory_space<semaphore_mem>>) src(%dma_wait3A_597 : memref<128x128xf32, #tpu.memory_space<vmem>>) dst(%dma_wait3A_593 : memref<128x128xf32, #tpu.memory_space<vmem_shared>>)
    %mul3A_598 = arith.constant 2 : i32
    %mul3A_599 = arith.muli %arg1, %mul3A_598 : i32
    %add3A_600 = arith.constant 1 : i32
    %add3A_601 = arith.addi %mul3A_599, %add3A_600 : i32
    %mul3A_602 = arith.constant 128 : i32
    %mul3A_603 = arith.muli %add3A_601, %mul3A_602 : i32
    %add3A_604 = arith.constant 128 : i32
    %add3A_605 = arith.addi %mul3A_2, %add3A_604 : i32
    %dma_start3A_606 = arith.constant 0 : i32
    %dma_start3A_607 = tpu.memref_slice %arg4[%add3A_605, %dma_start3A_606] : memref<819200x128xf32, #tpu.memory_space<hbm>> -> memref<128x128xf32, #tpu.memory_space<hbm>>
    %dma_start3A_608 = arith.constant 0 : i32
    %dma_start3A_609 = tpu.memref_slice %arg7[%mul3A_603, %dma_start3A_608] : memref<4096x128xf32, #tpu.memory_space<vmem_shared>> -> memref<128x128xf32, #tpu.memory_space<vmem_shared>>
    tpu.enqueue_dma source(%dma_start3A_609 : memref<128x128xf32, #tpu.memory_space<vmem_shared>>) target(%dma_start3A_607 : memref<128x128xf32, #tpu.memory_space<hbm>>) target_semaphore(%arg14 : memref<!tpu.dma_semaphore, #tpu.memory_space<semaphore_mem>>)
    %get3A_610 = arith.constant 512 : index
    %get3A_611 = tpu.vector_load %arg5[%get3A_610] {strides = array<i32>} : memref<25600xi32, #tpu.memory_space<vmem>>, vector<16xi32>,
    %get3A_612 = vector.shape_cast %get3A_611 : vector<16xi32> to vector<16xi32>
    %ge3A_613 = arith.constant 100000 : i32
    %ge3A_614 = vector.broadcast %ge3A_613 : i32 to vector<16xi32>
    %ge3A_615 = arith.cmpi sge, %get3A_612, %ge3A_614 : vector<16xi32>
    %jit3A_616 = arith.constant 0 : i32
    %broadcast_in_dim3A_617 = vector.broadcast %jit3A_616 : i32 to vector<16xi32>
    %select_n3A_618 = arith.select %ge3A_615, %broadcast_in_dim3A_617, %get3A_612 : vector<16xi1>, vector<16xi32>
    %swap3A_619 = arith.constant 512 : index
    %swap3A_620 = tpu.vector_load %arg5[%swap3A_619] {strides = array<i32>} : memref<25600xi32, #tpu.memory_space<vmem>>, vector<16xi32>,
    %swap3A_621 = vector.shape_cast %swap3A_620 : vector<16xi32> to vector<16xi32>
    %swap3A_622 = vector.shape_cast %select_n3A_618 : vector<16xi32> to vector<16xi32>
    tpu.vector_store %arg5[%swap3A_619], %swap3A_622 {strides = array<i32>} : memref<25600xi32, #tpu.memory_space<vmem>>, vector<16xi32>,
    %get3A_623 = arith.constant 528 : index
    %get3A_624 = tpu.vector_load %arg5[%get3A_623] {strides = array<i32>} : memref<25600xi32, #tpu.memory_space<vmem>>, vector<16xi32>,
    %get3A_625 = vector.shape_cast %get3A_624 : vector<16xi32> to vector<16xi32>
    %ge3A_626 = arith.constant 100000 : i32
    %ge3A_627 = vector.broadcast %ge3A_626 : i32 to vector<16xi32>
    %ge3A_628 = arith.cmpi sge, %get3A_625, %ge3A_627 : vector<16xi32>
    %jit3A_629 = arith.constant 0 : i32
    %broadcast_in_dim3A_630 = vector.broadcast %jit3A_629 : i32 to vector<16xi32>
    %select_n3A_631 = arith.select %ge3A_628, %broadcast_in_dim3A_630, %get3A_625 : vector<16xi1>, vector<16xi32>
    %swap3A_632 = arith.constant 528 : index
    %swap3A_633 = tpu.vector_load %arg5[%swap3A_632] {strides = array<i32>} : memref<25600xi32, #tpu.memory_space<vmem>>, vector<16xi32>,
    %swap3A_634 = vector.shape_cast %swap3A_633 : vector<16xi32> to vector<16xi32>
    %swap3A_635 = vector.shape_cast %select_n3A_631 : vector<16xi32> to vector<16xi32>
    tpu.vector_store %arg5[%swap3A_632], %swap3A_635 {strides = array<i32>} : memref<25600xi32, #tpu.memory_space<vmem>>, vector<16xi32>,
    %get3A_636 = arith.constant 544 : index
    %get3A_637 = tpu.vector_load %arg5[%get3A_636] {strides = array<i32>} : memref<25600xi32, #tpu.memory_space<vmem>>, vector<16xi32>,
    %get3A_638 = vector.shape_cast %get3A_637 : vector<16xi32> to vector<16xi32>
    %ge3A_639 = arith.constant 100000 : i32
    %ge3A_640 = vector.broadcast %ge3A_639 : i32 to vector<16xi32>
    %ge3A_641 = arith.cmpi sge, %get3A_638, %ge3A_640 : vector<16xi32>
    %jit3A_642 = arith.constant 0 : i32
    %broadcast_in_dim3A_643 = vector.broadcast %jit3A_642 : i32 to vector<16xi32>
    %select_n3A_644 = arith.select %ge3A_641, %broadcast_in_dim3A_643, %get3A_638 : vector<16xi1>, vector<16xi32>
    %swap3A_645 = arith.constant 544 : index
    %swap3A_646 = tpu.vector_load %arg5[%swap3A_645] {strides = array<i32>} : memref<25600xi32, #tpu.memory_space<vmem>>, vector<16xi32>,
    %swap3A_647 = vector.shape_cast %swap3A_646 : vector<16xi32> to vector<16xi32>
    %swap3A_648 = vector.shape_cast %select_n3A_644 : vector<16xi32> to vector<16xi32>
    tpu.vector_store %arg5[%swap3A_645], %swap3A_648 {strides = array<i32>} : memref<25600xi32, #tpu.memory_space<vmem>>, vector<16xi32>,
    %get3A_649 = arith.constant 560 : index
    %get3A_650 = tpu.vector_load %arg5[%get3A_649] {strides = array<i32>} : memref<25600xi32, #tpu.memory_space<vmem>>, vector<16xi32>,
    %get3A_651 = vector.shape_cast %get3A_650 : vector<16xi32> to vector<16xi32>
    %ge3A_652 = arith.constant 100000 : i32
    %ge3A_653 = vector.broadcast %ge3A_652 : i32 to vector<16xi32>
    %ge3A_654 = arith.cmpi sge, %get3A_651, %ge3A_653 : vector<16xi32>
    %jit3A_655 = arith.constant 0 : i32
    %broadcast_in_dim3A_656 = vector.broadcast %jit3A_655 : i32 to vector<16xi32>
    %select_n3A_657 = arith.select %ge3A_654, %broadcast_in_dim3A_656, %get3A_651 : vector<16xi1>, vector<16xi32>
    %swap3A_658 = arith.constant 560 : index
    %swap3A_659 = tpu.vector_load %arg5[%swap3A_658] {strides = array<i32>} : memref<25600xi32, #tpu.memory_space<vmem>>, vector<16xi32>,
    %swap3A_660 = vector.shape_cast %swap3A_659 : vector<16xi32> to vector<16xi32>
    %swap3A_661 = vector.shape_cast %select_n3A_657 : vector<16xi32> to vector<16xi32>
    tpu.vector_store %arg5[%swap3A_658], %swap3A_661 {strides = array<i32>} : memref<25600xi32, #tpu.memory_space<vmem>>, vector<16xi32>,
    %get3A_662 = arith.constant 576 : index
    %get3A_663 = tpu.vector_load %arg5[%get3A_662] {strides = array<i32>} : memref<25600xi32, #tpu.memory_space<vmem>>, vector<16xi32>,
    %get3A_664 = vector.shape_cast %get3A_663 : vector<16xi32> to vector<16xi32>
    %ge3A_665 = arith.constant 100000 : i32
    %ge3A_666 = vector.broadcast %ge3A_665 : i32 to vector<16xi32>
    %ge3A_667 = arith.cmpi sge, %get3A_664, %ge3A_666 : vector<16xi32>
    %jit3A_668 = arith.constant 0 : i32
    %broadcast_in_dim3A_669 = vector.broadcast %jit3A_668 : i32 to vector<16xi32>
    %select_n3A_670 = arith.select %ge3A_667, %broadcast_in_dim3A_669, %get3A_664 : vector<16xi1>, vector<16xi32>
    %swap3A_671 = arith.constant 576 : index
    %swap3A_672 = tpu.vector_load %arg5[%swap3A_671] {strides = array<i32>} : memref<25600xi32, #tpu.memory_space<vmem>>, vector<16xi32>,
    %swap3A_673 = vector.shape_cast %swap3A_672 : vector<16xi32> to vector<16xi32>
    %swap3A_674 = vector.shape_cast %select_n3A_670 : vector<16xi32> to vector<16xi32>
    tpu.vector_store %arg5[%swap3A_671], %swap3A_674 {strides = array<i32>} : memref<25600xi32, #tpu.memory_space<vmem>>, vector<16xi32>,
    %get3A_675 = arith.constant 592 : index
    %get3A_676 = tpu.vector_load %arg5[%get3A_675] {strides = array<i32>} : memref<25600xi32, #tpu.memory_space<vmem>>, vector<16xi32>,
    %get3A_677 = vector.shape_cast %get3A_676 : vector<16xi32> to vector<16xi32>
    %ge3A_678 = arith.constant 100000 : i32
    %ge3A_679 = vector.broadcast %ge3A_678 : i32 to vector<16xi32>
    %ge3A_680 = arith.cmpi sge, %get3A_677, %ge3A_679 : vector<16xi32>
    %jit3A_681 = arith.constant 0 : i32
    %broadcast_in_dim3A_682 = vector.broadcast %jit3A_681 : i32 to vector<16xi32>
    %select_n3A_683 = arith.select %ge3A_680, %broadcast_in_dim3A_682, %get3A_677 : vector<16xi1>, vector<16xi32>
    %swap3A_684 = arith.constant 592 : index
    %swap3A_685 = tpu.vector_load %arg5[%swap3A_684] {strides = array<i32>} : memref<25600xi32, #tpu.memory_space<vmem>>, vector<16xi32>,
    %swap3A_686 = vector.shape_cast %swap3A_685 : vector<16xi32> to vector<16xi32>
    %swap3A_687 = vector.shape_cast %select_n3A_683 : vector<16xi32> to vector<16xi32>
    tpu.vector_store %arg5[%swap3A_684], %swap3A_687 {strides = array<i32>} : memref<25600xi32, #tpu.memory_space<vmem>>, vector<16xi32>,
    %get3A_688 = arith.constant 608 : index
    %get3A_689 = tpu.vector_load %arg5[%get3A_688] {strides = array<i32>} : memref<25600xi32, #tpu.memory_space<vmem>>, vector<16xi32>,
    %get3A_690 = vector.shape_cast %get3A_689 : vector<16xi32> to vector<16xi32>
    %ge3A_691 = arith.constant 100000 : i32
    %ge3A_692 = vector.broadcast %ge3A_691 : i32 to vector<16xi32>
    %ge3A_693 = arith.cmpi sge, %get3A_690, %ge3A_692 : vector<16xi32>
    %jit3A_694 = arith.constant 0 : i32
    %broadcast_in_dim3A_695 = vector.broadcast %jit3A_694 : i32 to vector<16xi32>
    %select_n3A_696 = arith.select %ge3A_693, %broadcast_in_dim3A_695, %get3A_690 : vector<16xi1>, vector<16xi32>
    %swap3A_697 = arith.constant 608 : index
    %swap3A_698 = tpu.vector_load %arg5[%swap3A_697] {strides = array<i32>} : memref<25600xi32, #tpu.memory_space<vmem>>, vector<16xi32>,
    %swap3A_699 = vector.shape_cast %swap3A_698 : vector<16xi32> to vector<16xi32>
    %swap3A_700 = vector.shape_cast %select_n3A_696 : vector<16xi32> to vector<16xi32>
    tpu.vector_store %arg5[%swap3A_697], %swap3A_700 {strides = array<i32>} : memref<25600xi32, #tpu.memory_space<vmem>>, vector<16xi32>,
    %get3A_701 = arith.constant 624 : index
    %get3A_702 = tpu.vector_load %arg5[%get3A_701] {strides = array<i32>} : memref<25600xi32, #tpu.memory_space<vmem>>, vector<16xi32>,
    %get3A_703 = vector.shape_cast %get3A_702 : vector<16xi32> to vector<16xi32>
    %ge3A_704 = arith.constant 100000 : i32
    %ge3A_705 = vector.broadcast %ge3A_704 : i32 to vector<16xi32>
    %ge3A_706 = arith.cmpi sge, %get3A_703, %ge3A_705 : vector<16xi32>
    %jit3A_707 = arith.constant 0 : i32
    %broadcast_in_dim3A_708 = vector.broadcast %jit3A_707 : i32 to vector<16xi32>
    %select_n3A_709 = arith.select %ge3A_706, %broadcast_in_dim3A_708, %get3A_703 : vector<16xi1>, vector<16xi32>
    %swap3A_710 = arith.constant 624 : index
    %swap3A_711 = tpu.vector_load %arg5[%swap3A_710] {strides = array<i32>} : memref<25600xi32, #tpu.memory_space<vmem>>, vector<16xi32>,
    %swap3A_712 = vector.shape_cast %swap3A_711 : vector<16xi32> to vector<16xi32>
    %swap3A_713 = vector.shape_cast %select_n3A_709 : vector<16xi32> to vector<16xi32>
    tpu.vector_store %arg5[%swap3A_710], %swap3A_713 {strides = array<i32>} : memref<25600xi32, #tpu.memory_space<vmem>>, vector<16xi32>,
    %dma_start3A_714 = arith.constant 0 : i32
    %dma_start3A_715 = arith.constant 0 : i32
    %dma_start3A_716 = arith.constant 0 : i32
    %dma_start3A_717 = tpu.memref_slice %arg6[%dma_start3A_714, %dma_start3A_715, %dma_start3A_716] : memref<4x128x128xf32, #tpu.memory_space<vmem>> -> memref<1x128x128xf32, #tpu.memory_space<vmem>>
    %dma_start3A_718 = tpu.memref_squeeze %dma_start3A_717 : memref<1x128x128xf32, #tpu.memory_space<vmem>> -> memref<128x128xf32, #tpu.memory_space<vmem>>
    %dma_start3A_719 = arith.constant 512 : i32
    %dma_start3A_720 = tpu.memref_slice %arg5[%dma_start3A_719] : memref<25600xi32, #tpu.memory_space<vmem>> -> memref<128xi32, #tpu.memory_space<vmem>>
    %dma_start3A_721 = arith.constant 0 : i32
    %dma_start3A_722 = arith.constant 0 : i32
    %dma_start3A_723 = tpu.memref_slice %arg3[%dma_start3A_721, %dma_start3A_722] : memref<100000x128xf32, #tpu.memory_space<hbm>> -> memref<100000x128xf32, #tpu.memory_space<hbm>>
    tpu.enqueue_indirect_dma source(%dma_start3A_723 : memref<100000x128xf32, #tpu.memory_space<hbm>>) target(%dma_start3A_718 : memref<128x128xf32, #tpu.memory_space<vmem>>) offsets(%dma_start3A_720 : memref<128xi32, #tpu.memory_space<vmem>>) semaphore(%arg8 : memref<!tpu.dma_semaphore, #tpu.memory_space<semaphore_mem>>)
    %dma_wait3A_724 = arith.constant 3 : i32
    %dma_wait3A_725 = arith.constant 0 : i32
    %dma_wait3A_726 = arith.constant 0 : i32
    %dma_wait3A_727 = tpu.memref_slice %arg6[%dma_wait3A_724, %dma_wait3A_725, %dma_wait3A_726] : memref<4x128x128xf32, #tpu.memory_space<vmem>> -> memref<1x128x128xf32, #tpu.memory_space<vmem>>
    %dma_wait3A_728 = tpu.memref_squeeze %dma_wait3A_727 : memref<1x128x128xf32, #tpu.memory_space<vmem>> -> memref<128x128xf32, #tpu.memory_space<vmem>>
    %dma_wait3A_729 = arith.constant 0 : i32
    %dma_wait3A_730 = tpu.memref_slice %arg5[%dma_wait3A_729] : memref<25600xi32, #tpu.memory_space<vmem>> -> memref<128xi32, #tpu.memory_space<vmem>>
    %dma_wait3A_731 = arith.constant 0 : i32
    %dma_wait3A_732 = arith.constant 0 : i32
    %dma_wait3A_733 = tpu.memref_slice %arg3[%dma_wait3A_731, %dma_wait3A_732] : memref<100000x128xf32, #tpu.memory_space<hbm>> -> memref<100000x128xf32, #tpu.memory_space<hbm>>
    tpu.wait_indirect_dma semaphore(%arg11 : memref<!tpu.dma_semaphore, #tpu.memory_space<semaphore_mem>>) src(%dma_wait3A_733 : memref<100000x128xf32, #tpu.memory_space<hbm>>) dst(%dma_wait3A_728 : memref<128x128xf32, #tpu.memory_space<vmem>>)
    %mul3A_734 = arith.constant 2 : i32
    %mul3A_735 = arith.muli %arg1, %mul3A_734 : i32
    %add3A_736 = arith.constant 1 : i32
    %add3A_737 = arith.addi %mul3A_735, %add3A_736 : i32
    %mul3A_738 = arith.constant 128 : i32
    %mul3A_739 = arith.muli %add3A_737, %mul3A_738 : i32
    %dma_wait3A_740 = arith.constant 0 : i32
    %dma_wait3A_741 = tpu.memref_slice %arg4[%mul3A_2, %dma_wait3A_740] : memref<819200x128xf32, #tpu.memory_space<hbm>> -> memref<128x128xf32, #tpu.memory_space<hbm>>
    %dma_wait3A_742 = arith.constant 0 : i32
    %dma_wait3A_743 = tpu.memref_slice %arg7[%mul3A_739, %dma_wait3A_742] : memref<4096x128xf32, #tpu.memory_space<vmem_shared>> -> memref<128x128xf32, #tpu.memory_space<vmem_shared>>
    tpu.wait_dma2 semaphore(%arg14 : memref<!tpu.dma_semaphore, #tpu.memory_space<semaphore_mem>>) src(%dma_wait3A_743 : memref<128x128xf32, #tpu.memory_space<vmem_shared>>) dst(%dma_wait3A_741 : memref<128x128xf32, #tpu.memory_space<hbm>>)
    %mul3A_744 = arith.constant 2 : i32
    %mul3A_745 = arith.muli %arg1, %mul3A_744 : i32
    %add3A_746 = arith.constant 1 : i32
    %add3A_747 = arith.addi %mul3A_745, %add3A_746 : i32
    %mul3A_748 = arith.constant 128 : i32
    %mul3A_749 = arith.muli %add3A_747, %mul3A_748 : i32
    %dma_start3A_750 = arith.constant 3 : i32
    %dma_start3A_751 = arith.constant 0 : i32
    %dma_start3A_752 = arith.constant 0 : i32
    %dma_start3A_753 = tpu.memref_slice %arg6[%dma_start3A_750, %dma_start3A_751, %dma_start3A_752] : memref<4x128x128xf32, #tpu.memory_space<vmem>> -> memref<1x128x128xf32, #tpu.memory_space<vmem>>
    %dma_start3A_754 = tpu.memref_squeeze %dma_start3A_753 : memref<1x128x128xf32, #tpu.memory_space<vmem>> -> memref<128x128xf32, #tpu.memory_space<vmem>>
    %dma_start3A_755 = arith.constant 0 : i32
    %dma_start3A_756 = tpu.memref_slice %arg7[%mul3A_749, %dma_start3A_755] : memref<4096x128xf32, #tpu.memory_space<vmem_shared>> -> memref<128x128xf32, #tpu.memory_space<vmem_shared>>
    %dma_start3A_757 = arith.constant 0 : i32
    %dma_start3A_758 = tpu.memref_slice %arg7[%mul3A_749, %dma_start3A_757] : memref<4096x128xf32, #tpu.memory_space<vmem_shared>> -> memref<128x128xf32, #tpu.memory_space<vmem_shared>>
    %dma_start3A_759 = arith.constant 0 : i32
    %dma_start3A_760 = arith.constant 0 : i32
    %dma_start3A_761 = tpu.memref_slice %arg6[%dma_start3A_750, %dma_start3A_759, %dma_start3A_760] : memref<4x128x128xf32, #tpu.memory_space<vmem>> -> memref<1x128x128xf32, #tpu.memory_space<vmem>>
    %dma_start3A_762 = tpu.memref_squeeze %dma_start3A_761 : memref<1x128x128xf32, #tpu.memory_space<vmem>> -> memref<128x128xf32, #tpu.memory_space<vmem>>
    tpu.enqueue_dma source(%dma_start3A_762 : memref<128x128xf32, #tpu.memory_space<vmem>>) target(%dma_start3A_758 : memref<128x128xf32, #tpu.memory_space<vmem_shared>>) target_semaphore(%arg13 : memref<!tpu.dma_semaphore, #tpu.memory_space<semaphore_mem>>)
    %mul3A_763 = arith.constant 2 : i32
    %mul3A_764 = arith.muli %arg1, %mul3A_763 : i32
    %add3A_765 = arith.constant 0 : i32
    %add3A_766 = arith.addi %mul3A_764, %add3A_765 : i32
    %mul3A_767 = arith.constant 128 : i32
    %mul3A_768 = arith.muli %add3A_766, %mul3A_767 : i32
    %dma_wait3A_769 = arith.constant 2 : i32
    %dma_wait3A_770 = arith.constant 0 : i32
    %dma_wait3A_771 = arith.constant 0 : i32
    %dma_wait3A_772 = tpu.memref_slice %arg6[%dma_wait3A_769, %dma_wait3A_770, %dma_wait3A_771] : memref<4x128x128xf32, #tpu.memory_space<vmem>> -> memref<1x128x128xf32, #tpu.memory_space<vmem>>
    %dma_wait3A_773 = tpu.memref_squeeze %dma_wait3A_772 : memref<1x128x128xf32, #tpu.memory_space<vmem>> -> memref<128x128xf32, #tpu.memory_space<vmem>>
    %dma_wait3A_774 = arith.constant 0 : i32
    %dma_wait3A_775 = tpu.memref_slice %arg7[%mul3A_768, %dma_wait3A_774] : memref<4096x128xf32, #tpu.memory_space<vmem_shared>> -> memref<128x128xf32, #tpu.memory_space<vmem_shared>>
    %dma_wait3A_776 = arith.constant 0 : i32
    %dma_wait3A_777 = tpu.memref_slice %arg7[%mul3A_768, %dma_wait3A_776] : memref<4096x128xf32, #tpu.memory_space<vmem_shared>> -> memref<128x128xf32, #tpu.memory_space<vmem_shared>>
    %dma_wait3A_778 = arith.constant 0 : i32
    %dma_wait3A_779 = arith.constant 0 : i32
    %dma_wait3A_780 = tpu.memref_slice %arg6[%dma_wait3A_769, %dma_wait3A_778, %dma_wait3A_779] : memref<4x128x128xf32, #tpu.memory_space<vmem>> -> memref<1x128x128xf32, #tpu.memory_space<vmem>>
    %dma_wait3A_781 = tpu.memref_squeeze %dma_wait3A_780 : memref<1x128x128xf32, #tpu.memory_space<vmem>> -> memref<128x128xf32, #tpu.memory_space<vmem>>
    tpu.wait_dma2 semaphore(%arg12 : memref<!tpu.dma_semaphore, #tpu.memory_space<semaphore_mem>>) src(%dma_wait3A_781 : memref<128x128xf32, #tpu.memory_space<vmem>>) dst(%dma_wait3A_777 : memref<128x128xf32, #tpu.memory_space<vmem_shared>>)
    %mul3A_782 = arith.constant 2 : i32
    %mul3A_783 = arith.muli %arg1, %mul3A_782 : i32
    %add3A_784 = arith.constant 0 : i32
    %add3A_785 = arith.addi %mul3A_783, %add3A_784 : i32
    %mul3A_786 = arith.constant 128 : i32
    %mul3A_787 = arith.muli %add3A_785, %mul3A_786 : i32
    %add3A_788 = arith.constant 256 : i32
    %add3A_789 = arith.addi %mul3A_2, %add3A_788 : i32
    %dma_start3A_790 = arith.constant 0 : i32
    %dma_start3A_791 = tpu.memref_slice %arg4[%add3A_789, %dma_start3A_790] : memref<819200x128xf32, #tpu.memory_space<hbm>> -> memref<128x128xf32, #tpu.memory_space<hbm>>
    %dma_start3A_792 = arith.constant 0 : i32
    %dma_start3A_793 = tpu.memref_slice %arg7[%mul3A_787, %dma_start3A_792] : memref<4096x128xf32, #tpu.memory_space<vmem_shared>> -> memref<128x128xf32, #tpu.memory_space<vmem_shared>>
    tpu.enqueue_dma source(%dma_start3A_793 : memref<128x128xf32, #tpu.memory_space<vmem_shared>>) target(%dma_start3A_791 : memref<128x128xf32, #tpu.memory_space<hbm>>) target_semaphore(%arg14 : memref<!tpu.dma_semaphore, #tpu.memory_space<semaphore_mem>>)
    %get3A_794 = arith.constant 640 : index
    %get3A_795 = tpu.vector_load %arg5[%get3A_794] {strides = array<i32>} : memref<25600xi32, #tpu.memory_space<vmem>>, vector<16xi32>,
    %get3A_796 = vector.shape_cast %get3A_795 : vector<16xi32> to vector<16xi32>
    %ge3A_797 = arith.constant 100000 : i32
    %ge3A_798 = vector.broadcast %ge3A_797 : i32 to vector<16xi32>
    %ge3A_799 = arith.cmpi sge, %get3A_796, %ge3A_798 : vector<16xi32>
    %jit3A_800 = arith.constant 0 : i32
    %broadcast_in_dim3A_801 = vector.broadcast %jit3A_800 : i32 to vector<16xi32>
    %select_n3A_802 = arith.select %ge3A_799, %broadcast_in_dim3A_801, %get3A_796 : vector<16xi1>, vector<16xi32>
    %swap3A_803 = arith.constant 640 : index
    %swap3A_804 = tpu.vector_load %arg5[%swap3A_803] {strides = array<i32>} : memref<25600xi32, #tpu.memory_space<vmem>>, vector<16xi32>,
    %swap3A_805 = vector.shape_cast %swap3A_804 : vector<16xi32> to vector<16xi32>
    %swap3A_806 = vector.shape_cast %select_n3A_802 : vector<16xi32> to vector<16xi32>
    tpu.vector_store %arg5[%swap3A_803], %swap3A_806 {strides = array<i32>} : memref<25600xi32, #tpu.memory_space<vmem>>, vector<16xi32>,
    %get3A_807 = arith.constant 656 : index
    %get3A_808 = tpu.vector_load %arg5[%get3A_807] {strides = array<i32>} : memref<25600xi32, #tpu.memory_space<vmem>>, vector<16xi32>,
    %get3A_809 = vector.shape_cast %get3A_808 : vector<16xi32> to vector<16xi32>
    %ge3A_810 = arith.constant 100000 : i32
    %ge3A_811 = vector.broadcast %ge3A_810 : i32 to vector<16xi32>
    %ge3A_812 = arith.cmpi sge, %get3A_809, %ge3A_811 : vector<16xi32>
    %jit3A_813 = arith.constant 0 : i32
    %broadcast_in_dim3A_814 = vector.broadcast %jit3A_813 : i32 to vector<16xi32>
    %select_n3A_815 = arith.select %ge3A_812, %broadcast_in_dim3A_814, %get3A_809 : vector<16xi1>, vector<16xi32>
    %swap3A_816 = arith.constant 656 : index
    %swap3A_817 = tpu.vector_load %arg5[%swap3A_816] {strides = array<i32>} : memref<25600xi32, #tpu.memory_space<vmem>>, vector<16xi32>,
    %swap3A_818 = vector.shape_cast %swap3A_817 : vector<16xi32> to vector<16xi32>
    %swap3A_819 = vector.shape_cast %select_n3A_815 : vector<16xi32> to vector<16xi32>
    tpu.vector_store %arg5[%swap3A_816], %swap3A_819 {strides = array<i32>} : memref<25600xi32, #tpu.memory_space<vmem>>, vector<16xi32>,
    %get3A_820 = arith.constant 672 : index
    %get3A_821 = tpu.vector_load %arg5[%get3A_820] {strides = array<i32>} : memref<25600xi32, #tpu.memory_space<vmem>>, vector<16xi32>,
    %get3A_822 = vector.shape_cast %get3A_821 : vector<16xi32> to vector<16xi32>
    %ge3A_823 = arith.constant 100000 : i32
    %ge3A_824 = vector.broadcast %ge3A_823 : i32 to vector<16xi32>
    %ge3A_825 = arith.cmpi sge, %get3A_822, %ge3A_824 : vector<16xi32>
    %jit3A_826 = arith.constant 0 : i32
    %broadcast_in_dim3A_827 = vector.broadcast %jit3A_826 : i32 to vector<16xi32>
    %select_n3A_828 = arith.select %ge3A_825, %broadcast_in_dim3A_827, %get3A_822 : vector<16xi1>, vector<16xi32>
    %swap3A_829 = arith.constant 672 : index
    %swap3A_830 = tpu.vector_load %arg5[%swap3A_829] {strides = array<i32>} : memref<25600xi32, #tpu.memory_space<vmem>>, vector<16xi32>,
    %swap3A_831 = vector.shape_cast %swap3A_830 : vector<16xi32> to vector<16xi32>
    %swap3A_832 = vector.shape_cast %select_n3A_828 : vector<16xi32> to vector<16xi32>
    tpu.vector_store %arg5[%swap3A_829], %swap3A_832 {strides = array<i32>} : memref<25600xi32, #tpu.memory_space<vmem>>, vector<16xi32>,
    %get3A_833 = arith.constant 688 : index
    %get3A_834 = tpu.vector_load %arg5[%get3A_833] {strides = array<i32>} : memref<25600xi32, #tpu.memory_space<vmem>>, vector<16xi32>,
    %get3A_835 = vector.shape_cast %get3A_834 : vector<16xi32> to vector<16xi32>
    %ge3A_836 = arith.constant 100000 : i32
    %ge3A_837 = vector.broadcast %ge3A_836 : i32 to vector<16xi32>
    %ge3A_838 = arith.cmpi sge, %get3A_835, %ge3A_837 : vector<16xi32>
    %jit3A_839 = arith.constant 0 : i32
    %broadcast_in_dim3A_840 = vector.broadcast %jit3A_839 : i32 to vector<16xi32>
    %select_n3A_841 = arith.select %ge3A_838, %broadcast_in_dim3A_840, %get3A_835 : vector<16xi1>, vector<16xi32>
    %swap3A_842 = arith.constant 688 : index
    %swap3A_843 = tpu.vector_load %arg5[%swap3A_842] {strides = array<i32>} : memref<25600xi32, #tpu.memory_space<vmem>>, vector<16xi32>,
    %swap3A_844 = vector.shape_cast %swap3A_843 : vector<16xi32> to vector<16xi32>
    %swap3A_845 = vector.shape_cast %select_n3A_841 : vector<16xi32> to vector<16xi32>
    tpu.vector_store %arg5[%swap3A_842], %swap3A_845 {strides = array<i32>} : memref<25600xi32, #tpu.memory_space<vmem>>, vector<16xi32>,
    %get3A_846 = arith.constant 704 : index
    %get3A_847 = tpu.vector_load %arg5[%get3A_846] {strides = array<i32>} : memref<25600xi32, #tpu.memory_space<vmem>>, vector<16xi32>,
    %get3A_848 = vector.shape_cast %get3A_847 : vector<16xi32> to vector<16xi32>
    %ge3A_849 = arith.constant 100000 : i32
    %ge3A_850 = vector.broadcast %ge3A_849 : i32 to vector<16xi32>
    %ge3A_851 = arith.cmpi sge, %get3A_848, %ge3A_850 : vector<16xi32>
    %jit3A_852 = arith.constant 0 : i32
    %broadcast_in_dim3A_853 = vector.broadcast %jit3A_852 : i32 to vector<16xi32>
    %select_n3A_854 = arith.select %ge3A_851, %broadcast_in_dim3A_853, %get3A_848 : vector<16xi1>, vector<16xi32>
    %swap3A_855 = arith.constant 704 : index
    %swap3A_856 = tpu.vector_load %arg5[%swap3A_855] {strides = array<i32>} : memref<25600xi32, #tpu.memory_space<vmem>>, vector<16xi32>,
    %swap3A_857 = vector.shape_cast %swap3A_856 : vector<16xi32> to vector<16xi32>
    %swap3A_858 = vector.shape_cast %select_n3A_854 : vector<16xi32> to vector<16xi32>
    tpu.vector_store %arg5[%swap3A_855], %swap3A_858 {strides = array<i32>} : memref<25600xi32, #tpu.memory_space<vmem>>, vector<16xi32>,
    %get3A_859 = arith.constant 720 : index
    %get3A_860 = tpu.vector_load %arg5[%get3A_859] {strides = array<i32>} : memref<25600xi32, #tpu.memory_space<vmem>>, vector<16xi32>,
    %get3A_861 = vector.shape_cast %get3A_860 : vector<16xi32> to vector<16xi32>
    %ge3A_862 = arith.constant 100000 : i32
    %ge3A_863 = vector.broadcast %ge3A_862 : i32 to vector<16xi32>
    %ge3A_864 = arith.cmpi sge, %get3A_861, %ge3A_863 : vector<16xi32>
    %jit3A_865 = arith.constant 0 : i32
    %broadcast_in_dim3A_866 = vector.broadcast %jit3A_865 : i32 to vector<16xi32>
    %select_n3A_867 = arith.select %ge3A_864, %broadcast_in_dim3A_866, %get3A_861 : vector<16xi1>, vector<16xi32>
    %swap3A_868 = arith.constant 720 : index
    %swap3A_869 = tpu.vector_load %arg5[%swap3A_868] {strides = array<i32>} : memref<25600xi32, #tpu.memory_space<vmem>>, vector<16xi32>,
    %swap3A_870 = vector.shape_cast %swap3A_869 : vector<16xi32> to vector<16xi32>
    %swap3A_871 = vector.shape_cast %select_n3A_867 : vector<16xi32> to vector<16xi32>
    tpu.vector_store %arg5[%swap3A_868], %swap3A_871 {strides = array<i32>} : memref<25600xi32, #tpu.memory_space<vmem>>, vector<16xi32>,
    %get3A_872 = arith.constant 736 : index
    %get3A_873 = tpu.vector_load %arg5[%get3A_872] {strides = array<i32>} : memref<25600xi32, #tpu.memory_space<vmem>>, vector<16xi32>,
    %get3A_874 = vector.shape_cast %get3A_873 : vector<16xi32> to vector<16xi32>
    %ge3A_875 = arith.constant 100000 : i32
    %ge3A_876 = vector.broadcast %ge3A_875 : i32 to vector<16xi32>
    %ge3A_877 = arith.cmpi sge, %get3A_874, %ge3A_876 : vector<16xi32>
    %jit3A_878 = arith.constant 0 : i32
    %broadcast_in_dim3A_879 = vector.broadcast %jit3A_878 : i32 to vector<16xi32>
    %select_n3A_880 = arith.select %ge3A_877, %broadcast_in_dim3A_879, %get3A_874 : vector<16xi1>, vector<16xi32>
    %swap3A_881 = arith.constant 736 : index
    %swap3A_882 = tpu.vector_load %arg5[%swap3A_881] {strides = array<i32>} : memref<25600xi32, #tpu.memory_space<vmem>>, vector<16xi32>,
    %swap3A_883 = vector.shape_cast %swap3A_882 : vector<16xi32> to vector<16xi32>
    %swap3A_884 = vector.shape_cast %select_n3A_880 : vector<16xi32> to vector<16xi32>
    tpu.vector_store %arg5[%swap3A_881], %swap3A_884 {strides = array<i32>} : memref<25600xi32, #tpu.memory_space<vmem>>, vector<16xi32>,
    %get3A_885 = arith.constant 752 : index
    %get3A_886 = tpu.vector_load %arg5[%get3A_885] {strides = array<i32>} : memref<25600xi32, #tpu.memory_space<vmem>>, vector<16xi32>,
    %get3A_887 = vector.shape_cast %get3A_886 : vector<16xi32> to vector<16xi32>
    %ge3A_888 = arith.constant 100000 : i32
    %ge3A_889 = vector.broadcast %ge3A_888 : i32 to vector<16xi32>
    %ge3A_890 = arith.cmpi sge, %get3A_887, %ge3A_889 : vector<16xi32>
    %jit3A_891 = arith.constant 0 : i32
    %broadcast_in_dim3A_892 = vector.broadcast %jit3A_891 : i32 to vector<16xi32>
    %select_n3A_893 = arith.select %ge3A_890, %broadcast_in_dim3A_892, %get3A_887 : vector<16xi1>, vector<16xi32>
    %swap3A_894 = arith.constant 752 : index
    %swap3A_895 = tpu.vector_load %arg5[%swap3A_894] {strides = array<i32>} : memref<25600xi32, #tpu.memory_space<vmem>>, vector<16xi32>,
    %swap3A_896 = vector.shape_cast %swap3A_895 : vector<16xi32> to vector<16xi32>
    %swap3A_897 = vector.shape_cast %select_n3A_893 : vector<16xi32> to vector<16xi32>
    tpu.vector_store %arg5[%swap3A_894], %swap3A_897 {strides = array<i32>} : memref<25600xi32, #tpu.memory_space<vmem>>, vector<16xi32>,
    %dma_start3A_898 = arith.constant 1 : i32
    %dma_start3A_899 = arith.constant 0 : i32
    %dma_start3A_900 = arith.constant 0 : i32
    %dma_start3A_901 = tpu.memref_slice %arg6[%dma_start3A_898, %dma_start3A_899, %dma_start3A_900] : memref<4x128x128xf32, #tpu.memory_space<vmem>> -> memref<1x128x128xf32, #tpu.memory_space<vmem>>
    %dma_start3A_902 = tpu.memref_squeeze %dma_start3A_901 : memref<1x128x128xf32, #tpu.memory_space<vmem>> -> memref<128x128xf32, #tpu.memory_space<vmem>>
    %dma_start3A_903 = arith.constant 640 : i32
    %dma_start3A_904 = tpu.memref_slice %arg5[%dma_start3A_903] : memref<25600xi32, #tpu.memory_space<vmem>> -> memref<128xi32, #tpu.memory_space<vmem>>
    %dma_start3A_905 = arith.constant 0 : i32
    %dma_start3A_906 = arith.constant 0 : i32
    %dma_start3A_907 = tpu.memref_slice %arg3[%dma_start3A_905, %dma_start3A_906] : memref<100000x128xf32, #tpu.memory_space<hbm>> -> memref<100000x128xf32, #tpu.memory_space<hbm>>
    tpu.enqueue_indirect_dma source(%dma_start3A_907 : memref<100000x128xf32, #tpu.memory_space<hbm>>) target(%dma_start3A_902 : memref<128x128xf32, #tpu.memory_space<vmem>>) offsets(%dma_start3A_904 : memref<128xi32, #tpu.memory_space<vmem>>) semaphore(%arg9 : memref<!tpu.dma_semaphore, #tpu.memory_space<semaphore_mem>>)
    %dma_wait3A_908 = arith.constant 0 : i32
    %dma_wait3A_909 = arith.constant 0 : i32
    %dma_wait3A_910 = arith.constant 0 : i32
    %dma_wait3A_911 = tpu.memref_slice %arg6[%dma_wait3A_908, %dma_wait3A_909, %dma_wait3A_910] : memref<4x128x128xf32, #tpu.memory_space<vmem>> -> memref<1x128x128xf32, #tpu.memory_space<vmem>>
    %dma_wait3A_912 = tpu.memref_squeeze %dma_wait3A_911 : memref<1x128x128xf32, #tpu.memory_space<vmem>> -> memref<128x128xf32, #tpu.memory_space<vmem>>
    %dma_wait3A_913 = arith.constant 0 : i32
    %dma_wait3A_914 = tpu.memref_slice %arg5[%dma_wait3A_913] : memref<25600xi32, #tpu.memory_space<vmem>> -> memref<128xi32, #tpu.memory_space<vmem>>
    %dma_wait3A_915 = arith.constant 0 : i32
    %dma_wait3A_916 = arith.constant 0 : i32
    %dma_wait3A_917 = tpu.memref_slice %arg3[%dma_wait3A_915, %dma_wait3A_916] : memref<100000x128xf32, #tpu.memory_space<hbm>> -> memref<100000x128xf32, #tpu.memory_space<hbm>>
    tpu.wait_indirect_dma semaphore(%arg8 : memref<!tpu.dma_semaphore, #tpu.memory_space<semaphore_mem>>) src(%dma_wait3A_917 : memref<100000x128xf32, #tpu.memory_space<hbm>>) dst(%dma_wait3A_912 : memref<128x128xf32, #tpu.memory_space<vmem>>)
    %mul3A_918 = arith.constant 2 : i32
    %mul3A_919 = arith.muli %arg1, %mul3A_918 : i32
    %add3A_920 = arith.constant 0 : i32
    %add3A_921 = arith.addi %mul3A_919, %add3A_920 : i32
    %mul3A_922 = arith.constant 128 : i32
    %mul3A_923 = arith.muli %add3A_921, %mul3A_922 : i32
    %dma_wait3A_924 = arith.constant 0 : i32
    %dma_wait3A_925 = tpu.memref_slice %arg4[%mul3A_2, %dma_wait3A_924] : memref<819200x128xf32, #tpu.memory_space<hbm>> -> memref<128x128xf32, #tpu.memory_space<hbm>>
    %dma_wait3A_926 = arith.constant 0 : i32
    %dma_wait3A_927 = tpu.memref_slice %arg7[%mul3A_923, %dma_wait3A_926] : memref<4096x128xf32, #tpu.memory_space<vmem_shared>> -> memref<128x128xf32, #tpu.memory_space<vmem_shared>>
    tpu.wait_dma2 semaphore(%arg14 : memref<!tpu.dma_semaphore, #tpu.memory_space<semaphore_mem>>) src(%dma_wait3A_927 : memref<128x128xf32, #tpu.memory_space<vmem_shared>>) dst(%dma_wait3A_925 : memref<128x128xf32, #tpu.memory_space<hbm>>)
    %mul3A_928 = arith.constant 2 : i32
    %mul3A_929 = arith.muli %arg1, %mul3A_928 : i32
    %add3A_930 = arith.constant 0 : i32
    %add3A_931 = arith.addi %mul3A_929, %add3A_930 : i32
    %mul3A_932 = arith.constant 128 : i32
    %mul3A_933 = arith.muli %add3A_931, %mul3A_932 : i32
    %dma_start3A_934 = arith.constant 0 : i32
    %dma_start3A_935 = arith.constant 0 : i32
    %dma_start3A_936 = arith.constant 0 : i32
    %dma_start3A_937 = tpu.memref_slice %arg6[%dma_start3A_934, %dma_start3A_935, %dma_start3A_936] : memref<4x128x128xf32, #tpu.memory_space<vmem>> -> memref<1x128x128xf32, #tpu.memory_space<vmem>>
    %dma_start3A_938 = tpu.memref_squeeze %dma_start3A_937 : memref<1x128x128xf32, #tpu.memory_space<vmem>> -> memref<128x128xf32, #tpu.memory_space<vmem>>
    %dma_start3A_939 = arith.constant 0 : i32
    %dma_start3A_940 = tpu.memref_slice %arg7[%mul3A_933, %dma_start3A_939] : memref<4096x128xf32, #tpu.memory_space<vmem_shared>> -> memref<128x128xf32, #tpu.memory_space<vmem_shared>>
    %dma_start3A_941 = arith.constant 0 : i32
    %dma_start3A_942 = tpu.memref_slice %arg7[%mul3A_933, %dma_start3A_941] : memref<4096x128xf32, #tpu.memory_space<vmem_shared>> -> memref<128x128xf32, #tpu.memory_space<vmem_shared>>
    %dma_start3A_943 = arith.constant 0 : i32
    %dma_start3A_944 = arith.constant 0 : i32
    %dma_start3A_945 = tpu.memref_slice %arg6[%dma_start3A_934, %dma_start3A_943, %dma_start3A_944] : memref<4x128x128xf32, #tpu.memory_space<vmem>> -> memref<1x128x128xf32, #tpu.memory_space<vmem>>
    %dma_start3A_946 = tpu.memref_squeeze %dma_start3A_945 : memref<1x128x128xf32, #tpu.memory_space<vmem>> -> memref<128x128xf32, #tpu.memory_space<vmem>>
    tpu.enqueue_dma source(%dma_start3A_946 : memref<128x128xf32, #tpu.memory_space<vmem>>) target(%dma_start3A_942 : memref<128x128xf32, #tpu.memory_space<vmem_shared>>) target_semaphore(%arg12 : memref<!tpu.dma_semaphore, #tpu.memory_space<semaphore_mem>>)
    %mul3A_947 = arith.constant 2 : i32
    %mul3A_948 = arith.muli %arg1, %mul3A_947 : i32
    %add3A_949 = arith.constant 1 : i32
    %add3A_950 = arith.addi %mul3A_948, %add3A_949 : i32
    %mul3A_951 = arith.constant 128 : i32
    %mul3A_952 = arith.muli %add3A_950, %mul3A_951 : i32
    %dma_wait3A_953 = arith.constant 3 : i32
    %dma_wait3A_954 = arith.constant 0 : i32
    %dma_wait3A_955 = arith.constant 0 : i32
    %dma_wait3A_956 = tpu.memref_slice %arg6[%dma_wait3A_953, %dma_wait3A_954, %dma_wait3A_955] : memref<4x128x128xf32, #tpu.memory_space<vmem>> -> memref<1x128x128xf32, #tpu.memory_space<vmem>>
    %dma_wait3A_957 = tpu.memref_squeeze %dma_wait3A_956 : memref<1x128x128xf32, #tpu.memory_space<vmem>> -> memref<128x128xf32, #tpu.memory_space<vmem>>
    %dma_wait3A_958 = arith.constant 0 : i32
    %dma_wait3A_959 = tpu.memref_slice %arg7[%mul3A_952, %dma_wait3A_958] : memref<4096x128xf32, #tpu.memory_space<vmem_shared>> -> memref<128x128xf32, #tpu.memory_space<vmem_shared>>
    %dma_wait3A_960 = arith.constant 0 : i32
    %dma_wait3A_961 = tpu.memref_slice %arg7[%mul3A_952, %dma_wait3A_960] : memref<4096x128xf32, #tpu.memory_space<vmem_shared>> -> memref<128x128xf32, #tpu.memory_space<vmem_shared>>
    %dma_wait3A_962 = arith.constant 0 : i32
    %dma_wait3A_963 = arith.constant 0 : i32
    %dma_wait3A_964 = tpu.memref_slice %arg6[%dma_wait3A_953, %dma_wait3A_962, %dma_wait3A_963] : memref<4x128x128xf32, #tpu.memory_space<vmem>> -> memref<1x128x128xf32, #tpu.memory_space<vmem>>
    %dma_wait3A_965 = tpu.memref_squeeze %dma_wait3A_964 : memref<1x128x128xf32, #tpu.memory_space<vmem>> -> memref<128x128xf32, #tpu.memory_space<vmem>>
    tpu.wait_dma2 semaphore(%arg13 : memref<!tpu.dma_semaphore, #tpu.memory_space<semaphore_mem>>) src(%dma_wait3A_965 : memref<128x128xf32, #tpu.memory_space<vmem>>) dst(%dma_wait3A_961 : memref<128x128xf32, #tpu.memory_space<vmem_shared>>)
    %mul3A_966 = arith.constant 2 : i32
    %mul3A_967 = arith.muli %arg1, %mul3A_966 : i32
    %add3A_968 = arith.constant 1 : i32
    %add3A_969 = arith.addi %mul3A_967, %add3A_968 : i32
    %mul3A_970 = arith.constant 128 : i32
    %mul3A_971 = arith.muli %add3A_969, %mul3A_970 : i32
    %add3A_972 = arith.constant 384 : i32
    %add3A_973 = arith.addi %mul3A_2, %add3A_972 : i32
    %dma_start3A_974 = arith.constant 0 : i32
    %dma_start3A_975 = tpu.memref_slice %arg4[%add3A_973, %dma_start3A_974] : memref<819200x128xf32, #tpu.memory_space<hbm>> -> memref<128x128xf32, #tpu.memory_space<hbm>>
    %dma_start3A_976 = arith.constant 0 : i32
    %dma_start3A_977 = tpu.memref_slice %arg7[%mul3A_971, %dma_start3A_976] : memref<4096x128xf32, #tpu.memory_space<vmem_shared>> -> memref<128x128xf32, #tpu.memory_space<vmem_shared>>
    tpu.enqueue_dma source(%dma_start3A_977 : memref<128x128xf32, #tpu.memory_space<vmem_shared>>) target(%dma_start3A_975 : memref<128x128xf32, #tpu.memory_space<hbm>>) target_semaphore(%arg14 : memref<!tpu.dma_semaphore, #tpu.memory_space<semaphore_mem>>)
    %get3A_978 = arith.constant 768 : index
    %get3A_979 = tpu.vector_load %arg5[%get3A_978] {strides = array<i32>} : memref<25600xi32, #tpu.memory_space<vmem>>, vector<16xi32>,
    %get3A_980 = vector.shape_cast %get3A_979 : vector<16xi32> to vector<16xi32>
    %ge3A_981 = arith.constant 100000 : i32
    %ge3A_982 = vector.broadcast %ge3A_981 : i32 to vector<16xi32>
    %ge3A_983 = arith.cmpi sge, %get3A_980, %ge3A_982 : vector<16xi32>
    %jit3A_984 = arith.constant 0 : i32
    %broadcast_in_dim3A_985 = vector.broadcast %jit3A_984 : i32 to vector<16xi32>
    %select_n3A_986 = arith.select %ge3A_983, %broadcast_in_dim3A_985, %get3A_980 : vector<16xi1>, vector<16xi32>
    %swap3A_987 = arith.constant 768 : index
    %swap3A_988 = tpu.vector_load %arg5[%swap3A_987] {strides = array<i32>} : memref<25600xi32, #tpu.memory_space<vmem>>, vector<16xi32>,
    %swap3A_989 = vector.shape_cast %swap3A_988 : vector<16xi32> to vector<16xi32>
    %swap3A_990 = vector.shape_cast %select_n3A_986 : vector<16xi32> to vector<16xi32>
    tpu.vector_store %arg5[%swap3A_987], %swap3A_990 {strides = array<i32>} : memref<25600xi32, #tpu.memory_space<vmem>>, vector<16xi32>,
    %get3A_991 = arith.constant 784 : index
    %get3A_992 = tpu.vector_load %arg5[%get3A_991] {strides = array<i32>} : memref<25600xi32, #tpu.memory_space<vmem>>, vector<16xi32>,
    %get3A_993 = vector.shape_cast %get3A_992 : vector<16xi32> to vector<16xi32>
    %ge3A_994 = arith.constant 100000 : i32
    %ge3A_995 = vector.broadcast %ge3A_994 : i32 to vector<16xi32>
    %ge3A_996 = arith.cmpi sge, %get3A_993, %ge3A_995 : vector<16xi32>
    %jit3A_997 = arith.constant 0 : i32
    %broadcast_in_dim3A_998 = vector.broadcast %jit3A_997 : i32 to vector<16xi32>
    %select_n3A_999 = arith.select %ge3A_996, %broadcast_in_dim3A_998, %get3A_993 : vector<16xi1>, vector<16xi32>
    %swap3A_1000 = arith.constant 784 : index
    %swap3A_1001 = tpu.vector_load %arg5[%swap3A_1000] {strides = array<i32>} : memref<25600xi32, #tpu.memory_space<vmem>>, vector<16xi32>,
    %swap3A_1002 = vector.shape_cast %swap3A_1001 : vector<16xi32> to vector<16xi32>
    %swap3A_1003 = vector.shape_cast %select_n3A_999 : vector<16xi32> to vector<16xi32>
    tpu.vector_store %arg5[%swap3A_1000], %swap3A_1003 {strides = array<i32>} : memref<25600xi32, #tpu.memory_space<vmem>>, vector<16xi32>,
    %get3A_1004 = arith.constant 800 : index
    %get3A_1005 = tpu.vector_load %arg5[%get3A_1004] {strides = array<i32>} : memref<25600xi32, #tpu.memory_space<vmem>>, vector<16xi32>,
    %get3A_1006 = vector.shape_cast %get3A_1005 : vector<16xi32> to vector<16xi32>
    %ge3A_1007 = arith.constant 100000 : i32
    %ge3A_1008 = vector.broadcast %ge3A_1007 : i32 to vector<16xi32>
    %ge3A_1009 = arith.cmpi sge, %get3A_1006, %ge3A_1008 : vector<16xi32>
    %jit3A_1010 = arith.constant 0 : i32
    %broadcast_in_dim3A_1011 = vector.broadcast %jit3A_1010 : i32 to vector<16xi32>
    %select_n3A_1012 = arith.select %ge3A_1009, %broadcast_in_dim3A_1011, %get3A_1006 : vector<16xi1>, vector<16xi32>
    %swap3A_1013 = arith.constant 800 : index
    %swap3A_1014 = tpu.vector_load %arg5[%swap3A_1013] {strides = array<i32>} : memref<25600xi32, #tpu.memory_space<vmem>>, vector<16xi32>,
    %swap3A_1015 = vector.shape_cast %swap3A_1014 : vector<16xi32> to vector<16xi32>
    %swap3A_1016 = vector.shape_cast %select_n3A_1012 : vector<16xi32> to vector<16xi32>
    tpu.vector_store %arg5[%swap3A_1013], %swap3A_1016 {strides = array<i32>} : memref<25600xi32, #tpu.memory_space<vmem>>, vector<16xi32>,
    %get3A_1017 = arith.constant 816 : index
    %get3A_1018 = tpu.vector_load %arg5[%get3A_1017] {strides = array<i32>} : memref<25600xi32, #tpu.memory_space<vmem>>, vector<16xi32>,
    %get3A_1019 = vector.shape_cast %get3A_1018 : vector<16xi32> to vector<16xi32>
    %ge3A_1020 = arith.constant 100000 : i32
    %ge3A_1021 = vector.broadcast %ge3A_1020 : i32 to vector<16xi32>
    %ge3A_1022 = arith.cmpi sge, %get3A_1019, %ge3A_1021 : vector<16xi32>
    %jit3A_1023 = arith.constant 0 : i32
    %broadcast_in_dim3A_1024 = vector.broadcast %jit3A_1023 : i32 to vector<16xi32>
    %select_n3A_1025 = arith.select %ge3A_1022, %broadcast_in_dim3A_1024, %get3A_1019 : vector<16xi1>, vector<16xi32>
    %swap3A_1026 = arith.constant 816 : index
    %swap3A_1027 = tpu.vector_load %arg5[%swap3A_1026] {strides = array<i32>} : memref<25600xi32, #tpu.memory_space<vmem>>, vector<16xi32>,
    %swap3A_1028 = vector.shape_cast %swap3A_1027 : vector<16xi32> to vector<16xi32>
    %swap3A_1029 = vector.shape_cast %select_n3A_1025 : vector<16xi32> to vector<16xi32>
    tpu.vector_store %arg5[%swap3A_1026], %swap3A_1029 {strides = array<i32>} : memref<25600xi32, #tpu.memory_space<vmem>>, vector<16xi32>,
    %get3A_1030 = arith.constant 832 : index
    %get3A_1031 = tpu.vector_load %arg5[%get3A_1030] {strides = array<i32>} : memref<25600xi32, #tpu.memory_space<vmem>>, vector<16xi32>,
    %get3A_1032 = vector.shape_cast %get3A_1031 : vector<16xi32> to vector<16xi32>
    %ge3A_1033 = arith.constant 100000 : i32
    %ge3A_1034 = vector.broadcast %ge3A_1033 : i32 to vector<16xi32>
    %ge3A_1035 = arith.cmpi sge, %get3A_1032, %ge3A_1034 : vector<16xi32>
    %jit3A_1036 = arith.constant 0 : i32
    %broadcast_in_dim3A_1037 = vector.broadcast %jit3A_1036 : i32 to vector<16xi32>
    %select_n3A_1038 = arith.select %ge3A_1035, %broadcast_in_dim3A_1037, %get3A_1032 : vector<16xi1>, vector<16xi32>
    %swap3A_1039 = arith.constant 832 : index
    %swap3A_1040 = tpu.vector_load %arg5[%swap3A_1039] {strides = array<i32>} : memref<25600xi32, #tpu.memory_space<vmem>>, vector<16xi32>,
    %swap3A_1041 = vector.shape_cast %swap3A_1040 : vector<16xi32> to vector<16xi32>
    %swap3A_1042 = vector.shape_cast %select_n3A_1038 : vector<16xi32> to vector<16xi32>
    tpu.vector_store %arg5[%swap3A_1039], %swap3A_1042 {strides = array<i32>} : memref<25600xi32, #tpu.memory_space<vmem>>, vector<16xi32>,
    %get3A_1043 = arith.constant 848 : index
    %get3A_1044 = tpu.vector_load %arg5[%get3A_1043] {strides = array<i32>} : memref<25600xi32, #tpu.memory_space<vmem>>, vector<16xi32>,
    %get3A_1045 = vector.shape_cast %get3A_1044 : vector<16xi32> to vector<16xi32>
    %ge3A_1046 = arith.constant 100000 : i32
    %ge3A_1047 = vector.broadcast %ge3A_1046 : i32 to vector<16xi32>
    %ge3A_1048 = arith.cmpi sge, %get3A_1045, %ge3A_1047 : vector<16xi32>
    %jit3A_1049 = arith.constant 0 : i32
    %broadcast_in_dim3A_1050 = vector.broadcast %jit3A_1049 : i32 to vector<16xi32>
    %select_n3A_1051 = arith.select %ge3A_1048, %broadcast_in_dim3A_1050, %get3A_1045 : vector<16xi1>, vector<16xi32>
    %swap3A_1052 = arith.constant 848 : index
    %swap3A_1053 = tpu.vector_load %arg5[%swap3A_1052] {strides = array<i32>} : memref<25600xi32, #tpu.memory_space<vmem>>, vector<16xi32>,
    %swap3A_1054 = vector.shape_cast %swap3A_1053 : vector<16xi32> to vector<16xi32>
    %swap3A_1055 = vector.shape_cast %select_n3A_1051 : vector<16xi32> to vector<16xi32>
    tpu.vector_store %arg5[%swap3A_1052], %swap3A_1055 {strides = array<i32>} : memref<25600xi32, #tpu.memory_space<vmem>>, vector<16xi32>,
    %get3A_1056 = arith.constant 864 : index
    %get3A_1057 = tpu.vector_load %arg5[%get3A_1056] {strides = array<i32>} : memref<25600xi32, #tpu.memory_space<vmem>>, vector<16xi32>,
    %get3A_1058 = vector.shape_cast %get3A_1057 : vector<16xi32> to vector<16xi32>
    %ge3A_1059 = arith.constant 100000 : i32
    %ge3A_1060 = vector.broadcast %ge3A_1059 : i32 to vector<16xi32>
    %ge3A_1061 = arith.cmpi sge, %get3A_1058, %ge3A_1060 : vector<16xi32>
    %jit3A_1062 = arith.constant 0 : i32
    %broadcast_in_dim3A_1063 = vector.broadcast %jit3A_1062 : i32 to vector<16xi32>
    %select_n3A_1064 = arith.select %ge3A_1061, %broadcast_in_dim3A_1063, %get3A_1058 : vector<16xi1>, vector<16xi32>
    %swap3A_1065 = arith.constant 864 : index
    %swap3A_1066 = tpu.vector_load %arg5[%swap3A_1065] {strides = array<i32>} : memref<25600xi32, #tpu.memory_space<vmem>>, vector<16xi32>,
    %swap3A_1067 = vector.shape_cast %swap3A_1066 : vector<16xi32> to vector<16xi32>
    %swap3A_1068 = vector.shape_cast %select_n3A_1064 : vector<16xi32> to vector<16xi32>
    tpu.vector_store %arg5[%swap3A_1065], %swap3A_1068 {strides = array<i32>} : memref<25600xi32, #tpu.memory_space<vmem>>, vector<16xi32>,
    %get3A_1069 = arith.constant 880 : index
    %get3A_1070 = tpu.vector_load %arg5[%get3A_1069] {strides = array<i32>} : memref<25600xi32, #tpu.memory_space<vmem>>, vector<16xi32>,
    %get3A_1071 = vector.shape_cast %get3A_1070 : vector<16xi32> to vector<16xi32>
    %ge3A_1072 = arith.constant 100000 : i32
    %ge3A_1073 = vector.broadcast %ge3A_1072 : i32 to vector<16xi32>
    %ge3A_1074 = arith.cmpi sge, %get3A_1071, %ge3A_1073 : vector<16xi32>
    %jit3A_1075 = arith.constant 0 : i32
    %broadcast_in_dim3A_1076 = vector.broadcast %jit3A_1075 : i32 to vector<16xi32>
    %select_n3A_1077 = arith.select %ge3A_1074, %broadcast_in_dim3A_1076, %get3A_1071 : vector<16xi1>, vector<16xi32>
    %swap3A_1078 = arith.constant 880 : index
    %swap3A_1079 = tpu.vector_load %arg5[%swap3A_1078] {strides = array<i32>} : memref<25600xi32, #tpu.memory_space<vmem>>, vector<16xi32>,
    %swap3A_1080 = vector.shape_cast %swap3A_1079 : vector<16xi32> to vector<16xi32>
    %swap3A_1081 = vector.shape_cast %select_n3A_1077 : vector<16xi32> to vector<16xi32>
    tpu.vector_store %arg5[%swap3A_1078], %swap3A_1081 {strides = array<i32>} : memref<25600xi32, #tpu.memory_space<vmem>>, vector<16xi32>,
    %dma_start3A_1082 = arith.constant 2 : i32
    %dma_start3A_1083 = arith.constant 0 : i32
    %dma_start3A_1084 = arith.constant 0 : i32
    %dma_start3A_1085 = tpu.memref_slice %arg6[%dma_start3A_1082, %dma_start3A_1083, %dma_start3A_1084] : memref<4x128x128xf32, #tpu.memory_space<vmem>> -> memref<1x128x128xf32, #tpu.memory_space<vmem>>
    %dma_start3A_1086 = tpu.memref_squeeze %dma_start3A_1085 : memref<1x128x128xf32, #tpu.memory_space<vmem>> -> memref<128x128xf32, #tpu.memory_space<vmem>>
    %dma_start3A_1087 = arith.constant 768 : i32
    %dma_start3A_1088 = tpu.memref_slice %arg5[%dma_start3A_1087] : memref<25600xi32, #tpu.memory_space<vmem>> -> memref<128xi32, #tpu.memory_space<vmem>>
    %dma_start3A_1089 = arith.constant 0 : i32
    %dma_start3A_1090 = arith.constant 0 : i32
    %dma_start3A_1091 = tpu.memref_slice %arg3[%dma_start3A_1089, %dma_start3A_1090] : memref<100000x128xf32, #tpu.memory_space<hbm>> -> memref<100000x128xf32, #tpu.memory_space<hbm>>
    tpu.enqueue_indirect_dma source(%dma_start3A_1091 : memref<100000x128xf32, #tpu.memory_space<hbm>>) target(%dma_start3A_1086 : memref<128x128xf32, #tpu.memory_space<vmem>>) offsets(%dma_start3A_1088 : memref<128xi32, #tpu.memory_space<vmem>>) semaphore(%arg10 : memref<!tpu.dma_semaphore, #tpu.memory_space<semaphore_mem>>)
    %dma_wait3A_1092 = arith.constant 1 : i32
    %dma_wait3A_1093 = arith.constant 0 : i32
    %dma_wait3A_1094 = arith.constant 0 : i32
    %dma_wait3A_1095 = tpu.memref_slice %arg6[%dma_wait3A_1092, %dma_wait3A_1093, %dma_wait3A_1094] : memref<4x128x128xf32, #tpu.memory_space<vmem>> -> memref<1x128x128xf32, #tpu.memory_space<vmem>>
    %dma_wait3A_1096 = tpu.memref_squeeze %dma_wait3A_1095 : memref<1x128x128xf32, #tpu.memory_space<vmem>> -> memref<128x128xf32, #tpu.memory_space<vmem>>
    %dma_wait3A_1097 = arith.constant 0 : i32
    %dma_wait3A_1098 = tpu.memref_slice %arg5[%dma_wait3A_1097] : memref<25600xi32, #tpu.memory_space<vmem>> -> memref<128xi32, #tpu.memory_space<vmem>>
    %dma_wait3A_1099 = arith.constant 0 : i32
    %dma_wait3A_1100 = arith.constant 0 : i32
    %dma_wait3A_1101 = tpu.memref_slice %arg3[%dma_wait3A_1099, %dma_wait3A_1100] : memref<100000x128xf32, #tpu.memory_space<hbm>> -> memref<100000x128xf32, #tpu.memory_space<hbm>>
    tpu.wait_indirect_dma semaphore(%arg9 : memref<!tpu.dma_semaphore, #tpu.memory_space<semaphore_mem>>) src(%dma_wait3A_1101 : memref<100000x128xf32, #tpu.memory_space<hbm>>) dst(%dma_wait3A_1096 : memref<128x128xf32, #tpu.memory_space<vmem>>)
    %mul3A_1102 = arith.constant 2 : i32
    %mul3A_1103 = arith.muli %arg1, %mul3A_1102 : i32
    %add3A_1104 = arith.constant 1 : i32
    %add3A_1105 = arith.addi %mul3A_1103, %add3A_1104 : i32
    %mul3A_1106 = arith.constant 128 : i32
    %mul3A_1107 = arith.muli %add3A_1105, %mul3A_1106 : i32
    %dma_wait3A_1108 = arith.constant 0 : i32
    %dma_wait3A_1109 = tpu.memref_slice %arg4[%mul3A_2, %dma_wait3A_1108] : memref<819200x128xf32, #tpu.memory_space<hbm>> -> memref<128x128xf32, #tpu.memory_space<hbm>>
    %dma_wait3A_1110 = arith.constant 0 : i32
    %dma_wait3A_1111 = tpu.memref_slice %arg7[%mul3A_1107, %dma_wait3A_1110] : memref<4096x128xf32, #tpu.memory_space<vmem_shared>> -> memref<128x128xf32, #tpu.memory_space<vmem_shared>>
    tpu.wait_dma2 semaphore(%arg14 : memref<!tpu.dma_semaphore, #tpu.memory_space<semaphore_mem>>) src(%dma_wait3A_1111 : memref<128x128xf32, #tpu.memory_space<vmem_shared>>) dst(%dma_wait3A_1109 : memref<128x128xf32, #tpu.memory_space<hbm>>)
    %mul3A_1112 = arith.constant 2 : i32
    %mul3A_1113 = arith.muli %arg1, %mul3A_1112 : i32
    %add3A_1114 = arith.constant 1 : i32
    %add3A_1115 = arith.addi %mul3A_1113, %add3A_1114 : i32
    %mul3A_1116 = arith.constant 128 : i32
    %mul3A_1117 = arith.muli %add3A_1115, %mul3A_1116 : i32
    %dma_start3A_1118 = arith.constant 1 : i32
    %dma_start3A_1119 = arith.constant 0 : i32
    %dma_start3A_1120 = arith.constant 0 : i32
    %dma_start3A_1121 = tpu.memref_slice %arg6[%dma_start3A_1118, %dma_start3A_1119, %dma_start3A_1120] : memref<4x128x128xf32, #tpu.memory_space<vmem>> -> memref<1x128x128xf32, #tpu.memory_space<vmem>>
    %dma_start3A_1122 = tpu.memref_squeeze %dma_start3A_1121 : memref<1x128x128xf32, #tpu.memory_space<vmem>> -> memref<128x128xf32, #tpu.memory_space<vmem>>
    %dma_start3A_1123 = arith.constant 0 : i32
    %dma_start3A_1124 = tpu.memref_slice %arg7[%mul3A_1117, %dma_start3A_1123] : memref<4096x128xf32, #tpu.memory_space<vmem_shared>> -> memref<128x128xf32, #tpu.memory_space<vmem_shared>>
    %dma_start3A_1125 = arith.constant 0 : i32
    %dma_start3A_1126 = tpu.memref_slice %arg7[%mul3A_1117, %dma_start3A_1125] : memref<4096x128xf32, #tpu.memory_space<vmem_shared>> -> memref<128x128xf32, #tpu.memory_space<vmem_shared>>
    %dma_start3A_1127 = arith.constant 0 : i32
    %dma_start3A_1128 = arith.constant 0 : i32
    %dma_start3A_1129 = tpu.memref_slice %arg6[%dma_start3A_1118, %dma_start3A_1127, %dma_start3A_1128] : memref<4x128x128xf32, #tpu.memory_space<vmem>> -> memref<1x128x128xf32, #tpu.memory_space<vmem>>
    %dma_start3A_1130 = tpu.memref_squeeze %dma_start3A_1129 : memref<1x128x128xf32, #tpu.memory_space<vmem>> -> memref<128x128xf32, #tpu.memory_space<vmem>>
    tpu.enqueue_dma source(%dma_start3A_1130 : memref<128x128xf32, #tpu.memory_space<vmem>>) target(%dma_start3A_1126 : memref<128x128xf32, #tpu.memory_space<vmem_shared>>) target_semaphore(%arg13 : memref<!tpu.dma_semaphore, #tpu.memory_space<semaphore_mem>>)
    %mul3A_1131 = arith.constant 2 : i32
    %mul3A_1132 = arith.muli %arg1, %mul3A_1131 : i32
    %add3A_1133 = arith.constant 0 : i32
    %add3A_1134 = arith.addi %mul3A_1132, %add3A_1133 : i32
    %mul3A_1135 = arith.constant 128 : i32
    %mul3A_1136 = arith.muli %add3A_1134, %mul3A_1135 : i32
    %dma_wait3A_1137 = arith.constant 0 : i32
    %dma_wait3A_1138 = arith.constant 0 : i32
    %dma_wait3A_1139 = arith.constant 0 : i32
    %dma_wait3A_1140 = tpu.memref_slice %arg6[%dma_wait3A_1137, %dma_wait3A_1138, %dma_wait3A_1139] : memref<4x128x128xf32, #tpu.memory_space<vmem>> -> memref<1x128x128xf32, #tpu.memory_space<vmem>>
    %dma_wait3A_1141 = tpu.memref_squeeze %dma_wait3A_1140 : memref<1x128x128xf32, #tpu.memory_space<vmem>> -> memref<128x128xf32, #tpu.memory_space<vmem>>
    %dma_wait3A_1142 = arith.constant 0 : i32
    %dma_wait3A_1143 = tpu.memref_slice %arg7[%mul3A_1136, %dma_wait3A_1142] : memref<4096x128xf32, #tpu.memory_space<vmem_shared>> -> memref<128x128xf32, #tpu.memory_space<vmem_shared>>
    %dma_wait3A_1144 = arith.constant 0 : i32
    %dma_wait3A_1145 = tpu.memref_slice %arg7[%mul3A_1136, %dma_wait3A_1144] : memref<4096x128xf32, #tpu.memory_space<vmem_shared>> -> memref<128x128xf32, #tpu.memory_space<vmem_shared>>
    %dma_wait3A_1146 = arith.constant 0 : i32
    %dma_wait3A_1147 = arith.constant 0 : i32
    %dma_wait3A_1148 = tpu.memref_slice %arg6[%dma_wait3A_1137, %dma_wait3A_1146, %dma_wait3A_1147] : memref<4x128x128xf32, #tpu.memory_space<vmem>> -> memref<1x128x128xf32, #tpu.memory_space<vmem>>
    %dma_wait3A_1149 = tpu.memref_squeeze %dma_wait3A_1148 : memref<1x128x128xf32, #tpu.memory_space<vmem>> -> memref<128x128xf32, #tpu.memory_space<vmem>>
    tpu.wait_dma2 semaphore(%arg12 : memref<!tpu.dma_semaphore, #tpu.memory_space<semaphore_mem>>) src(%dma_wait3A_1149 : memref<128x128xf32, #tpu.memory_space<vmem>>) dst(%dma_wait3A_1145 : memref<128x128xf32, #tpu.memory_space<vmem_shared>>)
    %mul3A_1150 = arith.constant 2 : i32
    %mul3A_1151 = arith.muli %arg1, %mul3A_1150 : i32
    %add3A_1152 = arith.constant 0 : i32
    %add3A_1153 = arith.addi %mul3A_1151, %add3A_1152 : i32
    %mul3A_1154 = arith.constant 128 : i32
    %mul3A_1155 = arith.muli %add3A_1153, %mul3A_1154 : i32
    %add3A_1156 = arith.constant 512 : i32
    %add3A_1157 = arith.addi %mul3A_2, %add3A_1156 : i32
    %dma_start3A_1158 = arith.constant 0 : i32
    %dma_start3A_1159 = tpu.memref_slice %arg4[%add3A_1157, %dma_start3A_1158] : memref<819200x128xf32, #tpu.memory_space<hbm>> -> memref<128x128xf32, #tpu.memory_space<hbm>>
    %dma_start3A_1160 = arith.constant 0 : i32
    %dma_start3A_1161 = tpu.memref_slice %arg7[%mul3A_1155, %dma_start3A_1160] : memref<4096x128xf32, #tpu.memory_space<vmem_shared>> -> memref<128x128xf32, #tpu.memory_space<vmem_shared>>
    tpu.enqueue_dma source(%dma_start3A_1161 : memref<128x128xf32, #tpu.memory_space<vmem_shared>>) target(%dma_start3A_1159 : memref<128x128xf32, #tpu.memory_space<hbm>>) target_semaphore(%arg14 : memref<!tpu.dma_semaphore, #tpu.memory_space<semaphore_mem>>)
    %get3A_1162 = arith.constant 896 : index
    %get3A_1163 = tpu.vector_load %arg5[%get3A_1162] {strides = array<i32>} : memref<25600xi32, #tpu.memory_space<vmem>>, vector<16xi32>,
    %get3A_1164 = vector.shape_cast %get3A_1163 : vector<16xi32> to vector<16xi32>
    %ge3A_1165 = arith.constant 100000 : i32
    %ge3A_1166 = vector.broadcast %ge3A_1165 : i32 to vector<16xi32>
    %ge3A_1167 = arith.cmpi sge, %get3A_1164, %ge3A_1166 : vector<16xi32>
    %jit3A_1168 = arith.constant 0 : i32
    %broadcast_in_dim3A_1169 = vector.broadcast %jit3A_1168 : i32 to vector<16xi32>
    %select_n3A_1170 = arith.select %ge3A_1167, %broadcast_in_dim3A_1169, %get3A_1164 : vector<16xi1>, vector<16xi32>
    %swap3A_1171 = arith.constant 896 : index
    %swap3A_1172 = tpu.vector_load %arg5[%swap3A_1171] {strides = array<i32>} : memref<25600xi32, #tpu.memory_space<vmem>>, vector<16xi32>,
    %swap3A_1173 = vector.shape_cast %swap3A_1172 : vector<16xi32> to vector<16xi32>
    %swap3A_1174 = vector.shape_cast %select_n3A_1170 : vector<16xi32> to vector<16xi32>
    tpu.vector_store %arg5[%swap3A_1171], %swap3A_1174 {strides = array<i32>} : memref<25600xi32, #tpu.memory_space<vmem>>, vector<16xi32>,
    %get3A_1175 = arith.constant 912 : index
    %get3A_1176 = tpu.vector_load %arg5[%get3A_1175] {strides = array<i32>} : memref<25600xi32, #tpu.memory_space<vmem>>, vector<16xi32>,
    %get3A_1177 = vector.shape_cast %get3A_1176 : vector<16xi32> to vector<16xi32>
    %ge3A_1178 = arith.constant 100000 : i32
    %ge3A_1179 = vector.broadcast %ge3A_1178 : i32 to vector<16xi32>
    %ge3A_1180 = arith.cmpi sge, %get3A_1177, %ge3A_1179 : vector<16xi32>
    %jit3A_1181 = arith.constant 0 : i32
    %broadcast_in_dim3A_1182 = vector.broadcast %jit3A_1181 : i32 to vector<16xi32>
    %select_n3A_1183 = arith.select %ge3A_1180, %broadcast_in_dim3A_1182, %get3A_1177 : vector<16xi1>, vector<16xi32>
    %swap3A_1184 = arith.constant 912 : index
    %swap3A_1185 = tpu.vector_load %arg5[%swap3A_1184] {strides = array<i32>} : memref<25600xi32, #tpu.memory_space<vmem>>, vector<16xi32>,
    %swap3A_1186 = vector.shape_cast %swap3A_1185 : vector<16xi32> to vector<16xi32>
    %swap3A_1187 = vector.shape_cast %select_n3A_1183 : vector<16xi32> to vector<16xi32>
    tpu.vector_store %arg5[%swap3A_1184], %swap3A_1187 {strides = array<i32>} : memref<25600xi32, #tpu.memory_space<vmem>>, vector<16xi32>,
    %get3A_1188 = arith.constant 928 : index
    %get3A_1189 = tpu.vector_load %arg5[%get3A_1188] {strides = array<i32>} : memref<25600xi32, #tpu.memory_space<vmem>>, vector<16xi32>,
    %get3A_1190 = vector.shape_cast %get3A_1189 : vector<16xi32> to vector<16xi32>
    %ge3A_1191 = arith.constant 100000 : i32
    %ge3A_1192 = vector.broadcast %ge3A_1191 : i32 to vector<16xi32>
    %ge3A_1193 = arith.cmpi sge, %get3A_1190, %ge3A_1192 : vector<16xi32>
    %jit3A_1194 = arith.constant 0 : i32
    %broadcast_in_dim3A_1195 = vector.broadcast %jit3A_1194 : i32 to vector<16xi32>
    %select_n3A_1196 = arith.select %ge3A_1193, %broadcast_in_dim3A_1195, %get3A_1190 : vector<16xi1>, vector<16xi32>
    %swap3A_1197 = arith.constant 928 : index
    %swap3A_1198 = tpu.vector_load %arg5[%swap3A_1197] {strides = array<i32>} : memref<25600xi32, #tpu.memory_space<vmem>>, vector<16xi32>,
    %swap3A_1199 = vector.shape_cast %swap3A_1198 : vector<16xi32> to vector<16xi32>
    %swap3A_1200 = vector.shape_cast %select_n3A_1196 : vector<16xi32> to vector<16xi32>
    tpu.vector_store %arg5[%swap3A_1197], %swap3A_1200 {strides = array<i32>} : memref<25600xi32, #tpu.memory_space<vmem>>, vector<16xi32>,
    %get3A_1201 = arith.constant 944 : index
    %get3A_1202 = tpu.vector_load %arg5[%get3A_1201] {strides = array<i32>} : memref<25600xi32, #tpu.memory_space<vmem>>, vector<16xi32>,
    %get3A_1203 = vector.shape_cast %get3A_1202 : vector<16xi32> to vector<16xi32>
    %ge3A_1204 = arith.constant 100000 : i32
    %ge3A_1205 = vector.broadcast %ge3A_1204 : i32 to vector<16xi32>
    %ge3A_1206 = arith.cmpi sge, %get3A_1203, %ge3A_1205 : vector<16xi32>
    %jit3A_1207 = arith.constant 0 : i32
    %broadcast_in_dim3A_1208 = vector.broadcast %jit3A_1207 : i32 to vector<16xi32>
    %select_n3A_1209 = arith.select %ge3A_1206, %broadcast_in_dim3A_1208, %get3A_1203 : vector<16xi1>, vector<16xi32>
    %swap3A_1210 = arith.constant 944 : index
    %swap3A_1211 = tpu.vector_load %arg5[%swap3A_1210] {strides = array<i32>} : memref<25600xi32, #tpu.memory_space<vmem>>, vector<16xi32>,
    %swap3A_1212 = vector.shape_cast %swap3A_1211 : vector<16xi32> to vector<16xi32>
    %swap3A_1213 = vector.shape_cast %select_n3A_1209 : vector<16xi32> to vector<16xi32>
    tpu.vector_store %arg5[%swap3A_1210], %swap3A_1213 {strides = array<i32>} : memref<25600xi32, #tpu.memory_space<vmem>>, vector<16xi32>,
    %get3A_1214 = arith.constant 960 : index
    %get3A_1215 = tpu.vector_load %arg5[%get3A_1214] {strides = array<i32>} : memref<25600xi32, #tpu.memory_space<vmem>>, vector<16xi32>,
    %get3A_1216 = vector.shape_cast %get3A_1215 : vector<16xi32> to vector<16xi32>
    %ge3A_1217 = arith.constant 100000 : i32
    %ge3A_1218 = vector.broadcast %ge3A_1217 : i32 to vector<16xi32>
    %ge3A_1219 = arith.cmpi sge, %get3A_1216, %ge3A_1218 : vector<16xi32>
    %jit3A_1220 = arith.constant 0 : i32
    %broadcast_in_dim3A_1221 = vector.broadcast %jit3A_1220 : i32 to vector<16xi32>
    %select_n3A_1222 = arith.select %ge3A_1219, %broadcast_in_dim3A_1221, %get3A_1216 : vector<16xi1>, vector<16xi32>
    %swap3A_1223 = arith.constant 960 : index
    %swap3A_1224 = tpu.vector_load %arg5[%swap3A_1223] {strides = array<i32>} : memref<25600xi32, #tpu.memory_space<vmem>>, vector<16xi32>,
    %swap3A_1225 = vector.shape_cast %swap3A_1224 : vector<16xi32> to vector<16xi32>
    %swap3A_1226 = vector.shape_cast %select_n3A_1222 : vector<16xi32> to vector<16xi32>
    tpu.vector_store %arg5[%swap3A_1223], %swap3A_1226 {strides = array<i32>} : memref<25600xi32, #tpu.memory_space<vmem>>, vector<16xi32>,
    %get3A_1227 = arith.constant 976 : index
    %get3A_1228 = tpu.vector_load %arg5[%get3A_1227] {strides = array<i32>} : memref<25600xi32, #tpu.memory_space<vmem>>, vector<16xi32>,
    %get3A_1229 = vector.shape_cast %get3A_1228 : vector<16xi32> to vector<16xi32>
    %ge3A_1230 = arith.constant 100000 : i32
    %ge3A_1231 = vector.broadcast %ge3A_1230 : i32 to vector<16xi32>
    %ge3A_1232 = arith.cmpi sge, %get3A_1229, %ge3A_1231 : vector<16xi32>
    %jit3A_1233 = arith.constant 0 : i32
    %broadcast_in_dim3A_1234 = vector.broadcast %jit3A_1233 : i32 to vector<16xi32>
    %select_n3A_1235 = arith.select %ge3A_1232, %broadcast_in_dim3A_1234, %get3A_1229 : vector<16xi1>, vector<16xi32>
    %swap3A_1236 = arith.constant 976 : index
    %swap3A_1237 = tpu.vector_load %arg5[%swap3A_1236] {strides = array<i32>} : memref<25600xi32, #tpu.memory_space<vmem>>, vector<16xi32>,
    %swap3A_1238 = vector.shape_cast %swap3A_1237 : vector<16xi32> to vector<16xi32>
    %swap3A_1239 = vector.shape_cast %select_n3A_1235 : vector<16xi32> to vector<16xi32>
    tpu.vector_store %arg5[%swap3A_1236], %swap3A_1239 {strides = array<i32>} : memref<25600xi32, #tpu.memory_space<vmem>>, vector<16xi32>,
    %get3A_1240 = arith.constant 992 : index
    %get3A_1241 = tpu.vector_load %arg5[%get3A_1240] {strides = array<i32>} : memref<25600xi32, #tpu.memory_space<vmem>>, vector<16xi32>,
    %get3A_1242 = vector.shape_cast %get3A_1241 : vector<16xi32> to vector<16xi32>
    %ge3A_1243 = arith.constant 100000 : i32
    %ge3A_1244 = vector.broadcast %ge3A_1243 : i32 to vector<16xi32>
    %ge3A_1245 = arith.cmpi sge, %get3A_1242, %ge3A_1244 : vector<16xi32>
    %jit3A_1246 = arith.constant 0 : i32
    %broadcast_in_dim3A_1247 = vector.broadcast %jit3A_1246 : i32 to vector<16xi32>
    %select_n3A_1248 = arith.select %ge3A_1245, %broadcast_in_dim3A_1247, %get3A_1242 : vector<16xi1>, vector<16xi32>
    %swap3A_1249 = arith.constant 992 : index
    %swap3A_1250 = tpu.vector_load %arg5[%swap3A_1249] {strides = array<i32>} : memref<25600xi32, #tpu.memory_space<vmem>>, vector<16xi32>,
    %swap3A_1251 = vector.shape_cast %swap3A_1250 : vector<16xi32> to vector<16xi32>
    %swap3A_1252 = vector.shape_cast %select_n3A_1248 : vector<16xi32> to vector<16xi32>
    tpu.vector_store %arg5[%swap3A_1249], %swap3A_1252 {strides = array<i32>} : memref<25600xi32, #tpu.memory_space<vmem>>, vector<16xi32>,
    %get3A_1253 = arith.constant 1008 : index
    %get3A_1254 = tpu.vector_load %arg5[%get3A_1253] {strides = array<i32>} : memref<25600xi32, #tpu.memory_space<vmem>>, vector<16xi32>,
    %get3A_1255 = vector.shape_cast %get3A_1254 : vector<16xi32> to vector<16xi32>
    %ge3A_1256 = arith.constant 100000 : i32
    %ge3A_1257 = vector.broadcast %ge3A_1256 : i32 to vector<16xi32>
    %ge3A_1258 = arith.cmpi sge, %get3A_1255, %ge3A_1257 : vector<16xi32>
    %jit3A_1259 = arith.constant 0 : i32
    %broadcast_in_dim3A_1260 = vector.broadcast %jit3A_1259 : i32 to vector<16xi32>
    %select_n3A_1261 = arith.select %ge3A_1258, %broadcast_in_dim3A_1260, %get3A_1255 : vector<16xi1>, vector<16xi32>
    %swap3A_1262 = arith.constant 1008 : index
    %swap3A_1263 = tpu.vector_load %arg5[%swap3A_1262] {strides = array<i32>} : memref<25600xi32, #tpu.memory_space<vmem>>, vector<16xi32>,
    %swap3A_1264 = vector.shape_cast %swap3A_1263 : vector<16xi32> to vector<16xi32>
    %swap3A_1265 = vector.shape_cast %select_n3A_1261 : vector<16xi32> to vector<16xi32>
    tpu.vector_store %arg5[%swap3A_1262], %swap3A_1265 {strides = array<i32>} : memref<25600xi32, #tpu.memory_space<vmem>>, vector<16xi32>,
    %dma_start3A_1266 = arith.constant 3 : i32
    %dma_start3A_1267 = arith.constant 0 : i32
    %dma_start3A_1268 = arith.constant 0 : i32
    %dma_start3A_1269 = tpu.memref_slice %arg6[%dma_start3A_1266, %dma_start3A_1267, %dma_start3A_1268] : memref<4x128x128xf32, #tpu.memory_space<vmem>> -> memref<1x128x128xf32, #tpu.memory_space<vmem>>
    %dma_start3A_1270 = tpu.memref_squeeze %dma_start3A_1269 : memref<1x128x128xf32, #tpu.memory_space<vmem>> -> memref<128x128xf32, #tpu.memory_space<vmem>>
    %dma_start3A_1271 = arith.constant 896 : i32
    %dma_start3A_1272 = tpu.memref_slice %arg5[%dma_start3A_1271] : memref<25600xi32, #tpu.memory_space<vmem>> -> memref<128xi32, #tpu.memory_space<vmem>>
    %dma_start3A_1273 = arith.constant 0 : i32
    %dma_start3A_1274 = arith.constant 0 : i32
    %dma_start3A_1275 = tpu.memref_slice %arg3[%dma_start3A_1273, %dma_start3A_1274] : memref<100000x128xf32, #tpu.memory_space<hbm>> -> memref<100000x128xf32, #tpu.memory_space<hbm>>
    tpu.enqueue_indirect_dma source(%dma_start3A_1275 : memref<100000x128xf32, #tpu.memory_space<hbm>>) target(%dma_start3A_1270 : memref<128x128xf32, #tpu.memory_space<vmem>>) offsets(%dma_start3A_1272 : memref<128xi32, #tpu.memory_space<vmem>>) semaphore(%arg11 : memref<!tpu.dma_semaphore, #tpu.memory_space<semaphore_mem>>)
    %dma_wait3A_1276 = arith.constant 2 : i32
    %dma_wait3A_1277 = arith.constant 0 : i32
    %dma_wait3A_1278 = arith.constant 0 : i32
    %dma_wait3A_1279 = tpu.memref_slice %arg6[%dma_wait3A_1276, %dma_wait3A_1277, %dma_wait3A_1278] : memref<4x128x128xf32, #tpu.memory_space<vmem>> -> memref<1x128x128xf32, #tpu.memory_space<vmem>>
    %dma_wait3A_1280 = tpu.memref_squeeze %dma_wait3A_1279 : memref<1x128x128xf32, #tpu.memory_space<vmem>> -> memref<128x128xf32, #tpu.memory_space<vmem>>
    %dma_wait3A_1281 = arith.constant 0 : i32
    %dma_wait3A_1282 = tpu.memref_slice %arg5[%dma_wait3A_1281] : memref<25600xi32, #tpu.memory_space<vmem>> -> memref<128xi32, #tpu.memory_space<vmem>>
    %dma_wait3A_1283 = arith.constant 0 : i32
    %dma_wait3A_1284 = arith.constant 0 : i32
    %dma_wait3A_1285 = tpu.memref_slice %arg3[%dma_wait3A_1283, %dma_wait3A_1284] : memref<100000x128xf32, #tpu.memory_space<hbm>> -> memref<100000x128xf32, #tpu.memory_space<hbm>>
    tpu.wait_indirect_dma semaphore(%arg10 : memref<!tpu.dma_semaphore, #tpu.memory_space<semaphore_mem>>) src(%dma_wait3A_1285 : memref<100000x128xf32, #tpu.memory_space<hbm>>) dst(%dma_wait3A_1280 : memref<128x128xf32, #tpu.memory_space<vmem>>)
    %mul3A_1286 = arith.constant 2 : i32
    %mul3A_1287 = arith.muli %arg1, %mul3A_1286 : i32
    %add3A_1288 = arith.constant 0 : i32
    %add3A_1289 = arith.addi %mul3A_1287, %add3A_1288 : i32
    %mul3A_1290 = arith.constant 128 : i32
    %mul3A_1291 = arith.muli %add3A_1289, %mul3A_1290 : i32
    %dma_wait3A_1292 = arith.constant 0 : i32
    %dma_wait3A_1293 = tpu.memref_slice %arg4[%mul3A_2, %dma_wait3A_1292] : memref<819200x128xf32, #tpu.memory_space<hbm>> -> memref<128x128xf32, #tpu.memory_space<hbm>>
    %dma_wait3A_1294 = arith.constant 0 : i32
    %dma_wait3A_1295 = tpu.memref_slice %arg7[%mul3A_1291, %dma_wait3A_1294] : memref<4096x128xf32, #tpu.memory_space<vmem_shared>> -> memref<128x128xf32, #tpu.memory_space<vmem_shared>>
    tpu.wait_dma2 semaphore(%arg14 : memref<!tpu.dma_semaphore, #tpu.memory_space<semaphore_mem>>) src(%dma_wait3A_1295 : memref<128x128xf32, #tpu.memory_space<vmem_shared>>) dst(%dma_wait3A_1293 : memref<128x128xf32, #tpu.memory_space<hbm>>)
    %mul3A_1296 = arith.constant 2 : i32
    %mul3A_1297 = arith.muli %arg1, %mul3A_1296 : i32
    %add3A_1298 = arith.constant 0 : i32
    %add3A_1299 = arith.addi %mul3A_1297, %add3A_1298 : i32
    %mul3A_1300 = arith.constant 128 : i32
    %mul3A_1301 = arith.muli %add3A_1299, %mul3A_1300 : i32
    %dma_start3A_1302 = arith.constant 2 : i32
    %dma_start3A_1303 = arith.constant 0 : i32
    %dma_start3A_1304 = arith.constant 0 : i32
    %dma_start3A_1305 = tpu.memref_slice %arg6[%dma_start3A_1302, %dma_start3A_1303, %dma_start3A_1304] : memref<4x128x128xf32, #tpu.memory_space<vmem>> -> memref<1x128x128xf32, #tpu.memory_space<vmem>>
    %dma_start3A_1306 = tpu.memref_squeeze %dma_start3A_1305 : memref<1x128x128xf32, #tpu.memory_space<vmem>> -> memref<128x128xf32, #tpu.memory_space<vmem>>
    %dma_start3A_1307 = arith.constant 0 : i32
    %dma_start3A_1308 = tpu.memref_slice %arg7[%mul3A_1301, %dma_start3A_1307] : memref<4096x128xf32, #tpu.memory_space<vmem_shared>> -> memref<128x128xf32, #tpu.memory_space<vmem_shared>>
    %dma_start3A_1309 = arith.constant 0 : i32
    %dma_start3A_1310 = tpu.memref_slice %arg7[%mul3A_1301, %dma_start3A_1309] : memref<4096x128xf32, #tpu.memory_space<vmem_shared>> -> memref<128x128xf32, #tpu.memory_space<vmem_shared>>
    %dma_start3A_1311 = arith.constant 0 : i32
    %dma_start3A_1312 = arith.constant 0 : i32
    %dma_start3A_1313 = tpu.memref_slice %arg6[%dma_start3A_1302, %dma_start3A_1311, %dma_start3A_1312] : memref<4x128x128xf32, #tpu.memory_space<vmem>> -> memref<1x128x128xf32, #tpu.memory_space<vmem>>
    %dma_start3A_1314 = tpu.memref_squeeze %dma_start3A_1313 : memref<1x128x128xf32, #tpu.memory_space<vmem>> -> memref<128x128xf32, #tpu.memory_space<vmem>>
    tpu.enqueue_dma source(%dma_start3A_1314 : memref<128x128xf32, #tpu.memory_space<vmem>>) target(%dma_start3A_1310 : memref<128x128xf32, #tpu.memory_space<vmem_shared>>) target_semaphore(%arg12 : memref<!tpu.dma_semaphore, #tpu.memory_space<semaphore_mem>>)
    %mul3A_1315 = arith.constant 2 : i32
    %mul3A_1316 = arith.muli %arg1, %mul3A_1315 : i32
    %add3A_1317 = arith.constant 1 : i32
    %add3A_1318 = arith.addi %mul3A_1316, %add3A_1317 : i32
    %mul3A_1319 = arith.constant 128 : i32
    %mul3A_1320 = arith.muli %add3A_1318, %mul3A_1319 : i32
    %dma_wait3A_1321 = arith.constant 1 : i32
    %dma_wait3A_1322 = arith.constant 0 : i32
    %dma_wait3A_1323 = arith.constant 0 : i32
    %dma_wait3A_1324 = tpu.memref_slice %arg6[%dma_wait3A_1321, %dma_wait3A_1322, %dma_wait3A_1323] : memref<4x128x128xf32, #tpu.memory_space<vmem>> -> memref<1x128x128xf32, #tpu.memory_space<vmem>>
    %dma_wait3A_1325 = tpu.memref_squeeze %dma_wait3A_1324 : memref<1x128x128xf32, #tpu.memory_space<vmem>> -> memref<128x128xf32, #tpu.memory_space<vmem>>
    %dma_wait3A_1326 = arith.constant 0 : i32
    %dma_wait3A_1327 = tpu.memref_slice %arg7[%mul3A_1320, %dma_wait3A_1326] : memref<4096x128xf32, #tpu.memory_space<vmem_shared>> -> memref<128x128xf32, #tpu.memory_space<vmem_shared>>
    %dma_wait3A_1328 = arith.constant 0 : i32
    %dma_wait3A_1329 = tpu.memref_slice %arg7[%mul3A_1320, %dma_wait3A_1328] : memref<4096x128xf32, #tpu.memory_space<vmem_shared>> -> memref<128x128xf32, #tpu.memory_space<vmem_shared>>
    %dma_wait3A_1330 = arith.constant 0 : i32
    %dma_wait3A_1331 = arith.constant 0 : i32
    %dma_wait3A_1332 = tpu.memref_slice %arg6[%dma_wait3A_1321, %dma_wait3A_1330, %dma_wait3A_1331] : memref<4x128x128xf32, #tpu.memory_space<vmem>> -> memref<1x128x128xf32, #tpu.memory_space<vmem>>
    %dma_wait3A_1333 = tpu.memref_squeeze %dma_wait3A_1332 : memref<1x128x128xf32, #tpu.memory_space<vmem>> -> memref<128x128xf32, #tpu.memory_space<vmem>>
    tpu.wait_dma2 semaphore(%arg13 : memref<!tpu.dma_semaphore, #tpu.memory_space<semaphore_mem>>) src(%dma_wait3A_1333 : memref<128x128xf32, #tpu.memory_space<vmem>>) dst(%dma_wait3A_1329 : memref<128x128xf32, #tpu.memory_space<vmem_shared>>)
    %mul3A_1334 = arith.constant 2 : i32
    %mul3A_1335 = arith.muli %arg1, %mul3A_1334 : i32
    %add3A_1336 = arith.constant 1 : i32
    %add3A_1337 = arith.addi %mul3A_1335, %add3A_1336 : i32
    %mul3A_1338 = arith.constant 128 : i32
    %mul3A_1339 = arith.muli %add3A_1337, %mul3A_1338 : i32
    %add3A_1340 = arith.constant 640 : i32
    %add3A_1341 = arith.addi %mul3A_2, %add3A_1340 : i32
    %dma_start3A_1342 = arith.constant 0 : i32
    %dma_start3A_1343 = tpu.memref_slice %arg4[%add3A_1341, %dma_start3A_1342] : memref<819200x128xf32, #tpu.memory_space<hbm>> -> memref<128x128xf32, #tpu.memory_space<hbm>>
    %dma_start3A_1344 = arith.constant 0 : i32
    %dma_start3A_1345 = tpu.memref_slice %arg7[%mul3A_1339, %dma_start3A_1344] : memref<4096x128xf32, #tpu.memory_space<vmem_shared>> -> memref<128x128xf32, #tpu.memory_space<vmem_shared>>
    tpu.enqueue_dma source(%dma_start3A_1345 : memref<128x128xf32, #tpu.memory_space<vmem_shared>>) target(%dma_start3A_1343 : memref<128x128xf32, #tpu.memory_space<hbm>>) target_semaphore(%arg14 : memref<!tpu.dma_semaphore, #tpu.memory_space<semaphore_mem>>)
    %get3A_1346 = arith.constant 1024 : index
    %get3A_1347 = tpu.vector_load %arg5[%get3A_1346] {strides = array<i32>} : memref<25600xi32, #tpu.memory_space<vmem>>, vector<16xi32>,
    %get3A_1348 = vector.shape_cast %get3A_1347 : vector<16xi32> to vector<16xi32>
    %ge3A_1349 = arith.constant 100000 : i32
    %ge3A_1350 = vector.broadcast %ge3A_1349 : i32 to vector<16xi32>
    %ge3A_1351 = arith.cmpi sge, %get3A_1348, %ge3A_1350 : vector<16xi32>
    %jit3A_1352 = arith.constant 0 : i32
    %broadcast_in_dim3A_1353 = vector.broadcast %jit3A_1352 : i32 to vector<16xi32>
    %select_n3A_1354 = arith.select %ge3A_1351, %broadcast_in_dim3A_1353, %get3A_1348 : vector<16xi1>, vector<16xi32>
    %swap3A_1355 = arith.constant 1024 : index
    %swap3A_1356 = tpu.vector_load %arg5[%swap3A_1355] {strides = array<i32>} : memref<25600xi32, #tpu.memory_space<vmem>>, vector<16xi32>,
    %swap3A_1357 = vector.shape_cast %swap3A_1356 : vector<16xi32> to vector<16xi32>
    %swap3A_1358 = vector.shape_cast %select_n3A_1354 : vector<16xi32> to vector<16xi32>
    tpu.vector_store %arg5[%swap3A_1355], %swap3A_1358 {strides = array<i32>} : memref<25600xi32, #tpu.memory_space<vmem>>, vector<16xi32>,
    %get3A_1359 = arith.constant 1040 : index
    %get3A_1360 = tpu.vector_load %arg5[%get3A_1359] {strides = array<i32>} : memref<25600xi32, #tpu.memory_space<vmem>>, vector<16xi32>,
    %get3A_1361 = vector.shape_cast %get3A_1360 : vector<16xi32> to vector<16xi32>
    %ge3A_1362 = arith.constant 100000 : i32
    %ge3A_1363 = vector.broadcast %ge3A_1362 : i32 to vector<16xi32>
    %ge3A_1364 = arith.cmpi sge, %get3A_1361, %ge3A_1363 : vector<16xi32>
    %jit3A_1365 = arith.constant 0 : i32
    %broadcast_in_dim3A_1366 = vector.broadcast %jit3A_1365 : i32 to vector<16xi32>
    %select_n3A_1367 = arith.select %ge3A_1364, %broadcast_in_dim3A_1366, %get3A_1361 : vector<16xi1>, vector<16xi32>
    %swap3A_1368 = arith.constant 1040 : index
    %swap3A_1369 = tpu.vector_load %arg5[%swap3A_1368] {strides = array<i32>} : memref<25600xi32, #tpu.memory_space<vmem>>, vector<16xi32>,
    %swap3A_1370 = vector.shape_cast %swap3A_1369 : vector<16xi32> to vector<16xi32>
    %swap3A_1371 = vector.shape_cast %select_n3A_1367 : vector<16xi32> to vector<16xi32>
    tpu.vector_store %arg5[%swap3A_1368], %swap3A_1371 {strides = array<i32>} : memref<25600xi32, #tpu.memory_space<vmem>>, vector<16xi32>,
    %get3A_1372 = arith.constant 1056 : index
    %get3A_1373 = tpu.vector_load %arg5[%get3A_1372] {strides = array<i32>} : memref<25600xi32, #tpu.memory_space<vmem>>, vector<16xi32>,
    %get3A_1374 = vector.shape_cast %get3A_1373 : vector<16xi32> to vector<16xi32>
    %ge3A_1375 = arith.constant 100000 : i32
    %ge3A_1376 = vector.broadcast %ge3A_1375 : i32 to vector<16xi32>
    %ge3A_1377 = arith.cmpi sge, %get3A_1374, %ge3A_1376 : vector<16xi32>
    %jit3A_1378 = arith.constant 0 : i32
    %broadcast_in_dim3A_1379 = vector.broadcast %jit3A_1378 : i32 to vector<16xi32>
    %select_n3A_1380 = arith.select %ge3A_1377, %broadcast_in_dim3A_1379, %get3A_1374 : vector<16xi1>, vector<16xi32>
    %swap3A_1381 = arith.constant 1056 : index
    %swap3A_1382 = tpu.vector_load %arg5[%swap3A_1381] {strides = array<i32>} : memref<25600xi32, #tpu.memory_space<vmem>>, vector<16xi32>,
    %swap3A_1383 = vector.shape_cast %swap3A_1382 : vector<16xi32> to vector<16xi32>
    %swap3A_1384 = vector.shape_cast %select_n3A_1380 : vector<16xi32> to vector<16xi32>
    tpu.vector_store %arg5[%swap3A_1381], %swap3A_1384 {strides = array<i32>} : memref<25600xi32, #tpu.memory_space<vmem>>, vector<16xi32>,
    %get3A_1385 = arith.constant 1072 : index
    %get3A_1386 = tpu.vector_load %arg5[%get3A_1385] {strides = array<i32>} : memref<25600xi32, #tpu.memory_space<vmem>>, vector<16xi32>,
    %get3A_1387 = vector.shape_cast %get3A_1386 : vector<16xi32> to vector<16xi32>
    %ge3A_1388 = arith.constant 100000 : i32
    %ge3A_1389 = vector.broadcast %ge3A_1388 : i32 to vector<16xi32>
    %ge3A_1390 = arith.cmpi sge, %get3A_1387, %ge3A_1389 : vector<16xi32>
    %jit3A_1391 = arith.constant 0 : i32
    %broadcast_in_dim3A_1392 = vector.broadcast %jit3A_1391 : i32 to vector<16xi32>
    %select_n3A_1393 = arith.select %ge3A_1390, %broadcast_in_dim3A_1392, %get3A_1387 : vector<16xi1>, vector<16xi32>
    %swap3A_1394 = arith.constant 1072 : index
    %swap3A_1395 = tpu.vector_load %arg5[%swap3A_1394] {strides = array<i32>} : memref<25600xi32, #tpu.memory_space<vmem>>, vector<16xi32>,
    %swap3A_1396 = vector.shape_cast %swap3A_1395 : vector<16xi32> to vector<16xi32>
    %swap3A_1397 = vector.shape_cast %select_n3A_1393 : vector<16xi32> to vector<16xi32>
    tpu.vector_store %arg5[%swap3A_1394], %swap3A_1397 {strides = array<i32>} : memref<25600xi32, #tpu.memory_space<vmem>>, vector<16xi32>,
    %get3A_1398 = arith.constant 1088 : index
    %get3A_1399 = tpu.vector_load %arg5[%get3A_1398] {strides = array<i32>} : memref<25600xi32, #tpu.memory_space<vmem>>, vector<16xi32>,
    %get3A_1400 = vector.shape_cast %get3A_1399 : vector<16xi32> to vector<16xi32>
    %ge3A_1401 = arith.constant 100000 : i32
    %ge3A_1402 = vector.broadcast %ge3A_1401 : i32 to vector<16xi32>
    %ge3A_1403 = arith.cmpi sge, %get3A_1400, %ge3A_1402 : vector<16xi32>
    %jit3A_1404 = arith.constant 0 : i32
    %broadcast_in_dim3A_1405 = vector.broadcast %jit3A_1404 : i32 to vector<16xi32>
    %select_n3A_1406 = arith.select %ge3A_1403, %broadcast_in_dim3A_1405, %get3A_1400 : vector<16xi1>, vector<16xi32>
    %swap3A_1407 = arith.constant 1088 : index
    %swap3A_1408 = tpu.vector_load %arg5[%swap3A_1407] {strides = array<i32>} : memref<25600xi32, #tpu.memory_space<vmem>>, vector<16xi32>,
    %swap3A_1409 = vector.shape_cast %swap3A_1408 : vector<16xi32> to vector<16xi32>
    %swap3A_1410 = vector.shape_cast %select_n3A_1406 : vector<16xi32> to vector<16xi32>
    tpu.vector_store %arg5[%swap3A_1407], %swap3A_1410 {strides = array<i32>} : memref<25600xi32, #tpu.memory_space<vmem>>, vector<16xi32>,
    %get3A_1411 = arith.constant 1104 : index
    %get3A_1412 = tpu.vector_load %arg5[%get3A_1411] {strides = array<i32>} : memref<25600xi32, #tpu.memory_space<vmem>>, vector<16xi32>,
    %get3A_1413 = vector.shape_cast %get3A_1412 : vector<16xi32> to vector<16xi32>
    %ge3A_1414 = arith.constant 100000 : i32
    %ge3A_1415 = vector.broadcast %ge3A_1414 : i32 to vector<16xi32>
    %ge3A_1416 = arith.cmpi sge, %get3A_1413, %ge3A_1415 : vector<16xi32>
    %jit3A_1417 = arith.constant 0 : i32
    %broadcast_in_dim3A_1418 = vector.broadcast %jit3A_1417 : i32 to vector<16xi32>
    %select_n3A_1419 = arith.select %ge3A_1416, %broadcast_in_dim3A_1418, %get3A_1413 : vector<16xi1>, vector<16xi32>
    %swap3A_1420 = arith.constant 1104 : index
    %swap3A_1421 = tpu.vector_load %arg5[%swap3A_1420] {strides = array<i32>} : memref<25600xi32, #tpu.memory_space<vmem>>, vector<16xi32>,
    %swap3A_1422 = vector.shape_cast %swap3A_1421 : vector<16xi32> to vector<16xi32>
    %swap3A_1423 = vector.shape_cast %select_n3A_1419 : vector<16xi32> to vector<16xi32>
    tpu.vector_store %arg5[%swap3A_1420], %swap3A_1423 {strides = array<i32>} : memref<25600xi32, #tpu.memory_space<vmem>>, vector<16xi32>,
    %get3A_1424 = arith.constant 1120 : index
    %get3A_1425 = tpu.vector_load %arg5[%get3A_1424] {strides = array<i32>} : memref<25600xi32, #tpu.memory_space<vmem>>, vector<16xi32>,
    %get3A_1426 = vector.shape_cast %get3A_1425 : vector<16xi32> to vector<16xi32>
    %ge3A_1427 = arith.constant 100000 : i32
    %ge3A_1428 = vector.broadcast %ge3A_1427 : i32 to vector<16xi32>
    %ge3A_1429 = arith.cmpi sge, %get3A_1426, %ge3A_1428 : vector<16xi32>
    %jit3A_1430 = arith.constant 0 : i32
    %broadcast_in_dim3A_1431 = vector.broadcast %jit3A_1430 : i32 to vector<16xi32>
    %select_n3A_1432 = arith.select %ge3A_1429, %broadcast_in_dim3A_1431, %get3A_1426 : vector<16xi1>, vector<16xi32>
    %swap3A_1433 = arith.constant 1120 : index
    %swap3A_1434 = tpu.vector_load %arg5[%swap3A_1433] {strides = array<i32>} : memref<25600xi32, #tpu.memory_space<vmem>>, vector<16xi32>,
    %swap3A_1435 = vector.shape_cast %swap3A_1434 : vector<16xi32> to vector<16xi32>
    %swap3A_1436 = vector.shape_cast %select_n3A_1432 : vector<16xi32> to vector<16xi32>
    tpu.vector_store %arg5[%swap3A_1433], %swap3A_1436 {strides = array<i32>} : memref<25600xi32, #tpu.memory_space<vmem>>, vector<16xi32>,
    %get3A_1437 = arith.constant 1136 : index
    %get3A_1438 = tpu.vector_load %arg5[%get3A_1437] {strides = array<i32>} : memref<25600xi32, #tpu.memory_space<vmem>>, vector<16xi32>,
    %get3A_1439 = vector.shape_cast %get3A_1438 : vector<16xi32> to vector<16xi32>
    %ge3A_1440 = arith.constant 100000 : i32
    %ge3A_1441 = vector.broadcast %ge3A_1440 : i32 to vector<16xi32>
    %ge3A_1442 = arith.cmpi sge, %get3A_1439, %ge3A_1441 : vector<16xi32>
    %jit3A_1443 = arith.constant 0 : i32
    %broadcast_in_dim3A_1444 = vector.broadcast %jit3A_1443 : i32 to vector<16xi32>
    %select_n3A_1445 = arith.select %ge3A_1442, %broadcast_in_dim3A_1444, %get3A_1439 : vector<16xi1>, vector<16xi32>
    %swap3A_1446 = arith.constant 1136 : index
    %swap3A_1447 = tpu.vector_load %arg5[%swap3A_1446] {strides = array<i32>} : memref<25600xi32, #tpu.memory_space<vmem>>, vector<16xi32>,
    %swap3A_1448 = vector.shape_cast %swap3A_1447 : vector<16xi32> to vector<16xi32>
    %swap3A_1449 = vector.shape_cast %select_n3A_1445 : vector<16xi32> to vector<16xi32>
    tpu.vector_store %arg5[%swap3A_1446], %swap3A_1449 {strides = array<i32>} : memref<25600xi32, #tpu.memory_space<vmem>>, vector<16xi32>,
    %dma_start3A_1450 = arith.constant 0 : i32
    %dma_start3A_1451 = arith.constant 0 : i32
    %dma_start3A_1452 = arith.constant 0 : i32
    %dma_start3A_1453 = tpu.memref_slice %arg6[%dma_start3A_1450, %dma_start3A_1451, %dma_start3A_1452] : memref<4x128x128xf32, #tpu.memory_space<vmem>> -> memref<1x128x128xf32, #tpu.memory_space<vmem>>
    %dma_start3A_1454 = tpu.memref_squeeze %dma_start3A_1453 : memref<1x128x128xf32, #tpu.memory_space<vmem>> -> memref<128x128xf32, #tpu.memory_space<vmem>>
    %dma_start3A_1455 = arith.constant 1024 : i32
    %dma_start3A_1456 = tpu.memref_slice %arg5[%dma_start3A_1455] : memref<25600xi32, #tpu.memory_space<vmem>> -> memref<128xi32, #tpu.memory_space<vmem>>
    %dma_start3A_1457 = arith.constant 0 : i32
    %dma_start3A_1458 = arith.constant 0 : i32
    %dma_start3A_1459 = tpu.memref_slice %arg3[%dma_start3A_1457, %dma_start3A_1458] : memref<100000x128xf32, #tpu.memory_space<hbm>> -> memref<100000x128xf32, #tpu.memory_space<hbm>>
    tpu.enqueue_indirect_dma source(%dma_start3A_1459 : memref<100000x128xf32, #tpu.memory_space<hbm>>) target(%dma_start3A_1454 : memref<128x128xf32, #tpu.memory_space<vmem>>) offsets(%dma_start3A_1456 : memref<128xi32, #tpu.memory_space<vmem>>) semaphore(%arg8 : memref<!tpu.dma_semaphore, #tpu.memory_space<semaphore_mem>>)
    %dma_wait3A_1460 = arith.constant 3 : i32
    %dma_wait3A_1461 = arith.constant 0 : i32
    %dma_wait3A_1462 = arith.constant 0 : i32
    %dma_wait3A_1463 = tpu.memref_slice %arg6[%dma_wait3A_1460, %dma_wait3A_1461, %dma_wait3A_1462] : memref<4x128x128xf32, #tpu.memory_space<vmem>> -> memref<1x128x128xf32, #tpu.memory_space<vmem>>
    %dma_wait3A_1464 = tpu.memref_squeeze %dma_wait3A_1463 : memref<1x128x128xf32, #tpu.memory_space<vmem>> -> memref<128x128xf32, #tpu.memory_space<vmem>>
    %dma_wait3A_1465 = arith.constant 0 : i32
    %dma_wait3A_1466 = tpu.memref_slice %arg5[%dma_wait3A_1465] : memref<25600xi32, #tpu.memory_space<vmem>> -> memref<128xi32, #tpu.memory_space<vmem>>
    %dma_wait3A_1467 = arith.constant 0 : i32
    %dma_wait3A_1468 = arith.constant 0 : i32
    %dma_wait3A_1469 = tpu.memref_slice %arg3[%dma_wait3A_1467, %dma_wait3A_1468] : memref<100000x128xf32, #tpu.memory_space<hbm>> -> memref<100000x128xf32, #tpu.memory_space<hbm>>
    tpu.wait_indirect_dma semaphore(%arg11 : memref<!tpu.dma_semaphore, #tpu.memory_space<semaphore_mem>>) src(%dma_wait3A_1469 : memref<100000x128xf32, #tpu.memory_space<hbm>>) dst(%dma_wait3A_1464 : memref<128x128xf32, #tpu.memory_space<vmem>>)
    %mul3A_1470 = arith.constant 2 : i32
    %mul3A_1471 = arith.muli %arg1, %mul3A_1470 : i32
    %add3A_1472 = arith.constant 1 : i32
    %add3A_1473 = arith.addi %mul3A_1471, %add3A_1472 : i32
    %mul3A_1474 = arith.constant 128 : i32
    %mul3A_1475 = arith.muli %add3A_1473, %mul3A_1474 : i32
    %dma_wait3A_1476 = arith.constant 0 : i32
    %dma_wait3A_1477 = tpu.memref_slice %arg4[%mul3A_2, %dma_wait3A_1476] : memref<819200x128xf32, #tpu.memory_space<hbm>> -> memref<128x128xf32, #tpu.memory_space<hbm>>
    %dma_wait3A_1478 = arith.constant 0 : i32
    %dma_wait3A_1479 = tpu.memref_slice %arg7[%mul3A_1475, %dma_wait3A_1478] : memref<4096x128xf32, #tpu.memory_space<vmem_shared>> -> memref<128x128xf32, #tpu.memory_space<vmem_shared>>
    tpu.wait_dma2 semaphore(%arg14 : memref<!tpu.dma_semaphore, #tpu.memory_space<semaphore_mem>>) src(%dma_wait3A_1479 : memref<128x128xf32, #tpu.memory_space<vmem_shared>>) dst(%dma_wait3A_1477 : memref<128x128xf32, #tpu.memory_space<hbm>>)
    %mul3A_1480 = arith.constant 2 : i32
    %mul3A_1481 = arith.muli %arg1, %mul3A_1480 : i32
    %add3A_1482 = arith.constant 1 : i32
    %add3A_1483 = arith.addi %mul3A_1481, %add3A_1482 : i32
    %mul3A_1484 = arith.constant 128 : i32
    %mul3A_1485 = arith.muli %add3A_1483, %mul3A_1484 : i32
    %dma_start3A_1486 = arith.constant 3 : i32
    %dma_start3A_1487 = arith.constant 0 : i32
    %dma_start3A_1488 = arith.constant 0 : i32
    %dma_start3A_1489 = tpu.memref_slice %arg6[%dma_start3A_1486, %dma_start3A_1487, %dma_start3A_1488] : memref<4x128x128xf32, #tpu.memory_space<vmem>> -> memref<1x128x128xf32, #tpu.memory_space<vmem>>
    %dma_start3A_1490 = tpu.memref_squeeze %dma_start3A_1489 : memref<1x128x128xf32, #tpu.memory_space<vmem>> -> memref<128x128xf32, #tpu.memory_space<vmem>>
    %dma_start3A_1491 = arith.constant 0 : i32
    %dma_start3A_1492 = tpu.memref_slice %arg7[%mul3A_1485, %dma_start3A_1491] : memref<4096x128xf32, #tpu.memory_space<vmem_shared>> -> memref<128x128xf32, #tpu.memory_space<vmem_shared>>
    %dma_start3A_1493 = arith.constant 0 : i32
    %dma_start3A_1494 = tpu.memref_slice %arg7[%mul3A_1485, %dma_start3A_1493] : memref<4096x128xf32, #tpu.memory_space<vmem_shared>> -> memref<128x128xf32, #tpu.memory_space<vmem_shared>>
    %dma_start3A_1495 = arith.constant 0 : i32
    %dma_start3A_1496 = arith.constant 0 : i32
    %dma_start3A_1497 = tpu.memref_slice %arg6[%dma_start3A_1486, %dma_start3A_1495, %dma_start3A_1496] : memref<4x128x128xf32, #tpu.memory_space<vmem>> -> memref<1x128x128xf32, #tpu.memory_space<vmem>>
    %dma_start3A_1498 = tpu.memref_squeeze %dma_start3A_1497 : memref<1x128x128xf32, #tpu.memory_space<vmem>> -> memref<128x128xf32, #tpu.memory_space<vmem>>
    tpu.enqueue_dma source(%dma_start3A_1498 : memref<128x128xf32, #tpu.memory_space<vmem>>) target(%dma_start3A_1494 : memref<128x128xf32, #tpu.memory_space<vmem_shared>>) target_semaphore(%arg13 : memref<!tpu.dma_semaphore, #tpu.memory_space<semaphore_mem>>)
    %mul3A_1499 = arith.constant 2 : i32
    %mul3A_1500 = arith.muli %arg1, %mul3A_1499 : i32
    %add3A_1501 = arith.constant 0 : i32
    %add3A_1502 = arith.addi %mul3A_1500, %add3A_1501 : i32
    %mul3A_1503 = arith.constant 128 : i32
    %mul3A_1504 = arith.muli %add3A_1502, %mul3A_1503 : i32
    %dma_wait3A_1505 = arith.constant 2 : i32
    %dma_wait3A_1506 = arith.constant 0 : i32
    %dma_wait3A_1507 = arith.constant 0 : i32
    %dma_wait3A_1508 = tpu.memref_slice %arg6[%dma_wait3A_1505, %dma_wait3A_1506, %dma_wait3A_1507] : memref<4x128x128xf32, #tpu.memory_space<vmem>> -> memref<1x128x128xf32, #tpu.memory_space<vmem>>
    %dma_wait3A_1509 = tpu.memref_squeeze %dma_wait3A_1508 : memref<1x128x128xf32, #tpu.memory_space<vmem>> -> memref<128x128xf32, #tpu.memory_space<vmem>>
    %dma_wait3A_1510 = arith.constant 0 : i32
    %dma_wait3A_1511 = tpu.memref_slice %arg7[%mul3A_1504, %dma_wait3A_1510] : memref<4096x128xf32, #tpu.memory_space<vmem_shared>> -> memref<128x128xf32, #tpu.memory_space<vmem_shared>>
    %dma_wait3A_1512 = arith.constant 0 : i32
    %dma_wait3A_1513 = tpu.memref_slice %arg7[%mul3A_1504, %dma_wait3A_1512] : memref<4096x128xf32, #tpu.memory_space<vmem_shared>> -> memref<128x128xf32, #tpu.memory_space<vmem_shared>>
    %dma_wait3A_1514 = arith.constant 0 : i32
    %dma_wait3A_1515 = arith.constant 0 : i32
    %dma_wait3A_1516 = tpu.memref_slice %arg6[%dma_wait3A_1505, %dma_wait3A_1514, %dma_wait3A_1515] : memref<4x128x128xf32, #tpu.memory_space<vmem>> -> memref<1x128x128xf32, #tpu.memory_space<vmem>>
    %dma_wait3A_1517 = tpu.memref_squeeze %dma_wait3A_1516 : memref<1x128x128xf32, #tpu.memory_space<vmem>> -> memref<128x128xf32, #tpu.memory_space<vmem>>
    tpu.wait_dma2 semaphore(%arg12 : memref<!tpu.dma_semaphore, #tpu.memory_space<semaphore_mem>>) src(%dma_wait3A_1517 : memref<128x128xf32, #tpu.memory_space<vmem>>) dst(%dma_wait3A_1513 : memref<128x128xf32, #tpu.memory_space<vmem_shared>>)
    %mul3A_1518 = arith.constant 2 : i32
    %mul3A_1519 = arith.muli %arg1, %mul3A_1518 : i32
    %add3A_1520 = arith.constant 0 : i32
    %add3A_1521 = arith.addi %mul3A_1519, %add3A_1520 : i32
    %mul3A_1522 = arith.constant 128 : i32
    %mul3A_1523 = arith.muli %add3A_1521, %mul3A_1522 : i32
    %add3A_1524 = arith.constant 768 : i32
    %add3A_1525 = arith.addi %mul3A_2, %add3A_1524 : i32
    %dma_start3A_1526 = arith.constant 0 : i32
    %dma_start3A_1527 = tpu.memref_slice %arg4[%add3A_1525, %dma_start3A_1526] : memref<819200x128xf32, #tpu.memory_space<hbm>> -> memref<128x128xf32, #tpu.memory_space<hbm>>
    %dma_start3A_1528 = arith.constant 0 : i32
    %dma_start3A_1529 = tpu.memref_slice %arg7[%mul3A_1523, %dma_start3A_1528] : memref<4096x128xf32, #tpu.memory_space<vmem_shared>> -> memref<128x128xf32, #tpu.memory_space<vmem_shared>>
    tpu.enqueue_dma source(%dma_start3A_1529 : memref<128x128xf32, #tpu.memory_space<vmem_shared>>) target(%dma_start3A_1527 : memref<128x128xf32, #tpu.memory_space<hbm>>) target_semaphore(%arg14 : memref<!tpu.dma_semaphore, #tpu.memory_space<semaphore_mem>>)
    %scan3A = arith.constant 0 : i32
    %scan3A_1530 = arith.constant 0 : i32
    %scan3A_1531 = arith.constant 47 : i32
    %scan3A_1532 = arith.addi %scan3A_1530, %scan3A_1531 : i32
    %scan3A_1533 = arith.constant 1 : i32
    %scan3A_1534 = scf.for %scan3A_2209 = %scan3A_1530 to %scan3A_1532 step %scan3A_1533 iter_args(%scan3A_2210 = %scan3A) -> (i32)  : i32 {
      %mul3A_2211 = arith.constant 4 : i32
      %mul3A_2212 = arith.muli %scan3A_2209, %mul3A_2211 : i32
      %add3A_2213 = arith.constant 8 : i32
      %add3A_2214 = arith.addi %add3A_2213, %mul3A_2212 : i32
      %add3A_2215 = arith.constant 0 : i32
      %add3A_2216 = arith.addi %add3A_2214, %add3A_2215 : i32
      %add3A_2217 = arith.constant 1 : i32
      %add3A_2218 = arith.addi %add3A_2216, %add3A_2217 : i32
      %mul3A_2219 = arith.constant 128 : i32
      %mul3A_2220 = arith.muli %add3A_2218, %mul3A_2219 : i32
      %add3A_2221 = arith.constant 0 : i32
      %add3A_2222 = arith.addi %mul3A_2220, %add3A_2221 : i32
      %get3A_2223 = arith.index_cast %add3A_2222 : i32 to index
      %get3A_2224 = tpu.vector_load %arg5[%get3A_2223] {strides = array<i32>} : memref<25600xi32, #tpu.memory_space<vmem>>, vector<16xi32>,
      %get3A_2225 = vector.shape_cast %get3A_2224 : vector<16xi32> to vector<16xi32>
      %ge3A_2226 = arith.constant 100000 : i32
      %ge3A_2227 = vector.broadcast %ge3A_2226 : i32 to vector<16xi32>
      %ge3A_2228 = arith.cmpi sge, %get3A_2225, %ge3A_2227 : vector<16xi32>
      %jit3A_2229 = arith.constant 0 : i32
      %broadcast_in_dim3A_2230 = vector.broadcast %jit3A_2229 : i32 to vector<16xi32>
      %select_n3A_2231 = arith.select %ge3A_2228, %broadcast_in_dim3A_2230, %get3A_2225 : vector<16xi1>, vector<16xi32>
      %swap3A_2232 = arith.index_cast %add3A_2222 : i32 to index
      %swap3A_2233 = tpu.vector_load %arg5[%swap3A_2232] {strides = array<i32>} : memref<25600xi32, #tpu.memory_space<vmem>>, vector<16xi32>,
      %swap3A_2234 = vector.shape_cast %swap3A_2233 : vector<16xi32> to vector<16xi32>
      %swap3A_2235 = vector.shape_cast %select_n3A_2231 : vector<16xi32> to vector<16xi32>
      tpu.vector_store %arg5[%swap3A_2232], %swap3A_2235 {strides = array<i32>} : memref<25600xi32, #tpu.memory_space<vmem>>, vector<16xi32>,
      %mul3A_2236 = arith.constant 128 : i32
      %mul3A_2237 = arith.muli %add3A_2218, %mul3A_2236 : i32
      %add3A_2238 = arith.constant 16 : i32
      %add3A_2239 = arith.addi %mul3A_2237, %add3A_2238 : i32
      %get3A_2240 = arith.index_cast %add3A_2239 : i32 to index
      %get3A_2241 = tpu.vector_load %arg5[%get3A_2240] {strides = array<i32>} : memref<25600xi32, #tpu.memory_space<vmem>>, vector<16xi32>,
      %get3A_2242 = vector.shape_cast %get3A_2241 : vector<16xi32> to vector<16xi32>
      %ge3A_2243 = arith.constant 100000 : i32
      %ge3A_2244 = vector.broadcast %ge3A_2243 : i32 to vector<16xi32>
      %ge3A_2245 = arith.cmpi sge, %get3A_2242, %ge3A_2244 : vector<16xi32>
      %jit3A_2246 = arith.constant 0 : i32
      %broadcast_in_dim3A_2247 = vector.broadcast %jit3A_2246 : i32 to vector<16xi32>
      %select_n3A_2248 = arith.select %ge3A_2245, %broadcast_in_dim3A_2247, %get3A_2242 : vector<16xi1>, vector<16xi32>
      %swap3A_2249 = arith.index_cast %add3A_2239 : i32 to index
      %swap3A_2250 = tpu.vector_load %arg5[%swap3A_2249] {strides = array<i32>} : memref<25600xi32, #tpu.memory_space<vmem>>, vector<16xi32>,
      %swap3A_2251 = vector.shape_cast %swap3A_2250 : vector<16xi32> to vector<16xi32>
      %swap3A_2252 = vector.shape_cast %select_n3A_2248 : vector<16xi32> to vector<16xi32>
      tpu.vector_store %arg5[%swap3A_2249], %swap3A_2252 {strides = array<i32>} : memref<25600xi32, #tpu.memory_space<vmem>>, vector<16xi32>,
      %mul3A_2253 = arith.constant 128 : i32
      %mul3A_2254 = arith.muli %add3A_2218, %mul3A_2253 : i32
      %add3A_2255 = arith.constant 32 : i32
      %add3A_2256 = arith.addi %mul3A_2254, %add3A_2255 : i32
      %get3A_2257 = arith.index_cast %add3A_2256 : i32 to index
      %get3A_2258 = tpu.vector_load %arg5[%get3A_2257] {strides = array<i32>} : memref<25600xi32, #tpu.memory_space<vmem>>, vector<16xi32>,
      %get3A_2259 = vector.shape_cast %get3A_2258 : vector<16xi32> to vector<16xi32>
      %ge3A_2260 = arith.constant 100000 : i32
      %ge3A_2261 = vector.broadcast %ge3A_2260 : i32 to vector<16xi32>
      %ge3A_2262 = arith.cmpi sge, %get3A_2259, %ge3A_2261 : vector<16xi32>
      %jit3A_2263 = arith.constant 0 : i32
      %broadcast_in_dim3A_2264 = vector.broadcast %jit3A_2263 : i32 to vector<16xi32>
      %select_n3A_2265 = arith.select %ge3A_2262, %broadcast_in_dim3A_2264, %get3A_2259 : vector<16xi1>, vector<16xi32>
      %swap3A_2266 = arith.index_cast %add3A_2256 : i32 to index
      %swap3A_2267 = tpu.vector_load %arg5[%swap3A_2266] {strides = array<i32>} : memref<25600xi32, #tpu.memory_space<vmem>>, vector<16xi32>,
      %swap3A_2268 = vector.shape_cast %swap3A_2267 : vector<16xi32> to vector<16xi32>
      %swap3A_2269 = vector.shape_cast %select_n3A_2265 : vector<16xi32> to vector<16xi32>
      tpu.vector_store %arg5[%swap3A_2266], %swap3A_2269 {strides = array<i32>} : memref<25600xi32, #tpu.memory_space<vmem>>, vector<16xi32>,
      %mul3A_2270 = arith.constant 128 : i32
      %mul3A_2271 = arith.muli %add3A_2218, %mul3A_2270 : i32
      %add3A_2272 = arith.constant 48 : i32
      %add3A_2273 = arith.addi %mul3A_2271, %add3A_2272 : i32
      %get3A_2274 = arith.index_cast %add3A_2273 : i32 to index
      %get3A_2275 = tpu.vector_load %arg5[%get3A_2274] {strides = array<i32>} : memref<25600xi32, #tpu.memory_space<vmem>>, vector<16xi32>,
      %get3A_2276 = vector.shape_cast %get3A_2275 : vector<16xi32> to vector<16xi32>
      %ge3A_2277 = arith.constant 100000 : i32
      %ge3A_2278 = vector.broadcast %ge3A_2277 : i32 to vector<16xi32>
      %ge3A_2279 = arith.cmpi sge, %get3A_2276, %ge3A_2278 : vector<16xi32>
      %jit3A_2280 = arith.constant 0 : i32
      %broadcast_in_dim3A_2281 = vector.broadcast %jit3A_2280 : i32 to vector<16xi32>
      %select_n3A_2282 = arith.select %ge3A_2279, %broadcast_in_dim3A_2281, %get3A_2276 : vector<16xi1>, vector<16xi32>
      %swap3A_2283 = arith.index_cast %add3A_2273 : i32 to index
      %swap3A_2284 = tpu.vector_load %arg5[%swap3A_2283] {strides = array<i32>} : memref<25600xi32, #tpu.memory_space<vmem>>, vector<16xi32>,
      %swap3A_2285 = vector.shape_cast %swap3A_2284 : vector<16xi32> to vector<16xi32>
      %swap3A_2286 = vector.shape_cast %select_n3A_2282 : vector<16xi32> to vector<16xi32>
      tpu.vector_store %arg5[%swap3A_2283], %swap3A_2286 {strides = array<i32>} : memref<25600xi32, #tpu.memory_space<vmem>>, vector<16xi32>,
      %mul3A_2287 = arith.constant 128 : i32
      %mul3A_2288 = arith.muli %add3A_2218, %mul3A_2287 : i32
      %add3A_2289 = arith.constant 64 : i32
      %add3A_2290 = arith.addi %mul3A_2288, %add3A_2289 : i32
      %get3A_2291 = arith.index_cast %add3A_2290 : i32 to index
      %get3A_2292 = tpu.vector_load %arg5[%get3A_2291] {strides = array<i32>} : memref<25600xi32, #tpu.memory_space<vmem>>, vector<16xi32>,
      %get3A_2293 = vector.shape_cast %get3A_2292 : vector<16xi32> to vector<16xi32>
      %ge3A_2294 = arith.constant 100000 : i32
      %ge3A_2295 = vector.broadcast %ge3A_2294 : i32 to vector<16xi32>
      %ge3A_2296 = arith.cmpi sge, %get3A_2293, %ge3A_2295 : vector<16xi32>
      %jit3A_2297 = arith.constant 0 : i32
      %broadcast_in_dim3A_2298 = vector.broadcast %jit3A_2297 : i32 to vector<16xi32>
      %select_n3A_2299 = arith.select %ge3A_2296, %broadcast_in_dim3A_2298, %get3A_2293 : vector<16xi1>, vector<16xi32>
      %swap3A_2300 = arith.index_cast %add3A_2290 : i32 to index
      %swap3A_2301 = tpu.vector_load %arg5[%swap3A_2300] {strides = array<i32>} : memref<25600xi32, #tpu.memory_space<vmem>>, vector<16xi32>,
      %swap3A_2302 = vector.shape_cast %swap3A_2301 : vector<16xi32> to vector<16xi32>
      %swap3A_2303 = vector.shape_cast %select_n3A_2299 : vector<16xi32> to vector<16xi32>
      tpu.vector_store %arg5[%swap3A_2300], %swap3A_2303 {strides = array<i32>} : memref<25600xi32, #tpu.memory_space<vmem>>, vector<16xi32>,
      %mul3A_2304 = arith.constant 128 : i32
      %mul3A_2305 = arith.muli %add3A_2218, %mul3A_2304 : i32
      %add3A_2306 = arith.constant 80 : i32
      %add3A_2307 = arith.addi %mul3A_2305, %add3A_2306 : i32
      %get3A_2308 = arith.index_cast %add3A_2307 : i32 to index
      %get3A_2309 = tpu.vector_load %arg5[%get3A_2308] {strides = array<i32>} : memref<25600xi32, #tpu.memory_space<vmem>>, vector<16xi32>,
      %get3A_2310 = vector.shape_cast %get3A_2309 : vector<16xi32> to vector<16xi32>
      %ge3A_2311 = arith.constant 100000 : i32
      %ge3A_2312 = vector.broadcast %ge3A_2311 : i32 to vector<16xi32>
      %ge3A_2313 = arith.cmpi sge, %get3A_2310, %ge3A_2312 : vector<16xi32>
      %jit3A_2314 = arith.constant 0 : i32
      %broadcast_in_dim3A_2315 = vector.broadcast %jit3A_2314 : i32 to vector<16xi32>
      %select_n3A_2316 = arith.select %ge3A_2313, %broadcast_in_dim3A_2315, %get3A_2310 : vector<16xi1>, vector<16xi32>
      %swap3A_2317 = arith.index_cast %add3A_2307 : i32 to index
      %swap3A_2318 = tpu.vector_load %arg5[%swap3A_2317] {strides = array<i32>} : memref<25600xi32, #tpu.memory_space<vmem>>, vector<16xi32>,
      %swap3A_2319 = vector.shape_cast %swap3A_2318 : vector<16xi32> to vector<16xi32>
      %swap3A_2320 = vector.shape_cast %select_n3A_2316 : vector<16xi32> to vector<16xi32>
      tpu.vector_store %arg5[%swap3A_2317], %swap3A_2320 {strides = array<i32>} : memref<25600xi32, #tpu.memory_space<vmem>>, vector<16xi32>,
      %mul3A_2321 = arith.constant 128 : i32
      %mul3A_2322 = arith.muli %add3A_2218, %mul3A_2321 : i32
      %add3A_2323 = arith.constant 96 : i32
      %add3A_2324 = arith.addi %mul3A_2322, %add3A_2323 : i32
      %get3A_2325 = arith.index_cast %add3A_2324 : i32 to index
      %get3A_2326 = tpu.vector_load %arg5[%get3A_2325] {strides = array<i32>} : memref<25600xi32, #tpu.memory_space<vmem>>, vector<16xi32>,
      %get3A_2327 = vector.shape_cast %get3A_2326 : vector<16xi32> to vector<16xi32>
      %ge3A_2328 = arith.constant 100000 : i32
      %ge3A_2329 = vector.broadcast %ge3A_2328 : i32 to vector<16xi32>
      %ge3A_2330 = arith.cmpi sge, %get3A_2327, %ge3A_2329 : vector<16xi32>
      %jit3A_2331 = arith.constant 0 : i32
      %broadcast_in_dim3A_2332 = vector.broadcast %jit3A_2331 : i32 to vector<16xi32>
      %select_n3A_2333 = arith.select %ge3A_2330, %broadcast_in_dim3A_2332, %get3A_2327 : vector<16xi1>, vector<16xi32>
      %swap3A_2334 = arith.index_cast %add3A_2324 : i32 to index
      %swap3A_2335 = tpu.vector_load %arg5[%swap3A_2334] {strides = array<i32>} : memref<25600xi32, #tpu.memory_space<vmem>>, vector<16xi32>,
      %swap3A_2336 = vector.shape_cast %swap3A_2335 : vector<16xi32> to vector<16xi32>
      %swap3A_2337 = vector.shape_cast %select_n3A_2333 : vector<16xi32> to vector<16xi32>
      tpu.vector_store %arg5[%swap3A_2334], %swap3A_2337 {strides = array<i32>} : memref<25600xi32, #tpu.memory_space<vmem>>, vector<16xi32>,
      %mul3A_2338 = arith.constant 128 : i32
      %mul3A_2339 = arith.muli %add3A_2218, %mul3A_2338 : i32
      %add3A_2340 = arith.constant 112 : i32
      %add3A_2341 = arith.addi %mul3A_2339, %add3A_2340 : i32
      %get3A_2342 = arith.index_cast %add3A_2341 : i32 to index
      %get3A_2343 = tpu.vector_load %arg5[%get3A_2342] {strides = array<i32>} : memref<25600xi32, #tpu.memory_space<vmem>>, vector<16xi32>,
      %get3A_2344 = vector.shape_cast %get3A_2343 : vector<16xi32> to vector<16xi32>
      %ge3A_2345 = arith.constant 100000 : i32
      %ge3A_2346 = vector.broadcast %ge3A_2345 : i32 to vector<16xi32>
      %ge3A_2347 = arith.cmpi sge, %get3A_2344, %ge3A_2346 : vector<16xi32>
      %jit3A_2348 = arith.constant 0 : i32
      %broadcast_in_dim3A_2349 = vector.broadcast %jit3A_2348 : i32 to vector<16xi32>
      %select_n3A_2350 = arith.select %ge3A_2347, %broadcast_in_dim3A_2349, %get3A_2344 : vector<16xi1>, vector<16xi32>
      %swap3A_2351 = arith.index_cast %add3A_2341 : i32 to index
      %swap3A_2352 = tpu.vector_load %arg5[%swap3A_2351] {strides = array<i32>} : memref<25600xi32, #tpu.memory_space<vmem>>, vector<16xi32>,
      %swap3A_2353 = vector.shape_cast %swap3A_2352 : vector<16xi32> to vector<16xi32>
      %swap3A_2354 = vector.shape_cast %select_n3A_2350 : vector<16xi32> to vector<16xi32>
      tpu.vector_store %arg5[%swap3A_2351], %swap3A_2354 {strides = array<i32>} : memref<25600xi32, #tpu.memory_space<vmem>>, vector<16xi32>,
      %add3A_2355 = arith.constant 1 : i32
      %add3A_2356 = arith.addi %add3A_2216, %add3A_2355 : i32
      %mul3A_2357 = arith.constant 128 : i32
      %mul3A_2358 = arith.muli %add3A_2356, %mul3A_2357 : i32
      %dma_start3A_2359 = arith.constant 1 : i32
      %dma_start3A_2360 = arith.constant 0 : i32
      %dma_start3A_2361 = arith.constant 0 : i32
      %dma_start3A_2362 = tpu.memref_slice %arg6[%dma_start3A_2359, %dma_start3A_2360, %dma_start3A_2361] : memref<4x128x128xf32, #tpu.memory_space<vmem>> -> memref<1x128x128xf32, #tpu.memory_space<vmem>>
      %dma_start3A_2363 = tpu.memref_squeeze %dma_start3A_2362 : memref<1x128x128xf32, #tpu.memory_space<vmem>> -> memref<128x128xf32, #tpu.memory_space<vmem>>
      %dma_start3A_2364 = tpu.memref_slice %arg5[%mul3A_2358] : memref<25600xi32, #tpu.memory_space<vmem>> -> memref<128xi32, #tpu.memory_space<vmem>>
      %dma_start3A_2365 = arith.constant 0 : i32
      %dma_start3A_2366 = arith.constant 0 : i32
      %dma_start3A_2367 = tpu.memref_slice %arg3[%dma_start3A_2365, %dma_start3A_2366] : memref<100000x128xf32, #tpu.memory_space<hbm>> -> memref<100000x128xf32, #tpu.memory_space<hbm>>
      tpu.enqueue_indirect_dma source(%dma_start3A_2367 : memref<100000x128xf32, #tpu.memory_space<hbm>>) target(%dma_start3A_2363 : memref<128x128xf32, #tpu.memory_space<vmem>>) offsets(%dma_start3A_2364 : memref<128xi32, #tpu.memory_space<vmem>>) semaphore(%arg9 : memref<!tpu.dma_semaphore, #tpu.memory_space<semaphore_mem>>)
      %dma_wait3A_2368 = arith.constant 0 : i32
      %dma_wait3A_2369 = arith.constant 0 : i32
      %dma_wait3A_2370 = arith.constant 0 : i32
      %dma_wait3A_2371 = tpu.memref_slice %arg6[%dma_wait3A_2368, %dma_wait3A_2369, %dma_wait3A_2370] : memref<4x128x128xf32, #tpu.memory_space<vmem>> -> memref<1x128x128xf32, #tpu.memory_space<vmem>>
      %dma_wait3A_2372 = tpu.memref_squeeze %dma_wait3A_2371 : memref<1x128x128xf32, #tpu.memory_space<vmem>> -> memref<128x128xf32, #tpu.memory_space<vmem>>
      %dma_wait3A_2373 = arith.constant 0 : i32
      %dma_wait3A_2374 = tpu.memref_slice %arg5[%dma_wait3A_2373] : memref<25600xi32, #tpu.memory_space<vmem>> -> memref<128xi32, #tpu.memory_space<vmem>>
      %dma_wait3A_2375 = arith.constant 0 : i32
      %dma_wait3A_2376 = arith.constant 0 : i32
      %dma_wait3A_2377 = tpu.memref_slice %arg3[%dma_wait3A_2375, %dma_wait3A_2376] : memref<100000x128xf32, #tpu.memory_space<hbm>> -> memref<100000x128xf32, #tpu.memory_space<hbm>>
      tpu.wait_indirect_dma semaphore(%arg8 : memref<!tpu.dma_semaphore, #tpu.memory_space<semaphore_mem>>) src(%dma_wait3A_2377 : memref<100000x128xf32, #tpu.memory_space<hbm>>) dst(%dma_wait3A_2372 : memref<128x128xf32, #tpu.memory_space<vmem>>)
      %sub3A = arith.constant 2 : i32
      %sub3A_2378 = arith.subi %add3A_2216, %sub3A : i32
      %mul3A_2379 = arith.constant 2 : i32
      %mul3A_2380 = arith.muli %arg1, %mul3A_2379 : i32
      %add3A_2381 = arith.constant 0 : i32
      %add3A_2382 = arith.addi %mul3A_2380, %add3A_2381 : i32
      %mul3A_2383 = arith.constant 128 : i32
      %mul3A_2384 = arith.muli %add3A_2382, %mul3A_2383 : i32
      %dma_wait3A_2385 = arith.constant 0 : i32
      %dma_wait3A_2386 = tpu.memref_slice %arg4[%mul3A_2, %dma_wait3A_2385] : memref<819200x128xf32, #tpu.memory_space<hbm>> -> memref<128x128xf32, #tpu.memory_space<hbm>>
      %dma_wait3A_2387 = arith.constant 0 : i32
      %dma_wait3A_2388 = tpu.memref_slice %arg7[%mul3A_2384, %dma_wait3A_2387] : memref<4096x128xf32, #tpu.memory_space<vmem_shared>> -> memref<128x128xf32, #tpu.memory_space<vmem_shared>>
      tpu.wait_dma2 semaphore(%arg14 : memref<!tpu.dma_semaphore, #tpu.memory_space<semaphore_mem>>) src(%dma_wait3A_2388 : memref<128x128xf32, #tpu.memory_space<vmem_shared>>) dst(%dma_wait3A_2386 : memref<128x128xf32, #tpu.memory_space<hbm>>)
      %mul3A_2389 = arith.constant 2 : i32
      %mul3A_2390 = arith.muli %arg1, %mul3A_2389 : i32
      %add3A_2391 = arith.constant 0 : i32
      %add3A_2392 = arith.addi %mul3A_2390, %add3A_2391 : i32
      %mul3A_2393 = arith.constant 128 : i32
      %mul3A_2394 = arith.muli %add3A_2392, %mul3A_2393 : i32
      %dma_start3A_2395 = arith.constant 0 : i32
      %dma_start3A_2396 = arith.constant 0 : i32
      %dma_start3A_2397 = arith.constant 0 : i32
      %dma_start3A_2398 = tpu.memref_slice %arg6[%dma_start3A_2395, %dma_start3A_2396, %dma_start3A_2397] : memref<4x128x128xf32, #tpu.memory_space<vmem>> -> memref<1x128x128xf32, #tpu.memory_space<vmem>>
      %dma_start3A_2399 = tpu.memref_squeeze %dma_start3A_2398 : memref<1x128x128xf32, #tpu.memory_space<vmem>> -> memref<128x128xf32, #tpu.memory_space<vmem>>
      %dma_start3A_2400 = arith.constant 0 : i32
      %dma_start3A_2401 = tpu.memref_slice %arg7[%mul3A_2394, %dma_start3A_2400] : memref<4096x128xf32, #tpu.memory_space<vmem_shared>> -> memref<128x128xf32, #tpu.memory_space<vmem_shared>>
      %dma_start3A_2402 = arith.constant 0 : i32
      %dma_start3A_2403 = tpu.memref_slice %arg7[%mul3A_2394, %dma_start3A_2402] : memref<4096x128xf32, #tpu.memory_space<vmem_shared>> -> memref<128x128xf32, #tpu.memory_space<vmem_shared>>
      %dma_start3A_2404 = arith.constant 0 : i32
      %dma_start3A_2405 = arith.constant 0 : i32
      %dma_start3A_2406 = tpu.memref_slice %arg6[%dma_start3A_2395, %dma_start3A_2404, %dma_start3A_2405] : memref<4x128x128xf32, #tpu.memory_space<vmem>> -> memref<1x128x128xf32, #tpu.memory_space<vmem>>
      %dma_start3A_2407 = tpu.memref_squeeze %dma_start3A_2406 : memref<1x128x128xf32, #tpu.memory_space<vmem>> -> memref<128x128xf32, #tpu.memory_space<vmem>>
      tpu.enqueue_dma source(%dma_start3A_2407 : memref<128x128xf32, #tpu.memory_space<vmem>>) target(%dma_start3A_2403 : memref<128x128xf32, #tpu.memory_space<vmem_shared>>) target_semaphore(%arg12 : memref<!tpu.dma_semaphore, #tpu.memory_space<semaphore_mem>>)
      %sub3A_2408 = arith.constant 1 : i32
      %sub3A_2409 = arith.subi %add3A_2216, %sub3A_2408 : i32
      %mul3A_2410 = arith.constant 2 : i32
      %mul3A_2411 = arith.muli %arg1, %mul3A_2410 : i32
      %add3A_2412 = arith.constant 1 : i32
      %add3A_2413 = arith.addi %mul3A_2411, %add3A_2412 : i32
      %mul3A_2414 = arith.constant 128 : i32
      %mul3A_2415 = arith.muli %add3A_2413, %mul3A_2414 : i32
      %dma_wait3A_2416 = arith.constant 3 : i32
      %dma_wait3A_2417 = arith.constant 0 : i32
      %dma_wait3A_2418 = arith.constant 0 : i32
      %dma_wait3A_2419 = tpu.memref_slice %arg6[%dma_wait3A_2416, %dma_wait3A_2417, %dma_wait3A_2418] : memref<4x128x128xf32, #tpu.memory_space<vmem>> -> memref<1x128x128xf32, #tpu.memory_space<vmem>>
      %dma_wait3A_2420 = tpu.memref_squeeze %dma_wait3A_2419 : memref<1x128x128xf32, #tpu.memory_space<vmem>> -> memref<128x128xf32, #tpu.memory_space<vmem>>
      %dma_wait3A_2421 = arith.constant 0 : i32
      %dma_wait3A_2422 = tpu.memref_slice %arg7[%mul3A_2415, %dma_wait3A_2421] : memref<4096x128xf32, #tpu.memory_space<vmem_shared>> -> memref<128x128xf32, #tpu.memory_space<vmem_shared>>
      %dma_wait3A_2423 = arith.constant 0 : i32
      %dma_wait3A_2424 = tpu.memref_slice %arg7[%mul3A_2415, %dma_wait3A_2423] : memref<4096x128xf32, #tpu.memory_space<vmem_shared>> -> memref<128x128xf32, #tpu.memory_space<vmem_shared>>
      %dma_wait3A_2425 = arith.constant 0 : i32
      %dma_wait3A_2426 = arith.constant 0 : i32
      %dma_wait3A_2427 = tpu.memref_slice %arg6[%dma_wait3A_2416, %dma_wait3A_2425, %dma_wait3A_2426] : memref<4x128x128xf32, #tpu.memory_space<vmem>> -> memref<1x128x128xf32, #tpu.memory_space<vmem>>
      %dma_wait3A_2428 = tpu.memref_squeeze %dma_wait3A_2427 : memref<1x128x128xf32, #tpu.memory_space<vmem>> -> memref<128x128xf32, #tpu.memory_space<vmem>>
      tpu.wait_dma2 semaphore(%arg13 : memref<!tpu.dma_semaphore, #tpu.memory_space<semaphore_mem>>) src(%dma_wait3A_2428 : memref<128x128xf32, #tpu.memory_space<vmem>>) dst(%dma_wait3A_2424 : memref<128x128xf32, #tpu.memory_space<vmem_shared>>)
      %sub3A_2429 = arith.constant 1 : i32
      %sub3A_2430 = arith.subi %add3A_2216, %sub3A_2429 : i32
      %mul3A_2431 = arith.constant 2 : i32
      %mul3A_2432 = arith.muli %arg1, %mul3A_2431 : i32
      %add3A_2433 = arith.constant 1 : i32
      %add3A_2434 = arith.addi %mul3A_2432, %add3A_2433 : i32
      %mul3A_2435 = arith.constant 128 : i32
      %mul3A_2436 = arith.muli %add3A_2434, %mul3A_2435 : i32
      %mul3A_2437 = arith.constant 128 : i32
      %mul3A_2438 = arith.muli %sub3A_2430, %mul3A_2437 : i32
      %add3A_2439 = arith.addi %mul3A_2, %mul3A_2438 : i32
      %dma_start3A_2440 = arith.constant 0 : i32
      %dma_start3A_2441 = tpu.memref_slice %arg4[%add3A_2439, %dma_start3A_2440] : memref<819200x128xf32, #tpu.memory_space<hbm>> -> memref<128x128xf32, #tpu.memory_space<hbm>>
      %dma_start3A_2442 = arith.constant 0 : i32
      %dma_start3A_2443 = tpu.memref_slice %arg7[%mul3A_2436, %dma_start3A_2442] : memref<4096x128xf32, #tpu.memory_space<vmem_shared>> -> memref<128x128xf32, #tpu.memory_space<vmem_shared>>
      tpu.enqueue_dma source(%dma_start3A_2443 : memref<128x128xf32, #tpu.memory_space<vmem_shared>>) target(%dma_start3A_2441 : memref<128x128xf32, #tpu.memory_space<hbm>>) target_semaphore(%arg14 : memref<!tpu.dma_semaphore, #tpu.memory_space<semaphore_mem>>)
      %add3A_2444 = arith.constant 1 : i32
      %add3A_2445 = arith.addi %add3A_2214, %add3A_2444 : i32
      %add3A_2446 = arith.constant 1 : i32
      %add3A_2447 = arith.addi %add3A_2445, %add3A_2446 : i32
      %mul3A_2448 = arith.constant 128 : i32
      %mul3A_2449 = arith.muli %add3A_2447, %mul3A_2448 : i32
      %add3A_2450 = arith.constant 0 : i32
      %add3A_2451 = arith.addi %mul3A_2449, %add3A_2450 : i32
      %get3A_2452 = arith.index_cast %add3A_2451 : i32 to index
      %get3A_2453 = tpu.vector_load %arg5[%get3A_2452] {strides = array<i32>} : memref<25600xi32, #tpu.memory_space<vmem>>, vector<16xi32>,
      %get3A_2454 = vector.shape_cast %get3A_2453 : vector<16xi32> to vector<16xi32>
      %ge3A_2455 = arith.constant 100000 : i32
      %ge3A_2456 = vector.broadcast %ge3A_2455 : i32 to vector<16xi32>
      %ge3A_2457 = arith.cmpi sge, %get3A_2454, %ge3A_2456 : vector<16xi32>
      %jit3A_2458 = arith.constant 0 : i32
      %broadcast_in_dim3A_2459 = vector.broadcast %jit3A_2458 : i32 to vector<16xi32>
      %select_n3A_2460 = arith.select %ge3A_2457, %broadcast_in_dim3A_2459, %get3A_2454 : vector<16xi1>, vector<16xi32>
      %swap3A_2461 = arith.index_cast %add3A_2451 : i32 to index
      %swap3A_2462 = tpu.vector_load %arg5[%swap3A_2461] {strides = array<i32>} : memref<25600xi32, #tpu.memory_space<vmem>>, vector<16xi32>,
      %swap3A_2463 = vector.shape_cast %swap3A_2462 : vector<16xi32> to vector<16xi32>
      %swap3A_2464 = vector.shape_cast %select_n3A_2460 : vector<16xi32> to vector<16xi32>
      tpu.vector_store %arg5[%swap3A_2461], %swap3A_2464 {strides = array<i32>} : memref<25600xi32, #tpu.memory_space<vmem>>, vector<16xi32>,
      %mul3A_2465 = arith.constant 128 : i32
      %mul3A_2466 = arith.muli %add3A_2447, %mul3A_2465 : i32
      %add3A_2467 = arith.constant 16 : i32
      %add3A_2468 = arith.addi %mul3A_2466, %add3A_2467 : i32
      %get3A_2469 = arith.index_cast %add3A_2468 : i32 to index
      %get3A_2470 = tpu.vector_load %arg5[%get3A_2469] {strides = array<i32>} : memref<25600xi32, #tpu.memory_space<vmem>>, vector<16xi32>,
      %get3A_2471 = vector.shape_cast %get3A_2470 : vector<16xi32> to vector<16xi32>
      %ge3A_2472 = arith.constant 100000 : i32
      %ge3A_2473 = vector.broadcast %ge3A_2472 : i32 to vector<16xi32>
      %ge3A_2474 = arith.cmpi sge, %get3A_2471, %ge3A_2473 : vector<16xi32>
      %jit3A_2475 = arith.constant 0 : i32
      %broadcast_in_dim3A_2476 = vector.broadcast %jit3A_2475 : i32 to vector<16xi32>
      %select_n3A_2477 = arith.select %ge3A_2474, %broadcast_in_dim3A_2476, %get3A_2471 : vector<16xi1>, vector<16xi32>
      %swap3A_2478 = arith.index_cast %add3A_2468 : i32 to index
      %swap3A_2479 = tpu.vector_load %arg5[%swap3A_2478] {strides = array<i32>} : memref<25600xi32, #tpu.memory_space<vmem>>, vector<16xi32>,
      %swap3A_2480 = vector.shape_cast %swap3A_2479 : vector<16xi32> to vector<16xi32>
      %swap3A_2481 = vector.shape_cast %select_n3A_2477 : vector<16xi32> to vector<16xi32>
      tpu.vector_store %arg5[%swap3A_2478], %swap3A_2481 {strides = array<i32>} : memref<25600xi32, #tpu.memory_space<vmem>>, vector<16xi32>,
      %mul3A_2482 = arith.constant 128 : i32
      %mul3A_2483 = arith.muli %add3A_2447, %mul3A_2482 : i32
      %add3A_2484 = arith.constant 32 : i32
      %add3A_2485 = arith.addi %mul3A_2483, %add3A_2484 : i32
      %get3A_2486 = arith.index_cast %add3A_2485 : i32 to index
      %get3A_2487 = tpu.vector_load %arg5[%get3A_2486] {strides = array<i32>} : memref<25600xi32, #tpu.memory_space<vmem>>, vector<16xi32>,
      %get3A_2488 = vector.shape_cast %get3A_2487 : vector<16xi32> to vector<16xi32>
      %ge3A_2489 = arith.constant 100000 : i32
      %ge3A_2490 = vector.broadcast %ge3A_2489 : i32 to vector<16xi32>
      %ge3A_2491 = arith.cmpi sge, %get3A_2488, %ge3A_2490 : vector<16xi32>
      %jit3A_2492 = arith.constant 0 : i32
      %broadcast_in_dim3A_2493 = vector.broadcast %jit3A_2492 : i32 to vector<16xi32>
      %select_n3A_2494 = arith.select %ge3A_2491, %broadcast_in_dim3A_2493, %get3A_2488 : vector<16xi1>, vector<16xi32>
      %swap3A_2495 = arith.index_cast %add3A_2485 : i32 to index
      %swap3A_2496 = tpu.vector_load %arg5[%swap3A_2495] {strides = array<i32>} : memref<25600xi32, #tpu.memory_space<vmem>>, vector<16xi32>,
      %swap3A_2497 = vector.shape_cast %swap3A_2496 : vector<16xi32> to vector<16xi32>
      %swap3A_2498 = vector.shape_cast %select_n3A_2494 : vector<16xi32> to vector<16xi32>
      tpu.vector_store %arg5[%swap3A_2495], %swap3A_2498 {strides = array<i32>} : memref<25600xi32, #tpu.memory_space<vmem>>, vector<16xi32>,
      %mul3A_2499 = arith.constant 128 : i32
      %mul3A_2500 = arith.muli %add3A_2447, %mul3A_2499 : i32
      %add3A_2501 = arith.constant 48 : i32
      %add3A_2502 = arith.addi %mul3A_2500, %add3A_2501 : i32
      %get3A_2503 = arith.index_cast %add3A_2502 : i32 to index
      %get3A_2504 = tpu.vector_load %arg5[%get3A_2503] {strides = array<i32>} : memref<25600xi32, #tpu.memory_space<vmem>>, vector<16xi32>,
      %get3A_2505 = vector.shape_cast %get3A_2504 : vector<16xi32> to vector<16xi32>
      %ge3A_2506 = arith.constant 100000 : i32
      %ge3A_2507 = vector.broadcast %ge3A_2506 : i32 to vector<16xi32>
      %ge3A_2508 = arith.cmpi sge, %get3A_2505, %ge3A_2507 : vector<16xi32>
      %jit3A_2509 = arith.constant 0 : i32
      %broadcast_in_dim3A_2510 = vector.broadcast %jit3A_2509 : i32 to vector<16xi32>
      %select_n3A_2511 = arith.select %ge3A_2508, %broadcast_in_dim3A_2510, %get3A_2505 : vector<16xi1>, vector<16xi32>
      %swap3A_2512 = arith.index_cast %add3A_2502 : i32 to index
      %swap3A_2513 = tpu.vector_load %arg5[%swap3A_2512] {strides = array<i32>} : memref<25600xi32, #tpu.memory_space<vmem>>, vector<16xi32>,
      %swap3A_2514 = vector.shape_cast %swap3A_2513 : vector<16xi32> to vector<16xi32>
      %swap3A_2515 = vector.shape_cast %select_n3A_2511 : vector<16xi32> to vector<16xi32>
      tpu.vector_store %arg5[%swap3A_2512], %swap3A_2515 {strides = array<i32>} : memref<25600xi32, #tpu.memory_space<vmem>>, vector<16xi32>,
      %mul3A_2516 = arith.constant 128 : i32
      %mul3A_2517 = arith.muli %add3A_2447, %mul3A_2516 : i32
      %add3A_2518 = arith.constant 64 : i32
      %add3A_2519 = arith.addi %mul3A_2517, %add3A_2518 : i32
      %get3A_2520 = arith.index_cast %add3A_2519 : i32 to index
      %get3A_2521 = tpu.vector_load %arg5[%get3A_2520] {strides = array<i32>} : memref<25600xi32, #tpu.memory_space<vmem>>, vector<16xi32>,
      %get3A_2522 = vector.shape_cast %get3A_2521 : vector<16xi32> to vector<16xi32>
      %ge3A_2523 = arith.constant 100000 : i32
      %ge3A_2524 = vector.broadcast %ge3A_2523 : i32 to vector<16xi32>
      %ge3A_2525 = arith.cmpi sge, %get3A_2522, %ge3A_2524 : vector<16xi32>
      %jit3A_2526 = arith.constant 0 : i32
      %broadcast_in_dim3A_2527 = vector.broadcast %jit3A_2526 : i32 to vector<16xi32>
      %select_n3A_2528 = arith.select %ge3A_2525, %broadcast_in_dim3A_2527, %get3A_2522 : vector<16xi1>, vector<16xi32>
      %swap3A_2529 = arith.index_cast %add3A_2519 : i32 to index
      %swap3A_2530 = tpu.vector_load %arg5[%swap3A_2529] {strides = array<i32>} : memref<25600xi32, #tpu.memory_space<vmem>>, vector<16xi32>,
      %swap3A_2531 = vector.shape_cast %swap3A_2530 : vector<16xi32> to vector<16xi32>
      %swap3A_2532 = vector.shape_cast %select_n3A_2528 : vector<16xi32> to vector<16xi32>
      tpu.vector_store %arg5[%swap3A_2529], %swap3A_2532 {strides = array<i32>} : memref<25600xi32, #tpu.memory_space<vmem>>, vector<16xi32>,
      %mul3A_2533 = arith.constant 128 : i32
      %mul3A_2534 = arith.muli %add3A_2447, %mul3A_2533 : i32
      %add3A_2535 = arith.constant 80 : i32
      %add3A_2536 = arith.addi %mul3A_2534, %add3A_2535 : i32
      %get3A_2537 = arith.index_cast %add3A_2536 : i32 to index
      %get3A_2538 = tpu.vector_load %arg5[%get3A_2537] {strides = array<i32>} : memref<25600xi32, #tpu.memory_space<vmem>>, vector<16xi32>,
      %get3A_2539 = vector.shape_cast %get3A_2538 : vector<16xi32> to vector<16xi32>
      %ge3A_2540 = arith.constant 100000 : i32
      %ge3A_2541 = vector.broadcast %ge3A_2540 : i32 to vector<16xi32>
      %ge3A_2542 = arith.cmpi sge, %get3A_2539, %ge3A_2541 : vector<16xi32>
      %jit3A_2543 = arith.constant 0 : i32
      %broadcast_in_dim3A_2544 = vector.broadcast %jit3A_2543 : i32 to vector<16xi32>
      %select_n3A_2545 = arith.select %ge3A_2542, %broadcast_in_dim3A_2544, %get3A_2539 : vector<16xi1>, vector<16xi32>
      %swap3A_2546 = arith.index_cast %add3A_2536 : i32 to index
      %swap3A_2547 = tpu.vector_load %arg5[%swap3A_2546] {strides = array<i32>} : memref<25600xi32, #tpu.memory_space<vmem>>, vector<16xi32>,
      %swap3A_2548 = vector.shape_cast %swap3A_2547 : vector<16xi32> to vector<16xi32>
      %swap3A_2549 = vector.shape_cast %select_n3A_2545 : vector<16xi32> to vector<16xi32>
      tpu.vector_store %arg5[%swap3A_2546], %swap3A_2549 {strides = array<i32>} : memref<25600xi32, #tpu.memory_space<vmem>>, vector<16xi32>,
      %mul3A_2550 = arith.constant 128 : i32
      %mul3A_2551 = arith.muli %add3A_2447, %mul3A_2550 : i32
      %add3A_2552 = arith.constant 96 : i32
      %add3A_2553 = arith.addi %mul3A_2551, %add3A_2552 : i32
      %get3A_2554 = arith.index_cast %add3A_2553 : i32 to index
      %get3A_2555 = tpu.vector_load %arg5[%get3A_2554] {strides = array<i32>} : memref<25600xi32, #tpu.memory_space<vmem>>, vector<16xi32>,
      %get3A_2556 = vector.shape_cast %get3A_2555 : vector<16xi32> to vector<16xi32>
      %ge3A_2557 = arith.constant 100000 : i32
      %ge3A_2558 = vector.broadcast %ge3A_2557 : i32 to vector<16xi32>
      %ge3A_2559 = arith.cmpi sge, %get3A_2556, %ge3A_2558 : vector<16xi32>
      %jit3A_2560 = arith.constant 0 : i32
      %broadcast_in_dim3A_2561 = vector.broadcast %jit3A_2560 : i32 to vector<16xi32>
      %select_n3A_2562 = arith.select %ge3A_2559, %broadcast_in_dim3A_2561, %get3A_2556 : vector<16xi1>, vector<16xi32>
      %swap3A_2563 = arith.index_cast %add3A_2553 : i32 to index
      %swap3A_2564 = tpu.vector_load %arg5[%swap3A_2563] {strides = array<i32>} : memref<25600xi32, #tpu.memory_space<vmem>>, vector<16xi32>,
      %swap3A_2565 = vector.shape_cast %swap3A_2564 : vector<16xi32> to vector<16xi32>
      %swap3A_2566 = vector.shape_cast %select_n3A_2562 : vector<16xi32> to vector<16xi32>
      tpu.vector_store %arg5[%swap3A_2563], %swap3A_2566 {strides = array<i32>} : memref<25600xi32, #tpu.memory_space<vmem>>, vector<16xi32>,
      %mul3A_2567 = arith.constant 128 : i32
      %mul3A_2568 = arith.muli %add3A_2447, %mul3A_2567 : i32
      %add3A_2569 = arith.constant 112 : i32
      %add3A_2570 = arith.addi %mul3A_2568, %add3A_2569 : i32
      %get3A_2571 = arith.index_cast %add3A_2570 : i32 to index
      %get3A_2572 = tpu.vector_load %arg5[%get3A_2571] {strides = array<i32>} : memref<25600xi32, #tpu.memory_space<vmem>>, vector<16xi32>,
      %get3A_2573 = vector.shape_cast %get3A_2572 : vector<16xi32> to vector<16xi32>
      %ge3A_2574 = arith.constant 100000 : i32
      %ge3A_2575 = vector.broadcast %ge3A_2574 : i32 to vector<16xi32>
      %ge3A_2576 = arith.cmpi sge, %get3A_2573, %ge3A_2575 : vector<16xi32>
      %jit3A_2577 = arith.constant 0 : i32
      %broadcast_in_dim3A_2578 = vector.broadcast %jit3A_2577 : i32 to vector<16xi32>
      %select_n3A_2579 = arith.select %ge3A_2576, %broadcast_in_dim3A_2578, %get3A_2573 : vector<16xi1>, vector<16xi32>
      %swap3A_2580 = arith.index_cast %add3A_2570 : i32 to index
      %swap3A_2581 = tpu.vector_load %arg5[%swap3A_2580] {strides = array<i32>} : memref<25600xi32, #tpu.memory_space<vmem>>, vector<16xi32>,
      %swap3A_2582 = vector.shape_cast %swap3A_2581 : vector<16xi32> to vector<16xi32>
      %swap3A_2583 = vector.shape_cast %select_n3A_2579 : vector<16xi32> to vector<16xi32>
      tpu.vector_store %arg5[%swap3A_2580], %swap3A_2583 {strides = array<i32>} : memref<25600xi32, #tpu.memory_space<vmem>>, vector<16xi32>,
      %add3A_2584 = arith.constant 1 : i32
      %add3A_2585 = arith.addi %add3A_2445, %add3A_2584 : i32
      %mul3A_2586 = arith.constant 128 : i32
      %mul3A_2587 = arith.muli %add3A_2585, %mul3A_2586 : i32
      %dma_start3A_2588 = arith.constant 2 : i32
      %dma_start3A_2589 = arith.constant 0 : i32
      %dma_start3A_2590 = arith.constant 0 : i32
      %dma_start3A_2591 = tpu.memref_slice %arg6[%dma_start3A_2588, %dma_start3A_2589, %dma_start3A_2590] : memref<4x128x128xf32, #tpu.memory_space<vmem>> -> memref<1x128x128xf32, #tpu.memory_space<vmem>>
      %dma_start3A_2592 = tpu.memref_squeeze %dma_start3A_2591 : memref<1x128x128xf32, #tpu.memory_space<vmem>> -> memref<128x128xf32, #tpu.memory_space<vmem>>
      %dma_start3A_2593 = tpu.memref_slice %arg5[%mul3A_2587] : memref<25600xi32, #tpu.memory_space<vmem>> -> memref<128xi32, #tpu.memory_space<vmem>>
      %dma_start3A_2594 = arith.constant 0 : i32
      %dma_start3A_2595 = arith.constant 0 : i32
      %dma_start3A_2596 = tpu.memref_slice %arg3[%dma_start3A_2594, %dma_start3A_2595] : memref<100000x128xf32, #tpu.memory_space<hbm>> -> memref<100000x128xf32, #tpu.memory_space<hbm>>
      tpu.enqueue_indirect_dma source(%dma_start3A_2596 : memref<100000x128xf32, #tpu.memory_space<hbm>>) target(%dma_start3A_2592 : memref<128x128xf32, #tpu.memory_space<vmem>>) offsets(%dma_start3A_2593 : memref<128xi32, #tpu.memory_space<vmem>>) semaphore(%arg10 : memref<!tpu.dma_semaphore, #tpu.memory_space<semaphore_mem>>)
      %dma_wait3A_2597 = arith.constant 1 : i32
      %dma_wait3A_2598 = arith.constant 0 : i32
      %dma_wait3A_2599 = arith.constant 0 : i32
      %dma_wait3A_2600 = tpu.memref_slice %arg6[%dma_wait3A_2597, %dma_wait3A_2598, %dma_wait3A_2599] : memref<4x128x128xf32, #tpu.memory_space<vmem>> -> memref<1x128x128xf32, #tpu.memory_space<vmem>>
      %dma_wait3A_2601 = tpu.memref_squeeze %dma_wait3A_2600 : memref<1x128x128xf32, #tpu.memory_space<vmem>> -> memref<128x128xf32, #tpu.memory_space<vmem>>
      %dma_wait3A_2602 = arith.constant 0 : i32
      %dma_wait3A_2603 = tpu.memref_slice %arg5[%dma_wait3A_2602] : memref<25600xi32, #tpu.memory_space<vmem>> -> memref<128xi32, #tpu.memory_space<vmem>>
      %dma_wait3A_2604 = arith.constant 0 : i32
      %dma_wait3A_2605 = arith.constant 0 : i32
      %dma_wait3A_2606 = tpu.memref_slice %arg3[%dma_wait3A_2604, %dma_wait3A_2605] : memref<100000x128xf32, #tpu.memory_space<hbm>> -> memref<100000x128xf32, #tpu.memory_space<hbm>>
      tpu.wait_indirect_dma semaphore(%arg9 : memref<!tpu.dma_semaphore, #tpu.memory_space<semaphore_mem>>) src(%dma_wait3A_2606 : memref<100000x128xf32, #tpu.memory_space<hbm>>) dst(%dma_wait3A_2601 : memref<128x128xf32, #tpu.memory_space<vmem>>)
      %sub3A_2607 = arith.constant 2 : i32
      %sub3A_2608 = arith.subi %add3A_2445, %sub3A_2607 : i32
      %mul3A_2609 = arith.constant 2 : i32
      %mul3A_2610 = arith.muli %arg1, %mul3A_2609 : i32
      %add3A_2611 = arith.constant 1 : i32
      %add3A_2612 = arith.addi %mul3A_2610, %add3A_2611 : i32
      %mul3A_2613 = arith.constant 128 : i32
      %mul3A_2614 = arith.muli %add3A_2612, %mul3A_2613 : i32
      %dma_wait3A_2615 = arith.constant 0 : i32
      %dma_wait3A_2616 = tpu.memref_slice %arg4[%mul3A_2, %dma_wait3A_2615] : memref<819200x128xf32, #tpu.memory_space<hbm>> -> memref<128x128xf32, #tpu.memory_space<hbm>>
      %dma_wait3A_2617 = arith.constant 0 : i32
      %dma_wait3A_2618 = tpu.memref_slice %arg7[%mul3A_2614, %dma_wait3A_2617] : memref<4096x128xf32, #tpu.memory_space<vmem_shared>> -> memref<128x128xf32, #tpu.memory_space<vmem_shared>>
      tpu.wait_dma2 semaphore(%arg14 : memref<!tpu.dma_semaphore, #tpu.memory_space<semaphore_mem>>) src(%dma_wait3A_2618 : memref<128x128xf32, #tpu.memory_space<vmem_shared>>) dst(%dma_wait3A_2616 : memref<128x128xf32, #tpu.memory_space<hbm>>)
      %mul3A_2619 = arith.constant 2 : i32
      %mul3A_2620 = arith.muli %arg1, %mul3A_2619 : i32
      %add3A_2621 = arith.constant 1 : i32
      %add3A_2622 = arith.addi %mul3A_2620, %add3A_2621 : i32
      %mul3A_2623 = arith.constant 128 : i32
      %mul3A_2624 = arith.muli %add3A_2622, %mul3A_2623 : i32
      %dma_start3A_2625 = arith.constant 1 : i32
      %dma_start3A_2626 = arith.constant 0 : i32
      %dma_start3A_2627 = arith.constant 0 : i32
      %dma_start3A_2628 = tpu.memref_slice %arg6[%dma_start3A_2625, %dma_start3A_2626, %dma_start3A_2627] : memref<4x128x128xf32, #tpu.memory_space<vmem>> -> memref<1x128x128xf32, #tpu.memory_space<vmem>>
      %dma_start3A_2629 = tpu.memref_squeeze %dma_start3A_2628 : memref<1x128x128xf32, #tpu.memory_space<vmem>> -> memref<128x128xf32, #tpu.memory_space<vmem>>
      %dma_start3A_2630 = arith.constant 0 : i32
      %dma_start3A_2631 = tpu.memref_slice %arg7[%mul3A_2624, %dma_start3A_2630] : memref<4096x128xf32, #tpu.memory_space<vmem_shared>> -> memref<128x128xf32, #tpu.memory_space<vmem_shared>>
      %dma_start3A_2632 = arith.constant 0 : i32
      %dma_start3A_2633 = tpu.memref_slice %arg7[%mul3A_2624, %dma_start3A_2632] : memref<4096x128xf32, #tpu.memory_space<vmem_shared>> -> memref<128x128xf32, #tpu.memory_space<vmem_shared>>
      %dma_start3A_2634 = arith.constant 0 : i32
      %dma_start3A_2635 = arith.constant 0 : i32
      %dma_start3A_2636 = tpu.memref_slice %arg6[%dma_start3A_2625, %dma_start3A_2634, %dma_start3A_2635] : memref<4x128x128xf32, #tpu.memory_space<vmem>> -> memref<1x128x128xf32, #tpu.memory_space<vmem>>
      %dma_start3A_2637 = tpu.memref_squeeze %dma_start3A_2636 : memref<1x128x128xf32, #tpu.memory_space<vmem>> -> memref<128x128xf32, #tpu.memory_space<vmem>>
      tpu.enqueue_dma source(%dma_start3A_2637 : memref<128x128xf32, #tpu.memory_space<vmem>>) target(%dma_start3A_2633 : memref<128x128xf32, #tpu.memory_space<vmem_shared>>) target_semaphore(%arg13 : memref<!tpu.dma_semaphore, #tpu.memory_space<semaphore_mem>>)
      %sub3A_2638 = arith.constant 1 : i32
      %sub3A_2639 = arith.subi %add3A_2445, %sub3A_2638 : i32
      %mul3A_2640 = arith.constant 2 : i32
      %mul3A_2641 = arith.muli %arg1, %mul3A_2640 : i32
      %add3A_2642 = arith.constant 0 : i32
      %add3A_2643 = arith.addi %mul3A_2641, %add3A_2642 : i32
      %mul3A_2644 = arith.constant 128 : i32
      %mul3A_2645 = arith.muli %add3A_2643, %mul3A_2644 : i32
      %dma_wait3A_2646 = arith.constant 0 : i32
      %dma_wait3A_2647 = arith.constant 0 : i32
      %dma_wait3A_2648 = arith.constant 0 : i32
      %dma_wait3A_2649 = tpu.memref_slice %arg6[%dma_wait3A_2646, %dma_wait3A_2647, %dma_wait3A_2648] : memref<4x128x128xf32, #tpu.memory_space<vmem>> -> memref<1x128x128xf32, #tpu.memory_space<vmem>>
      %dma_wait3A_2650 = tpu.memref_squeeze %dma_wait3A_2649 : memref<1x128x128xf32, #tpu.memory_space<vmem>> -> memref<128x128xf32, #tpu.memory_space<vmem>>
      %dma_wait3A_2651 = arith.constant 0 : i32
      %dma_wait3A_2652 = tpu.memref_slice %arg7[%mul3A_2645, %dma_wait3A_2651] : memref<4096x128xf32, #tpu.memory_space<vmem_shared>> -> memref<128x128xf32, #tpu.memory_space<vmem_shared>>
      %dma_wait3A_2653 = arith.constant 0 : i32
      %dma_wait3A_2654 = tpu.memref_slice %arg7[%mul3A_2645, %dma_wait3A_2653] : memref<4096x128xf32, #tpu.memory_space<vmem_shared>> -> memref<128x128xf32, #tpu.memory_space<vmem_shared>>
      %dma_wait3A_2655 = arith.constant 0 : i32
      %dma_wait3A_2656 = arith.constant 0 : i32
      %dma_wait3A_2657 = tpu.memref_slice %arg6[%dma_wait3A_2646, %dma_wait3A_2655, %dma_wait3A_2656] : memref<4x128x128xf32, #tpu.memory_space<vmem>> -> memref<1x128x128xf32, #tpu.memory_space<vmem>>
      %dma_wait3A_2658 = tpu.memref_squeeze %dma_wait3A_2657 : memref<1x128x128xf32, #tpu.memory_space<vmem>> -> memref<128x128xf32, #tpu.memory_space<vmem>>
      tpu.wait_dma2 semaphore(%arg12 : memref<!tpu.dma_semaphore, #tpu.memory_space<semaphore_mem>>) src(%dma_wait3A_2658 : memref<128x128xf32, #tpu.memory_space<vmem>>) dst(%dma_wait3A_2654 : memref<128x128xf32, #tpu.memory_space<vmem_shared>>)
      %sub3A_2659 = arith.constant 1 : i32
      %sub3A_2660 = arith.subi %add3A_2445, %sub3A_2659 : i32
      %mul3A_2661 = arith.constant 2 : i32
      %mul3A_2662 = arith.muli %arg1, %mul3A_2661 : i32
      %add3A_2663 = arith.constant 0 : i32
      %add3A_2664 = arith.addi %mul3A_2662, %add3A_2663 : i32
      %mul3A_2665 = arith.constant 128 : i32
      %mul3A_2666 = arith.muli %add3A_2664, %mul3A_2665 : i32
      %mul3A_2667 = arith.constant 128 : i32
      %mul3A_2668 = arith.muli %sub3A_2660, %mul3A_2667 : i32
      %add3A_2669 = arith.addi %mul3A_2, %mul3A_2668 : i32
      %dma_start3A_2670 = arith.constant 0 : i32
      %dma_start3A_2671 = tpu.memref_slice %arg4[%add3A_2669, %dma_start3A_2670] : memref<819200x128xf32, #tpu.memory_space<hbm>> -> memref<128x128xf32, #tpu.memory_space<hbm>>
      %dma_start3A_2672 = arith.constant 0 : i32
      %dma_start3A_2673 = tpu.memref_slice %arg7[%mul3A_2666, %dma_start3A_2672] : memref<4096x128xf32, #tpu.memory_space<vmem_shared>> -> memref<128x128xf32, #tpu.memory_space<vmem_shared>>
      tpu.enqueue_dma source(%dma_start3A_2673 : memref<128x128xf32, #tpu.memory_space<vmem_shared>>) target(%dma_start3A_2671 : memref<128x128xf32, #tpu.memory_space<hbm>>) target_semaphore(%arg14 : memref<!tpu.dma_semaphore, #tpu.memory_space<semaphore_mem>>)
      %add3A_2674 = arith.constant 2 : i32
      %add3A_2675 = arith.addi %add3A_2214, %add3A_2674 : i32
      %add3A_2676 = arith.constant 1 : i32
      %add3A_2677 = arith.addi %add3A_2675, %add3A_2676 : i32
      %mul3A_2678 = arith.constant 128 : i32
      %mul3A_2679 = arith.muli %add3A_2677, %mul3A_2678 : i32
      %add3A_2680 = arith.constant 0 : i32
      %add3A_2681 = arith.addi %mul3A_2679, %add3A_2680 : i32
      %get3A_2682 = arith.index_cast %add3A_2681 : i32 to index
      %get3A_2683 = tpu.vector_load %arg5[%get3A_2682] {strides = array<i32>} : memref<25600xi32, #tpu.memory_space<vmem>>, vector<16xi32>,
      %get3A_2684 = vector.shape_cast %get3A_2683 : vector<16xi32> to vector<16xi32>
      %ge3A_2685 = arith.constant 100000 : i32
      %ge3A_2686 = vector.broadcast %ge3A_2685 : i32 to vector<16xi32>
      %ge3A_2687 = arith.cmpi sge, %get3A_2684, %ge3A_2686 : vector<16xi32>
      %jit3A_2688 = arith.constant 0 : i32
      %broadcast_in_dim3A_2689 = vector.broadcast %jit3A_2688 : i32 to vector<16xi32>
      %select_n3A_2690 = arith.select %ge3A_2687, %broadcast_in_dim3A_2689, %get3A_2684 : vector<16xi1>, vector<16xi32>
      %swap3A_2691 = arith.index_cast %add3A_2681 : i32 to index
      %swap3A_2692 = tpu.vector_load %arg5[%swap3A_2691] {strides = array<i32>} : memref<25600xi32, #tpu.memory_space<vmem>>, vector<16xi32>,
      %swap3A_2693 = vector.shape_cast %swap3A_2692 : vector<16xi32> to vector<16xi32>
      %swap3A_2694 = vector.shape_cast %select_n3A_2690 : vector<16xi32> to vector<16xi32>
      tpu.vector_store %arg5[%swap3A_2691], %swap3A_2694 {strides = array<i32>} : memref<25600xi32, #tpu.memory_space<vmem>>, vector<16xi32>,
      %mul3A_2695 = arith.constant 128 : i32
      %mul3A_2696 = arith.muli %add3A_2677, %mul3A_2695 : i32
      %add3A_2697 = arith.constant 16 : i32
      %add3A_2698 = arith.addi %mul3A_2696, %add3A_2697 : i32
      %get3A_2699 = arith.index_cast %add3A_2698 : i32 to index
      %get3A_2700 = tpu.vector_load %arg5[%get3A_2699] {strides = array<i32>} : memref<25600xi32, #tpu.memory_space<vmem>>, vector<16xi32>,
      %get3A_2701 = vector.shape_cast %get3A_2700 : vector<16xi32> to vector<16xi32>
      %ge3A_2702 = arith.constant 100000 : i32
      %ge3A_2703 = vector.broadcast %ge3A_2702 : i32 to vector<16xi32>
      %ge3A_2704 = arith.cmpi sge, %get3A_2701, %ge3A_2703 : vector<16xi32>
      %jit3A_2705 = arith.constant 0 : i32
      %broadcast_in_dim3A_2706 = vector.broadcast %jit3A_2705 : i32 to vector<16xi32>
      %select_n3A_2707 = arith.select %ge3A_2704, %broadcast_in_dim3A_2706, %get3A_2701 : vector<16xi1>, vector<16xi32>
      %swap3A_2708 = arith.index_cast %add3A_2698 : i32 to index
      %swap3A_2709 = tpu.vector_load %arg5[%swap3A_2708] {strides = array<i32>} : memref<25600xi32, #tpu.memory_space<vmem>>, vector<16xi32>,
      %swap3A_2710 = vector.shape_cast %swap3A_2709 : vector<16xi32> to vector<16xi32>
      %swap3A_2711 = vector.shape_cast %select_n3A_2707 : vector<16xi32> to vector<16xi32>
      tpu.vector_store %arg5[%swap3A_2708], %swap3A_2711 {strides = array<i32>} : memref<25600xi32, #tpu.memory_space<vmem>>, vector<16xi32>,
      %mul3A_2712 = arith.constant 128 : i32
      %mul3A_2713 = arith.muli %add3A_2677, %mul3A_2712 : i32
      %add3A_2714 = arith.constant 32 : i32
      %add3A_2715 = arith.addi %mul3A_2713, %add3A_2714 : i32
      %get3A_2716 = arith.index_cast %add3A_2715 : i32 to index
      %get3A_2717 = tpu.vector_load %arg5[%get3A_2716] {strides = array<i32>} : memref<25600xi32, #tpu.memory_space<vmem>>, vector<16xi32>,
      %get3A_2718 = vector.shape_cast %get3A_2717 : vector<16xi32> to vector<16xi32>
      %ge3A_2719 = arith.constant 100000 : i32
      %ge3A_2720 = vector.broadcast %ge3A_2719 : i32 to vector<16xi32>
      %ge3A_2721 = arith.cmpi sge, %get3A_2718, %ge3A_2720 : vector<16xi32>
      %jit3A_2722 = arith.constant 0 : i32
      %broadcast_in_dim3A_2723 = vector.broadcast %jit3A_2722 : i32 to vector<16xi32>
      %select_n3A_2724 = arith.select %ge3A_2721, %broadcast_in_dim3A_2723, %get3A_2718 : vector<16xi1>, vector<16xi32>
      %swap3A_2725 = arith.index_cast %add3A_2715 : i32 to index
      %swap3A_2726 = tpu.vector_load %arg5[%swap3A_2725] {strides = array<i32>} : memref<25600xi32, #tpu.memory_space<vmem>>, vector<16xi32>,
      %swap3A_2727 = vector.shape_cast %swap3A_2726 : vector<16xi32> to vector<16xi32>
      %swap3A_2728 = vector.shape_cast %select_n3A_2724 : vector<16xi32> to vector<16xi32>
      tpu.vector_store %arg5[%swap3A_2725], %swap3A_2728 {strides = array<i32>} : memref<25600xi32, #tpu.memory_space<vmem>>, vector<16xi32>,
      %mul3A_2729 = arith.constant 128 : i32
      %mul3A_2730 = arith.muli %add3A_2677, %mul3A_2729 : i32
      %add3A_2731 = arith.constant 48 : i32
      %add3A_2732 = arith.addi %mul3A_2730, %add3A_2731 : i32
      %get3A_2733 = arith.index_cast %add3A_2732 : i32 to index
      %get3A_2734 = tpu.vector_load %arg5[%get3A_2733] {strides = array<i32>} : memref<25600xi32, #tpu.memory_space<vmem>>, vector<16xi32>,
      %get3A_2735 = vector.shape_cast %get3A_2734 : vector<16xi32> to vector<16xi32>
      %ge3A_2736 = arith.constant 100000 : i32
      %ge3A_2737 = vector.broadcast %ge3A_2736 : i32 to vector<16xi32>
      %ge3A_2738 = arith.cmpi sge, %get3A_2735, %ge3A_2737 : vector<16xi32>
      %jit3A_2739 = arith.constant 0 : i32
      %broadcast_in_dim3A_2740 = vector.broadcast %jit3A_2739 : i32 to vector<16xi32>
      %select_n3A_2741 = arith.select %ge3A_2738, %broadcast_in_dim3A_2740, %get3A_2735 : vector<16xi1>, vector<16xi32>
      %swap3A_2742 = arith.index_cast %add3A_2732 : i32 to index
      %swap3A_2743 = tpu.vector_load %arg5[%swap3A_2742] {strides = array<i32>} : memref<25600xi32, #tpu.memory_space<vmem>>, vector<16xi32>,
      %swap3A_2744 = vector.shape_cast %swap3A_2743 : vector<16xi32> to vector<16xi32>
      %swap3A_2745 = vector.shape_cast %select_n3A_2741 : vector<16xi32> to vector<16xi32>
      tpu.vector_store %arg5[%swap3A_2742], %swap3A_2745 {strides = array<i32>} : memref<25600xi32, #tpu.memory_space<vmem>>, vector<16xi32>,
      %mul3A_2746 = arith.constant 128 : i32
      %mul3A_2747 = arith.muli %add3A_2677, %mul3A_2746 : i32
      %add3A_2748 = arith.constant 64 : i32
      %add3A_2749 = arith.addi %mul3A_2747, %add3A_2748 : i32
      %get3A_2750 = arith.index_cast %add3A_2749 : i32 to index
      %get3A_2751 = tpu.vector_load %arg5[%get3A_2750] {strides = array<i32>} : memref<25600xi32, #tpu.memory_space<vmem>>, vector<16xi32>,
      %get3A_2752 = vector.shape_cast %get3A_2751 : vector<16xi32> to vector<16xi32>
      %ge3A_2753 = arith.constant 100000 : i32
      %ge3A_2754 = vector.broadcast %ge3A_2753 : i32 to vector<16xi32>
      %ge3A_2755 = arith.cmpi sge, %get3A_2752, %ge3A_2754 : vector<16xi32>
      %jit3A_2756 = arith.constant 0 : i32
      %broadcast_in_dim3A_2757 = vector.broadcast %jit3A_2756 : i32 to vector<16xi32>
      %select_n3A_2758 = arith.select %ge3A_2755, %broadcast_in_dim3A_2757, %get3A_2752 : vector<16xi1>, vector<16xi32>
      %swap3A_2759 = arith.index_cast %add3A_2749 : i32 to index
      %swap3A_2760 = tpu.vector_load %arg5[%swap3A_2759] {strides = array<i32>} : memref<25600xi32, #tpu.memory_space<vmem>>, vector<16xi32>,
      %swap3A_2761 = vector.shape_cast %swap3A_2760 : vector<16xi32> to vector<16xi32>
      %swap3A_2762 = vector.shape_cast %select_n3A_2758 : vector<16xi32> to vector<16xi32>
      tpu.vector_store %arg5[%swap3A_2759], %swap3A_2762 {strides = array<i32>} : memref<25600xi32, #tpu.memory_space<vmem>>, vector<16xi32>,
      %mul3A_2763 = arith.constant 128 : i32
      %mul3A_2764 = arith.muli %add3A_2677, %mul3A_2763 : i32
      %add3A_2765 = arith.constant 80 : i32
      %add3A_2766 = arith.addi %mul3A_2764, %add3A_2765 : i32
      %get3A_2767 = arith.index_cast %add3A_2766 : i32 to index
      %get3A_2768 = tpu.vector_load %arg5[%get3A_2767] {strides = array<i32>} : memref<25600xi32, #tpu.memory_space<vmem>>, vector<16xi32>,
      %get3A_2769 = vector.shape_cast %get3A_2768 : vector<16xi32> to vector<16xi32>
      %ge3A_2770 = arith.constant 100000 : i32
      %ge3A_2771 = vector.broadcast %ge3A_2770 : i32 to vector<16xi32>
      %ge3A_2772 = arith.cmpi sge, %get3A_2769, %ge3A_2771 : vector<16xi32>
      %jit3A_2773 = arith.constant 0 : i32
      %broadcast_in_dim3A_2774 = vector.broadcast %jit3A_2773 : i32 to vector<16xi32>
      %select_n3A_2775 = arith.select %ge3A_2772, %broadcast_in_dim3A_2774, %get3A_2769 : vector<16xi1>, vector<16xi32>
      %swap3A_2776 = arith.index_cast %add3A_2766 : i32 to index
      %swap3A_2777 = tpu.vector_load %arg5[%swap3A_2776] {strides = array<i32>} : memref<25600xi32, #tpu.memory_space<vmem>>, vector<16xi32>,
      %swap3A_2778 = vector.shape_cast %swap3A_2777 : vector<16xi32> to vector<16xi32>
      %swap3A_2779 = vector.shape_cast %select_n3A_2775 : vector<16xi32> to vector<16xi32>
      tpu.vector_store %arg5[%swap3A_2776], %swap3A_2779 {strides = array<i32>} : memref<25600xi32, #tpu.memory_space<vmem>>, vector<16xi32>,
      %mul3A_2780 = arith.constant 128 : i32
      %mul3A_2781 = arith.muli %add3A_2677, %mul3A_2780 : i32
      %add3A_2782 = arith.constant 96 : i32
      %add3A_2783 = arith.addi %mul3A_2781, %add3A_2782 : i32
      %get3A_2784 = arith.index_cast %add3A_2783 : i32 to index
      %get3A_2785 = tpu.vector_load %arg5[%get3A_2784] {strides = array<i32>} : memref<25600xi32, #tpu.memory_space<vmem>>, vector<16xi32>,
      %get3A_2786 = vector.shape_cast %get3A_2785 : vector<16xi32> to vector<16xi32>
      %ge3A_2787 = arith.constant 100000 : i32
      %ge3A_2788 = vector.broadcast %ge3A_2787 : i32 to vector<16xi32>
      %ge3A_2789 = arith.cmpi sge, %get3A_2786, %ge3A_2788 : vector<16xi32>
      %jit3A_2790 = arith.constant 0 : i32
      %broadcast_in_dim3A_2791 = vector.broadcast %jit3A_2790 : i32 to vector<16xi32>
      %select_n3A_2792 = arith.select %ge3A_2789, %broadcast_in_dim3A_2791, %get3A_2786 : vector<16xi1>, vector<16xi32>
      %swap3A_2793 = arith.index_cast %add3A_2783 : i32 to index
      %swap3A_2794 = tpu.vector_load %arg5[%swap3A_2793] {strides = array<i32>} : memref<25600xi32, #tpu.memory_space<vmem>>, vector<16xi32>,
      %swap3A_2795 = vector.shape_cast %swap3A_2794 : vector<16xi32> to vector<16xi32>
      %swap3A_2796 = vector.shape_cast %select_n3A_2792 : vector<16xi32> to vector<16xi32>
      tpu.vector_store %arg5[%swap3A_2793], %swap3A_2796 {strides = array<i32>} : memref<25600xi32, #tpu.memory_space<vmem>>, vector<16xi32>,
      %mul3A_2797 = arith.constant 128 : i32
      %mul3A_2798 = arith.muli %add3A_2677, %mul3A_2797 : i32
      %add3A_2799 = arith.constant 112 : i32
      %add3A_2800 = arith.addi %mul3A_2798, %add3A_2799 : i32
      %get3A_2801 = arith.index_cast %add3A_2800 : i32 to index
      %get3A_2802 = tpu.vector_load %arg5[%get3A_2801] {strides = array<i32>} : memref<25600xi32, #tpu.memory_space<vmem>>, vector<16xi32>,
      %get3A_2803 = vector.shape_cast %get3A_2802 : vector<16xi32> to vector<16xi32>
      %ge3A_2804 = arith.constant 100000 : i32
      %ge3A_2805 = vector.broadcast %ge3A_2804 : i32 to vector<16xi32>
      %ge3A_2806 = arith.cmpi sge, %get3A_2803, %ge3A_2805 : vector<16xi32>
      %jit3A_2807 = arith.constant 0 : i32
      %broadcast_in_dim3A_2808 = vector.broadcast %jit3A_2807 : i32 to vector<16xi32>
      %select_n3A_2809 = arith.select %ge3A_2806, %broadcast_in_dim3A_2808, %get3A_2803 : vector<16xi1>, vector<16xi32>
      %swap3A_2810 = arith.index_cast %add3A_2800 : i32 to index
      %swap3A_2811 = tpu.vector_load %arg5[%swap3A_2810] {strides = array<i32>} : memref<25600xi32, #tpu.memory_space<vmem>>, vector<16xi32>,
      %swap3A_2812 = vector.shape_cast %swap3A_2811 : vector<16xi32> to vector<16xi32>
      %swap3A_2813 = vector.shape_cast %select_n3A_2809 : vector<16xi32> to vector<16xi32>
      tpu.vector_store %arg5[%swap3A_2810], %swap3A_2813 {strides = array<i32>} : memref<25600xi32, #tpu.memory_space<vmem>>, vector<16xi32>,
      %add3A_2814 = arith.constant 1 : i32
      %add3A_2815 = arith.addi %add3A_2675, %add3A_2814 : i32
      %mul3A_2816 = arith.constant 128 : i32
      %mul3A_2817 = arith.muli %add3A_2815, %mul3A_2816 : i32
      %dma_start3A_2818 = arith.constant 3 : i32
      %dma_start3A_2819 = arith.constant 0 : i32
      %dma_start3A_2820 = arith.constant 0 : i32
      %dma_start3A_2821 = tpu.memref_slice %arg6[%dma_start3A_2818, %dma_start3A_2819, %dma_start3A_2820] : memref<4x128x128xf32, #tpu.memory_space<vmem>> -> memref<1x128x128xf32, #tpu.memory_space<vmem>>
      %dma_start3A_2822 = tpu.memref_squeeze %dma_start3A_2821 : memref<1x128x128xf32, #tpu.memory_space<vmem>> -> memref<128x128xf32, #tpu.memory_space<vmem>>
      %dma_start3A_2823 = tpu.memref_slice %arg5[%mul3A_2817] : memref<25600xi32, #tpu.memory_space<vmem>> -> memref<128xi32, #tpu.memory_space<vmem>>
      %dma_start3A_2824 = arith.constant 0 : i32
      %dma_start3A_2825 = arith.constant 0 : i32
      %dma_start3A_2826 = tpu.memref_slice %arg3[%dma_start3A_2824, %dma_start3A_2825] : memref<100000x128xf32, #tpu.memory_space<hbm>> -> memref<100000x128xf32, #tpu.memory_space<hbm>>
      tpu.enqueue_indirect_dma source(%dma_start3A_2826 : memref<100000x128xf32, #tpu.memory_space<hbm>>) target(%dma_start3A_2822 : memref<128x128xf32, #tpu.memory_space<vmem>>) offsets(%dma_start3A_2823 : memref<128xi32, #tpu.memory_space<vmem>>) semaphore(%arg11 : memref<!tpu.dma_semaphore, #tpu.memory_space<semaphore_mem>>)
      %dma_wait3A_2827 = arith.constant 2 : i32
      %dma_wait3A_2828 = arith.constant 0 : i32
      %dma_wait3A_2829 = arith.constant 0 : i32
      %dma_wait3A_2830 = tpu.memref_slice %arg6[%dma_wait3A_2827, %dma_wait3A_2828, %dma_wait3A_2829] : memref<4x128x128xf32, #tpu.memory_space<vmem>> -> memref<1x128x128xf32, #tpu.memory_space<vmem>>
      %dma_wait3A_2831 = tpu.memref_squeeze %dma_wait3A_2830 : memref<1x128x128xf32, #tpu.memory_space<vmem>> -> memref<128x128xf32, #tpu.memory_space<vmem>>
      %dma_wait3A_2832 = arith.constant 0 : i32
      %dma_wait3A_2833 = tpu.memref_slice %arg5[%dma_wait3A_2832] : memref<25600xi32, #tpu.memory_space<vmem>> -> memref<128xi32, #tpu.memory_space<vmem>>
      %dma_wait3A_2834 = arith.constant 0 : i32
      %dma_wait3A_2835 = arith.constant 0 : i32
      %dma_wait3A_2836 = tpu.memref_slice %arg3[%dma_wait3A_2834, %dma_wait3A_2835] : memref<100000x128xf32, #tpu.memory_space<hbm>> -> memref<100000x128xf32, #tpu.memory_space<hbm>>
      tpu.wait_indirect_dma semaphore(%arg10 : memref<!tpu.dma_semaphore, #tpu.memory_space<semaphore_mem>>) src(%dma_wait3A_2836 : memref<100000x128xf32, #tpu.memory_space<hbm>>) dst(%dma_wait3A_2831 : memref<128x128xf32, #tpu.memory_space<vmem>>)
      %sub3A_2837 = arith.constant 2 : i32
      %sub3A_2838 = arith.subi %add3A_2675, %sub3A_2837 : i32
      %mul3A_2839 = arith.constant 2 : i32
      %mul3A_2840 = arith.muli %arg1, %mul3A_2839 : i32
      %add3A_2841 = arith.constant 0 : i32
      %add3A_2842 = arith.addi %mul3A_2840, %add3A_2841 : i32
      %mul3A_2843 = arith.constant 128 : i32
      %mul3A_2844 = arith.muli %add3A_2842, %mul3A_2843 : i32
      %dma_wait3A_2845 = arith.constant 0 : i32
      %dma_wait3A_2846 = tpu.memref_slice %arg4[%mul3A_2, %dma_wait3A_2845] : memref<819200x128xf32, #tpu.memory_space<hbm>> -> memref<128x128xf32, #tpu.memory_space<hbm>>
      %dma_wait3A_2847 = arith.constant 0 : i32
      %dma_wait3A_2848 = tpu.memref_slice %arg7[%mul3A_2844, %dma_wait3A_2847] : memref<4096x128xf32, #tpu.memory_space<vmem_shared>> -> memref<128x128xf32, #tpu.memory_space<vmem_shared>>
      tpu.wait_dma2 semaphore(%arg14 : memref<!tpu.dma_semaphore, #tpu.memory_space<semaphore_mem>>) src(%dma_wait3A_2848 : memref<128x128xf32, #tpu.memory_space<vmem_shared>>) dst(%dma_wait3A_2846 : memref<128x128xf32, #tpu.memory_space<hbm>>)
      %mul3A_2849 = arith.constant 2 : i32
      %mul3A_2850 = arith.muli %arg1, %mul3A_2849 : i32
      %add3A_2851 = arith.constant 0 : i32
      %add3A_2852 = arith.addi %mul3A_2850, %add3A_2851 : i32
      %mul3A_2853 = arith.constant 128 : i32
      %mul3A_2854 = arith.muli %add3A_2852, %mul3A_2853 : i32
      %dma_start3A_2855 = arith.constant 2 : i32
      %dma_start3A_2856 = arith.constant 0 : i32
      %dma_start3A_2857 = arith.constant 0 : i32
      %dma_start3A_2858 = tpu.memref_slice %arg6[%dma_start3A_2855, %dma_start3A_2856, %dma_start3A_2857] : memref<4x128x128xf32, #tpu.memory_space<vmem>> -> memref<1x128x128xf32, #tpu.memory_space<vmem>>
      %dma_start3A_2859 = tpu.memref_squeeze %dma_start3A_2858 : memref<1x128x128xf32, #tpu.memory_space<vmem>> -> memref<128x128xf32, #tpu.memory_space<vmem>>
      %dma_start3A_2860 = arith.constant 0 : i32
      %dma_start3A_2861 = tpu.memref_slice %arg7[%mul3A_2854, %dma_start3A_2860] : memref<4096x128xf32, #tpu.memory_space<vmem_shared>> -> memref<128x128xf32, #tpu.memory_space<vmem_shared>>
      %dma_start3A_2862 = arith.constant 0 : i32
      %dma_start3A_2863 = tpu.memref_slice %arg7[%mul3A_2854, %dma_start3A_2862] : memref<4096x128xf32, #tpu.memory_space<vmem_shared>> -> memref<128x128xf32, #tpu.memory_space<vmem_shared>>
      %dma_start3A_2864 = arith.constant 0 : i32
      %dma_start3A_2865 = arith.constant 0 : i32
      %dma_start3A_2866 = tpu.memref_slice %arg6[%dma_start3A_2855, %dma_start3A_2864, %dma_start3A_2865] : memref<4x128x128xf32, #tpu.memory_space<vmem>> -> memref<1x128x128xf32, #tpu.memory_space<vmem>>
      %dma_start3A_2867 = tpu.memref_squeeze %dma_start3A_2866 : memref<1x128x128xf32, #tpu.memory_space<vmem>> -> memref<128x128xf32, #tpu.memory_space<vmem>>
      tpu.enqueue_dma source(%dma_start3A_2867 : memref<128x128xf32, #tpu.memory_space<vmem>>) target(%dma_start3A_2863 : memref<128x128xf32, #tpu.memory_space<vmem_shared>>) target_semaphore(%arg12 : memref<!tpu.dma_semaphore, #tpu.memory_space<semaphore_mem>>)
      %sub3A_2868 = arith.constant 1 : i32
      %sub3A_2869 = arith.subi %add3A_2675, %sub3A_2868 : i32
      %mul3A_2870 = arith.constant 2 : i32
      %mul3A_2871 = arith.muli %arg1, %mul3A_2870 : i32
      %add3A_2872 = arith.constant 1 : i32
      %add3A_2873 = arith.addi %mul3A_2871, %add3A_2872 : i32
      %mul3A_2874 = arith.constant 128 : i32
      %mul3A_2875 = arith.muli %add3A_2873, %mul3A_2874 : i32
      %dma_wait3A_2876 = arith.constant 1 : i32
      %dma_wait3A_2877 = arith.constant 0 : i32
      %dma_wait3A_2878 = arith.constant 0 : i32
      %dma_wait3A_2879 = tpu.memref_slice %arg6[%dma_wait3A_2876, %dma_wait3A_2877, %dma_wait3A_2878] : memref<4x128x128xf32, #tpu.memory_space<vmem>> -> memref<1x128x128xf32, #tpu.memory_space<vmem>>
      %dma_wait3A_2880 = tpu.memref_squeeze %dma_wait3A_2879 : memref<1x128x128xf32, #tpu.memory_space<vmem>> -> memref<128x128xf32, #tpu.memory_space<vmem>>
      %dma_wait3A_2881 = arith.constant 0 : i32
      %dma_wait3A_2882 = tpu.memref_slice %arg7[%mul3A_2875, %dma_wait3A_2881] : memref<4096x128xf32, #tpu.memory_space<vmem_shared>> -> memref<128x128xf32, #tpu.memory_space<vmem_shared>>
      %dma_wait3A_2883 = arith.constant 0 : i32
      %dma_wait3A_2884 = tpu.memref_slice %arg7[%mul3A_2875, %dma_wait3A_2883] : memref<4096x128xf32, #tpu.memory_space<vmem_shared>> -> memref<128x128xf32, #tpu.memory_space<vmem_shared>>
      %dma_wait3A_2885 = arith.constant 0 : i32
      %dma_wait3A_2886 = arith.constant 0 : i32
      %dma_wait3A_2887 = tpu.memref_slice %arg6[%dma_wait3A_2876, %dma_wait3A_2885, %dma_wait3A_2886] : memref<4x128x128xf32, #tpu.memory_space<vmem>> -> memref<1x128x128xf32, #tpu.memory_space<vmem>>
      %dma_wait3A_2888 = tpu.memref_squeeze %dma_wait3A_2887 : memref<1x128x128xf32, #tpu.memory_space<vmem>> -> memref<128x128xf32, #tpu.memory_space<vmem>>
      tpu.wait_dma2 semaphore(%arg13 : memref<!tpu.dma_semaphore, #tpu.memory_space<semaphore_mem>>) src(%dma_wait3A_2888 : memref<128x128xf32, #tpu.memory_space<vmem>>) dst(%dma_wait3A_2884 : memref<128x128xf32, #tpu.memory_space<vmem_shared>>)
      %sub3A_2889 = arith.constant 1 : i32
      %sub3A_2890 = arith.subi %add3A_2675, %sub3A_2889 : i32
      %mul3A_2891 = arith.constant 2 : i32
      %mul3A_2892 = arith.muli %arg1, %mul3A_2891 : i32
      %add3A_2893 = arith.constant 1 : i32
      %add3A_2894 = arith.addi %mul3A_2892, %add3A_2893 : i32
      %mul3A_2895 = arith.constant 128 : i32
      %mul3A_2896 = arith.muli %add3A_2894, %mul3A_2895 : i32
      %mul3A_2897 = arith.constant 128 : i32
      %mul3A_2898 = arith.muli %sub3A_2890, %mul3A_2897 : i32
      %add3A_2899 = arith.addi %mul3A_2, %mul3A_2898 : i32
      %dma_start3A_2900 = arith.constant 0 : i32
      %dma_start3A_2901 = tpu.memref_slice %arg4[%add3A_2899, %dma_start3A_2900] : memref<819200x128xf32, #tpu.memory_space<hbm>> -> memref<128x128xf32, #tpu.memory_space<hbm>>
      %dma_start3A_2902 = arith.constant 0 : i32
      %dma_start3A_2903 = tpu.memref_slice %arg7[%mul3A_2896, %dma_start3A_2902] : memref<4096x128xf32, #tpu.memory_space<vmem_shared>> -> memref<128x128xf32, #tpu.memory_space<vmem_shared>>
      tpu.enqueue_dma source(%dma_start3A_2903 : memref<128x128xf32, #tpu.memory_space<vmem_shared>>) target(%dma_start3A_2901 : memref<128x128xf32, #tpu.memory_space<hbm>>) target_semaphore(%arg14 : memref<!tpu.dma_semaphore, #tpu.memory_space<semaphore_mem>>)
      %add3A_2904 = arith.constant 3 : i32
      %add3A_2905 = arith.addi %add3A_2214, %add3A_2904 : i32
      %add3A_2906 = arith.constant 1 : i32
      %add3A_2907 = arith.addi %add3A_2905, %add3A_2906 : i32
      %mul3A_2908 = arith.constant 128 : i32
      %mul3A_2909 = arith.muli %add3A_2907, %mul3A_2908 : i32
      %add3A_2910 = arith.constant 0 : i32
      %add3A_2911 = arith.addi %mul3A_2909, %add3A_2910 : i32
      %get3A_2912 = arith.index_cast %add3A_2911 : i32 to index
      %get3A_2913 = tpu.vector_load %arg5[%get3A_2912] {strides = array<i32>} : memref<25600xi32, #tpu.memory_space<vmem>>, vector<16xi32>,
      %get3A_2914 = vector.shape_cast %get3A_2913 : vector<16xi32> to vector<16xi32>
      %ge3A_2915 = arith.constant 100000 : i32
      %ge3A_2916 = vector.broadcast %ge3A_2915 : i32 to vector<16xi32>
      %ge3A_2917 = arith.cmpi sge, %get3A_2914, %ge3A_2916 : vector<16xi32>
      %jit3A_2918 = arith.constant 0 : i32
      %broadcast_in_dim3A_2919 = vector.broadcast %jit3A_2918 : i32 to vector<16xi32>
      %select_n3A_2920 = arith.select %ge3A_2917, %broadcast_in_dim3A_2919, %get3A_2914 : vector<16xi1>, vector<16xi32>
      %swap3A_2921 = arith.index_cast %add3A_2911 : i32 to index
      %swap3A_2922 = tpu.vector_load %arg5[%swap3A_2921] {strides = array<i32>} : memref<25600xi32, #tpu.memory_space<vmem>>, vector<16xi32>,
      %swap3A_2923 = vector.shape_cast %swap3A_2922 : vector<16xi32> to vector<16xi32>
      %swap3A_2924 = vector.shape_cast %select_n3A_2920 : vector<16xi32> to vector<16xi32>
      tpu.vector_store %arg5[%swap3A_2921], %swap3A_2924 {strides = array<i32>} : memref<25600xi32, #tpu.memory_space<vmem>>, vector<16xi32>,
      %mul3A_2925 = arith.constant 128 : i32
      %mul3A_2926 = arith.muli %add3A_2907, %mul3A_2925 : i32
      %add3A_2927 = arith.constant 16 : i32
      %add3A_2928 = arith.addi %mul3A_2926, %add3A_2927 : i32
      %get3A_2929 = arith.index_cast %add3A_2928 : i32 to index
      %get3A_2930 = tpu.vector_load %arg5[%get3A_2929] {strides = array<i32>} : memref<25600xi32, #tpu.memory_space<vmem>>, vector<16xi32>,
      %get3A_2931 = vector.shape_cast %get3A_2930 : vector<16xi32> to vector<16xi32>
      %ge3A_2932 = arith.constant 100000 : i32
      %ge3A_2933 = vector.broadcast %ge3A_2932 : i32 to vector<16xi32>
      %ge3A_2934 = arith.cmpi sge, %get3A_2931, %ge3A_2933 : vector<16xi32>
      %jit3A_2935 = arith.constant 0 : i32
      %broadcast_in_dim3A_2936 = vector.broadcast %jit3A_2935 : i32 to vector<16xi32>
      %select_n3A_2937 = arith.select %ge3A_2934, %broadcast_in_dim3A_2936, %get3A_2931 : vector<16xi1>, vector<16xi32>
      %swap3A_2938 = arith.index_cast %add3A_2928 : i32 to index
      %swap3A_2939 = tpu.vector_load %arg5[%swap3A_2938] {strides = array<i32>} : memref<25600xi32, #tpu.memory_space<vmem>>, vector<16xi32>,
      %swap3A_2940 = vector.shape_cast %swap3A_2939 : vector<16xi32> to vector<16xi32>
      %swap3A_2941 = vector.shape_cast %select_n3A_2937 : vector<16xi32> to vector<16xi32>
      tpu.vector_store %arg5[%swap3A_2938], %swap3A_2941 {strides = array<i32>} : memref<25600xi32, #tpu.memory_space<vmem>>, vector<16xi32>,
      %mul3A_2942 = arith.constant 128 : i32
      %mul3A_2943 = arith.muli %add3A_2907, %mul3A_2942 : i32
      %add3A_2944 = arith.constant 32 : i32
      %add3A_2945 = arith.addi %mul3A_2943, %add3A_2944 : i32
      %get3A_2946 = arith.index_cast %add3A_2945 : i32 to index
      %get3A_2947 = tpu.vector_load %arg5[%get3A_2946] {strides = array<i32>} : memref<25600xi32, #tpu.memory_space<vmem>>, vector<16xi32>,
      %get3A_2948 = vector.shape_cast %get3A_2947 : vector<16xi32> to vector<16xi32>
      %ge3A_2949 = arith.constant 100000 : i32
      %ge3A_2950 = vector.broadcast %ge3A_2949 : i32 to vector<16xi32>
      %ge3A_2951 = arith.cmpi sge, %get3A_2948, %ge3A_2950 : vector<16xi32>
      %jit3A_2952 = arith.constant 0 : i32
      %broadcast_in_dim3A_2953 = vector.broadcast %jit3A_2952 : i32 to vector<16xi32>
      %select_n3A_2954 = arith.select %ge3A_2951, %broadcast_in_dim3A_2953, %get3A_2948 : vector<16xi1>, vector<16xi32>
      %swap3A_2955 = arith.index_cast %add3A_2945 : i32 to index
      %swap3A_2956 = tpu.vector_load %arg5[%swap3A_2955] {strides = array<i32>} : memref<25600xi32, #tpu.memory_space<vmem>>, vector<16xi32>,
      %swap3A_2957 = vector.shape_cast %swap3A_2956 : vector<16xi32> to vector<16xi32>
      %swap3A_2958 = vector.shape_cast %select_n3A_2954 : vector<16xi32> to vector<16xi32>
      tpu.vector_store %arg5[%swap3A_2955], %swap3A_2958 {strides = array<i32>} : memref<25600xi32, #tpu.memory_space<vmem>>, vector<16xi32>,
      %mul3A_2959 = arith.constant 128 : i32
      %mul3A_2960 = arith.muli %add3A_2907, %mul3A_2959 : i32
      %add3A_2961 = arith.constant 48 : i32
      %add3A_2962 = arith.addi %mul3A_2960, %add3A_2961 : i32
      %get3A_2963 = arith.index_cast %add3A_2962 : i32 to index
      %get3A_2964 = tpu.vector_load %arg5[%get3A_2963] {strides = array<i32>} : memref<25600xi32, #tpu.memory_space<vmem>>, vector<16xi32>,
      %get3A_2965 = vector.shape_cast %get3A_2964 : vector<16xi32> to vector<16xi32>
      %ge3A_2966 = arith.constant 100000 : i32
      %ge3A_2967 = vector.broadcast %ge3A_2966 : i32 to vector<16xi32>
      %ge3A_2968 = arith.cmpi sge, %get3A_2965, %ge3A_2967 : vector<16xi32>
      %jit3A_2969 = arith.constant 0 : i32
      %broadcast_in_dim3A_2970 = vector.broadcast %jit3A_2969 : i32 to vector<16xi32>
      %select_n3A_2971 = arith.select %ge3A_2968, %broadcast_in_dim3A_2970, %get3A_2965 : vector<16xi1>, vector<16xi32>
      %swap3A_2972 = arith.index_cast %add3A_2962 : i32 to index
      %swap3A_2973 = tpu.vector_load %arg5[%swap3A_2972] {strides = array<i32>} : memref<25600xi32, #tpu.memory_space<vmem>>, vector<16xi32>,
      %swap3A_2974 = vector.shape_cast %swap3A_2973 : vector<16xi32> to vector<16xi32>
      %swap3A_2975 = vector.shape_cast %select_n3A_2971 : vector<16xi32> to vector<16xi32>
      tpu.vector_store %arg5[%swap3A_2972], %swap3A_2975 {strides = array<i32>} : memref<25600xi32, #tpu.memory_space<vmem>>, vector<16xi32>,
      %mul3A_2976 = arith.constant 128 : i32
      %mul3A_2977 = arith.muli %add3A_2907, %mul3A_2976 : i32
      %add3A_2978 = arith.constant 64 : i32
      %add3A_2979 = arith.addi %mul3A_2977, %add3A_2978 : i32
      %get3A_2980 = arith.index_cast %add3A_2979 : i32 to index
      %get3A_2981 = tpu.vector_load %arg5[%get3A_2980] {strides = array<i32>} : memref<25600xi32, #tpu.memory_space<vmem>>, vector<16xi32>,
      %get3A_2982 = vector.shape_cast %get3A_2981 : vector<16xi32> to vector<16xi32>
      %ge3A_2983 = arith.constant 100000 : i32
      %ge3A_2984 = vector.broadcast %ge3A_2983 : i32 to vector<16xi32>
      %ge3A_2985 = arith.cmpi sge, %get3A_2982, %ge3A_2984 : vector<16xi32>
      %jit3A_2986 = arith.constant 0 : i32
      %broadcast_in_dim3A_2987 = vector.broadcast %jit3A_2986 : i32 to vector<16xi32>
      %select_n3A_2988 = arith.select %ge3A_2985, %broadcast_in_dim3A_2987, %get3A_2982 : vector<16xi1>, vector<16xi32>
      %swap3A_2989 = arith.index_cast %add3A_2979 : i32 to index
      %swap3A_2990 = tpu.vector_load %arg5[%swap3A_2989] {strides = array<i32>} : memref<25600xi32, #tpu.memory_space<vmem>>, vector<16xi32>,
      %swap3A_2991 = vector.shape_cast %swap3A_2990 : vector<16xi32> to vector<16xi32>
      %swap3A_2992 = vector.shape_cast %select_n3A_2988 : vector<16xi32> to vector<16xi32>
      tpu.vector_store %arg5[%swap3A_2989], %swap3A_2992 {strides = array<i32>} : memref<25600xi32, #tpu.memory_space<vmem>>, vector<16xi32>,
      %mul3A_2993 = arith.constant 128 : i32
      %mul3A_2994 = arith.muli %add3A_2907, %mul3A_2993 : i32
      %add3A_2995 = arith.constant 80 : i32
      %add3A_2996 = arith.addi %mul3A_2994, %add3A_2995 : i32
      %get3A_2997 = arith.index_cast %add3A_2996 : i32 to index
      %get3A_2998 = tpu.vector_load %arg5[%get3A_2997] {strides = array<i32>} : memref<25600xi32, #tpu.memory_space<vmem>>, vector<16xi32>,
      %get3A_2999 = vector.shape_cast %get3A_2998 : vector<16xi32> to vector<16xi32>
      %ge3A_3000 = arith.constant 100000 : i32
      %ge3A_3001 = vector.broadcast %ge3A_3000 : i32 to vector<16xi32>
      %ge3A_3002 = arith.cmpi sge, %get3A_2999, %ge3A_3001 : vector<16xi32>
      %jit3A_3003 = arith.constant 0 : i32
      %broadcast_in_dim3A_3004 = vector.broadcast %jit3A_3003 : i32 to vector<16xi32>
      %select_n3A_3005 = arith.select %ge3A_3002, %broadcast_in_dim3A_3004, %get3A_2999 : vector<16xi1>, vector<16xi32>
      %swap3A_3006 = arith.index_cast %add3A_2996 : i32 to index
      %swap3A_3007 = tpu.vector_load %arg5[%swap3A_3006] {strides = array<i32>} : memref<25600xi32, #tpu.memory_space<vmem>>, vector<16xi32>,
      %swap3A_3008 = vector.shape_cast %swap3A_3007 : vector<16xi32> to vector<16xi32>
      %swap3A_3009 = vector.shape_cast %select_n3A_3005 : vector<16xi32> to vector<16xi32>
      tpu.vector_store %arg5[%swap3A_3006], %swap3A_3009 {strides = array<i32>} : memref<25600xi32, #tpu.memory_space<vmem>>, vector<16xi32>,
      %mul3A_3010 = arith.constant 128 : i32
      %mul3A_3011 = arith.muli %add3A_2907, %mul3A_3010 : i32
      %add3A_3012 = arith.constant 96 : i32
      %add3A_3013 = arith.addi %mul3A_3011, %add3A_3012 : i32
      %get3A_3014 = arith.index_cast %add3A_3013 : i32 to index
      %get3A_3015 = tpu.vector_load %arg5[%get3A_3014] {strides = array<i32>} : memref<25600xi32, #tpu.memory_space<vmem>>, vector<16xi32>,
      %get3A_3016 = vector.shape_cast %get3A_3015 : vector<16xi32> to vector<16xi32>
      %ge3A_3017 = arith.constant 100000 : i32
      %ge3A_3018 = vector.broadcast %ge3A_3017 : i32 to vector<16xi32>
      %ge3A_3019 = arith.cmpi sge, %get3A_3016, %ge3A_3018 : vector<16xi32>
      %jit3A_3020 = arith.constant 0 : i32
      %broadcast_in_dim3A_3021 = vector.broadcast %jit3A_3020 : i32 to vector<16xi32>
      %select_n3A_3022 = arith.select %ge3A_3019, %broadcast_in_dim3A_3021, %get3A_3016 : vector<16xi1>, vector<16xi32>
      %swap3A_3023 = arith.index_cast %add3A_3013 : i32 to index
      %swap3A_3024 = tpu.vector_load %arg5[%swap3A_3023] {strides = array<i32>} : memref<25600xi32, #tpu.memory_space<vmem>>, vector<16xi32>,
      %swap3A_3025 = vector.shape_cast %swap3A_3024 : vector<16xi32> to vector<16xi32>
      %swap3A_3026 = vector.shape_cast %select_n3A_3022 : vector<16xi32> to vector<16xi32>
      tpu.vector_store %arg5[%swap3A_3023], %swap3A_3026 {strides = array<i32>} : memref<25600xi32, #tpu.memory_space<vmem>>, vector<16xi32>,
      %mul3A_3027 = arith.constant 128 : i32
      %mul3A_3028 = arith.muli %add3A_2907, %mul3A_3027 : i32
      %add3A_3029 = arith.constant 112 : i32
      %add3A_3030 = arith.addi %mul3A_3028, %add3A_3029 : i32
      %get3A_3031 = arith.index_cast %add3A_3030 : i32 to index
      %get3A_3032 = tpu.vector_load %arg5[%get3A_3031] {strides = array<i32>} : memref<25600xi32, #tpu.memory_space<vmem>>, vector<16xi32>,
      %get3A_3033 = vector.shape_cast %get3A_3032 : vector<16xi32> to vector<16xi32>
      %ge3A_3034 = arith.constant 100000 : i32
      %ge3A_3035 = vector.broadcast %ge3A_3034 : i32 to vector<16xi32>
      %ge3A_3036 = arith.cmpi sge, %get3A_3033, %ge3A_3035 : vector<16xi32>
      %jit3A_3037 = arith.constant 0 : i32
      %broadcast_in_dim3A_3038 = vector.broadcast %jit3A_3037 : i32 to vector<16xi32>
      %select_n3A_3039 = arith.select %ge3A_3036, %broadcast_in_dim3A_3038, %get3A_3033 : vector<16xi1>, vector<16xi32>
      %swap3A_3040 = arith.index_cast %add3A_3030 : i32 to index
      %swap3A_3041 = tpu.vector_load %arg5[%swap3A_3040] {strides = array<i32>} : memref<25600xi32, #tpu.memory_space<vmem>>, vector<16xi32>,
      %swap3A_3042 = vector.shape_cast %swap3A_3041 : vector<16xi32> to vector<16xi32>
      %swap3A_3043 = vector.shape_cast %select_n3A_3039 : vector<16xi32> to vector<16xi32>
      tpu.vector_store %arg5[%swap3A_3040], %swap3A_3043 {strides = array<i32>} : memref<25600xi32, #tpu.memory_space<vmem>>, vector<16xi32>,
      %add3A_3044 = arith.constant 1 : i32
      %add3A_3045 = arith.addi %add3A_2905, %add3A_3044 : i32
      %mul3A_3046 = arith.constant 128 : i32
      %mul3A_3047 = arith.muli %add3A_3045, %mul3A_3046 : i32
      %dma_start3A_3048 = arith.constant 0 : i32
      %dma_start3A_3049 = arith.constant 0 : i32
      %dma_start3A_3050 = arith.constant 0 : i32
      %dma_start3A_3051 = tpu.memref_slice %arg6[%dma_start3A_3048, %dma_start3A_3049, %dma_start3A_3050] : memref<4x128x128xf32, #tpu.memory_space<vmem>> -> memref<1x128x128xf32, #tpu.memory_space<vmem>>
      %dma_start3A_3052 = tpu.memref_squeeze %dma_start3A_3051 : memref<1x128x128xf32, #tpu.memory_space<vmem>> -> memref<128x128xf32, #tpu.memory_space<vmem>>
      %dma_start3A_3053 = tpu.memref_slice %arg5[%mul3A_3047] : memref<25600xi32, #tpu.memory_space<vmem>> -> memref<128xi32, #tpu.memory_space<vmem>>
      %dma_start3A_3054 = arith.constant 0 : i32
      %dma_start3A_3055 = arith.constant 0 : i32
      %dma_start3A_3056 = tpu.memref_slice %arg3[%dma_start3A_3054, %dma_start3A_3055] : memref<100000x128xf32, #tpu.memory_space<hbm>> -> memref<100000x128xf32, #tpu.memory_space<hbm>>
      tpu.enqueue_indirect_dma source(%dma_start3A_3056 : memref<100000x128xf32, #tpu.memory_space<hbm>>) target(%dma_start3A_3052 : memref<128x128xf32, #tpu.memory_space<vmem>>) offsets(%dma_start3A_3053 : memref<128xi32, #tpu.memory_space<vmem>>) semaphore(%arg8 : memref<!tpu.dma_semaphore, #tpu.memory_space<semaphore_mem>>)
      %dma_wait3A_3057 = arith.constant 3 : i32
      %dma_wait3A_3058 = arith.constant 0 : i32
      %dma_wait3A_3059 = arith.constant 0 : i32
      %dma_wait3A_3060 = tpu.memref_slice %arg6[%dma_wait3A_3057, %dma_wait3A_3058, %dma_wait3A_3059] : memref<4x128x128xf32, #tpu.memory_space<vmem>> -> memref<1x128x128xf32, #tpu.memory_space<vmem>>
      %dma_wait3A_3061 = tpu.memref_squeeze %dma_wait3A_3060 : memref<1x128x128xf32, #tpu.memory_space<vmem>> -> memref<128x128xf32, #tpu.memory_space<vmem>>
      %dma_wait3A_3062 = arith.constant 0 : i32
      %dma_wait3A_3063 = tpu.memref_slice %arg5[%dma_wait3A_3062] : memref<25600xi32, #tpu.memory_space<vmem>> -> memref<128xi32, #tpu.memory_space<vmem>>
      %dma_wait3A_3064 = arith.constant 0 : i32
      %dma_wait3A_3065 = arith.constant 0 : i32
      %dma_wait3A_3066 = tpu.memref_slice %arg3[%dma_wait3A_3064, %dma_wait3A_3065] : memref<100000x128xf32, #tpu.memory_space<hbm>> -> memref<100000x128xf32, #tpu.memory_space<hbm>>
      tpu.wait_indirect_dma semaphore(%arg11 : memref<!tpu.dma_semaphore, #tpu.memory_space<semaphore_mem>>) src(%dma_wait3A_3066 : memref<100000x128xf32, #tpu.memory_space<hbm>>) dst(%dma_wait3A_3061 : memref<128x128xf32, #tpu.memory_space<vmem>>)
      %sub3A_3067 = arith.constant 2 : i32
      %sub3A_3068 = arith.subi %add3A_2905, %sub3A_3067 : i32
      %mul3A_3069 = arith.constant 2 : i32
      %mul3A_3070 = arith.muli %arg1, %mul3A_3069 : i32
      %add3A_3071 = arith.constant 1 : i32
      %add3A_3072 = arith.addi %mul3A_3070, %add3A_3071 : i32
      %mul3A_3073 = arith.constant 128 : i32
      %mul3A_3074 = arith.muli %add3A_3072, %mul3A_3073 : i32
      %dma_wait3A_3075 = arith.constant 0 : i32
      %dma_wait3A_3076 = tpu.memref_slice %arg4[%mul3A_2, %dma_wait3A_3075] : memref<819200x128xf32, #tpu.memory_space<hbm>> -> memref<128x128xf32, #tpu.memory_space<hbm>>
      %dma_wait3A_3077 = arith.constant 0 : i32
      %dma_wait3A_3078 = tpu.memref_slice %arg7[%mul3A_3074, %dma_wait3A_3077] : memref<4096x128xf32, #tpu.memory_space<vmem_shared>> -> memref<128x128xf32, #tpu.memory_space<vmem_shared>>
      tpu.wait_dma2 semaphore(%arg14 : memref<!tpu.dma_semaphore, #tpu.memory_space<semaphore_mem>>) src(%dma_wait3A_3078 : memref<128x128xf32, #tpu.memory_space<vmem_shared>>) dst(%dma_wait3A_3076 : memref<128x128xf32, #tpu.memory_space<hbm>>)
      %mul3A_3079 = arith.constant 2 : i32
      %mul3A_3080 = arith.muli %arg1, %mul3A_3079 : i32
      %add3A_3081 = arith.constant 1 : i32
      %add3A_3082 = arith.addi %mul3A_3080, %add3A_3081 : i32
      %mul3A_3083 = arith.constant 128 : i32
      %mul3A_3084 = arith.muli %add3A_3082, %mul3A_3083 : i32
      %dma_start3A_3085 = arith.constant 3 : i32
      %dma_start3A_3086 = arith.constant 0 : i32
      %dma_start3A_3087 = arith.constant 0 : i32
      %dma_start3A_3088 = tpu.memref_slice %arg6[%dma_start3A_3085, %dma_start3A_3086, %dma_start3A_3087] : memref<4x128x128xf32, #tpu.memory_space<vmem>> -> memref<1x128x128xf32, #tpu.memory_space<vmem>>
      %dma_start3A_3089 = tpu.memref_squeeze %dma_start3A_3088 : memref<1x128x128xf32, #tpu.memory_space<vmem>> -> memref<128x128xf32, #tpu.memory_space<vmem>>
      %dma_start3A_3090 = arith.constant 0 : i32
      %dma_start3A_3091 = tpu.memref_slice %arg7[%mul3A_3084, %dma_start3A_3090] : memref<4096x128xf32, #tpu.memory_space<vmem_shared>> -> memref<128x128xf32, #tpu.memory_space<vmem_shared>>
      %dma_start3A_3092 = arith.constant 0 : i32
      %dma_start3A_3093 = tpu.memref_slice %arg7[%mul3A_3084, %dma_start3A_3092] : memref<4096x128xf32, #tpu.memory_space<vmem_shared>> -> memref<128x128xf32, #tpu.memory_space<vmem_shared>>
      %dma_start3A_3094 = arith.constant 0 : i32
      %dma_start3A_3095 = arith.constant 0 : i32
      %dma_start3A_3096 = tpu.memref_slice %arg6[%dma_start3A_3085, %dma_start3A_3094, %dma_start3A_3095] : memref<4x128x128xf32, #tpu.memory_space<vmem>> -> memref<1x128x128xf32, #tpu.memory_space<vmem>>
      %dma_start3A_3097 = tpu.memref_squeeze %dma_start3A_3096 : memref<1x128x128xf32, #tpu.memory_space<vmem>> -> memref<128x128xf32, #tpu.memory_space<vmem>>
      tpu.enqueue_dma source(%dma_start3A_3097 : memref<128x128xf32, #tpu.memory_space<vmem>>) target(%dma_start3A_3093 : memref<128x128xf32, #tpu.memory_space<vmem_shared>>) target_semaphore(%arg13 : memref<!tpu.dma_semaphore, #tpu.memory_space<semaphore_mem>>)
      %sub3A_3098 = arith.constant 1 : i32
      %sub3A_3099 = arith.subi %add3A_2905, %sub3A_3098 : i32
      %mul3A_3100 = arith.constant 2 : i32
      %mul3A_3101 = arith.muli %arg1, %mul3A_3100 : i32
      %add3A_3102 = arith.constant 0 : i32
      %add3A_3103 = arith.addi %mul3A_3101, %add3A_3102 : i32
      %mul3A_3104 = arith.constant 128 : i32
      %mul3A_3105 = arith.muli %add3A_3103, %mul3A_3104 : i32
      %dma_wait3A_3106 = arith.constant 2 : i32
      %dma_wait3A_3107 = arith.constant 0 : i32
      %dma_wait3A_3108 = arith.constant 0 : i32
      %dma_wait3A_3109 = tpu.memref_slice %arg6[%dma_wait3A_3106, %dma_wait3A_3107, %dma_wait3A_3108] : memref<4x128x128xf32, #tpu.memory_space<vmem>> -> memref<1x128x128xf32, #tpu.memory_space<vmem>>
      %dma_wait3A_3110 = tpu.memref_squeeze %dma_wait3A_3109 : memref<1x128x128xf32, #tpu.memory_space<vmem>> -> memref<128x128xf32, #tpu.memory_space<vmem>>
      %dma_wait3A_3111 = arith.constant 0 : i32
      %dma_wait3A_3112 = tpu.memref_slice %arg7[%mul3A_3105, %dma_wait3A_3111] : memref<4096x128xf32, #tpu.memory_space<vmem_shared>> -> memref<128x128xf32, #tpu.memory_space<vmem_shared>>
      %dma_wait3A_3113 = arith.constant 0 : i32
      %dma_wait3A_3114 = tpu.memref_slice %arg7[%mul3A_3105, %dma_wait3A_3113] : memref<4096x128xf32, #tpu.memory_space<vmem_shared>> -> memref<128x128xf32, #tpu.memory_space<vmem_shared>>
      %dma_wait3A_3115 = arith.constant 0 : i32
      %dma_wait3A_3116 = arith.constant 0 : i32
      %dma_wait3A_3117 = tpu.memref_slice %arg6[%dma_wait3A_3106, %dma_wait3A_3115, %dma_wait3A_3116] : memref<4x128x128xf32, #tpu.memory_space<vmem>> -> memref<1x128x128xf32, #tpu.memory_space<vmem>>
      %dma_wait3A_3118 = tpu.memref_squeeze %dma_wait3A_3117 : memref<1x128x128xf32, #tpu.memory_space<vmem>> -> memref<128x128xf32, #tpu.memory_space<vmem>>
      tpu.wait_dma2 semaphore(%arg12 : memref<!tpu.dma_semaphore, #tpu.memory_space<semaphore_mem>>) src(%dma_wait3A_3118 : memref<128x128xf32, #tpu.memory_space<vmem>>) dst(%dma_wait3A_3114 : memref<128x128xf32, #tpu.memory_space<vmem_shared>>)
      %sub3A_3119 = arith.constant 1 : i32
      %sub3A_3120 = arith.subi %add3A_2905, %sub3A_3119 : i32
      %mul3A_3121 = arith.constant 2 : i32
      %mul3A_3122 = arith.muli %arg1, %mul3A_3121 : i32
      %add3A_3123 = arith.constant 0 : i32
      %add3A_3124 = arith.addi %mul3A_3122, %add3A_3123 : i32
      %mul3A_3125 = arith.constant 128 : i32
      %mul3A_3126 = arith.muli %add3A_3124, %mul3A_3125 : i32
      %mul3A_3127 = arith.constant 128 : i32
      %mul3A_3128 = arith.muli %sub3A_3120, %mul3A_3127 : i32
      %add3A_3129 = arith.addi %mul3A_2, %mul3A_3128 : i32
      %dma_start3A_3130 = arith.constant 0 : i32
      %dma_start3A_3131 = tpu.memref_slice %arg4[%add3A_3129, %dma_start3A_3130] : memref<819200x128xf32, #tpu.memory_space<hbm>> -> memref<128x128xf32, #tpu.memory_space<hbm>>
      %dma_start3A_3132 = arith.constant 0 : i32
      %dma_start3A_3133 = tpu.memref_slice %arg7[%mul3A_3126, %dma_start3A_3132] : memref<4096x128xf32, #tpu.memory_space<vmem_shared>> -> memref<128x128xf32, #tpu.memory_space<vmem_shared>>
      tpu.enqueue_dma source(%dma_start3A_3133 : memref<128x128xf32, #tpu.memory_space<vmem_shared>>) target(%dma_start3A_3131 : memref<128x128xf32, #tpu.memory_space<hbm>>) target_semaphore(%arg14 : memref<!tpu.dma_semaphore, #tpu.memory_space<semaphore_mem>>)
      %scan3A_3134 = arith.constant 0 : i32
      scf.yield %scan3A_3134 : i32
    }
    %scan3A_1535 = arith.constant 47 : i32
    %get3A_1536 = arith.constant 25216 : index
    %get3A_1537 = tpu.vector_load %arg5[%get3A_1536] {strides = array<i32>} : memref<25600xi32, #tpu.memory_space<vmem>>, vector<16xi32>,
    %get3A_1538 = vector.shape_cast %get3A_1537 : vector<16xi32> to vector<16xi32>
    %ge3A_1539 = arith.constant 100000 : i32
    %ge3A_1540 = vector.broadcast %ge3A_1539 : i32 to vector<16xi32>
    %ge3A_1541 = arith.cmpi sge, %get3A_1538, %ge3A_1540 : vector<16xi32>
    %jit3A_1542 = arith.constant 0 : i32
    %broadcast_in_dim3A_1543 = vector.broadcast %jit3A_1542 : i32 to vector<16xi32>
    %select_n3A_1544 = arith.select %ge3A_1541, %broadcast_in_dim3A_1543, %get3A_1538 : vector<16xi1>, vector<16xi32>
    %swap3A_1545 = arith.constant 25216 : index
    %swap3A_1546 = tpu.vector_load %arg5[%swap3A_1545] {strides = array<i32>} : memref<25600xi32, #tpu.memory_space<vmem>>, vector<16xi32>,
    %swap3A_1547 = vector.shape_cast %swap3A_1546 : vector<16xi32> to vector<16xi32>
    %swap3A_1548 = vector.shape_cast %select_n3A_1544 : vector<16xi32> to vector<16xi32>
    tpu.vector_store %arg5[%swap3A_1545], %swap3A_1548 {strides = array<i32>} : memref<25600xi32, #tpu.memory_space<vmem>>, vector<16xi32>,
    %get3A_1549 = arith.constant 25232 : index
    %get3A_1550 = tpu.vector_load %arg5[%get3A_1549] {strides = array<i32>} : memref<25600xi32, #tpu.memory_space<vmem>>, vector<16xi32>,
    %get3A_1551 = vector.shape_cast %get3A_1550 : vector<16xi32> to vector<16xi32>
    %ge3A_1552 = arith.constant 100000 : i32
    %ge3A_1553 = vector.broadcast %ge3A_1552 : i32 to vector<16xi32>
    %ge3A_1554 = arith.cmpi sge, %get3A_1551, %ge3A_1553 : vector<16xi32>
    %jit3A_1555 = arith.constant 0 : i32
    %broadcast_in_dim3A_1556 = vector.broadcast %jit3A_1555 : i32 to vector<16xi32>
    %select_n3A_1557 = arith.select %ge3A_1554, %broadcast_in_dim3A_1556, %get3A_1551 : vector<16xi1>, vector<16xi32>
    %swap3A_1558 = arith.constant 25232 : index
    %swap3A_1559 = tpu.vector_load %arg5[%swap3A_1558] {strides = array<i32>} : memref<25600xi32, #tpu.memory_space<vmem>>, vector<16xi32>,
    %swap3A_1560 = vector.shape_cast %swap3A_1559 : vector<16xi32> to vector<16xi32>
    %swap3A_1561 = vector.shape_cast %select_n3A_1557 : vector<16xi32> to vector<16xi32>
    tpu.vector_store %arg5[%swap3A_1558], %swap3A_1561 {strides = array<i32>} : memref<25600xi32, #tpu.memory_space<vmem>>, vector<16xi32>,
    %get3A_1562 = arith.constant 25248 : index
    %get3A_1563 = tpu.vector_load %arg5[%get3A_1562] {strides = array<i32>} : memref<25600xi32, #tpu.memory_space<vmem>>, vector<16xi32>,
    %get3A_1564 = vector.shape_cast %get3A_1563 : vector<16xi32> to vector<16xi32>
    %ge3A_1565 = arith.constant 100000 : i32
    %ge3A_1566 = vector.broadcast %ge3A_1565 : i32 to vector<16xi32>
    %ge3A_1567 = arith.cmpi sge, %get3A_1564, %ge3A_1566 : vector<16xi32>
    %jit3A_1568 = arith.constant 0 : i32
    %broadcast_in_dim3A_1569 = vector.broadcast %jit3A_1568 : i32 to vector<16xi32>
    %select_n3A_1570 = arith.select %ge3A_1567, %broadcast_in_dim3A_1569, %get3A_1564 : vector<16xi1>, vector<16xi32>
    %swap3A_1571 = arith.constant 25248 : index
    %swap3A_1572 = tpu.vector_load %arg5[%swap3A_1571] {strides = array<i32>} : memref<25600xi32, #tpu.memory_space<vmem>>, vector<16xi32>,
    %swap3A_1573 = vector.shape_cast %swap3A_1572 : vector<16xi32> to vector<16xi32>
    %swap3A_1574 = vector.shape_cast %select_n3A_1570 : vector<16xi32> to vector<16xi32>
    tpu.vector_store %arg5[%swap3A_1571], %swap3A_1574 {strides = array<i32>} : memref<25600xi32, #tpu.memory_space<vmem>>, vector<16xi32>,
    %get3A_1575 = arith.constant 25264 : index
    %get3A_1576 = tpu.vector_load %arg5[%get3A_1575] {strides = array<i32>} : memref<25600xi32, #tpu.memory_space<vmem>>, vector<16xi32>,
    %get3A_1577 = vector.shape_cast %get3A_1576 : vector<16xi32> to vector<16xi32>
    %ge3A_1578 = arith.constant 100000 : i32
    %ge3A_1579 = vector.broadcast %ge3A_1578 : i32 to vector<16xi32>
    %ge3A_1580 = arith.cmpi sge, %get3A_1577, %ge3A_1579 : vector<16xi32>
    %jit3A_1581 = arith.constant 0 : i32
    %broadcast_in_dim3A_1582 = vector.broadcast %jit3A_1581 : i32 to vector<16xi32>
    %select_n3A_1583 = arith.select %ge3A_1580, %broadcast_in_dim3A_1582, %get3A_1577 : vector<16xi1>, vector<16xi32>
    %swap3A_1584 = arith.constant 25264 : index
    %swap3A_1585 = tpu.vector_load %arg5[%swap3A_1584] {strides = array<i32>} : memref<25600xi32, #tpu.memory_space<vmem>>, vector<16xi32>,
    %swap3A_1586 = vector.shape_cast %swap3A_1585 : vector<16xi32> to vector<16xi32>
    %swap3A_1587 = vector.shape_cast %select_n3A_1583 : vector<16xi32> to vector<16xi32>
    tpu.vector_store %arg5[%swap3A_1584], %swap3A_1587 {strides = array<i32>} : memref<25600xi32, #tpu.memory_space<vmem>>, vector<16xi32>,
    %get3A_1588 = arith.constant 25280 : index
    %get3A_1589 = tpu.vector_load %arg5[%get3A_1588] {strides = array<i32>} : memref<25600xi32, #tpu.memory_space<vmem>>, vector<16xi32>,
    %get3A_1590 = vector.shape_cast %get3A_1589 : vector<16xi32> to vector<16xi32>
    %ge3A_1591 = arith.constant 100000 : i32
    %ge3A_1592 = vector.broadcast %ge3A_1591 : i32 to vector<16xi32>
    %ge3A_1593 = arith.cmpi sge, %get3A_1590, %ge3A_1592 : vector<16xi32>
    %jit3A_1594 = arith.constant 0 : i32
    %broadcast_in_dim3A_1595 = vector.broadcast %jit3A_1594 : i32 to vector<16xi32>
    %select_n3A_1596 = arith.select %ge3A_1593, %broadcast_in_dim3A_1595, %get3A_1590 : vector<16xi1>, vector<16xi32>
    %swap3A_1597 = arith.constant 25280 : index
    %swap3A_1598 = tpu.vector_load %arg5[%swap3A_1597] {strides = array<i32>} : memref<25600xi32, #tpu.memory_space<vmem>>, vector<16xi32>,
    %swap3A_1599 = vector.shape_cast %swap3A_1598 : vector<16xi32> to vector<16xi32>
    %swap3A_1600 = vector.shape_cast %select_n3A_1596 : vector<16xi32> to vector<16xi32>
    tpu.vector_store %arg5[%swap3A_1597], %swap3A_1600 {strides = array<i32>} : memref<25600xi32, #tpu.memory_space<vmem>>, vector<16xi32>,
    %get3A_1601 = arith.constant 25296 : index
    %get3A_1602 = tpu.vector_load %arg5[%get3A_1601] {strides = array<i32>} : memref<25600xi32, #tpu.memory_space<vmem>>, vector<16xi32>,
    %get3A_1603 = vector.shape_cast %get3A_1602 : vector<16xi32> to vector<16xi32>
    %ge3A_1604 = arith.constant 100000 : i32
    %ge3A_1605 = vector.broadcast %ge3A_1604 : i32 to vector<16xi32>
    %ge3A_1606 = arith.cmpi sge, %get3A_1603, %ge3A_1605 : vector<16xi32>
    %jit3A_1607 = arith.constant 0 : i32
    %broadcast_in_dim3A_1608 = vector.broadcast %jit3A_1607 : i32 to vector<16xi32>
    %select_n3A_1609 = arith.select %ge3A_1606, %broadcast_in_dim3A_1608, %get3A_1603 : vector<16xi1>, vector<16xi32>
    %swap3A_1610 = arith.constant 25296 : index
    %swap3A_1611 = tpu.vector_load %arg5[%swap3A_1610] {strides = array<i32>} : memref<25600xi32, #tpu.memory_space<vmem>>, vector<16xi32>,
    %swap3A_1612 = vector.shape_cast %swap3A_1611 : vector<16xi32> to vector<16xi32>
    %swap3A_1613 = vector.shape_cast %select_n3A_1609 : vector<16xi32> to vector<16xi32>
    tpu.vector_store %arg5[%swap3A_1610], %swap3A_1613 {strides = array<i32>} : memref<25600xi32, #tpu.memory_space<vmem>>, vector<16xi32>,
    %get3A_1614 = arith.constant 25312 : index
    %get3A_1615 = tpu.vector_load %arg5[%get3A_1614] {strides = array<i32>} : memref<25600xi32, #tpu.memory_space<vmem>>, vector<16xi32>,
    %get3A_1616 = vector.shape_cast %get3A_1615 : vector<16xi32> to vector<16xi32>
    %ge3A_1617 = arith.constant 100000 : i32
    %ge3A_1618 = vector.broadcast %ge3A_1617 : i32 to vector<16xi32>
    %ge3A_1619 = arith.cmpi sge, %get3A_1616, %ge3A_1618 : vector<16xi32>
    %jit3A_1620 = arith.constant 0 : i32
    %broadcast_in_dim3A_1621 = vector.broadcast %jit3A_1620 : i32 to vector<16xi32>
    %select_n3A_1622 = arith.select %ge3A_1619, %broadcast_in_dim3A_1621, %get3A_1616 : vector<16xi1>, vector<16xi32>
    %swap3A_1623 = arith.constant 25312 : index
    %swap3A_1624 = tpu.vector_load %arg5[%swap3A_1623] {strides = array<i32>} : memref<25600xi32, #tpu.memory_space<vmem>>, vector<16xi32>,
    %swap3A_1625 = vector.shape_cast %swap3A_1624 : vector<16xi32> to vector<16xi32>
    %swap3A_1626 = vector.shape_cast %select_n3A_1622 : vector<16xi32> to vector<16xi32>
    tpu.vector_store %arg5[%swap3A_1623], %swap3A_1626 {strides = array<i32>} : memref<25600xi32, #tpu.memory_space<vmem>>, vector<16xi32>,
    %get3A_1627 = arith.constant 25328 : index
    %get3A_1628 = tpu.vector_load %arg5[%get3A_1627] {strides = array<i32>} : memref<25600xi32, #tpu.memory_space<vmem>>, vector<16xi32>,
    %get3A_1629 = vector.shape_cast %get3A_1628 : vector<16xi32> to vector<16xi32>
    %ge3A_1630 = arith.constant 100000 : i32
    %ge3A_1631 = vector.broadcast %ge3A_1630 : i32 to vector<16xi32>
    %ge3A_1632 = arith.cmpi sge, %get3A_1629, %ge3A_1631 : vector<16xi32>
    %jit3A_1633 = arith.constant 0 : i32
    %broadcast_in_dim3A_1634 = vector.broadcast %jit3A_1633 : i32 to vector<16xi32>
    %select_n3A_1635 = arith.select %ge3A_1632, %broadcast_in_dim3A_1634, %get3A_1629 : vector<16xi1>, vector<16xi32>
    %swap3A_1636 = arith.constant 25328 : index
    %swap3A_1637 = tpu.vector_load %arg5[%swap3A_1636] {strides = array<i32>} : memref<25600xi32, #tpu.memory_space<vmem>>, vector<16xi32>,
    %swap3A_1638 = vector.shape_cast %swap3A_1637 : vector<16xi32> to vector<16xi32>
    %swap3A_1639 = vector.shape_cast %select_n3A_1635 : vector<16xi32> to vector<16xi32>
    tpu.vector_store %arg5[%swap3A_1636], %swap3A_1639 {strides = array<i32>} : memref<25600xi32, #tpu.memory_space<vmem>>, vector<16xi32>,
    %dma_start3A_1640 = arith.constant 1 : i32
    %dma_start3A_1641 = arith.constant 0 : i32
    %dma_start3A_1642 = arith.constant 0 : i32
    %dma_start3A_1643 = tpu.memref_slice %arg6[%dma_start3A_1640, %dma_start3A_1641, %dma_start3A_1642] : memref<4x128x128xf32, #tpu.memory_space<vmem>> -> memref<1x128x128xf32, #tpu.memory_space<vmem>>
    %dma_start3A_1644 = tpu.memref_squeeze %dma_start3A_1643 : memref<1x128x128xf32, #tpu.memory_space<vmem>> -> memref<128x128xf32, #tpu.memory_space<vmem>>
    %dma_start3A_1645 = arith.constant 25216 : i32
    %dma_start3A_1646 = tpu.memref_slice %arg5[%dma_start3A_1645] : memref<25600xi32, #tpu.memory_space<vmem>> -> memref<128xi32, #tpu.memory_space<vmem>>
    %dma_start3A_1647 = arith.constant 0 : i32
    %dma_start3A_1648 = arith.constant 0 : i32
    %dma_start3A_1649 = tpu.memref_slice %arg3[%dma_start3A_1647, %dma_start3A_1648] : memref<100000x128xf32, #tpu.memory_space<hbm>> -> memref<100000x128xf32, #tpu.memory_space<hbm>>
    tpu.enqueue_indirect_dma source(%dma_start3A_1649 : memref<100000x128xf32, #tpu.memory_space<hbm>>) target(%dma_start3A_1644 : memref<128x128xf32, #tpu.memory_space<vmem>>) offsets(%dma_start3A_1646 : memref<128xi32, #tpu.memory_space<vmem>>) semaphore(%arg9 : memref<!tpu.dma_semaphore, #tpu.memory_space<semaphore_mem>>)
    %dma_wait3A_1650 = arith.constant 0 : i32
    %dma_wait3A_1651 = arith.constant 0 : i32
    %dma_wait3A_1652 = arith.constant 0 : i32
    %dma_wait3A_1653 = tpu.memref_slice %arg6[%dma_wait3A_1650, %dma_wait3A_1651, %dma_wait3A_1652] : memref<4x128x128xf32, #tpu.memory_space<vmem>> -> memref<1x128x128xf32, #tpu.memory_space<vmem>>
    %dma_wait3A_1654 = tpu.memref_squeeze %dma_wait3A_1653 : memref<1x128x128xf32, #tpu.memory_space<vmem>> -> memref<128x128xf32, #tpu.memory_space<vmem>>
    %dma_wait3A_1655 = arith.constant 0 : i32
    %dma_wait3A_1656 = tpu.memref_slice %arg5[%dma_wait3A_1655] : memref<25600xi32, #tpu.memory_space<vmem>> -> memref<128xi32, #tpu.memory_space<vmem>>
    %dma_wait3A_1657 = arith.constant 0 : i32
    %dma_wait3A_1658 = arith.constant 0 : i32
    %dma_wait3A_1659 = tpu.memref_slice %arg3[%dma_wait3A_1657, %dma_wait3A_1658] : memref<100000x128xf32, #tpu.memory_space<hbm>> -> memref<100000x128xf32, #tpu.memory_space<hbm>>
    tpu.wait_indirect_dma semaphore(%arg8 : memref<!tpu.dma_semaphore, #tpu.memory_space<semaphore_mem>>) src(%dma_wait3A_1659 : memref<100000x128xf32, #tpu.memory_space<hbm>>) dst(%dma_wait3A_1654 : memref<128x128xf32, #tpu.memory_space<vmem>>)
    %mul3A_1660 = arith.constant 2 : i32
    %mul3A_1661 = arith.muli %arg1, %mul3A_1660 : i32
    %add3A_1662 = arith.constant 0 : i32
    %add3A_1663 = arith.addi %mul3A_1661, %add3A_1662 : i32
    %mul3A_1664 = arith.constant 128 : i32
    %mul3A_1665 = arith.muli %add3A_1663, %mul3A_1664 : i32
    %dma_wait3A_1666 = arith.constant 0 : i32
    %dma_wait3A_1667 = tpu.memref_slice %arg4[%mul3A_2, %dma_wait3A_1666] : memref<819200x128xf32, #tpu.memory_space<hbm>> -> memref<128x128xf32, #tpu.memory_space<hbm>>
    %dma_wait3A_1668 = arith.constant 0 : i32
    %dma_wait3A_1669 = tpu.memref_slice %arg7[%mul3A_1665, %dma_wait3A_1668] : memref<4096x128xf32, #tpu.memory_space<vmem_shared>> -> memref<128x128xf32, #tpu.memory_space<vmem_shared>>
    tpu.wait_dma2 semaphore(%arg14 : memref<!tpu.dma_semaphore, #tpu.memory_space<semaphore_mem>>) src(%dma_wait3A_1669 : memref<128x128xf32, #tpu.memory_space<vmem_shared>>) dst(%dma_wait3A_1667 : memref<128x128xf32, #tpu.memory_space<hbm>>)
    %mul3A_1670 = arith.constant 2 : i32
    %mul3A_1671 = arith.muli %arg1, %mul3A_1670 : i32
    %add3A_1672 = arith.constant 0 : i32
    %add3A_1673 = arith.addi %mul3A_1671, %add3A_1672 : i32
    %mul3A_1674 = arith.constant 128 : i32
    %mul3A_1675 = arith.muli %add3A_1673, %mul3A_1674 : i32
    %dma_start3A_1676 = arith.constant 0 : i32
    %dma_start3A_1677 = arith.constant 0 : i32
    %dma_start3A_1678 = arith.constant 0 : i32
    %dma_start3A_1679 = tpu.memref_slice %arg6[%dma_start3A_1676, %dma_start3A_1677, %dma_start3A_1678] : memref<4x128x128xf32, #tpu.memory_space<vmem>> -> memref<1x128x128xf32, #tpu.memory_space<vmem>>
    %dma_start3A_1680 = tpu.memref_squeeze %dma_start3A_1679 : memref<1x128x128xf32, #tpu.memory_space<vmem>> -> memref<128x128xf32, #tpu.memory_space<vmem>>
    %dma_start3A_1681 = arith.constant 0 : i32
    %dma_start3A_1682 = tpu.memref_slice %arg7[%mul3A_1675, %dma_start3A_1681] : memref<4096x128xf32, #tpu.memory_space<vmem_shared>> -> memref<128x128xf32, #tpu.memory_space<vmem_shared>>
    %dma_start3A_1683 = arith.constant 0 : i32
    %dma_start3A_1684 = tpu.memref_slice %arg7[%mul3A_1675, %dma_start3A_1683] : memref<4096x128xf32, #tpu.memory_space<vmem_shared>> -> memref<128x128xf32, #tpu.memory_space<vmem_shared>>
    %dma_start3A_1685 = arith.constant 0 : i32
    %dma_start3A_1686 = arith.constant 0 : i32
    %dma_start3A_1687 = tpu.memref_slice %arg6[%dma_start3A_1676, %dma_start3A_1685, %dma_start3A_1686] : memref<4x128x128xf32, #tpu.memory_space<vmem>> -> memref<1x128x128xf32, #tpu.memory_space<vmem>>
    %dma_start3A_1688 = tpu.memref_squeeze %dma_start3A_1687 : memref<1x128x128xf32, #tpu.memory_space<vmem>> -> memref<128x128xf32, #tpu.memory_space<vmem>>
    tpu.enqueue_dma source(%dma_start3A_1688 : memref<128x128xf32, #tpu.memory_space<vmem>>) target(%dma_start3A_1684 : memref<128x128xf32, #tpu.memory_space<vmem_shared>>) target_semaphore(%arg12 : memref<!tpu.dma_semaphore, #tpu.memory_space<semaphore_mem>>)
    %mul3A_1689 = arith.constant 2 : i32
    %mul3A_1690 = arith.muli %arg1, %mul3A_1689 : i32
    %add3A_1691 = arith.constant 1 : i32
    %add3A_1692 = arith.addi %mul3A_1690, %add3A_1691 : i32
    %mul3A_1693 = arith.constant 128 : i32
    %mul3A_1694 = arith.muli %add3A_1692, %mul3A_1693 : i32
    %dma_wait3A_1695 = arith.constant 3 : i32
    %dma_wait3A_1696 = arith.constant 0 : i32
    %dma_wait3A_1697 = arith.constant 0 : i32
    %dma_wait3A_1698 = tpu.memref_slice %arg6[%dma_wait3A_1695, %dma_wait3A_1696, %dma_wait3A_1697] : memref<4x128x128xf32, #tpu.memory_space<vmem>> -> memref<1x128x128xf32, #tpu.memory_space<vmem>>
    %dma_wait3A_1699 = tpu.memref_squeeze %dma_wait3A_1698 : memref<1x128x128xf32, #tpu.memory_space<vmem>> -> memref<128x128xf32, #tpu.memory_space<vmem>>
    %dma_wait3A_1700 = arith.constant 0 : i32
    %dma_wait3A_1701 = tpu.memref_slice %arg7[%mul3A_1694, %dma_wait3A_1700] : memref<4096x128xf32, #tpu.memory_space<vmem_shared>> -> memref<128x128xf32, #tpu.memory_space<vmem_shared>>
    %dma_wait3A_1702 = arith.constant 0 : i32
    %dma_wait3A_1703 = tpu.memref_slice %arg7[%mul3A_1694, %dma_wait3A_1702] : memref<4096x128xf32, #tpu.memory_space<vmem_shared>> -> memref<128x128xf32, #tpu.memory_space<vmem_shared>>
    %dma_wait3A_1704 = arith.constant 0 : i32
    %dma_wait3A_1705 = arith.constant 0 : i32
    %dma_wait3A_1706 = tpu.memref_slice %arg6[%dma_wait3A_1695, %dma_wait3A_1704, %dma_wait3A_1705] : memref<4x128x128xf32, #tpu.memory_space<vmem>> -> memref<1x128x128xf32, #tpu.memory_space<vmem>>
    %dma_wait3A_1707 = tpu.memref_squeeze %dma_wait3A_1706 : memref<1x128x128xf32, #tpu.memory_space<vmem>> -> memref<128x128xf32, #tpu.memory_space<vmem>>
    tpu.wait_dma2 semaphore(%arg13 : memref<!tpu.dma_semaphore, #tpu.memory_space<semaphore_mem>>) src(%dma_wait3A_1707 : memref<128x128xf32, #tpu.memory_space<vmem>>) dst(%dma_wait3A_1703 : memref<128x128xf32, #tpu.memory_space<vmem_shared>>)
    %mul3A_1708 = arith.constant 2 : i32
    %mul3A_1709 = arith.muli %arg1, %mul3A_1708 : i32
    %add3A_1710 = arith.constant 1 : i32
    %add3A_1711 = arith.addi %mul3A_1709, %add3A_1710 : i32
    %mul3A_1712 = arith.constant 128 : i32
    %mul3A_1713 = arith.muli %add3A_1711, %mul3A_1712 : i32
    %add3A_1714 = arith.constant 24960 : i32
    %add3A_1715 = arith.addi %mul3A_2, %add3A_1714 : i32
    %dma_start3A_1716 = arith.constant 0 : i32
    %dma_start3A_1717 = tpu.memref_slice %arg4[%add3A_1715, %dma_start3A_1716] : memref<819200x128xf32, #tpu.memory_space<hbm>> -> memref<128x128xf32, #tpu.memory_space<hbm>>
    %dma_start3A_1718 = arith.constant 0 : i32
    %dma_start3A_1719 = tpu.memref_slice %arg7[%mul3A_1713, %dma_start3A_1718] : memref<4096x128xf32, #tpu.memory_space<vmem_shared>> -> memref<128x128xf32, #tpu.memory_space<vmem_shared>>
    tpu.enqueue_dma source(%dma_start3A_1719 : memref<128x128xf32, #tpu.memory_space<vmem_shared>>) target(%dma_start3A_1717 : memref<128x128xf32, #tpu.memory_space<hbm>>) target_semaphore(%arg14 : memref<!tpu.dma_semaphore, #tpu.memory_space<semaphore_mem>>)
    %get3A_1720 = arith.constant 25344 : index
    %get3A_1721 = tpu.vector_load %arg5[%get3A_1720] {strides = array<i32>} : memref<25600xi32, #tpu.memory_space<vmem>>, vector<16xi32>,
    %get3A_1722 = vector.shape_cast %get3A_1721 : vector<16xi32> to vector<16xi32>
    %ge3A_1723 = arith.constant 100000 : i32
    %ge3A_1724 = vector.broadcast %ge3A_1723 : i32 to vector<16xi32>
    %ge3A_1725 = arith.cmpi sge, %get3A_1722, %ge3A_1724 : vector<16xi32>
    %jit3A_1726 = arith.constant 0 : i32
    %broadcast_in_dim3A_1727 = vector.broadcast %jit3A_1726 : i32 to vector<16xi32>
    %select_n3A_1728 = arith.select %ge3A_1725, %broadcast_in_dim3A_1727, %get3A_1722 : vector<16xi1>, vector<16xi32>
    %swap3A_1729 = arith.constant 25344 : index
    %swap3A_1730 = tpu.vector_load %arg5[%swap3A_1729] {strides = array<i32>} : memref<25600xi32, #tpu.memory_space<vmem>>, vector<16xi32>,
    %swap3A_1731 = vector.shape_cast %swap3A_1730 : vector<16xi32> to vector<16xi32>
    %swap3A_1732 = vector.shape_cast %select_n3A_1728 : vector<16xi32> to vector<16xi32>
    tpu.vector_store %arg5[%swap3A_1729], %swap3A_1732 {strides = array<i32>} : memref<25600xi32, #tpu.memory_space<vmem>>, vector<16xi32>,
    %get3A_1733 = arith.constant 25360 : index
    %get3A_1734 = tpu.vector_load %arg5[%get3A_1733] {strides = array<i32>} : memref<25600xi32, #tpu.memory_space<vmem>>, vector<16xi32>,
    %get3A_1735 = vector.shape_cast %get3A_1734 : vector<16xi32> to vector<16xi32>
    %ge3A_1736 = arith.constant 100000 : i32
    %ge3A_1737 = vector.broadcast %ge3A_1736 : i32 to vector<16xi32>
    %ge3A_1738 = arith.cmpi sge, %get3A_1735, %ge3A_1737 : vector<16xi32>
    %jit3A_1739 = arith.constant 0 : i32
    %broadcast_in_dim3A_1740 = vector.broadcast %jit3A_1739 : i32 to vector<16xi32>
    %select_n3A_1741 = arith.select %ge3A_1738, %broadcast_in_dim3A_1740, %get3A_1735 : vector<16xi1>, vector<16xi32>
    %swap3A_1742 = arith.constant 25360 : index
    %swap3A_1743 = tpu.vector_load %arg5[%swap3A_1742] {strides = array<i32>} : memref<25600xi32, #tpu.memory_space<vmem>>, vector<16xi32>,
    %swap3A_1744 = vector.shape_cast %swap3A_1743 : vector<16xi32> to vector<16xi32>
    %swap3A_1745 = vector.shape_cast %select_n3A_1741 : vector<16xi32> to vector<16xi32>
    tpu.vector_store %arg5[%swap3A_1742], %swap3A_1745 {strides = array<i32>} : memref<25600xi32, #tpu.memory_space<vmem>>, vector<16xi32>,
    %get3A_1746 = arith.constant 25376 : index
    %get3A_1747 = tpu.vector_load %arg5[%get3A_1746] {strides = array<i32>} : memref<25600xi32, #tpu.memory_space<vmem>>, vector<16xi32>,
    %get3A_1748 = vector.shape_cast %get3A_1747 : vector<16xi32> to vector<16xi32>
    %ge3A_1749 = arith.constant 100000 : i32
    %ge3A_1750 = vector.broadcast %ge3A_1749 : i32 to vector<16xi32>
    %ge3A_1751 = arith.cmpi sge, %get3A_1748, %ge3A_1750 : vector<16xi32>
    %jit3A_1752 = arith.constant 0 : i32
    %broadcast_in_dim3A_1753 = vector.broadcast %jit3A_1752 : i32 to vector<16xi32>
    %select_n3A_1754 = arith.select %ge3A_1751, %broadcast_in_dim3A_1753, %get3A_1748 : vector<16xi1>, vector<16xi32>
    %swap3A_1755 = arith.constant 25376 : index
    %swap3A_1756 = tpu.vector_load %arg5[%swap3A_1755] {strides = array<i32>} : memref<25600xi32, #tpu.memory_space<vmem>>, vector<16xi32>,
    %swap3A_1757 = vector.shape_cast %swap3A_1756 : vector<16xi32> to vector<16xi32>
    %swap3A_1758 = vector.shape_cast %select_n3A_1754 : vector<16xi32> to vector<16xi32>
    tpu.vector_store %arg5[%swap3A_1755], %swap3A_1758 {strides = array<i32>} : memref<25600xi32, #tpu.memory_space<vmem>>, vector<16xi32>,
    %get3A_1759 = arith.constant 25392 : index
    %get3A_1760 = tpu.vector_load %arg5[%get3A_1759] {strides = array<i32>} : memref<25600xi32, #tpu.memory_space<vmem>>, vector<16xi32>,
    %get3A_1761 = vector.shape_cast %get3A_1760 : vector<16xi32> to vector<16xi32>
    %ge3A_1762 = arith.constant 100000 : i32
    %ge3A_1763 = vector.broadcast %ge3A_1762 : i32 to vector<16xi32>
    %ge3A_1764 = arith.cmpi sge, %get3A_1761, %ge3A_1763 : vector<16xi32>
    %jit3A_1765 = arith.constant 0 : i32
    %broadcast_in_dim3A_1766 = vector.broadcast %jit3A_1765 : i32 to vector<16xi32>
    %select_n3A_1767 = arith.select %ge3A_1764, %broadcast_in_dim3A_1766, %get3A_1761 : vector<16xi1>, vector<16xi32>
    %swap3A_1768 = arith.constant 25392 : index
    %swap3A_1769 = tpu.vector_load %arg5[%swap3A_1768] {strides = array<i32>} : memref<25600xi32, #tpu.memory_space<vmem>>, vector<16xi32>,
    %swap3A_1770 = vector.shape_cast %swap3A_1769 : vector<16xi32> to vector<16xi32>
    %swap3A_1771 = vector.shape_cast %select_n3A_1767 : vector<16xi32> to vector<16xi32>
    tpu.vector_store %arg5[%swap3A_1768], %swap3A_1771 {strides = array<i32>} : memref<25600xi32, #tpu.memory_space<vmem>>, vector<16xi32>,
    %get3A_1772 = arith.constant 25408 : index
    %get3A_1773 = tpu.vector_load %arg5[%get3A_1772] {strides = array<i32>} : memref<25600xi32, #tpu.memory_space<vmem>>, vector<16xi32>,
    %get3A_1774 = vector.shape_cast %get3A_1773 : vector<16xi32> to vector<16xi32>
    %ge3A_1775 = arith.constant 100000 : i32
    %ge3A_1776 = vector.broadcast %ge3A_1775 : i32 to vector<16xi32>
    %ge3A_1777 = arith.cmpi sge, %get3A_1774, %ge3A_1776 : vector<16xi32>
    %jit3A_1778 = arith.constant 0 : i32
    %broadcast_in_dim3A_1779 = vector.broadcast %jit3A_1778 : i32 to vector<16xi32>
    %select_n3A_1780 = arith.select %ge3A_1777, %broadcast_in_dim3A_1779, %get3A_1774 : vector<16xi1>, vector<16xi32>
    %swap3A_1781 = arith.constant 25408 : index
    %swap3A_1782 = tpu.vector_load %arg5[%swap3A_1781] {strides = array<i32>} : memref<25600xi32, #tpu.memory_space<vmem>>, vector<16xi32>,
    %swap3A_1783 = vector.shape_cast %swap3A_1782 : vector<16xi32> to vector<16xi32>
    %swap3A_1784 = vector.shape_cast %select_n3A_1780 : vector<16xi32> to vector<16xi32>
    tpu.vector_store %arg5[%swap3A_1781], %swap3A_1784 {strides = array<i32>} : memref<25600xi32, #tpu.memory_space<vmem>>, vector<16xi32>,
    %get3A_1785 = arith.constant 25424 : index
    %get3A_1786 = tpu.vector_load %arg5[%get3A_1785] {strides = array<i32>} : memref<25600xi32, #tpu.memory_space<vmem>>, vector<16xi32>,
    %get3A_1787 = vector.shape_cast %get3A_1786 : vector<16xi32> to vector<16xi32>
    %ge3A_1788 = arith.constant 100000 : i32
    %ge3A_1789 = vector.broadcast %ge3A_1788 : i32 to vector<16xi32>
    %ge3A_1790 = arith.cmpi sge, %get3A_1787, %ge3A_1789 : vector<16xi32>
    %jit3A_1791 = arith.constant 0 : i32
    %broadcast_in_dim3A_1792 = vector.broadcast %jit3A_1791 : i32 to vector<16xi32>
    %select_n3A_1793 = arith.select %ge3A_1790, %broadcast_in_dim3A_1792, %get3A_1787 : vector<16xi1>, vector<16xi32>
    %swap3A_1794 = arith.constant 25424 : index
    %swap3A_1795 = tpu.vector_load %arg5[%swap3A_1794] {strides = array<i32>} : memref<25600xi32, #tpu.memory_space<vmem>>, vector<16xi32>,
    %swap3A_1796 = vector.shape_cast %swap3A_1795 : vector<16xi32> to vector<16xi32>
    %swap3A_1797 = vector.shape_cast %select_n3A_1793 : vector<16xi32> to vector<16xi32>
    tpu.vector_store %arg5[%swap3A_1794], %swap3A_1797 {strides = array<i32>} : memref<25600xi32, #tpu.memory_space<vmem>>, vector<16xi32>,
    %get3A_1798 = arith.constant 25440 : index
    %get3A_1799 = tpu.vector_load %arg5[%get3A_1798] {strides = array<i32>} : memref<25600xi32, #tpu.memory_space<vmem>>, vector<16xi32>,
    %get3A_1800 = vector.shape_cast %get3A_1799 : vector<16xi32> to vector<16xi32>
    %ge3A_1801 = arith.constant 100000 : i32
    %ge3A_1802 = vector.broadcast %ge3A_1801 : i32 to vector<16xi32>
    %ge3A_1803 = arith.cmpi sge, %get3A_1800, %ge3A_1802 : vector<16xi32>
    %jit3A_1804 = arith.constant 0 : i32
    %broadcast_in_dim3A_1805 = vector.broadcast %jit3A_1804 : i32 to vector<16xi32>
    %select_n3A_1806 = arith.select %ge3A_1803, %broadcast_in_dim3A_1805, %get3A_1800 : vector<16xi1>, vector<16xi32>
    %swap3A_1807 = arith.constant 25440 : index
    %swap3A_1808 = tpu.vector_load %arg5[%swap3A_1807] {strides = array<i32>} : memref<25600xi32, #tpu.memory_space<vmem>>, vector<16xi32>,
    %swap3A_1809 = vector.shape_cast %swap3A_1808 : vector<16xi32> to vector<16xi32>
    %swap3A_1810 = vector.shape_cast %select_n3A_1806 : vector<16xi32> to vector<16xi32>
    tpu.vector_store %arg5[%swap3A_1807], %swap3A_1810 {strides = array<i32>} : memref<25600xi32, #tpu.memory_space<vmem>>, vector<16xi32>,
    %get3A_1811 = arith.constant 25456 : index
    %get3A_1812 = tpu.vector_load %arg5[%get3A_1811] {strides = array<i32>} : memref<25600xi32, #tpu.memory_space<vmem>>, vector<16xi32>,
    %get3A_1813 = vector.shape_cast %get3A_1812 : vector<16xi32> to vector<16xi32>
    %ge3A_1814 = arith.constant 100000 : i32
    %ge3A_1815 = vector.broadcast %ge3A_1814 : i32 to vector<16xi32>
    %ge3A_1816 = arith.cmpi sge, %get3A_1813, %ge3A_1815 : vector<16xi32>
    %jit3A_1817 = arith.constant 0 : i32
    %broadcast_in_dim3A_1818 = vector.broadcast %jit3A_1817 : i32 to vector<16xi32>
    %select_n3A_1819 = arith.select %ge3A_1816, %broadcast_in_dim3A_1818, %get3A_1813 : vector<16xi1>, vector<16xi32>
    %swap3A_1820 = arith.constant 25456 : index
    %swap3A_1821 = tpu.vector_load %arg5[%swap3A_1820] {strides = array<i32>} : memref<25600xi32, #tpu.memory_space<vmem>>, vector<16xi32>,
    %swap3A_1822 = vector.shape_cast %swap3A_1821 : vector<16xi32> to vector<16xi32>
    %swap3A_1823 = vector.shape_cast %select_n3A_1819 : vector<16xi32> to vector<16xi32>
    tpu.vector_store %arg5[%swap3A_1820], %swap3A_1823 {strides = array<i32>} : memref<25600xi32, #tpu.memory_space<vmem>>, vector<16xi32>,
    %dma_start3A_1824 = arith.constant 2 : i32
    %dma_start3A_1825 = arith.constant 0 : i32
    %dma_start3A_1826 = arith.constant 0 : i32
    %dma_start3A_1827 = tpu.memref_slice %arg6[%dma_start3A_1824, %dma_start3A_1825, %dma_start3A_1826] : memref<4x128x128xf32, #tpu.memory_space<vmem>> -> memref<1x128x128xf32, #tpu.memory_space<vmem>>
    %dma_start3A_1828 = tpu.memref_squeeze %dma_start3A_1827 : memref<1x128x128xf32, #tpu.memory_space<vmem>> -> memref<128x128xf32, #tpu.memory_space<vmem>>
    %dma_start3A_1829 = arith.constant 25344 : i32
    %dma_start3A_1830 = tpu.memref_slice %arg5[%dma_start3A_1829] : memref<25600xi32, #tpu.memory_space<vmem>> -> memref<128xi32, #tpu.memory_space<vmem>>
    %dma_start3A_1831 = arith.constant 0 : i32
    %dma_start3A_1832 = arith.constant 0 : i32
    %dma_start3A_1833 = tpu.memref_slice %arg3[%dma_start3A_1831, %dma_start3A_1832] : memref<100000x128xf32, #tpu.memory_space<hbm>> -> memref<100000x128xf32, #tpu.memory_space<hbm>>
    tpu.enqueue_indirect_dma source(%dma_start3A_1833 : memref<100000x128xf32, #tpu.memory_space<hbm>>) target(%dma_start3A_1828 : memref<128x128xf32, #tpu.memory_space<vmem>>) offsets(%dma_start3A_1830 : memref<128xi32, #tpu.memory_space<vmem>>) semaphore(%arg10 : memref<!tpu.dma_semaphore, #tpu.memory_space<semaphore_mem>>)
    %dma_wait3A_1834 = arith.constant 1 : i32
    %dma_wait3A_1835 = arith.constant 0 : i32
    %dma_wait3A_1836 = arith.constant 0 : i32
    %dma_wait3A_1837 = tpu.memref_slice %arg6[%dma_wait3A_1834, %dma_wait3A_1835, %dma_wait3A_1836] : memref<4x128x128xf32, #tpu.memory_space<vmem>> -> memref<1x128x128xf32, #tpu.memory_space<vmem>>
    %dma_wait3A_1838 = tpu.memref_squeeze %dma_wait3A_1837 : memref<1x128x128xf32, #tpu.memory_space<vmem>> -> memref<128x128xf32, #tpu.memory_space<vmem>>
    %dma_wait3A_1839 = arith.constant 0 : i32
    %dma_wait3A_1840 = tpu.memref_slice %arg5[%dma_wait3A_1839] : memref<25600xi32, #tpu.memory_space<vmem>> -> memref<128xi32, #tpu.memory_space<vmem>>
    %dma_wait3A_1841 = arith.constant 0 : i32
    %dma_wait3A_1842 = arith.constant 0 : i32
    %dma_wait3A_1843 = tpu.memref_slice %arg3[%dma_wait3A_1841, %dma_wait3A_1842] : memref<100000x128xf32, #tpu.memory_space<hbm>> -> memref<100000x128xf32, #tpu.memory_space<hbm>>
    tpu.wait_indirect_dma semaphore(%arg9 : memref<!tpu.dma_semaphore, #tpu.memory_space<semaphore_mem>>) src(%dma_wait3A_1843 : memref<100000x128xf32, #tpu.memory_space<hbm>>) dst(%dma_wait3A_1838 : memref<128x128xf32, #tpu.memory_space<vmem>>)
    %mul3A_1844 = arith.constant 2 : i32
    %mul3A_1845 = arith.muli %arg1, %mul3A_1844 : i32
    %add3A_1846 = arith.constant 1 : i32
    %add3A_1847 = arith.addi %mul3A_1845, %add3A_1846 : i32
    %mul3A_1848 = arith.constant 128 : i32
    %mul3A_1849 = arith.muli %add3A_1847, %mul3A_1848 : i32
    %dma_wait3A_1850 = arith.constant 0 : i32
    %dma_wait3A_1851 = tpu.memref_slice %arg4[%mul3A_2, %dma_wait3A_1850] : memref<819200x128xf32, #tpu.memory_space<hbm>> -> memref<128x128xf32, #tpu.memory_space<hbm>>
    %dma_wait3A_1852 = arith.constant 0 : i32
    %dma_wait3A_1853 = tpu.memref_slice %arg7[%mul3A_1849, %dma_wait3A_1852] : memref<4096x128xf32, #tpu.memory_space<vmem_shared>> -> memref<128x128xf32, #tpu.memory_space<vmem_shared>>
    tpu.wait_dma2 semaphore(%arg14 : memref<!tpu.dma_semaphore, #tpu.memory_space<semaphore_mem>>) src(%dma_wait3A_1853 : memref<128x128xf32, #tpu.memory_space<vmem_shared>>) dst(%dma_wait3A_1851 : memref<128x128xf32, #tpu.memory_space<hbm>>)
    %mul3A_1854 = arith.constant 2 : i32
    %mul3A_1855 = arith.muli %arg1, %mul3A_1854 : i32
    %add3A_1856 = arith.constant 1 : i32
    %add3A_1857 = arith.addi %mul3A_1855, %add3A_1856 : i32
    %mul3A_1858 = arith.constant 128 : i32
    %mul3A_1859 = arith.muli %add3A_1857, %mul3A_1858 : i32
    %dma_start3A_1860 = arith.constant 1 : i32
    %dma_start3A_1861 = arith.constant 0 : i32
    %dma_start3A_1862 = arith.constant 0 : i32
    %dma_start3A_1863 = tpu.memref_slice %arg6[%dma_start3A_1860, %dma_start3A_1861, %dma_start3A_1862] : memref<4x128x128xf32, #tpu.memory_space<vmem>> -> memref<1x128x128xf32, #tpu.memory_space<vmem>>
    %dma_start3A_1864 = tpu.memref_squeeze %dma_start3A_1863 : memref<1x128x128xf32, #tpu.memory_space<vmem>> -> memref<128x128xf32, #tpu.memory_space<vmem>>
    %dma_start3A_1865 = arith.constant 0 : i32
    %dma_start3A_1866 = tpu.memref_slice %arg7[%mul3A_1859, %dma_start3A_1865] : memref<4096x128xf32, #tpu.memory_space<vmem_shared>> -> memref<128x128xf32, #tpu.memory_space<vmem_shared>>
    %dma_start3A_1867 = arith.constant 0 : i32
    %dma_start3A_1868 = tpu.memref_slice %arg7[%mul3A_1859, %dma_start3A_1867] : memref<4096x128xf32, #tpu.memory_space<vmem_shared>> -> memref<128x128xf32, #tpu.memory_space<vmem_shared>>
    %dma_start3A_1869 = arith.constant 0 : i32
    %dma_start3A_1870 = arith.constant 0 : i32
    %dma_start3A_1871 = tpu.memref_slice %arg6[%dma_start3A_1860, %dma_start3A_1869, %dma_start3A_1870] : memref<4x128x128xf32, #tpu.memory_space<vmem>> -> memref<1x128x128xf32, #tpu.memory_space<vmem>>
    %dma_start3A_1872 = tpu.memref_squeeze %dma_start3A_1871 : memref<1x128x128xf32, #tpu.memory_space<vmem>> -> memref<128x128xf32, #tpu.memory_space<vmem>>
    tpu.enqueue_dma source(%dma_start3A_1872 : memref<128x128xf32, #tpu.memory_space<vmem>>) target(%dma_start3A_1868 : memref<128x128xf32, #tpu.memory_space<vmem_shared>>) target_semaphore(%arg13 : memref<!tpu.dma_semaphore, #tpu.memory_space<semaphore_mem>>)
    %mul3A_1873 = arith.constant 2 : i32
    %mul3A_1874 = arith.muli %arg1, %mul3A_1873 : i32
    %add3A_1875 = arith.constant 0 : i32
    %add3A_1876 = arith.addi %mul3A_1874, %add3A_1875 : i32
    %mul3A_1877 = arith.constant 128 : i32
    %mul3A_1878 = arith.muli %add3A_1876, %mul3A_1877 : i32
    %dma_wait3A_1879 = arith.constant 0 : i32
    %dma_wait3A_1880 = arith.constant 0 : i32
    %dma_wait3A_1881 = arith.constant 0 : i32
    %dma_wait3A_1882 = tpu.memref_slice %arg6[%dma_wait3A_1879, %dma_wait3A_1880, %dma_wait3A_1881] : memref<4x128x128xf32, #tpu.memory_space<vmem>> -> memref<1x128x128xf32, #tpu.memory_space<vmem>>
    %dma_wait3A_1883 = tpu.memref_squeeze %dma_wait3A_1882 : memref<1x128x128xf32, #tpu.memory_space<vmem>> -> memref<128x128xf32, #tpu.memory_space<vmem>>
    %dma_wait3A_1884 = arith.constant 0 : i32
    %dma_wait3A_1885 = tpu.memref_slice %arg7[%mul3A_1878, %dma_wait3A_1884] : memref<4096x128xf32, #tpu.memory_space<vmem_shared>> -> memref<128x128xf32, #tpu.memory_space<vmem_shared>>
    %dma_wait3A_1886 = arith.constant 0 : i32
    %dma_wait3A_1887 = tpu.memref_slice %arg7[%mul3A_1878, %dma_wait3A_1886] : memref<4096x128xf32, #tpu.memory_space<vmem_shared>> -> memref<128x128xf32, #tpu.memory_space<vmem_shared>>
    %dma_wait3A_1888 = arith.constant 0 : i32
    %dma_wait3A_1889 = arith.constant 0 : i32
    %dma_wait3A_1890 = tpu.memref_slice %arg6[%dma_wait3A_1879, %dma_wait3A_1888, %dma_wait3A_1889] : memref<4x128x128xf32, #tpu.memory_space<vmem>> -> memref<1x128x128xf32, #tpu.memory_space<vmem>>
    %dma_wait3A_1891 = tpu.memref_squeeze %dma_wait3A_1890 : memref<1x128x128xf32, #tpu.memory_space<vmem>> -> memref<128x128xf32, #tpu.memory_space<vmem>>
    tpu.wait_dma2 semaphore(%arg12 : memref<!tpu.dma_semaphore, #tpu.memory_space<semaphore_mem>>) src(%dma_wait3A_1891 : memref<128x128xf32, #tpu.memory_space<vmem>>) dst(%dma_wait3A_1887 : memref<128x128xf32, #tpu.memory_space<vmem_shared>>)
    %mul3A_1892 = arith.constant 2 : i32
    %mul3A_1893 = arith.muli %arg1, %mul3A_1892 : i32
    %add3A_1894 = arith.constant 0 : i32
    %add3A_1895 = arith.addi %mul3A_1893, %add3A_1894 : i32
    %mul3A_1896 = arith.constant 128 : i32
    %mul3A_1897 = arith.muli %add3A_1895, %mul3A_1896 : i32
    %add3A_1898 = arith.constant 25088 : i32
    %add3A_1899 = arith.addi %mul3A_2, %add3A_1898 : i32
    %dma_start3A_1900 = arith.constant 0 : i32
    %dma_start3A_1901 = tpu.memref_slice %arg4[%add3A_1899, %dma_start3A_1900] : memref<819200x128xf32, #tpu.memory_space<hbm>> -> memref<128x128xf32, #tpu.memory_space<hbm>>
    %dma_start3A_1902 = arith.constant 0 : i32
    %dma_start3A_1903 = tpu.memref_slice %arg7[%mul3A_1897, %dma_start3A_1902] : memref<4096x128xf32, #tpu.memory_space<vmem_shared>> -> memref<128x128xf32, #tpu.memory_space<vmem_shared>>
    tpu.enqueue_dma source(%dma_start3A_1903 : memref<128x128xf32, #tpu.memory_space<vmem_shared>>) target(%dma_start3A_1901 : memref<128x128xf32, #tpu.memory_space<hbm>>) target_semaphore(%arg14 : memref<!tpu.dma_semaphore, #tpu.memory_space<semaphore_mem>>)
    %get3A_1904 = arith.constant 25472 : index
    %get3A_1905 = tpu.vector_load %arg5[%get3A_1904] {strides = array<i32>} : memref<25600xi32, #tpu.memory_space<vmem>>, vector<16xi32>,
    %get3A_1906 = vector.shape_cast %get3A_1905 : vector<16xi32> to vector<16xi32>
    %ge3A_1907 = arith.constant 100000 : i32
    %ge3A_1908 = vector.broadcast %ge3A_1907 : i32 to vector<16xi32>
    %ge3A_1909 = arith.cmpi sge, %get3A_1906, %ge3A_1908 : vector<16xi32>
    %jit3A_1910 = arith.constant 0 : i32
    %broadcast_in_dim3A_1911 = vector.broadcast %jit3A_1910 : i32 to vector<16xi32>
    %select_n3A_1912 = arith.select %ge3A_1909, %broadcast_in_dim3A_1911, %get3A_1906 : vector<16xi1>, vector<16xi32>
    %swap3A_1913 = arith.constant 25472 : index
    %swap3A_1914 = tpu.vector_load %arg5[%swap3A_1913] {strides = array<i32>} : memref<25600xi32, #tpu.memory_space<vmem>>, vector<16xi32>,
    %swap3A_1915 = vector.shape_cast %swap3A_1914 : vector<16xi32> to vector<16xi32>
    %swap3A_1916 = vector.shape_cast %select_n3A_1912 : vector<16xi32> to vector<16xi32>
    tpu.vector_store %arg5[%swap3A_1913], %swap3A_1916 {strides = array<i32>} : memref<25600xi32, #tpu.memory_space<vmem>>, vector<16xi32>,
    %get3A_1917 = arith.constant 25488 : index
    %get3A_1918 = tpu.vector_load %arg5[%get3A_1917] {strides = array<i32>} : memref<25600xi32, #tpu.memory_space<vmem>>, vector<16xi32>,
    %get3A_1919 = vector.shape_cast %get3A_1918 : vector<16xi32> to vector<16xi32>
    %ge3A_1920 = arith.constant 100000 : i32
    %ge3A_1921 = vector.broadcast %ge3A_1920 : i32 to vector<16xi32>
    %ge3A_1922 = arith.cmpi sge, %get3A_1919, %ge3A_1921 : vector<16xi32>
    %jit3A_1923 = arith.constant 0 : i32
    %broadcast_in_dim3A_1924 = vector.broadcast %jit3A_1923 : i32 to vector<16xi32>
    %select_n3A_1925 = arith.select %ge3A_1922, %broadcast_in_dim3A_1924, %get3A_1919 : vector<16xi1>, vector<16xi32>
    %swap3A_1926 = arith.constant 25488 : index
    %swap3A_1927 = tpu.vector_load %arg5[%swap3A_1926] {strides = array<i32>} : memref<25600xi32, #tpu.memory_space<vmem>>, vector<16xi32>,
    %swap3A_1928 = vector.shape_cast %swap3A_1927 : vector<16xi32> to vector<16xi32>
    %swap3A_1929 = vector.shape_cast %select_n3A_1925 : vector<16xi32> to vector<16xi32>
    tpu.vector_store %arg5[%swap3A_1926], %swap3A_1929 {strides = array<i32>} : memref<25600xi32, #tpu.memory_space<vmem>>, vector<16xi32>,
    %get3A_1930 = arith.constant 25504 : index
    %get3A_1931 = tpu.vector_load %arg5[%get3A_1930] {strides = array<i32>} : memref<25600xi32, #tpu.memory_space<vmem>>, vector<16xi32>,
    %get3A_1932 = vector.shape_cast %get3A_1931 : vector<16xi32> to vector<16xi32>
    %ge3A_1933 = arith.constant 100000 : i32
    %ge3A_1934 = vector.broadcast %ge3A_1933 : i32 to vector<16xi32>
    %ge3A_1935 = arith.cmpi sge, %get3A_1932, %ge3A_1934 : vector<16xi32>
    %jit3A_1936 = arith.constant 0 : i32
    %broadcast_in_dim3A_1937 = vector.broadcast %jit3A_1936 : i32 to vector<16xi32>
    %select_n3A_1938 = arith.select %ge3A_1935, %broadcast_in_dim3A_1937, %get3A_1932 : vector<16xi1>, vector<16xi32>
    %swap3A_1939 = arith.constant 25504 : index
    %swap3A_1940 = tpu.vector_load %arg5[%swap3A_1939] {strides = array<i32>} : memref<25600xi32, #tpu.memory_space<vmem>>, vector<16xi32>,
    %swap3A_1941 = vector.shape_cast %swap3A_1940 : vector<16xi32> to vector<16xi32>
    %swap3A_1942 = vector.shape_cast %select_n3A_1938 : vector<16xi32> to vector<16xi32>
    tpu.vector_store %arg5[%swap3A_1939], %swap3A_1942 {strides = array<i32>} : memref<25600xi32, #tpu.memory_space<vmem>>, vector<16xi32>,
    %get3A_1943 = arith.constant 25520 : index
    %get3A_1944 = tpu.vector_load %arg5[%get3A_1943] {strides = array<i32>} : memref<25600xi32, #tpu.memory_space<vmem>>, vector<16xi32>,
    %get3A_1945 = vector.shape_cast %get3A_1944 : vector<16xi32> to vector<16xi32>
    %ge3A_1946 = arith.constant 100000 : i32
    %ge3A_1947 = vector.broadcast %ge3A_1946 : i32 to vector<16xi32>
    %ge3A_1948 = arith.cmpi sge, %get3A_1945, %ge3A_1947 : vector<16xi32>
    %jit3A_1949 = arith.constant 0 : i32
    %broadcast_in_dim3A_1950 = vector.broadcast %jit3A_1949 : i32 to vector<16xi32>
    %select_n3A_1951 = arith.select %ge3A_1948, %broadcast_in_dim3A_1950, %get3A_1945 : vector<16xi1>, vector<16xi32>
    %swap3A_1952 = arith.constant 25520 : index
    %swap3A_1953 = tpu.vector_load %arg5[%swap3A_1952] {strides = array<i32>} : memref<25600xi32, #tpu.memory_space<vmem>>, vector<16xi32>,
    %swap3A_1954 = vector.shape_cast %swap3A_1953 : vector<16xi32> to vector<16xi32>
    %swap3A_1955 = vector.shape_cast %select_n3A_1951 : vector<16xi32> to vector<16xi32>
    tpu.vector_store %arg5[%swap3A_1952], %swap3A_1955 {strides = array<i32>} : memref<25600xi32, #tpu.memory_space<vmem>>, vector<16xi32>,
    %get3A_1956 = arith.constant 25536 : index
    %get3A_1957 = tpu.vector_load %arg5[%get3A_1956] {strides = array<i32>} : memref<25600xi32, #tpu.memory_space<vmem>>, vector<16xi32>,
    %get3A_1958 = vector.shape_cast %get3A_1957 : vector<16xi32> to vector<16xi32>
    %ge3A_1959 = arith.constant 100000 : i32
    %ge3A_1960 = vector.broadcast %ge3A_1959 : i32 to vector<16xi32>
    %ge3A_1961 = arith.cmpi sge, %get3A_1958, %ge3A_1960 : vector<16xi32>
    %jit3A_1962 = arith.constant 0 : i32
    %broadcast_in_dim3A_1963 = vector.broadcast %jit3A_1962 : i32 to vector<16xi32>
    %select_n3A_1964 = arith.select %ge3A_1961, %broadcast_in_dim3A_1963, %get3A_1958 : vector<16xi1>, vector<16xi32>
    %swap3A_1965 = arith.constant 25536 : index
    %swap3A_1966 = tpu.vector_load %arg5[%swap3A_1965] {strides = array<i32>} : memref<25600xi32, #tpu.memory_space<vmem>>, vector<16xi32>,
    %swap3A_1967 = vector.shape_cast %swap3A_1966 : vector<16xi32> to vector<16xi32>
    %swap3A_1968 = vector.shape_cast %select_n3A_1964 : vector<16xi32> to vector<16xi32>
    tpu.vector_store %arg5[%swap3A_1965], %swap3A_1968 {strides = array<i32>} : memref<25600xi32, #tpu.memory_space<vmem>>, vector<16xi32>,
    %get3A_1969 = arith.constant 25552 : index
    %get3A_1970 = tpu.vector_load %arg5[%get3A_1969] {strides = array<i32>} : memref<25600xi32, #tpu.memory_space<vmem>>, vector<16xi32>,
    %get3A_1971 = vector.shape_cast %get3A_1970 : vector<16xi32> to vector<16xi32>
    %ge3A_1972 = arith.constant 100000 : i32
    %ge3A_1973 = vector.broadcast %ge3A_1972 : i32 to vector<16xi32>
    %ge3A_1974 = arith.cmpi sge, %get3A_1971, %ge3A_1973 : vector<16xi32>
    %jit3A_1975 = arith.constant 0 : i32
    %broadcast_in_dim3A_1976 = vector.broadcast %jit3A_1975 : i32 to vector<16xi32>
    %select_n3A_1977 = arith.select %ge3A_1974, %broadcast_in_dim3A_1976, %get3A_1971 : vector<16xi1>, vector<16xi32>
    %swap3A_1978 = arith.constant 25552 : index
    %swap3A_1979 = tpu.vector_load %arg5[%swap3A_1978] {strides = array<i32>} : memref<25600xi32, #tpu.memory_space<vmem>>, vector<16xi32>,
    %swap3A_1980 = vector.shape_cast %swap3A_1979 : vector<16xi32> to vector<16xi32>
    %swap3A_1981 = vector.shape_cast %select_n3A_1977 : vector<16xi32> to vector<16xi32>
    tpu.vector_store %arg5[%swap3A_1978], %swap3A_1981 {strides = array<i32>} : memref<25600xi32, #tpu.memory_space<vmem>>, vector<16xi32>,
    %get3A_1982 = arith.constant 25568 : index
    %get3A_1983 = tpu.vector_load %arg5[%get3A_1982] {strides = array<i32>} : memref<25600xi32, #tpu.memory_space<vmem>>, vector<16xi32>,
    %get3A_1984 = vector.shape_cast %get3A_1983 : vector<16xi32> to vector<16xi32>
    %ge3A_1985 = arith.constant 100000 : i32
    %ge3A_1986 = vector.broadcast %ge3A_1985 : i32 to vector<16xi32>
    %ge3A_1987 = arith.cmpi sge, %get3A_1984, %ge3A_1986 : vector<16xi32>
    %jit3A_1988 = arith.constant 0 : i32
    %broadcast_in_dim3A_1989 = vector.broadcast %jit3A_1988 : i32 to vector<16xi32>
    %select_n3A_1990 = arith.select %ge3A_1987, %broadcast_in_dim3A_1989, %get3A_1984 : vector<16xi1>, vector<16xi32>
    %swap3A_1991 = arith.constant 25568 : index
    %swap3A_1992 = tpu.vector_load %arg5[%swap3A_1991] {strides = array<i32>} : memref<25600xi32, #tpu.memory_space<vmem>>, vector<16xi32>,
    %swap3A_1993 = vector.shape_cast %swap3A_1992 : vector<16xi32> to vector<16xi32>
    %swap3A_1994 = vector.shape_cast %select_n3A_1990 : vector<16xi32> to vector<16xi32>
    tpu.vector_store %arg5[%swap3A_1991], %swap3A_1994 {strides = array<i32>} : memref<25600xi32, #tpu.memory_space<vmem>>, vector<16xi32>,
    %get3A_1995 = arith.constant 25584 : index
    %get3A_1996 = tpu.vector_load %arg5[%get3A_1995] {strides = array<i32>} : memref<25600xi32, #tpu.memory_space<vmem>>, vector<16xi32>,
    %get3A_1997 = vector.shape_cast %get3A_1996 : vector<16xi32> to vector<16xi32>
    %ge3A_1998 = arith.constant 100000 : i32
    %ge3A_1999 = vector.broadcast %ge3A_1998 : i32 to vector<16xi32>
    %ge3A_2000 = arith.cmpi sge, %get3A_1997, %ge3A_1999 : vector<16xi32>
    %jit3A_2001 = arith.constant 0 : i32
    %broadcast_in_dim3A_2002 = vector.broadcast %jit3A_2001 : i32 to vector<16xi32>
    %select_n3A_2003 = arith.select %ge3A_2000, %broadcast_in_dim3A_2002, %get3A_1997 : vector<16xi1>, vector<16xi32>
    %swap3A_2004 = arith.constant 25584 : index
    %swap3A_2005 = tpu.vector_load %arg5[%swap3A_2004] {strides = array<i32>} : memref<25600xi32, #tpu.memory_space<vmem>>, vector<16xi32>,
    %swap3A_2006 = vector.shape_cast %swap3A_2005 : vector<16xi32> to vector<16xi32>
    %swap3A_2007 = vector.shape_cast %select_n3A_2003 : vector<16xi32> to vector<16xi32>
    tpu.vector_store %arg5[%swap3A_2004], %swap3A_2007 {strides = array<i32>} : memref<25600xi32, #tpu.memory_space<vmem>>, vector<16xi32>,
    %dma_start3A_2008 = arith.constant 3 : i32
    %dma_start3A_2009 = arith.constant 0 : i32
    %dma_start3A_2010 = arith.constant 0 : i32
    %dma_start3A_2011 = tpu.memref_slice %arg6[%dma_start3A_2008, %dma_start3A_2009, %dma_start3A_2010] : memref<4x128x128xf32, #tpu.memory_space<vmem>> -> memref<1x128x128xf32, #tpu.memory_space<vmem>>
    %dma_start3A_2012 = tpu.memref_squeeze %dma_start3A_2011 : memref<1x128x128xf32, #tpu.memory_space<vmem>> -> memref<128x128xf32, #tpu.memory_space<vmem>>
    %dma_start3A_2013 = arith.constant 25472 : i32
    %dma_start3A_2014 = tpu.memref_slice %arg5[%dma_start3A_2013] : memref<25600xi32, #tpu.memory_space<vmem>> -> memref<128xi32, #tpu.memory_space<vmem>>
    %dma_start3A_2015 = arith.constant 0 : i32
    %dma_start3A_2016 = arith.constant 0 : i32
    %dma_start3A_2017 = tpu.memref_slice %arg3[%dma_start3A_2015, %dma_start3A_2016] : memref<100000x128xf32, #tpu.memory_space<hbm>> -> memref<100000x128xf32, #tpu.memory_space<hbm>>
    tpu.enqueue_indirect_dma source(%dma_start3A_2017 : memref<100000x128xf32, #tpu.memory_space<hbm>>) target(%dma_start3A_2012 : memref<128x128xf32, #tpu.memory_space<vmem>>) offsets(%dma_start3A_2014 : memref<128xi32, #tpu.memory_space<vmem>>) semaphore(%arg11 : memref<!tpu.dma_semaphore, #tpu.memory_space<semaphore_mem>>)
    %dma_wait3A_2018 = arith.constant 2 : i32
    %dma_wait3A_2019 = arith.constant 0 : i32
    %dma_wait3A_2020 = arith.constant 0 : i32
    %dma_wait3A_2021 = tpu.memref_slice %arg6[%dma_wait3A_2018, %dma_wait3A_2019, %dma_wait3A_2020] : memref<4x128x128xf32, #tpu.memory_space<vmem>> -> memref<1x128x128xf32, #tpu.memory_space<vmem>>
    %dma_wait3A_2022 = tpu.memref_squeeze %dma_wait3A_2021 : memref<1x128x128xf32, #tpu.memory_space<vmem>> -> memref<128x128xf32, #tpu.memory_space<vmem>>
    %dma_wait3A_2023 = arith.constant 0 : i32
    %dma_wait3A_2024 = tpu.memref_slice %arg5[%dma_wait3A_2023] : memref<25600xi32, #tpu.memory_space<vmem>> -> memref<128xi32, #tpu.memory_space<vmem>>
    %dma_wait3A_2025 = arith.constant 0 : i32
    %dma_wait3A_2026 = arith.constant 0 : i32
    %dma_wait3A_2027 = tpu.memref_slice %arg3[%dma_wait3A_2025, %dma_wait3A_2026] : memref<100000x128xf32, #tpu.memory_space<hbm>> -> memref<100000x128xf32, #tpu.memory_space<hbm>>
    tpu.wait_indirect_dma semaphore(%arg10 : memref<!tpu.dma_semaphore, #tpu.memory_space<semaphore_mem>>) src(%dma_wait3A_2027 : memref<100000x128xf32, #tpu.memory_space<hbm>>) dst(%dma_wait3A_2022 : memref<128x128xf32, #tpu.memory_space<vmem>>)
    %mul3A_2028 = arith.constant 2 : i32
    %mul3A_2029 = arith.muli %arg1, %mul3A_2028 : i32
    %add3A_2030 = arith.constant 0 : i32
    %add3A_2031 = arith.addi %mul3A_2029, %add3A_2030 : i32
    %mul3A_2032 = arith.constant 128 : i32
    %mul3A_2033 = arith.muli %add3A_2031, %mul3A_2032 : i32
    %dma_wait3A_2034 = arith.constant 0 : i32
    %dma_wait3A_2035 = tpu.memref_slice %arg4[%mul3A_2, %dma_wait3A_2034] : memref<819200x128xf32, #tpu.memory_space<hbm>> -> memref<128x128xf32, #tpu.memory_space<hbm>>
    %dma_wait3A_2036 = arith.constant 0 : i32
    %dma_wait3A_2037 = tpu.memref_slice %arg7[%mul3A_2033, %dma_wait3A_2036] : memref<4096x128xf32, #tpu.memory_space<vmem_shared>> -> memref<128x128xf32, #tpu.memory_space<vmem_shared>>
    tpu.wait_dma2 semaphore(%arg14 : memref<!tpu.dma_semaphore, #tpu.memory_space<semaphore_mem>>) src(%dma_wait3A_2037 : memref<128x128xf32, #tpu.memory_space<vmem_shared>>) dst(%dma_wait3A_2035 : memref<128x128xf32, #tpu.memory_space<hbm>>)
    %mul3A_2038 = arith.constant 2 : i32
    %mul3A_2039 = arith.muli %arg1, %mul3A_2038 : i32
    %add3A_2040 = arith.constant 0 : i32
    %add3A_2041 = arith.addi %mul3A_2039, %add3A_2040 : i32
    %mul3A_2042 = arith.constant 128 : i32
    %mul3A_2043 = arith.muli %add3A_2041, %mul3A_2042 : i32
    %dma_start3A_2044 = arith.constant 2 : i32
    %dma_start3A_2045 = arith.constant 0 : i32
    %dma_start3A_2046 = arith.constant 0 : i32
    %dma_start3A_2047 = tpu.memref_slice %arg6[%dma_start3A_2044, %dma_start3A_2045, %dma_start3A_2046] : memref<4x128x128xf32, #tpu.memory_space<vmem>> -> memref<1x128x128xf32, #tpu.memory_space<vmem>>
    %dma_start3A_2048 = tpu.memref_squeeze %dma_start3A_2047 : memref<1x128x128xf32, #tpu.memory_space<vmem>> -> memref<128x128xf32, #tpu.memory_space<vmem>>
    %dma_start3A_2049 = arith.constant 0 : i32
    %dma_start3A_2050 = tpu.memref_slice %arg7[%mul3A_2043, %dma_start3A_2049] : memref<4096x128xf32, #tpu.memory_space<vmem_shared>> -> memref<128x128xf32, #tpu.memory_space<vmem_shared>>
    %dma_start3A_2051 = arith.constant 0 : i32
    %dma_start3A_2052 = tpu.memref_slice %arg7[%mul3A_2043, %dma_start3A_2051] : memref<4096x128xf32, #tpu.memory_space<vmem_shared>> -> memref<128x128xf32, #tpu.memory_space<vmem_shared>>
    %dma_start3A_2053 = arith.constant 0 : i32
    %dma_start3A_2054 = arith.constant 0 : i32
    %dma_start3A_2055 = tpu.memref_slice %arg6[%dma_start3A_2044, %dma_start3A_2053, %dma_start3A_2054] : memref<4x128x128xf32, #tpu.memory_space<vmem>> -> memref<1x128x128xf32, #tpu.memory_space<vmem>>
    %dma_start3A_2056 = tpu.memref_squeeze %dma_start3A_2055 : memref<1x128x128xf32, #tpu.memory_space<vmem>> -> memref<128x128xf32, #tpu.memory_space<vmem>>
    tpu.enqueue_dma source(%dma_start3A_2056 : memref<128x128xf32, #tpu.memory_space<vmem>>) target(%dma_start3A_2052 : memref<128x128xf32, #tpu.memory_space<vmem_shared>>) target_semaphore(%arg12 : memref<!tpu.dma_semaphore, #tpu.memory_space<semaphore_mem>>)
    %mul3A_2057 = arith.constant 2 : i32
    %mul3A_2058 = arith.muli %arg1, %mul3A_2057 : i32
    %add3A_2059 = arith.constant 1 : i32
    %add3A_2060 = arith.addi %mul3A_2058, %add3A_2059 : i32
    %mul3A_2061 = arith.constant 128 : i32
    %mul3A_2062 = arith.muli %add3A_2060, %mul3A_2061 : i32
    %dma_wait3A_2063 = arith.constant 1 : i32
    %dma_wait3A_2064 = arith.constant 0 : i32
    %dma_wait3A_2065 = arith.constant 0 : i32
    %dma_wait3A_2066 = tpu.memref_slice %arg6[%dma_wait3A_2063, %dma_wait3A_2064, %dma_wait3A_2065] : memref<4x128x128xf32, #tpu.memory_space<vmem>> -> memref<1x128x128xf32, #tpu.memory_space<vmem>>
    %dma_wait3A_2067 = tpu.memref_squeeze %dma_wait3A_2066 : memref<1x128x128xf32, #tpu.memory_space<vmem>> -> memref<128x128xf32, #tpu.memory_space<vmem>>
    %dma_wait3A_2068 = arith.constant 0 : i32
    %dma_wait3A_2069 = tpu.memref_slice %arg7[%mul3A_2062, %dma_wait3A_2068] : memref<4096x128xf32, #tpu.memory_space<vmem_shared>> -> memref<128x128xf32, #tpu.memory_space<vmem_shared>>
    %dma_wait3A_2070 = arith.constant 0 : i32
    %dma_wait3A_2071 = tpu.memref_slice %arg7[%mul3A_2062, %dma_wait3A_2070] : memref<4096x128xf32, #tpu.memory_space<vmem_shared>> -> memref<128x128xf32, #tpu.memory_space<vmem_shared>>
    %dma_wait3A_2072 = arith.constant 0 : i32
    %dma_wait3A_2073 = arith.constant 0 : i32
    %dma_wait3A_2074 = tpu.memref_slice %arg6[%dma_wait3A_2063, %dma_wait3A_2072, %dma_wait3A_2073] : memref<4x128x128xf32, #tpu.memory_space<vmem>> -> memref<1x128x128xf32, #tpu.memory_space<vmem>>
    %dma_wait3A_2075 = tpu.memref_squeeze %dma_wait3A_2074 : memref<1x128x128xf32, #tpu.memory_space<vmem>> -> memref<128x128xf32, #tpu.memory_space<vmem>>
    tpu.wait_dma2 semaphore(%arg13 : memref<!tpu.dma_semaphore, #tpu.memory_space<semaphore_mem>>) src(%dma_wait3A_2075 : memref<128x128xf32, #tpu.memory_space<vmem>>) dst(%dma_wait3A_2071 : memref<128x128xf32, #tpu.memory_space<vmem_shared>>)
    %mul3A_2076 = arith.constant 2 : i32
    %mul3A_2077 = arith.muli %arg1, %mul3A_2076 : i32
    %add3A_2078 = arith.constant 1 : i32
    %add3A_2079 = arith.addi %mul3A_2077, %add3A_2078 : i32
    %mul3A_2080 = arith.constant 128 : i32
    %mul3A_2081 = arith.muli %add3A_2079, %mul3A_2080 : i32
    %add3A_2082 = arith.constant 25216 : i32
    %add3A_2083 = arith.addi %mul3A_2, %add3A_2082 : i32
    %dma_start3A_2084 = arith.constant 0 : i32
    %dma_start3A_2085 = tpu.memref_slice %arg4[%add3A_2083, %dma_start3A_2084] : memref<819200x128xf32, #tpu.memory_space<hbm>> -> memref<128x128xf32, #tpu.memory_space<hbm>>
    %dma_start3A_2086 = arith.constant 0 : i32
    %dma_start3A_2087 = tpu.memref_slice %arg7[%mul3A_2081, %dma_start3A_2086] : memref<4096x128xf32, #tpu.memory_space<vmem_shared>> -> memref<128x128xf32, #tpu.memory_space<vmem_shared>>
    tpu.enqueue_dma source(%dma_start3A_2087 : memref<128x128xf32, #tpu.memory_space<vmem_shared>>) target(%dma_start3A_2085 : memref<128x128xf32, #tpu.memory_space<hbm>>) target_semaphore(%arg14 : memref<!tpu.dma_semaphore, #tpu.memory_space<semaphore_mem>>)
    %dma_wait3A_2088 = arith.constant 3 : i32
    %dma_wait3A_2089 = arith.constant 0 : i32
    %dma_wait3A_2090 = arith.constant 0 : i32
    %dma_wait3A_2091 = tpu.memref_slice %arg6[%dma_wait3A_2088, %dma_wait3A_2089, %dma_wait3A_2090] : memref<4x128x128xf32, #tpu.memory_space<vmem>> -> memref<1x128x128xf32, #tpu.memory_space<vmem>>
    %dma_wait3A_2092 = tpu.memref_squeeze %dma_wait3A_2091 : memref<1x128x128xf32, #tpu.memory_space<vmem>> -> memref<128x128xf32, #tpu.memory_space<vmem>>
    %dma_wait3A_2093 = arith.constant 0 : i32
    %dma_wait3A_2094 = tpu.memref_slice %arg5[%dma_wait3A_2093] : memref<25600xi32, #tpu.memory_space<vmem>> -> memref<128xi32, #tpu.memory_space<vmem>>
    %dma_wait3A_2095 = arith.constant 0 : i32
    %dma_wait3A_2096 = arith.constant 0 : i32
    %dma_wait3A_2097 = tpu.memref_slice %arg3[%dma_wait3A_2095, %dma_wait3A_2096] : memref<100000x128xf32, #tpu.memory_space<hbm>> -> memref<100000x128xf32, #tpu.memory_space<hbm>>
    tpu.wait_indirect_dma semaphore(%arg11 : memref<!tpu.dma_semaphore, #tpu.memory_space<semaphore_mem>>) src(%dma_wait3A_2097 : memref<100000x128xf32, #tpu.memory_space<hbm>>) dst(%dma_wait3A_2092 : memref<128x128xf32, #tpu.memory_space<vmem>>)
    %mul3A_2098 = arith.constant 2 : i32
    %mul3A_2099 = arith.muli %arg1, %mul3A_2098 : i32
    %add3A_2100 = arith.constant 1 : i32
    %add3A_2101 = arith.addi %mul3A_2099, %add3A_2100 : i32
    %mul3A_2102 = arith.constant 128 : i32
    %mul3A_2103 = arith.muli %add3A_2101, %mul3A_2102 : i32
    %dma_wait3A_2104 = arith.constant 0 : i32
    %dma_wait3A_2105 = tpu.memref_slice %arg4[%mul3A_2, %dma_wait3A_2104] : memref<819200x128xf32, #tpu.memory_space<hbm>> -> memref<128x128xf32, #tpu.memory_space<hbm>>
    %dma_wait3A_2106 = arith.constant 0 : i32
    %dma_wait3A_2107 = tpu.memref_slice %arg7[%mul3A_2103, %dma_wait3A_2106] : memref<4096x128xf32, #tpu.memory_space<vmem_shared>> -> memref<128x128xf32, #tpu.memory_space<vmem_shared>>
    tpu.wait_dma2 semaphore(%arg14 : memref<!tpu.dma_semaphore, #tpu.memory_space<semaphore_mem>>) src(%dma_wait3A_2107 : memref<128x128xf32, #tpu.memory_space<vmem_shared>>) dst(%dma_wait3A_2105 : memref<128x128xf32, #tpu.memory_space<hbm>>)
    %mul3A_2108 = arith.constant 2 : i32
    %mul3A_2109 = arith.muli %arg1, %mul3A_2108 : i32
    %add3A_2110 = arith.constant 1 : i32
    %add3A_2111 = arith.addi %mul3A_2109, %add3A_2110 : i32
    %mul3A_2112 = arith.constant 128 : i32
    %mul3A_2113 = arith.muli %add3A_2111, %mul3A_2112 : i32
    %dma_start3A_2114 = arith.constant 3 : i32
    %dma_start3A_2115 = arith.constant 0 : i32
    %dma_start3A_2116 = arith.constant 0 : i32
    %dma_start3A_2117 = tpu.memref_slice %arg6[%dma_start3A_2114, %dma_start3A_2115, %dma_start3A_2116] : memref<4x128x128xf32, #tpu.memory_space<vmem>> -> memref<1x128x128xf32, #tpu.memory_space<vmem>>
    %dma_start3A_2118 = tpu.memref_squeeze %dma_start3A_2117 : memref<1x128x128xf32, #tpu.memory_space<vmem>> -> memref<128x128xf32, #tpu.memory_space<vmem>>
    %dma_start3A_2119 = arith.constant 0 : i32
    %dma_start3A_2120 = tpu.memref_slice %arg7[%mul3A_2113, %dma_start3A_2119] : memref<4096x128xf32, #tpu.memory_space<vmem_shared>> -> memref<128x128xf32, #tpu.memory_space<vmem_shared>>
    %dma_start3A_2121 = arith.constant 0 : i32
    %dma_start3A_2122 = tpu.memref_slice %arg7[%mul3A_2113, %dma_start3A_2121] : memref<4096x128xf32, #tpu.memory_space<vmem_shared>> -> memref<128x128xf32, #tpu.memory_space<vmem_shared>>
    %dma_start3A_2123 = arith.constant 0 : i32
    %dma_start3A_2124 = arith.constant 0 : i32
    %dma_start3A_2125 = tpu.memref_slice %arg6[%dma_start3A_2114, %dma_start3A_2123, %dma_start3A_2124] : memref<4x128x128xf32, #tpu.memory_space<vmem>> -> memref<1x128x128xf32, #tpu.memory_space<vmem>>
    %dma_start3A_2126 = tpu.memref_squeeze %dma_start3A_2125 : memref<1x128x128xf32, #tpu.memory_space<vmem>> -> memref<128x128xf32, #tpu.memory_space<vmem>>
    tpu.enqueue_dma source(%dma_start3A_2126 : memref<128x128xf32, #tpu.memory_space<vmem>>) target(%dma_start3A_2122 : memref<128x128xf32, #tpu.memory_space<vmem_shared>>) target_semaphore(%arg13 : memref<!tpu.dma_semaphore, #tpu.memory_space<semaphore_mem>>)
    %mul3A_2127 = arith.constant 2 : i32
    %mul3A_2128 = arith.muli %arg1, %mul3A_2127 : i32
    %add3A_2129 = arith.constant 0 : i32
    %add3A_2130 = arith.addi %mul3A_2128, %add3A_2129 : i32
    %mul3A_2131 = arith.constant 128 : i32
    %mul3A_2132 = arith.muli %add3A_2130, %mul3A_2131 : i32
    %dma_wait3A_2133 = arith.constant 2 : i32
    %dma_wait3A_2134 = arith.constant 0 : i32
    %dma_wait3A_2135 = arith.constant 0 : i32
    %dma_wait3A_2136 = tpu.memref_slice %arg6[%dma_wait3A_2133, %dma_wait3A_2134, %dma_wait3A_2135] : memref<4x128x128xf32, #tpu.memory_space<vmem>> -> memref<1x128x128xf32, #tpu.memory_space<vmem>>
    %dma_wait3A_2137 = tpu.memref_squeeze %dma_wait3A_2136 : memref<1x128x128xf32, #tpu.memory_space<vmem>> -> memref<128x128xf32, #tpu.memory_space<vmem>>
    %dma_wait3A_2138 = arith.constant 0 : i32
    %dma_wait3A_2139 = tpu.memref_slice %arg7[%mul3A_2132, %dma_wait3A_2138] : memref<4096x128xf32, #tpu.memory_space<vmem_shared>> -> memref<128x128xf32, #tpu.memory_space<vmem_shared>>
    %dma_wait3A_2140 = arith.constant 0 : i32
    %dma_wait3A_2141 = tpu.memref_slice %arg7[%mul3A_2132, %dma_wait3A_2140] : memref<4096x128xf32, #tpu.memory_space<vmem_shared>> -> memref<128x128xf32, #tpu.memory_space<vmem_shared>>
    %dma_wait3A_2142 = arith.constant 0 : i32
    %dma_wait3A_2143 = arith.constant 0 : i32
    %dma_wait3A_2144 = tpu.memref_slice %arg6[%dma_wait3A_2133, %dma_wait3A_2142, %dma_wait3A_2143] : memref<4x128x128xf32, #tpu.memory_space<vmem>> -> memref<1x128x128xf32, #tpu.memory_space<vmem>>
    %dma_wait3A_2145 = tpu.memref_squeeze %dma_wait3A_2144 : memref<1x128x128xf32, #tpu.memory_space<vmem>> -> memref<128x128xf32, #tpu.memory_space<vmem>>
    tpu.wait_dma2 semaphore(%arg12 : memref<!tpu.dma_semaphore, #tpu.memory_space<semaphore_mem>>) src(%dma_wait3A_2145 : memref<128x128xf32, #tpu.memory_space<vmem>>) dst(%dma_wait3A_2141 : memref<128x128xf32, #tpu.memory_space<vmem_shared>>)
    %mul3A_2146 = arith.constant 2 : i32
    %mul3A_2147 = arith.muli %arg1, %mul3A_2146 : i32
    %add3A_2148 = arith.constant 0 : i32
    %add3A_2149 = arith.addi %mul3A_2147, %add3A_2148 : i32
    %mul3A_2150 = arith.constant 128 : i32
    %mul3A_2151 = arith.muli %add3A_2149, %mul3A_2150 : i32
    %add3A_2152 = arith.constant 25344 : i32
    %add3A_2153 = arith.addi %mul3A_2, %add3A_2152 : i32
    %dma_start3A_2154 = arith.constant 0 : i32
    %dma_start3A_2155 = tpu.memref_slice %arg4[%add3A_2153, %dma_start3A_2154] : memref<819200x128xf32, #tpu.memory_space<hbm>> -> memref<128x128xf32, #tpu.memory_space<hbm>>
    %dma_start3A_2156 = arith.constant 0 : i32
    %dma_start3A_2157 = tpu.memref_slice %arg7[%mul3A_2151, %dma_start3A_2156] : memref<4096x128xf32, #tpu.memory_space<vmem_shared>> -> memref<128x128xf32, #tpu.memory_space<vmem_shared>>
    tpu.enqueue_dma source(%dma_start3A_2157 : memref<128x128xf32, #tpu.memory_space<vmem_shared>>) target(%dma_start3A_2155 : memref<128x128xf32, #tpu.memory_space<hbm>>) target_semaphore(%arg14 : memref<!tpu.dma_semaphore, #tpu.memory_space<semaphore_mem>>)
    %mul3A_2158 = arith.constant 2 : i32
    %mul3A_2159 = arith.muli %arg1, %mul3A_2158 : i32
    %add3A_2160 = arith.constant 1 : i32
    %add3A_2161 = arith.addi %mul3A_2159, %add3A_2160 : i32
    %mul3A_2162 = arith.constant 128 : i32
    %mul3A_2163 = arith.muli %add3A_2161, %mul3A_2162 : i32
    %dma_wait3A_2164 = arith.constant 3 : i32
    %dma_wait3A_2165 = arith.constant 0 : i32
    %dma_wait3A_2166 = arith.constant 0 : i32
    %dma_wait3A_2167 = tpu.memref_slice %arg6[%dma_wait3A_2164, %dma_wait3A_2165, %dma_wait3A_2166] : memref<4x128x128xf32, #tpu.memory_space<vmem>> -> memref<1x128x128xf32, #tpu.memory_space<vmem>>
    %dma_wait3A_2168 = tpu.memref_squeeze %dma_wait3A_2167 : memref<1x128x128xf32, #tpu.memory_space<vmem>> -> memref<128x128xf32, #tpu.memory_space<vmem>>
    %dma_wait3A_2169 = arith.constant 0 : i32
    %dma_wait3A_2170 = tpu.memref_slice %arg7[%mul3A_2163, %dma_wait3A_2169] : memref<4096x128xf32, #tpu.memory_space<vmem_shared>> -> memref<128x128xf32, #tpu.memory_space<vmem_shared>>
    %dma_wait3A_2171 = arith.constant 0 : i32
    %dma_wait3A_2172 = tpu.memref_slice %arg7[%mul3A_2163, %dma_wait3A_2171] : memref<4096x128xf32, #tpu.memory_space<vmem_shared>> -> memref<128x128xf32, #tpu.memory_space<vmem_shared>>
    %dma_wait3A_2173 = arith.constant 0 : i32
    %dma_wait3A_2174 = arith.constant 0 : i32
    %dma_wait3A_2175 = tpu.memref_slice %arg6[%dma_wait3A_2164, %dma_wait3A_2173, %dma_wait3A_2174] : memref<4x128x128xf32, #tpu.memory_space<vmem>> -> memref<1x128x128xf32, #tpu.memory_space<vmem>>
    %dma_wait3A_2176 = tpu.memref_squeeze %dma_wait3A_2175 : memref<1x128x128xf32, #tpu.memory_space<vmem>> -> memref<128x128xf32, #tpu.memory_space<vmem>>
    tpu.wait_dma2 semaphore(%arg13 : memref<!tpu.dma_semaphore, #tpu.memory_space<semaphore_mem>>) src(%dma_wait3A_2176 : memref<128x128xf32, #tpu.memory_space<vmem>>) dst(%dma_wait3A_2172 : memref<128x128xf32, #tpu.memory_space<vmem_shared>>)
    %mul3A_2177 = arith.constant 2 : i32
    %mul3A_2178 = arith.muli %arg1, %mul3A_2177 : i32
    %add3A_2179 = arith.constant 1 : i32
    %add3A_2180 = arith.addi %mul3A_2178, %add3A_2179 : i32
    %mul3A_2181 = arith.constant 128 : i32
    %mul3A_2182 = arith.muli %add3A_2180, %mul3A_2181 : i32
    %add3A_2183 = arith.constant 25472 : i32
    %add3A_2184 = arith.addi %mul3A_2, %add3A_2183 : i32
    %dma_start3A_2185 = arith.constant 0 : i32
    %dma_start3A_2186 = tpu.memref_slice %arg4[%add3A_2184, %dma_start3A_2185] : memref<819200x128xf32, #tpu.memory_space<hbm>> -> memref<128x128xf32, #tpu.memory_space<hbm>>
    %dma_start3A_2187 = arith.constant 0 : i32
    %dma_start3A_2188 = tpu.memref_slice %arg7[%mul3A_2182, %dma_start3A_2187] : memref<4096x128xf32, #tpu.memory_space<vmem_shared>> -> memref<128x128xf32, #tpu.memory_space<vmem_shared>>
    tpu.enqueue_dma source(%dma_start3A_2188 : memref<128x128xf32, #tpu.memory_space<vmem_shared>>) target(%dma_start3A_2186 : memref<128x128xf32, #tpu.memory_space<hbm>>) target_semaphore(%arg14 : memref<!tpu.dma_semaphore, #tpu.memory_space<semaphore_mem>>)
    %mul3A_2189 = arith.constant 2 : i32
    %mul3A_2190 = arith.muli %arg1, %mul3A_2189 : i32
    %add3A_2191 = arith.constant 0 : i32
    %add3A_2192 = arith.addi %mul3A_2190, %add3A_2191 : i32
    %mul3A_2193 = arith.constant 128 : i32
    %mul3A_2194 = arith.muli %add3A_2192, %mul3A_2193 : i32
    %dma_wait3A_2195 = arith.constant 0 : i32
    %dma_wait3A_2196 = tpu.memref_slice %arg4[%mul3A_2, %dma_wait3A_2195] : memref<819200x128xf32, #tpu.memory_space<hbm>> -> memref<128x128xf32, #tpu.memory_space<hbm>>
    %dma_wait3A_2197 = arith.constant 0 : i32
    %dma_wait3A_2198 = tpu.memref_slice %arg7[%mul3A_2194, %dma_wait3A_2197] : memref<4096x128xf32, #tpu.memory_space<vmem_shared>> -> memref<128x128xf32, #tpu.memory_space<vmem_shared>>
    tpu.wait_dma2 semaphore(%arg14 : memref<!tpu.dma_semaphore, #tpu.memory_space<semaphore_mem>>) src(%dma_wait3A_2198 : memref<128x128xf32, #tpu.memory_space<vmem_shared>>) dst(%dma_wait3A_2196 : memref<128x128xf32, #tpu.memory_space<hbm>>)
    %mul3A_2199 = arith.constant 2 : i32
    %mul3A_2200 = arith.muli %arg1, %mul3A_2199 : i32
    %add3A_2201 = arith.constant 1 : i32
    %add3A_2202 = arith.addi %mul3A_2200, %add3A_2201 : i32
    %mul3A_2203 = arith.constant 128 : i32
    %mul3A_2204 = arith.muli %add3A_2202, %mul3A_2203 : i32
    %dma_wait3A_2205 = arith.constant 0 : i32
    %dma_wait3A_2206 = tpu.memref_slice %arg4[%mul3A_2, %dma_wait3A_2205] : memref<819200x128xf32, #tpu.memory_space<hbm>> -> memref<128x128xf32, #tpu.memory_space<hbm>>
    %dma_wait3A_2207 = arith.constant 0 : i32
    %dma_wait3A_2208 = tpu.memref_slice %arg7[%mul3A_2204, %dma_wait3A_2207] : memref<4096x128xf32, #tpu.memory_space<vmem_shared>> -> memref<128x128xf32, #tpu.memory_space<vmem_shared>>
    tpu.wait_dma2 semaphore(%arg14 : memref<!tpu.dma_semaphore, #tpu.memory_space<semaphore_mem>>) src(%dma_wait3A_2208 : memref<128x128xf32, #tpu.memory_space<vmem_shared>>) dst(%dma_wait3A_2206 : memref<128x128xf32, #tpu.memory_space<hbm>>)
    return
  }
}

</mosaic_0001>

<sc_bundles>
// kernel: _sc_embedding_lookup.3.cloned.1.call-start
scs
__scs_entry_jumppad:
0x0: {  	(pc) =	sbr.rel $0x88, $3  }
0x1: {  	(tag) =	ssettag $0x0;
	lr =	simm.s32 $0x1  }
0x2: {  	[smem:$0x3F9F] =	sst lr;
	_ =	strace $0xD0000000  }
0x3: {  	_ = 	snop  }
0x4: {  	_ = 	snop  }
0x5: {  	_ = 	snop  }
0x6: {  	_ = 	snop  }
0x7: {  	_ = 	snop  }
__scs_overlays_trampoline_lowered:
0x8: {  	[smem:$0x3FAE] =	sst s0  }
0x9: {  	[smem:$0x3FAF] =	sst s1  }
0xa: {  	[smem:$0x3FB0] =	sst s2  }
0xb: {  	[smem:$0x3FB1] =	sst s3  }
0xc: {  	[smem:$0x3FB2] =	sst s4  }
0xd: {  	[smem:$0x3FB3] =	sst s5  }
0xe: {  	[smem:$0x3FB4] =	sst s6  }
0xf: {  	[smem:$0x3FB5] =	sst s7  }
0x10: {  	[smem:$0x3FB6] =	sst s8  }
0x11: {  	[smem:$0x3FB7] =	sst s9;
	s0 =	simm.s32 @!p0 $0x0  }
0x12: {  	s1 =	sld [smem:$0x3F9D];
	s0 =	simm.s32 @p0 $0x1  }
0x13: {  	[smem:$0x3FB8] =	sst s0;
	s0 =	simm.s32 @!p1 $0x0  }
0x14: {  	s2 =	sld [smem:$0x3F9C];
	s0 =	simm.s32 @p1 $0x1  }
0x15: {  	[smem:$0x3FB9] =	sst s0;
	s0 =	simm.s32 @!p2 $0x0  }
0x16: {  	s3 =	sld [smem:$0x3FDB];
	s0 =	simm.s32 @p2 $0x1  }
0x17: {  	s4 =	simm.s32 $0x1BF5;
	[smem:$0x3FBB] =	sst s0  }
0x18: {  	s0 =	sld [smem:$0x3F9E];
	_ =	swait.ge [sflag:s4], $0x0  }
0x19: {  	s7 =	sld [smem:$0x3F9F]  }
0x1a: {  	s8 =	sadd.s32 $0xFFFFE003, lr  }
0x1b: {  	s9 =	sadd.s32 $0xFFFFFEF7, lr;
	s5 =	simm.s32 $0xFFFFFFFF;
	p2 =	slt.u32 s8, $0xFFFFF086  }
0x1c: {  	p1 =	slt.u32 s9, $0xF7A;
	s5 =	simm.s32 @!p2 $0x0  }
0x1d: {  	s5 =	simm.s32 @p1 $0x1;
	p0 =	seq.s32 s7, s2  }
0x1e: {  	s7 =	smul.u32 @!p0 $0xF7A, s2;
	p2 =	seq.s32 @!p0 s5, $0x0  }
0x1f: {  	s9 =	smul.u32 $0xF7A, s1;
	s8 =	simm.s32 @!p0 $0x1BF5;
	p2 =	por !p2, p0  }
0x20: {  	[sflag:s8] =	ssyncset.s32 @!p0 $0xFFFFF086;
	s6 =	sadd.s32 @!p0 s3, s7;
	s7 =	simm.s32 @!p0 $0x108  }
0x21: {  	s3 =	sadd.s32 s3, s9;
	s6 =	sadd.s32 @!p0 $0x88, s6;
	s7 =	simm.s32 @p2 $0x1082  }
0x22: {  	[simem:s7], [sflag:s8] =	dma.local @!p0 [hbm:s6], $0xF7A  }
0x23: {  	s9 =	sor.u32 $0xD0000000, s2;
	s6 =	simm.s32 $0x108;
	_ =	swait.ge @!p0 [sflag:s8], $0x0  }
0x24: {  	s3 =	sadd.s32 $0x88, s3;
	s6 =	simm.s32 @!p1 $0x1082;
	[sflag:s4] =	ssyncset.s32 $0xFFFFF086  }
0x25: {  	[simem:s6], [sflag:s4] =	dma.local [hbm:s3], $0xF7A  }
0x26: {  	[smem:$0x3F9F] =	sst s1;
	(tag) =	ssettag s2;
	_ =	strace s9  }
0x27: {  	s1 =	sld [smem:$0x3FAF]  }
0x28: {  	s2 =	sld [smem:$0x3FB0]  }
0x29: {  	s4 =	sld [smem:$0x3FB2]  }
0x2a: {  	p0 =	seq.s32 s5, $0x0;
	s5 =	sld [smem:$0x3FB3]  }
0x2b: {  	s6 =	sld [smem:$0x3FB4]  }
0x2c: {  	s7 =	sld [smem:$0x3FB5]  }
0x2d: {  	s3 =	simm.s32 $0x108;
	s8 =	sld [smem:$0x3FB6]  }
0x2e: {  	s3 =	simm.s32 @!p0 $0x1082;
	s9 =	sld [smem:$0x3FB7]  }
0x2f: {  	lr =	sadd.s32 s0, s3;
	s0 =	sld [smem:$0x3FAE]  }
0x30: {  	s3 =	sld [smem:$0x3FB1]  }
0x31: {  	[smem:$0x3FBA] =	sst s10  }
0x32: {  	s10 =	sld [smem:$0x3FB8];
	_ =	sdelay $0x3  }
0x33: {  	p0 =	seq.s32 s10, $0x1;
	s10 =	sld [smem:$0x3FBA];
	_ =	sdelay $0x3  }
0x34: {  	[smem:$0x3FBA] =	sst s10  }
0x35: {  	s10 =	sld [smem:$0x3FB9];
	_ =	sdelay $0x3  }
0x36: {  	p1 =	seq.s32 s10, $0x1;
	s10 =	sld [smem:$0x3FBA];
	_ =	sdelay $0x3  }
0x37: {  	[smem:$0x3FBA] =	sst s10  }
0x38: {  	s10 =	sld [smem:$0x3FBB]  }
0x39: {  	_ = 	snop;
	(pc) =	sbr.ind lr, $3  }
0x3a: {  	_ = 	snop  }
0x3b: {  	_ = 	snop  }
0x3c: {  	p2 =	seq.s32 s10, $0x1;
	s10 =	sld [smem:$0x3FBA]  }
0x3d: {  	_ =	shalt  }
0x3e: {  	_ =	shalt  }
0x3f: {  	_ =	shalt  }
0x40: {  	_ =	shalt  }
0x41: {  	_ =	shalt  }
0x42: {  	_ =	shalt  }
0x43: {  	_ =	shalt  }
0x44: {  	_ =	shalt  }
0x45: {  	_ =	shalt  }
0x46: {  	_ =	shalt  }
0x47: {  	_ =	shalt  }
0x48: {  	_ =	shalt  }
0x49: {  	_ =	shalt  }
0x4a: {  	_ =	shalt  }
0x4b: {  	_ =	shalt  }
0x4c: {  	_ =	shalt  }
0x4d: {  	_ =	shalt  }
0x4e: {  	_ =	shalt  }
0x4f: {  	_ =	shalt  }
0x50: {  	_ =	shalt  }
0x51: {  	_ =	shalt  }
0x52: {  	_ =	shalt  }
0x53: {  	_ =	shalt  }
0x54: {  	_ =	shalt  }
0x55: {  	_ =	shalt  }
0x56: {  	_ =	shalt  }
0x57: {  	_ =	shalt  }
0x58: {  	_ =	shalt  }
0x59: {  	_ =	shalt  }
0x5a: {  	_ =	shalt  }
0x5b: {  	_ =	shalt  }
0x5c: {  	_ =	shalt  }
0x5d: {  	_ =	shalt  }
0x5e: {  	_ =	shalt  }
0x5f: {  	_ =	shalt  }
0x60: {  	_ =	shalt  }
0x61: {  	_ =	shalt  }
0x62: {  	_ =	shalt  }
0x63: {  	_ =	shalt  }
0x64: {  	_ =	shalt  }
0x65: {  	_ =	shalt  }
0x66: {  	_ =	shalt  }
0x67: {  	_ =	shalt  }
0x68: {  	_ =	shalt  }
0x69: {  	_ =	shalt  }
0x6a: {  	_ =	shalt  }
0x6b: {  	_ =	shalt  }
0x6c: {  	_ =	shalt  }
0x6d: {  	_ =	shalt  }
0x6e: {  	_ =	shalt  }
0x6f: {  	_ =	shalt  }
0x70: {  	_ =	shalt  }
0x71: {  	_ =	shalt  }
0x72: {  	_ =	shalt  }
0x73: {  	_ =	shalt  }
0x74: {  	_ =	shalt  }
0x75: {  	_ =	shalt  }
0x76: {  	_ =	shalt  }
0x77: {  	_ =	shalt  }
0x78: {  	_ =	shalt  }
0x79: {  	_ =	shalt  }
0x7a: {  	_ =	shalt  }
0x7b: {  	_ =	shalt  }
0x7c: {  	_ =	shalt  }
0x7d: {  	_ =	shalt  }
0x7e: {  	_ =	shalt  }
0x7f: {  	_ =	shalt  }
0x80: {  	_ =	shalt  }
0x81: {  	_ =	shalt  }
0x82: {  	_ =	shalt  }
0x83: {  	_ =	shalt  }
0x84: {  	_ =	shalt  }
0x85: {  	_ =	shalt  }
0x86: {  	_ =	shalt  }
0x87: {  	_ =	shalt  }
.Lfunc_end0:
.L_simem_size_0:
called_computation_lowered:
.L_overlay_start_0:
0x88: {  	s2 =	sld [smem:$0x3FD9]  }
0x89: {  	s3 =	sld [smem:$0x3FFE];
	_ =	sdelay $0x1  }
0x8a: {  	s1 =	srdreg.scid  }
0x8b: {  	s0 =	sand.u32 $0x1, s1  }
0x8c: {  	s18 =	sshll.u32 s0, $0xA;
	s2 =	sadd.s32 s3, s2  }
0x8d: {  	s2 =	sadd.s32 s2, s18  }
0x8e: {  	[smem:$0x3FC6] =	sst s2  }
0x8f: {  	_ = 	snop  }
0x90: {  	s2 =	sld [smem:$0x3FC9]  }
0x91: {  	s19 =	sld [smem:$0x3FC8]  }
0x92: {  	s4 =	sld [smem:$0x3FD0];
	(tm) =	ssettm $0x1  }
0x93: {  	s5 =	sld [smem:$0x3FFB];
	_ =	sdelay $0x3  }
0x94: {  	_ =	strace s5  }
0x95: {  	s5 =	sld [smem:$0x3FFC];
	_ =	sdelay $0x3  }
0x96: {  	_ =	strace s5  }
0x97: {  	s5 =	sld [smem:$0x3FFD];
	_ =	sdelay $0x3  }
0x98: {  	_ =	strace s5  }
0x99: {  	_ =	strace $0x8FFFFFFF  }
0x9a: {  	s20 =	sld [smem:$0x3FDB];
	_ =	sdelay $0x1  }
0x9b: {  	s6 =	simm.s32 $_scs_section_size  }
0x9c: {  	s7 =	simm.s32 $_size__tile_overlayer_lowered;
	s8 =	simm.s32 $_tile_overlayer_lowered  }
0x9d: {  	s23 =	simm.s32 $0x1BFF;
	s22 =	sshll.u32 s8, $0x1;
	s5 =	sadd.s32 s6, s20  }
0x9e: {  	s9 =	simm.s32 $0x0;
	s21 =	sshll.u32 s7, $0x1;
	s7 =	sadd.s32 s22, s5  }
0x9f: {  	[timem:s9], [sflag:s23] =	dma.local [hbm:s7], s21  }
0xa0: {  	_ =	swait.ge [sflag:s23], s21  }
0xa1: {  	s6 =	ssub.s32 $0x0, s21;
	[sflag:s23] =	ssyncset.done $0x0  }
0xa2: {  	[sflag:s23] =	ssyncadd.s32 s6;
	_ =	sdelay $0x1  }
0xa3: {  	s24 =	simm.s32 $0x1B8B  }
0xa4: {  	_ =	swait.ge [sflag:s24], $0x1  }
0xa5: {  	[sflag:s24] =	ssyncset.done $0x0  }
0xa6: {  	s25 =	simm.s32 $0x1B8E;
	[sflag:s24] =	ssyncadd.s32 $0xFFFFFFFF  }
0xa7: {  	s26 =	simm.s32 $execute0_lowered;
	[smem:$0x3FD2] =	sst s25  }
0xa8: {  	s6 =	sshll.u32 s26, $0x1;
	_ =	strace $0x80000046;
	[dreg:$0x1] =	wrdreg $0xFFFFFFFF  }
0xa9: {  	s28 =	simm.s32 $_size_execute0_lowered;
	s5 =	sadd.s32 s5, s6;
	[dreg:$0x0] =	wrdreg $0x0  }
0xaa: {  	s6 =	sshll.u32 s28, $0x1;
	[dreg:$0x2] =	wrdreg s5  }
0xab: {  	[dreg:$0x3] =	wrdreg s6  }
0xac: {  	[dreg:$0x4] =	wrdreg $0xC0  }
0xad: {  	_ =	task [dreg:s9], $0x5FFFF  }
0xae: {  	[dreg:$0x1] =	wrdreg $0xFFFFFFFF  }
0xaf: {  	[dreg:$0x0] =	wrdreg $0x60  }
0xb0: {  	[dreg:$0x2] =	wrdreg s2  }
0xb1: {  	[dreg:$0x3] =	wrdreg s19  }
0xb2: {  	[dreg:$0x4] =	wrdreg s4  }
0xb3: {  	[dreg:$0x5] =	wrdreg $0x164000  }
0xb4: {  	[dreg:$0x6] =	wrdreg $0x9  }
0xb5: {  	_ =	task.clear_ibuf [dreg:s9], $0x7FFFF;
	_ =	strace $0x90000046  }
0xb6: {  	s29 =	simm.s32 $0x9;
	_ =	strace $0x80000048  }
0xb7: {  	_ =	swait.ge [sflag:s29], $0x1  }
0xb8: {  	[sflag:s29] =	ssyncadd.s32 $0xFFFFFFFF  }
0xb9: {  	_ =	strace $0x90000048  }
0xba: {  	_ =	sfence  }
0xbb: {  	s30 =	sld [smem:$0x0];
	_ =	sdelay $0x2  }
0xbc: {  	s31 =	sshll.u32 s1, $0xD;
	s1 =	sshrl.u32 s1, $0x2  }
0xbd: {  	s3 =	sand.u32 $0x4000, s31;
	s1 =	sadd.s32 s1, s30  }
0xbe: {  	s0 =	sor.u32 s3, s0;
	s1 =	sshll.u32 s1, $0x11  }
0xbf: {  	s0 =	sor.u32 s1, s0  }
0xc0: {  	s0 =	sadd.s32 $0x8F2B, s0  }
0xc1: {  	[sflag:s0] =	ssyncadd.remote.s32 $0x1  }
0xc2: {  	_ =	sfence.sel $0xFFFF  }
0xc3: {  	[dreg:$0x0] =	wrdreg $0xFFFFFFFF;
	(pc) =	sbr.abs _section_cstart, $3  }
0xc4: {  	[dreg:$0x1] =	wrdreg $0xFFFFFFFF  }
0xc5: {  	_ =	task.clear_ibuf [dreg:s9], $0x2FFFF;
	_ =	strace $0x9FFFFFFF  }
0xc6: {  	(tm) =	ssettm $0x7FFFFFFF  }
0xc7: {  	_ =	shalt  }
tec
execute0_lowered:
.L_overlay_start_1:
0x0: {  	(tag) =	ssettag $0x1  }
0x1: {  	s0 =	rddreg [dreg:$0x0]  }
0x2: {  	s1 =	rddreg [dreg:$0x1]  }
0x3: {  	s2 =	rddreg [dreg:$0x2]  }
0x4: {  	s3 =	srdreg.scid;
	s11 =	stileid.u32  }
0x5: {  	s4 =	rddreg [dreg:$0x3];
	s6 =	simm.s32 $0x0;
	s28 =	simm.s32 $0xE400  }
0x6: {  	s29 =	simm.s32 $0x2;
	s3 =	sand.u32 $0x1, s3;
	s5 =	sshll.u32 s11, $0x1  }
0x7: {  	s30 =	simm.s32 $0x5;
	s24 =	smul.u32 $0xC8000, s11;
	s8 =	sor.u32 s3, s5  }
0x8: {  	s31 =	simm.s32 $0x7;
	[smem:$0x7FF] =	sst s6;
	s15 =	smul.u32 $0x6400, s8  }
0x9: {  	s17 =	sshll.u32 s11, $0xF;
	s14 =	ssub.s32 $0x2, s3;
	s9 =	smul.u32 $0x64000, s8  }
0xa: {  	_ =	strace $0x80000047;
	s5 =	sadd.s32 s17, s4;
	s16 =	sshrl.u32 s15, $0x3  }
0xb: {  	s3 =	smul.u32 $0x64000, s3;
	s6 =	sadd.s32 s2, s9;
	s0 =	sadd.s32 s0, s16  }
0xc: {  	s4 =	simm.s32 $0x0;
	s18 =	sadd.s32 $0x800, s6;
	[dreg:$0x5] =	wrdreg s0  }
0xd: {  	s7 =	sshrl.u32 s14, $0x1;
	s20 =	sadd.s32 $0x1000, s6;
	[dreg:$0x6] =	wrdreg s18  }
0xe: {  	s19 =	smul.u32 $0x320000, s8;
	s21 =	sadd.s32 $0x1800, s6;
	[dreg:$0x7] =	wrdreg s20  }
0xf: {  	s10 =	ssub.s32 s14, s7;
	s22 =	sadd.s32 $0x2000, s6;
	[dreg:$0x8] =	wrdreg s21  }
0x10: {  	s7 =	sadd.s32 $0x4000, s5;
	s23 =	sadd.s32 $0x2800, s6;
	[dreg:$0x9] =	wrdreg s22  }
0x11: {  	s25 =	sadd.s32 $0x3000, s6;
	[dreg:$0xa] =	wrdreg s23;
	s0 =	sshrl.u32 s19, $0x3  }
0x12: {  	[dreg:$0xb] =	wrdreg s25;
	s19 =	smax.u32 s10, $0x1;
	s21 =	simm.s32 $0x8  }
0x13: {  	s22 =	simm.s32 $0x80;
	s23 =	simm.s32 $0x6400;
	s25 =	simm.s32 $0x1  }
0x14: {  	s0 =	sadd.s32 s2, s0;
	s2 =	sadd.s32 s24, s2;
	s24 =	simm.s32 $0xA400  }
0x15: {  	s26 =	sadd.s32 $0x61800, s0;
	s15 =	sadd.s32 $0x62000, s0;
	s16 =	sadd.s32 $0x62800, s0  }
0x16: {  	s17 =	sadd.s32 $0x63000, s0;
	s2 =	sadd.s32 s3, s2;
	s18 =	sadd.s32 $0x63800, s0  }
0x17: {  	s0 =	simm.s32 $0x6;
	s3 =	simm.s32 $0x4;
	[dreg:$0xc] =	wrdreg s26  }
0x18: {  	s11 =	sadd.s32 $0x3800, s2;
	s2 =	simm.s32 $0x12400;
	s26 =	simm.s32 $0x3  }
.LBB2_1:
0x19: {  	s8 =	simm.s32 $0x0;
	s9 =	rddreg [dreg:$0x5]  }
0x1a: {  	[tilespmem:s8], [sflag:$0x8] =	stream.linear.gather [hbm4b:s9+s8], $0x6400, $0x38;
	[tilespmem:$0x1E400] =	vst v63  }
0x1b: {  	_ =	swait.ge [sflag:s21], $0x6400  }
0x1c: {  	[sflag:s21] =	ssyncset.done $0x0  }
0x1d: {  	[sflag:s21] =	ssyncadd.s32 $0xFFFF9C00  }
0x1e: {  	v0 =	vld [tilespmem:$0x0]  }
0x1f: {  	v1 =	vld [tilespmem:$0x10]  }
0x20: {  	v2 =	vld [tilespmem:$0x20]  }
0x21: {  	v3 =	vld [tilespmem:$0x30]  }
0x22: {  	v4 =	vld [tilespmem:$0x40]  }
0x23: {  	v5 =	vld [tilespmem:$0x50];
	vm0 =	vgt.s32 v0, $0x1869F  }
0x24: {  	v6 =	vld [tilespmem:$0x60];
	vm5 =	vgt.s32 v1, $0x1869F;
	v0 =	vsel vm0, $0x0, v0  }
0x25: {  	v49 =	vld [tilespmem:$0x70];
	vm6 =	vgt.s32 v2, $0x1869F;
	v48 =	vsel vm5, $0x0, v1;
	[tilespmem:$0x0] =	vst v0  }
0x26: {  	vm7 =	vgt.s32 v3, $0x1869F;
	v50 =	vsel vm6, $0x0, v2;
	[tilespmem:$0x10] =	vst v48  }
0x27: {  	vm8 =	vgt.s32 v4, $0x1869F;
	v51 =	vsel vm7, $0x0, v3;
	[tilespmem:$0x20] =	vst v50  }
0x28: {  	vm9 =	vgt.s32 v5, $0x1869F;
	v52 =	vsel vm8, $0x0, v4;
	[tilespmem:$0x30] =	vst v51  }
0x29: {  	vm10 =	vgt.s32 v6, $0x1869F;
	v53 =	vsel vm9, $0x0, v5;
	[tilespmem:$0x40] =	vst v52  }
0x2a: {  	vm11 =	vgt.s32 v49, $0x1869F;
	v54 =	vsel vm10, $0x0, v6;
	[tilespmem:$0x50] =	vst v53  }
0x2b: {  	v55 =	vsel vm11, $0x0, v49;
	[tilespmem:$0x60] =	vst v54  }
0x2c: {  	[tilespmem:$0x70] =	vst v55  }
0x2d: {  	[tilespmem:s23], [sflag:$0x1] =	stream.indirect.gather [hbm4b:s1+s22], $0x80, s8, s22, $0xb8;
	[tilespmem:$0x1E400] =	vst v63  }
0x2e: {  	v56 =	vld [tilespmem:$0x80]  }
0x2f: {  	v57 =	vld [tilespmem:$0x90]  }
0x30: {  	v58 =	vld [tilespmem:$0xA0]  }
0x31: {  	v59 =	vld [tilespmem:$0xB0]  }
0x32: {  	v60 =	vld [tilespmem:$0xC0]  }
0x33: {  	v61 =	vld [tilespmem:$0xD0];
	vm12 =	vgt.s32 v56, $0x1869F  }
0x34: {  	v62 =	vld [tilespmem:$0xE0];
	vm13 =	vgt.s32 v57, $0x1869F;
	v0 =	vsel vm12, $0x0, v56  }
0x35: {  	v7 =	vld [tilespmem:$0xF0];
	vm14 =	vgt.s32 v58, $0x1869F;
	v63 =	vsel vm13, $0x0, v57;
	[tilespmem:$0x80] =	vst v0  }
0x36: {  	vm15 =	vgt.s32 v59, $0x1869F;
	v8 =	vsel vm14, $0x0, v58;
	[tilespmem:$0x90] =	vst v63  }
0x37: {  	vm4 =	vgt.s32 v60, $0x1869F;
	v9 =	vsel vm15, $0x0, v59;
	[tilespmem:$0xA0] =	vst v8  }
0x38: {  	vm5 =	vgt.s32 v61, $0x1869F;
	v10 =	vsel vm4, $0x0, v60;
	[tilespmem:$0xB0] =	vst v9  }
0x39: {  	vm6 =	vgt.s32 v62, $0x1869F;
	v11 =	vsel vm5, $0x0, v61;
	[tilespmem:$0xC0] =	vst v10  }
0x3a: {  	vm7 =	vgt.s32 v7, $0x1869F;
	v12 =	vsel vm6, $0x0, v62;
	[tilespmem:$0xD0] =	vst v11  }
0x3b: {  	v13 =	vsel vm7, $0x0, v7;
	[tilespmem:$0xE0] =	vst v12  }
0x3c: {  	[tilespmem:$0xF0] =	vst v13  }
0x3d: {  	[tilespmem:s24], [sflag:$0x2] =	stream.indirect.gather [hbm4b:s1+s22], $0x80, s22, s22, $0xb8;
	[tilespmem:$0x1E400] =	vst v63  }
0x3e: {  	_ =	swait.ge [sflag:s25], $0x4000  }
0x3f: {  	[sflag:s25] =	ssyncset.done $0x0  }
0x40: {  	[sflag:s25] =	ssyncadd.s32 $0xFFFFC000  }
0x41: {  	[spmem:s5] =	stream.linear.scatter [tilespmem:s23], [sflag:$0x5], $0x4000, $0x38;
	[tilespmem:$0x1E400] =	vst v63  }
0x42: {  	v14 =	vld [tilespmem:$0x100]  }
0x43: {  	v15 =	vld [tilespmem:$0x110]  }
0x44: {  	v16 =	vld [tilespmem:$0x120]  }
0x45: {  	v17 =	vld [tilespmem:$0x130]  }
0x46: {  	v18 =	vld [tilespmem:$0x140]  }
0x47: {  	v19 =	vld [tilespmem:$0x150];
	vm8 =	vgt.s32 v14, $0x1869F  }
0x48: {  	v20 =	vld [tilespmem:$0x160];
	vm9 =	vgt.s32 v15, $0x1869F;
	v0 =	vsel vm8, $0x0, v14  }
0x49: {  	v22 =	vld [tilespmem:$0x170];
	vm10 =	vgt.s32 v16, $0x1869F;
	v21 =	vsel vm9, $0x0, v15;
	[tilespmem:$0x100] =	vst v0  }
0x4a: {  	vm11 =	vgt.s32 v17, $0x1869F;
	v23 =	vsel vm10, $0x0, v16;
	[tilespmem:$0x110] =	vst v21  }
0x4b: {  	vm12 =	vgt.s32 v18, $0x1869F;
	v24 =	vsel vm11, $0x0, v17;
	[tilespmem:$0x120] =	vst v23  }
0x4c: {  	vm13 =	vgt.s32 v19, $0x1869F;
	v25 =	vsel vm12, $0x0, v18;
	[tilespmem:$0x130] =	vst v24  }
0x4d: {  	vm14 =	vgt.s32 v20, $0x1869F;
	v26 =	vsel vm13, $0x0, v19;
	[tilespmem:$0x140] =	vst v25  }
0x4e: {  	vm15 =	vgt.s32 v22, $0x1869F;
	v27 =	vsel vm14, $0x0, v20;
	[tilespmem:$0x150] =	vst v26  }
0x4f: {  	v28 =	vsel vm15, $0x0, v22;
	[tilespmem:$0x160] =	vst v27  }
0x50: {  	s13 =	simm.s32 $0x100;
	[tilespmem:$0x170] =	vst v28  }
0x51: {  	[tilespmem:s28], [sflag:$0x3] =	stream.indirect.gather [hbm4b:s1+s22], $0x80, s13, s22, $0xb8;
	[tilespmem:$0x1E400] =	vst v63  }
0x52: {  	_ =	swait.ge [sflag:s29], $0x4000  }
0x53: {  	[sflag:s29] =	ssyncset.done $0x0  }
0x54: {  	[sflag:s29] =	ssyncadd.s32 $0xFFFFC000  }
0x55: {  	[spmem:s7] =	stream.linear.scatter [tilespmem:s24], [sflag:$0x6], $0x4000, $0x38;
	[tilespmem:$0x1E400] =	vst v63  }
0x56: {  	s14 =	stileid.u32;
	_ =	swait.ge [sflag:s30], $0x4000  }
0x57: {  	s8 =	sshll.u32 s14, $0x6;
	[sflag:s30] =	ssyncset.done $0x0  }
0x58: {  	s9 =	sshrl.u32 s5, $0x3;
	s8 =	sor.u32 $0x1C07, s8;
	[sflag:s30] =	ssyncadd.s32 $0xFFFFC000  }
0x59: {  	[hbm:s6], [sflag:s8] =	dma.local [spmem:s9], $0x800  }
0x5a: {  	v29 =	vld [tilespmem:$0x180]  }
0x5b: {  	v30 =	vld [tilespmem:$0x190]  }
0x5c: {  	v31 =	vld [tilespmem:$0x1A0]  }
0x5d: {  	v32 =	vld [tilespmem:$0x1B0]  }
0x5e: {  	v33 =	vld [tilespmem:$0x1C0]  }
0x5f: {  	v34 =	vld [tilespmem:$0x1D0];
	vm4 =	vgt.s32 v29, $0x1869F  }
0x60: {  	v35 =	vld [tilespmem:$0x1E0];
	vm5 =	vgt.s32 v30, $0x1869F;
	v0 =	vsel vm4, $0x0, v29  }
0x61: {  	v37 =	vld [tilespmem:$0x1F0];
	vm6 =	vgt.s32 v31, $0x1869F;
	v36 =	vsel vm5, $0x0, v30;
	[tilespmem:$0x180] =	vst v0  }
0x62: {  	vm7 =	vgt.s32 v32, $0x1869F;
	v38 =	vsel vm6, $0x0, v31;
	[tilespmem:$0x190] =	vst v36  }
0x63: {  	vm8 =	vgt.s32 v33, $0x1869F;
	v39 =	vsel vm7, $0x0, v32;
	[tilespmem:$0x1A0] =	vst v38  }
0x64: {  	vm9 =	vgt.s32 v34, $0x1869F;
	v40 =	vsel vm8, $0x0, v33;
	[tilespmem:$0x1B0] =	vst v39  }
0x65: {  	vm10 =	vgt.s32 v35, $0x1869F;
	v41 =	vsel vm9, $0x0, v34;
	[tilespmem:$0x1C0] =	vst v40  }
0x66: {  	vm11 =	vgt.s32 v37, $0x1869F;
	v42 =	vsel vm10, $0x0, v35;
	[tilespmem:$0x1D0] =	vst v41  }
0x67: {  	v43 =	vsel vm11, $0x0, v37;
	[tilespmem:$0x1E0] =	vst v42  }
0x68: {  	s10 =	simm.s32 $0x180;
	[tilespmem:$0x1F0] =	vst v43  }
0x69: {  	[tilespmem:s2], [sflag:$0x4] =	stream.indirect.gather [hbm4b:s1+s22], $0x80, s10, s22, $0xb8;
	[tilespmem:$0x1E400] =	vst v63  }
0x6a: {  	_ =	swait.ge [sflag:s26], $0x4000  }
0x6b: {  	[sflag:s26] =	ssyncset.done $0x0  }
0x6c: {  	[sflag:s26] =	ssyncadd.s32 $0xFFFFC000  }
0x6d: {  	_ =	swait.ge [sflag:s31], $0x800  }
0x6e: {  	[sflag:s31] =	ssyncset.done $0x0  }
0x6f: {  	[sflag:s31] =	ssyncadd.s32 $0xFFFFF800  }
0x70: {  	[spmem:s5] =	stream.linear.scatter [tilespmem:s28], [sflag:$0x5], $0x4000, $0x38;
	[tilespmem:$0x1E400] =	vst v63  }
0x71: {  	_ =	swait.ge [sflag:s0], $0x4000  }
0x72: {  	[sflag:s0] =	ssyncset.done $0x0  }
0x73: {  	s10 =	sshrl.u32 s7, $0x3;
	s12 =	rddreg [dreg:$0x6];
	[sflag:s0] =	ssyncadd.s32 $0xFFFFC000  }
0x74: {  	[hbm:s12], [sflag:s8] =	dma.local [spmem:s10], $0x800  }
0x75: {  	v44 =	vld [tilespmem:$0x200]  }
0x76: {  	v45 =	vld [tilespmem:$0x210]  }
0x77: {  	v46 =	vld [tilespmem:$0x220]  }
0x78: {  	v47 =	vld [tilespmem:$0x230]  }
0x79: {  	v48 =	vld [tilespmem:$0x240]  }
0x7a: {  	v49 =	vld [tilespmem:$0x250];
	vm12 =	vgt.s32 v44, $0x1869F  }
0x7b: {  	v50 =	vld [tilespmem:$0x260];
	vm13 =	vgt.s32 v45, $0x1869F;
	v0 =	vsel vm12, $0x0, v44  }
0x7c: {  	v52 =	vld [tilespmem:$0x270];
	vm14 =	vgt.s32 v46, $0x1869F;
	v51 =	vsel vm13, $0x0, v45;
	[tilespmem:$0x200] =	vst v0  }
0x7d: {  	vm15 =	vgt.s32 v47, $0x1869F;
	v53 =	vsel vm14, $0x0, v46;
	[tilespmem:$0x210] =	vst v51  }
0x7e: {  	vm4 =	vgt.s32 v48, $0x1869F;
	v54 =	vsel vm15, $0x0, v47;
	[tilespmem:$0x220] =	vst v53  }
0x7f: {  	vm5 =	vgt.s32 v49, $0x1869F;
	v55 =	vsel vm4, $0x0, v48;
	[tilespmem:$0x230] =	vst v54  }
0x80: {  	vm6 =	vgt.s32 v50, $0x1869F;
	v56 =	vsel vm5, $0x0, v49;
	[tilespmem:$0x240] =	vst v55  }
0x81: {  	vm7 =	vgt.s32 v52, $0x1869F;
	v57 =	vsel vm6, $0x0, v50;
	[tilespmem:$0x250] =	vst v56  }
0x82: {  	v58 =	vsel vm7, $0x0, v52;
	[tilespmem:$0x260] =	vst v57  }
0x83: {  	s20 =	simm.s32 $0x200;
	[tilespmem:$0x270] =	vst v58  }
0x84: {  	[tilespmem:s23], [sflag:$0x1] =	stream.indirect.gather [hbm4b:s1+s22], $0x80, s20, s22, $0xb8;
	[tilespmem:$0x1E400] =	vst v63  }
0x85: {  	_ =	swait.ge [sflag:s3], $0x4000  }
0x86: {  	[sflag:s3] =	ssyncset.done $0x0  }
0x87: {  	[sflag:s3] =	ssyncadd.s32 $0xFFFFC000  }
0x88: {  	_ =	swait.ge [sflag:s31], $0x800  }
0x89: {  	[sflag:s31] =	ssyncset.done $0x0  }
0x8a: {  	[sflag:s31] =	ssyncadd.s32 $0xFFFFF800  }
0x8b: {  	[spmem:s7] =	stream.linear.scatter [tilespmem:s2], [sflag:$0x6], $0x4000, $0x38;
	[tilespmem:$0x1E400] =	vst v63  }
0x8c: {  	_ =	swait.ge [sflag:s30], $0x4000  }
0x8d: {  	[sflag:s30] =	ssyncset.done $0x0  }
0x8e: {  	s13 =	rddreg [dreg:$0x7];
	[sflag:s30] =	ssyncadd.s32 $0xFFFFC000  }
0x8f: {  	[hbm:s13], [sflag:s8] =	dma.local [spmem:s9], $0x800  }
0x90: {  	v59 =	vld [tilespmem:$0x280]  }
0x91: {  	v60 =	vld [tilespmem:$0x290]  }
0x92: {  	v61 =	vld [tilespmem:$0x2A0]  }
0x93: {  	v62 =	vld [tilespmem:$0x2B0]  }
0x94: {  	v63 =	vld [tilespmem:$0x2C0]  }
0x95: {  	v9 =	vld [tilespmem:$0x2D0];
	vm8 =	vgt.s32 v59, $0x1869F  }
0x96: {  	v10 =	vld [tilespmem:$0x2E0];
	vm9 =	vgt.s32 v60, $0x1869F;
	v0 =	vsel vm8, $0x0, v59  }
0x97: {  	v12 =	vld [tilespmem:$0x2F0];
	vm10 =	vgt.s32 v61, $0x1869F;
	v11 =	vsel vm9, $0x0, v60;
	[tilespmem:$0x280] =	vst v0  }
0x98: {  	vm11 =	vgt.s32 v62, $0x1869F;
	v13 =	vsel vm10, $0x0, v61;
	[tilespmem:$0x290] =	vst v11  }
0x99: {  	vm12 =	vgt.s32 v63, $0x1869F;
	v14 =	vsel vm11, $0x0, v62;
	[tilespmem:$0x2A0] =	vst v13  }
0x9a: {  	vm13 =	vgt.s32 v9, $0x1869F;
	v15 =	vsel vm12, $0x0, v63;
	[tilespmem:$0x2B0] =	vst v14  }
0x9b: {  	vm14 =	vgt.s32 v10, $0x1869F;
	v16 =	vsel vm13, $0x0, v9;
	[tilespmem:$0x2C0] =	vst v15  }
0x9c: {  	vm15 =	vgt.s32 v12, $0x1869F;
	v17 =	vsel vm14, $0x0, v10;
	[tilespmem:$0x2D0] =	vst v16  }
0x9d: {  	v18 =	vsel vm15, $0x0, v12;
	[tilespmem:$0x2E0] =	vst v17  }
0x9e: {  	s14 =	simm.s32 $0x280;
	[tilespmem:$0x2F0] =	vst v18  }
0x9f: {  	[tilespmem:s24], [sflag:$0x2] =	stream.indirect.gather [hbm4b:s1+s22], $0x80, s14, s22, $0xb8;
	[tilespmem:$0x1E400] =	vst v63  }
0xa0: {  	_ =	swait.ge [sflag:s25], $0x4000  }
0xa1: {  	[sflag:s25] =	ssyncset.done $0x0  }
0xa2: {  	[sflag:s25] =	ssyncadd.s32 $0xFFFFC000  }
0xa3: {  	_ =	swait.ge [sflag:s31], $0x800  }
0xa4: {  	[sflag:s31] =	ssyncset.done $0x0  }
0xa5: {  	[sflag:s31] =	ssyncadd.s32 $0xFFFFF800  }
0xa6: {  	[spmem:s5] =	stream.linear.scatter [tilespmem:s23], [sflag:$0x5], $0x4000, $0x38;
	[tilespmem:$0x1E400] =	vst v63  }
0xa7: {  	_ =	swait.ge [sflag:s0], $0x4000  }
0xa8: {  	[sflag:s0] =	ssyncset.done $0x0  }
0xa9: {  	s20 =	rddreg [dreg:$0x8];
	[sflag:s0] =	ssyncadd.s32 $0xFFFFC000  }
0xaa: {  	[hbm:s20], [sflag:s8] =	dma.local [spmem:s10], $0x800  }
0xab: {  	v19 =	vld [tilespmem:$0x300]  }
0xac: {  	v20 =	vld [tilespmem:$0x310]  }
0xad: {  	v21 =	vld [tilespmem:$0x320]  }
0xae: {  	v22 =	vld [tilespmem:$0x330]  }
0xaf: {  	v23 =	vld [tilespmem:$0x340]  }
0xb0: {  	v24 =	vld [tilespmem:$0x350];
	vm4 =	vgt.s32 v19, $0x1869F  }
0xb1: {  	v25 =	vld [tilespmem:$0x360];
	vm5 =	vgt.s32 v20, $0x1869F;
	v0 =	vsel vm4, $0x0, v19  }
0xb2: {  	v27 =	vld [tilespmem:$0x370];
	vm6 =	vgt.s32 v21, $0x1869F;
	v26 =	vsel vm5, $0x0, v20;
	[tilespmem:$0x300] =	vst v0  }
0xb3: {  	vm7 =	vgt.s32 v22, $0x1869F;
	v28 =	vsel vm6, $0x0, v21;
	[tilespmem:$0x310] =	vst v26  }
0xb4: {  	vm8 =	vgt.s32 v23, $0x1869F;
	v29 =	vsel vm7, $0x0, v22;
	[tilespmem:$0x320] =	vst v28  }
0xb5: {  	vm9 =	vgt.s32 v24, $0x1869F;
	v30 =	vsel vm8, $0x0, v23;
	[tilespmem:$0x330] =	vst v29  }
0xb6: {  	vm10 =	vgt.s32 v25, $0x1869F;
	v31 =	vsel vm9, $0x0, v24;
	[tilespmem:$0x340] =	vst v30  }
0xb7: {  	vm11 =	vgt.s32 v27, $0x1869F;
	v32 =	vsel vm10, $0x0, v25;
	[tilespmem:$0x350] =	vst v31  }
0xb8: {  	v33 =	vsel vm11, $0x0, v27;
	[tilespmem:$0x360] =	vst v32  }
0xb9: {  	s13 =	simm.s32 $0x300;
	[tilespmem:$0x370] =	vst v33  }
0xba: {  	[tilespmem:s28], [sflag:$0x3] =	stream.indirect.gather [hbm4b:s1+s22], $0x80, s13, s22, $0xb8;
	[tilespmem:$0x1E400] =	vst v63  }
0xbb: {  	_ =	swait.ge [sflag:s29], $0x4000  }
0xbc: {  	[sflag:s29] =	ssyncset.done $0x0  }
0xbd: {  	[sflag:s29] =	ssyncadd.s32 $0xFFFFC000  }
0xbe: {  	_ =	swait.ge [sflag:s31], $0x800  }
0xbf: {  	[sflag:s31] =	ssyncset.done $0x0  }
0xc0: {  	[sflag:s31] =	ssyncadd.s32 $0xFFFFF800  }
0xc1: {  	[spmem:s7] =	stream.linear.scatter [tilespmem:s24], [sflag:$0x6], $0x4000, $0x38;
	[tilespmem:$0x1E400] =	vst v63  }
0xc2: {  	_ =	swait.ge [sflag:s30], $0x4000  }
0xc3: {  	[sflag:s30] =	ssyncset.done $0x0  }
0xc4: {  	s14 =	rddreg [dreg:$0x9];
	[sflag:s30] =	ssyncadd.s32 $0xFFFFC000  }
0xc5: {  	[hbm:s14], [sflag:s8] =	dma.local [spmem:s9], $0x800  }
0xc6: {  	v34 =	vld [tilespmem:$0x380]  }
0xc7: {  	v35 =	vld [tilespmem:$0x390]  }
0xc8: {  	v36 =	vld [tilespmem:$0x3A0]  }
0xc9: {  	v37 =	vld [tilespmem:$0x3B0]  }
0xca: {  	v38 =	vld [tilespmem:$0x3C0]  }
0xcb: {  	v39 =	vld [tilespmem:$0x3D0];
	vm12 =	vgt.s32 v34, $0x1869F  }
0xcc: {  	v40 =	vld [tilespmem:$0x3E0];
	vm13 =	vgt.s32 v35, $0x1869F;
	v0 =	vsel vm12, $0x0, v34  }
0xcd: {  	v42 =	vld [tilespmem:$0x3F0];
	vm14 =	vgt.s32 v36, $0x1869F;
	v41 =	vsel vm13, $0x0, v35;
	[tilespmem:$0x380] =	vst v0  }
0xce: {  	vm15 =	vgt.s32 v37, $0x1869F;
	v43 =	vsel vm14, $0x0, v36;
	[tilespmem:$0x390] =	vst v41  }
0xcf: {  	vm4 =	vgt.s32 v38, $0x1869F;
	v44 =	vsel vm15, $0x0, v37;
	[tilespmem:$0x3A0] =	vst v43  }
0xd0: {  	vm5 =	vgt.s32 v39, $0x1869F;
	v45 =	vsel vm4, $0x0, v38;
	[tilespmem:$0x3B0] =	vst v44  }
0xd1: {  	vm6 =	vgt.s32 v40, $0x1869F;
	v46 =	vsel vm5, $0x0, v39;
	[tilespmem:$0x3C0] =	vst v45  }
0xd2: {  	vm7 =	vgt.s32 v42, $0x1869F;
	v47 =	vsel vm6, $0x0, v40;
	[tilespmem:$0x3D0] =	vst v46  }
0xd3: {  	v48 =	vsel vm7, $0x0, v42;
	[tilespmem:$0x3E0] =	vst v47  }
0xd4: {  	s20 =	simm.s32 $0x380;
	[tilespmem:$0x3F0] =	vst v48  }
0xd5: {  	[tilespmem:s2], [sflag:$0x4] =	stream.indirect.gather [hbm4b:s1+s22], $0x80, s20, s22, $0xb8;
	[tilespmem:$0x1E400] =	vst v63  }
0xd6: {  	_ =	swait.ge [sflag:s26], $0x4000  }
0xd7: {  	[sflag:s26] =	ssyncset.done $0x0  }
0xd8: {  	[sflag:s26] =	ssyncadd.s32 $0xFFFFC000  }
0xd9: {  	_ =	swait.ge [sflag:s31], $0x800  }
0xda: {  	[sflag:s31] =	ssyncset.done $0x0  }
0xdb: {  	[sflag:s31] =	ssyncadd.s32 $0xFFFFF800  }
0xdc: {  	[spmem:s5] =	stream.linear.scatter [tilespmem:s28], [sflag:$0x5], $0x4000, $0x38;
	[tilespmem:$0x1E400] =	vst v63  }
0xdd: {  	_ =	swait.ge [sflag:s0], $0x4000  }
0xde: {  	[sflag:s0] =	ssyncset.done $0x0  }
0xdf: {  	s13 =	rddreg [dreg:$0xa];
	[sflag:s0] =	ssyncadd.s32 $0xFFFFC000  }
0xe0: {  	[hbm:s13], [sflag:s8] =	dma.local [spmem:s10], $0x800  }
0xe1: {  	v49 =	vld [tilespmem:$0x400]  }
0xe2: {  	v50 =	vld [tilespmem:$0x410]  }
0xe3: {  	v51 =	vld [tilespmem:$0x420]  }
0xe4: {  	v52 =	vld [tilespmem:$0x430]  }
0xe5: {  	v53 =	vld [tilespmem:$0x440]  }
0xe6: {  	v54 =	vld [tilespmem:$0x450];
	vm8 =	vgt.s32 v49, $0x1869F  }
0xe7: {  	v55 =	vld [tilespmem:$0x460];
	vm9 =	vgt.s32 v50, $0x1869F;
	v0 =	vsel vm8, $0x0, v49  }
0xe8: {  	v57 =	vld [tilespmem:$0x470];
	vm10 =	vgt.s32 v51, $0x1869F;
	v56 =	vsel vm9, $0x0, v50;
	[tilespmem:$0x400] =	vst v0  }
0xe9: {  	vm11 =	vgt.s32 v52, $0x1869F;
	v58 =	vsel vm10, $0x0, v51;
	[tilespmem:$0x410] =	vst v56  }
0xea: {  	vm12 =	vgt.s32 v53, $0x1869F;
	v59 =	vsel vm11, $0x0, v52;
	[tilespmem:$0x420] =	vst v58  }
0xeb: {  	vm13 =	vgt.s32 v54, $0x1869F;
	v60 =	vsel vm12, $0x0, v53;
	[tilespmem:$0x430] =	vst v59  }
0xec: {  	vm14 =	vgt.s32 v55, $0x1869F;
	v61 =	vsel vm13, $0x0, v54;
	[tilespmem:$0x440] =	vst v60  }
0xed: {  	vm15 =	vgt.s32 v57, $0x1869F;
	v62 =	vsel vm14, $0x0, v55;
	[tilespmem:$0x450] =	vst v61  }
0xee: {  	v63 =	vsel vm15, $0x0, v57;
	[tilespmem:$0x460] =	vst v62  }
0xef: {  	s14 =	simm.s32 $0x400;
	[tilespmem:$0x470] =	vst v63  }
0xf0: {  	[tilespmem:s23], [sflag:$0x1] =	stream.indirect.gather [hbm4b:s1+s22], $0x80, s14, s22, $0xb8;
	[tilespmem:$0x1E400] =	vst v63  }
0xf1: {  	_ =	swait.ge [sflag:s3], $0x4000  }
0xf2: {  	[sflag:s3] =	ssyncset.done $0x0  }
0xf3: {  	[sflag:s3] =	ssyncadd.s32 $0xFFFFC000  }
0xf4: {  	_ =	swait.ge [sflag:s31], $0x800  }
0xf5: {  	[sflag:s31] =	ssyncset.done $0x0  }
0xf6: {  	[sflag:s31] =	ssyncadd.s32 $0xFFFFF800  }
0xf7: {  	[spmem:s7] =	stream.linear.scatter [tilespmem:s2], [sflag:$0x6], $0x4000, $0x38;
	[tilespmem:$0x1E400] =	vst v63  }
0xf8: {  	_ =	swait.ge [sflag:s30], $0x4000  }
0xf9: {  	[sflag:s30] =	ssyncset.done $0x0  }
0xfa: {  	s20 =	rddreg [dreg:$0xb];
	[sflag:s30] =	ssyncadd.s32 $0xFFFFC000  }
0xfb: {  	[hbm:s20], [sflag:s8] =	dma.local [spmem:s9], $0x800  }
0xfc: {  	s12 =	simm.s32 $0x0;
	s20 =	smov.u32 s11  }
.LBB2_2:
0xfd: {  	s13 =	sshra.s32 s12, $0x2  }
0xfe: {  	v0 =	vld [tilespmem:s13+$0x480]  }
0xff: {  	v1 =	vld [tilespmem:s13+$0x490]  }
0x100: {  	v2 =	vld [tilespmem:s13+$0x4A0]  }
0x101: {  	v3 =	vld [tilespmem:s13+$0x4B0]  }
0x102: {  	v4 =	vld [tilespmem:s13+$0x4C0]  }
0x103: {  	v5 =	vld [tilespmem:s13+$0x4D0];
	vm0 =	vgt.s32 v0, $0x1869F  }
0x104: {  	v6 =	vld [tilespmem:s13+$0x4E0];
	vm9 =	vgt.s32 v1, $0x1869F;
	v0 =	vsel vm0, $0x0, v0  }
0x105: {  	v12 =	vld [tilespmem:s13+$0x4F0];
	vm10 =	vgt.s32 v2, $0x1869F;
	v11 =	vsel vm9, $0x0, v1;
	[tilespmem:s13+$0x480] =	vst v0  }
0x106: {  	vm11 =	vgt.s32 v3, $0x1869F;
	v13 =	vsel vm10, $0x0, v2;
	[tilespmem:s13+$0x490] =	vst v11  }
0x107: {  	vm12 =	vgt.s32 v4, $0x1869F;
	v14 =	vsel vm11, $0x0, v3;
	[tilespmem:s13+$0x4A0] =	vst v13  }
0x108: {  	vm13 =	vgt.s32 v5, $0x1869F;
	v15 =	vsel vm12, $0x0, v4;
	[tilespmem:s13+$0x4B0] =	vst v14  }
0x109: {  	vm14 =	vgt.s32 v6, $0x1869F;
	v16 =	vsel vm13, $0x0, v5;
	[tilespmem:s13+$0x4C0] =	vst v15  }
0x10a: {  	vm15 =	vgt.s32 v12, $0x1869F;
	v17 =	vsel vm14, $0x0, v6;
	[tilespmem:s13+$0x4D0] =	vst v16  }
0x10b: {  	v18 =	vsel vm15, $0x0, v12;
	[tilespmem:s13+$0x4E0] =	vst v17  }
0x10c: {  	s14 =	sadd.s32 $0x480, s13;
	[tilespmem:s13+$0x4F0] =	vst v18  }
0x10d: {  	[tilespmem:s24], [sflag:$0x2] =	stream.indirect.gather [hbm4b:s1+s22], $0x80, s14, s22, $0xb8;
	[tilespmem:$0x1E400] =	vst v63  }
0x10e: {  	_ =	swait.ge [sflag:s25], $0x4000  }
0x10f: {  	[sflag:s25] =	ssyncset.done $0x0  }
0x110: {  	[sflag:s25] =	ssyncadd.s32 $0xFFFFC000  }
0x111: {  	_ =	swait.ge [sflag:s31], $0x800  }
0x112: {  	[sflag:s31] =	ssyncset.done $0x0  }
0x113: {  	[sflag:s31] =	ssyncadd.s32 $0xFFFFF800  }
0x114: {  	[spmem:s5] =	stream.linear.scatter [tilespmem:s23], [sflag:$0x5], $0x4000, $0x38;
	[tilespmem:$0x1E400] =	vst v63  }
0x115: {  	_ =	swait.ge [sflag:s0], $0x4000  }
0x116: {  	[sflag:s0] =	ssyncset.done $0x0  }
0x117: {  	[sflag:s0] =	ssyncadd.s32 $0xFFFFC000  }
0x118: {  	[hbm:s20], [sflag:s8] =	dma.local [spmem:s10], $0x800  }
0x119: {  	v19 =	vld [tilespmem:s13+$0x500]  }
0x11a: {  	v20 =	vld [tilespmem:s13+$0x510]  }
0x11b: {  	v21 =	vld [tilespmem:s13+$0x520]  }
0x11c: {  	v22 =	vld [tilespmem:s13+$0x530]  }
0x11d: {  	v23 =	vld [tilespmem:s13+$0x540]  }
0x11e: {  	v24 =	vld [tilespmem:s13+$0x550];
	vm4 =	vgt.s32 v19, $0x1869F  }
0x11f: {  	v25 =	vld [tilespmem:s13+$0x560];
	vm5 =	vgt.s32 v20, $0x1869F;
	v0 =	vsel vm4, $0x0, v19  }
0x120: {  	v27 =	vld [tilespmem:s13+$0x570];
	vm6 =	vgt.s32 v21, $0x1869F;
	v26 =	vsel vm5, $0x0, v20;
	[tilespmem:s13+$0x500] =	vst v0  }
0x121: {  	vm7 =	vgt.s32 v22, $0x1869F;
	v28 =	vsel vm6, $0x0, v21;
	[tilespmem:s13+$0x510] =	vst v26  }
0x122: {  	vm8 =	vgt.s32 v23, $0x1869F;
	v29 =	vsel vm7, $0x0, v22;
	[tilespmem:s13+$0x520] =	vst v28  }
0x123: {  	vm9 =	vgt.s32 v24, $0x1869F;
	v30 =	vsel vm8, $0x0, v23;
	[tilespmem:s13+$0x530] =	vst v29  }
0x124: {  	vm10 =	vgt.s32 v25, $0x1869F;
	v31 =	vsel vm9, $0x0, v24;
	[tilespmem:s13+$0x540] =	vst v30  }
0x125: {  	vm11 =	vgt.s32 v27, $0x1869F;
	v32 =	vsel vm10, $0x0, v25;
	[tilespmem:s13+$0x550] =	vst v31  }
0x126: {  	v33 =	vsel vm11, $0x0, v27;
	[tilespmem:s13+$0x560] =	vst v32  }
0x127: {  	s14 =	sadd.s32 $0x500, s13;
	[tilespmem:s13+$0x570] =	vst v33  }
0x128: {  	[tilespmem:s28], [sflag:$0x3] =	stream.indirect.gather [hbm4b:s1+s22], $0x80, s14, s22, $0xb8;
	[tilespmem:$0x1E400] =	vst v63  }
0x129: {  	_ =	swait.ge [sflag:s29], $0x4000  }
0x12a: {  	[sflag:s29] =	ssyncset.done $0x0  }
0x12b: {  	[sflag:s29] =	ssyncadd.s32 $0xFFFFC000  }
0x12c: {  	_ =	swait.ge [sflag:s31], $0x800  }
0x12d: {  	[sflag:s31] =	ssyncset.done $0x0  }
0x12e: {  	[sflag:s31] =	ssyncadd.s32 $0xFFFFF800  }
0x12f: {  	[spmem:s7] =	stream.linear.scatter [tilespmem:s24], [sflag:$0x6], $0x4000, $0x38;
	[tilespmem:$0x1E400] =	vst v63  }
0x130: {  	_ =	swait.ge [sflag:s30], $0x4000  }
0x131: {  	[sflag:s30] =	ssyncset.done $0x0  }
0x132: {  	s14 =	sadd.s32 $0x800, s20;
	[sflag:s30] =	ssyncadd.s32 $0xFFFFC000  }
0x133: {  	[hbm:s14], [sflag:s8] =	dma.local [spmem:s9], $0x800  }
0x134: {  	v34 =	vld [tilespmem:s13+$0x580]  }
0x135: {  	v35 =	vld [tilespmem:s13+$0x590]  }
0x136: {  	v36 =	vld [tilespmem:s13+$0x5A0]  }
0x137: {  	v37 =	vld [tilespmem:s13+$0x5B0]  }
0x138: {  	v38 =	vld [tilespmem:s13+$0x5C0]  }
0x139: {  	v39 =	vld [tilespmem:s13+$0x5D0];
	vm12 =	vgt.s32 v34, $0x1869F  }
0x13a: {  	v40 =	vld [tilespmem:s13+$0x5E0];
	vm13 =	vgt.s32 v35, $0x1869F;
	v0 =	vsel vm12, $0x0, v34  }
0x13b: {  	v42 =	vld [tilespmem:s13+$0x5F0];
	vm14 =	vgt.s32 v36, $0x1869F;
	v41 =	vsel vm13, $0x0, v35;
	[tilespmem:s13+$0x580] =	vst v0  }
0x13c: {  	vm15 =	vgt.s32 v37, $0x1869F;
	v43 =	vsel vm14, $0x0, v36;
	[tilespmem:s13+$0x590] =	vst v41  }
0x13d: {  	vm4 =	vgt.s32 v38, $0x1869F;
	v44 =	vsel vm15, $0x0, v37;
	[tilespmem:s13+$0x5A0] =	vst v43  }
0x13e: {  	vm5 =	vgt.s32 v39, $0x1869F;
	v45 =	vsel vm4, $0x0, v38;
	[tilespmem:s13+$0x5B0] =	vst v44  }
0x13f: {  	vm6 =	vgt.s32 v40, $0x1869F;
	v46 =	vsel vm5, $0x0, v39;
	[tilespmem:s13+$0x5C0] =	vst v45  }
0x140: {  	vm7 =	vgt.s32 v42, $0x1869F;
	v47 =	vsel vm6, $0x0, v40;
	[tilespmem:s13+$0x5D0] =	vst v46  }
0x141: {  	v48 =	vsel vm7, $0x0, v42;
	[tilespmem:s13+$0x5E0] =	vst v47  }
0x142: {  	s14 =	sadd.s32 $0x580, s13;
	[tilespmem:s13+$0x5F0] =	vst v48  }
0x143: {  	[tilespmem:s2], [sflag:$0x4] =	stream.indirect.gather [hbm4b:s1+s22], $0x80, s14, s22, $0xb8;
	[tilespmem:$0x1E400] =	vst v63  }
0x144: {  	_ =	swait.ge [sflag:s26], $0x4000  }
0x145: {  	[sflag:s26] =	ssyncset.done $0x0  }
0x146: {  	[sflag:s26] =	ssyncadd.s32 $0xFFFFC000  }
0x147: {  	_ =	swait.ge [sflag:s31], $0x800  }
0x148: {  	[sflag:s31] =	ssyncset.done $0x0  }
0x149: {  	[sflag:s31] =	ssyncadd.s32 $0xFFFFF800  }
0x14a: {  	[spmem:s5] =	stream.linear.scatter [tilespmem:s28], [sflag:$0x5], $0x4000, $0x38;
	[tilespmem:$0x1E400] =	vst v63  }
0x14b: {  	_ =	swait.ge [sflag:s0], $0x4000  }
0x14c: {  	[sflag:s0] =	ssyncset.done $0x0  }
0x14d: {  	s14 =	sadd.s32 $0x1000, s20;
	[sflag:s0] =	ssyncadd.s32 $0xFFFFC000  }
0x14e: {  	[hbm:s14], [sflag:s8] =	dma.local [spmem:s10], $0x800  }
0x14f: {  	v49 =	vld [tilespmem:s13+$0x600]  }
0x150: {  	v50 =	vld [tilespmem:s13+$0x610]  }
0x151: {  	v51 =	vld [tilespmem:s13+$0x620]  }
0x152: {  	v52 =	vld [tilespmem:s13+$0x630]  }
0x153: {  	v53 =	vld [tilespmem:s13+$0x640]  }
0x154: {  	v54 =	vld [tilespmem:s13+$0x650];
	vm8 =	vgt.s32 v49, $0x1869F  }
0x155: {  	v55 =	vld [tilespmem:s13+$0x660];
	vm9 =	vgt.s32 v50, $0x1869F;
	v0 =	vsel vm8, $0x0, v49  }
0x156: {  	v57 =	vld [tilespmem:s13+$0x670];
	vm10 =	vgt.s32 v51, $0x1869F;
	v56 =	vsel vm9, $0x0, v50;
	[tilespmem:s13+$0x600] =	vst v0  }
0x157: {  	vm11 =	vgt.s32 v52, $0x1869F;
	v58 =	vsel vm10, $0x0, v51;
	[tilespmem:s13+$0x610] =	vst v56  }
0x158: {  	vm12 =	vgt.s32 v53, $0x1869F;
	v59 =	vsel vm11, $0x0, v52;
	[tilespmem:s13+$0x620] =	vst v58  }
0x159: {  	vm13 =	vgt.s32 v54, $0x1869F;
	v60 =	vsel vm12, $0x0, v53;
	[tilespmem:s13+$0x630] =	vst v59  }
0x15a: {  	vm14 =	vgt.s32 v55, $0x1869F;
	v61 =	vsel vm13, $0x0, v54;
	[tilespmem:s13+$0x640] =	vst v60  }
0x15b: {  	vm15 =	vgt.s32 v57, $0x1869F;
	v62 =	vsel vm14, $0x0, v55;
	[tilespmem:s13+$0x650] =	vst v61  }
0x15c: {  	v63 =	vsel vm15, $0x0, v57;
	[tilespmem:s13+$0x660] =	vst v62  }
0x15d: {  	s14 =	sadd.s32 $0x600, s13;
	[tilespmem:s13+$0x670] =	vst v63  }
0x15e: {  	[tilespmem:s23], [sflag:$0x1] =	stream.indirect.gather [hbm4b:s1+s22], $0x80, s14, s22, $0xb8;
	[tilespmem:$0x1E400] =	vst v63  }
0x15f: {  	_ =	swait.ge [sflag:s3], $0x4000  }
0x160: {  	[sflag:s3] =	ssyncset.done $0x0  }
0x161: {  	[sflag:s3] =	ssyncadd.s32 $0xFFFFC000  }
0x162: {  	_ =	swait.ge [sflag:s31], $0x800  }
0x163: {  	[sflag:s31] =	ssyncset.done $0x0  }
0x164: {  	p0 =	sne.s32 s12, $0x17000;
	[sflag:s31] =	ssyncadd.s32 $0xFFFFF800  }
0x165: {  	[spmem:s7] =	stream.linear.scatter [tilespmem:s2], [sflag:$0x6], $0x4000, $0x38;
	[tilespmem:$0x1E400] =	vst v63  }
.Ltmp0:
0x166: {  	_ = 	snop;
	(pc) =	sbr.rel @p0 .LBB2_2-.Ltmp0, $4  }
0x167: {  	_ =	swait.ge [sflag:s30], $0x4000  }
0x168: {  	s12 =	sadd.s32 $0x800, s12;
	[sflag:s30] =	ssyncset.done $0x0  }
0x169: {  	s14 =	sadd.s32 $0x1800, s20;
	s20 =	sadd.s32 $0x2000, s20;
	[sflag:s30] =	ssyncadd.s32 $0xFFFFC000  }
0x16a: {  	[hbm:s14], [sflag:s8] =	dma.local [spmem:s9], $0x800  }
0x16b: {  	v0 =	vld [tilespmem:$0x6280]  }
0x16c: {  	v1 =	vld [tilespmem:$0x6290]  }
0x16d: {  	v2 =	vld [tilespmem:$0x62A0]  }
0x16e: {  	v3 =	vld [tilespmem:$0x62B0]  }
0x16f: {  	v4 =	vld [tilespmem:$0x62C0]  }
0x170: {  	v5 =	vld [tilespmem:$0x62D0];
	vm0 =	vgt.s32 v0, $0x1869F  }
0x171: {  	v6 =	vld [tilespmem:$0x62E0];
	vm5 =	vgt.s32 v1, $0x1869F;
	v0 =	vsel vm0, $0x0, v0  }
0x172: {  	v27 =	vld [tilespmem:$0x62F0];
	vm6 =	vgt.s32 v2, $0x1869F;
	v26 =	vsel vm5, $0x0, v1;
	[tilespmem:$0x6280] =	vst v0  }
0x173: {  	vm7 =	vgt.s32 v3, $0x1869F;
	v28 =	vsel vm6, $0x0, v2;
	[tilespmem:$0x6290] =	vst v26  }
0x174: {  	vm8 =	vgt.s32 v4, $0x1869F;
	v29 =	vsel vm7, $0x0, v3;
	[tilespmem:$0x62A0] =	vst v28  }
0x175: {  	vm9 =	vgt.s32 v5, $0x1869F;
	v30 =	vsel vm8, $0x0, v4;
	[tilespmem:$0x62B0] =	vst v29  }
0x176: {  	vm10 =	vgt.s32 v6, $0x1869F;
	v31 =	vsel vm9, $0x0, v5;
	[tilespmem:$0x62C0] =	vst v30  }
0x177: {  	vm11 =	vgt.s32 v27, $0x1869F;
	v32 =	vsel vm10, $0x0, v6;
	[tilespmem:$0x62D0] =	vst v31  }
0x178: {  	v33 =	vsel vm11, $0x0, v27;
	[tilespmem:$0x62E0] =	vst v32  }
0x179: {  	s12 =	simm.s32 $0x6280;
	[tilespmem:$0x62F0] =	vst v33  }
0x17a: {  	[tilespmem:s24], [sflag:$0x2] =	stream.indirect.gather [hbm4b:s1+s22], $0x80, s12, s22, $0xb8;
	[tilespmem:$0x1E400] =	vst v63  }
0x17b: {  	_ =	swait.ge [sflag:s25], $0x4000  }
0x17c: {  	[sflag:s25] =	ssyncset.done $0x0  }
0x17d: {  	[sflag:s25] =	ssyncadd.s32 $0xFFFFC000  }
0x17e: {  	_ =	swait.ge [sflag:s31], $0x800  }
0x17f: {  	[sflag:s31] =	ssyncset.done $0x0  }
0x180: {  	[sflag:s31] =	ssyncadd.s32 $0xFFFFF800  }
0x181: {  	[spmem:s5] =	stream.linear.scatter [tilespmem:s23], [sflag:$0x5], $0x4000, $0x38;
	[tilespmem:$0x1E400] =	vst v63  }
0x182: {  	_ =	swait.ge [sflag:s0], $0x4000  }
0x183: {  	[sflag:s0] =	ssyncset.done $0x0  }
0x184: {  	s13 =	rddreg [dreg:$0xc];
	[sflag:s0] =	ssyncadd.s32 $0xFFFFC000  }
0x185: {  	[hbm:s13], [sflag:s8] =	dma.local [spmem:s10], $0x800  }
0x186: {  	v34 =	vld [tilespmem:$0x6300]  }
0x187: {  	v35 =	vld [tilespmem:$0x6310]  }
0x188: {  	v36 =	vld [tilespmem:$0x6320]  }
0x189: {  	v37 =	vld [tilespmem:$0x6330]  }
0x18a: {  	v38 =	vld [tilespmem:$0x6340]  }
0x18b: {  	v39 =	vld [tilespmem:$0x6350];
	vm12 =	vgt.s32 v34, $0x1869F  }
0x18c: {  	v40 =	vld [tilespmem:$0x6360];
	vm13 =	vgt.s32 v35, $0x1869F;
	v0 =	vsel vm12, $0x0, v34  }
0x18d: {  	v42 =	vld [tilespmem:$0x6370];
	vm14 =	vgt.s32 v36, $0x1869F;
	v41 =	vsel vm13, $0x0, v35;
	[tilespmem:$0x6300] =	vst v0  }
0x18e: {  	vm15 =	vgt.s32 v37, $0x1869F;
	v43 =	vsel vm14, $0x0, v36;
	[tilespmem:$0x6310] =	vst v41  }
0x18f: {  	vm4 =	vgt.s32 v38, $0x1869F;
	v44 =	vsel vm15, $0x0, v37;
	[tilespmem:$0x6320] =	vst v43  }
0x190: {  	vm5 =	vgt.s32 v39, $0x1869F;
	v45 =	vsel vm4, $0x0, v38;
	[tilespmem:$0x6330] =	vst v44  }
0x191: {  	vm6 =	vgt.s32 v40, $0x1869F;
	v46 =	vsel vm5, $0x0, v39;
	[tilespmem:$0x6340] =	vst v45  }
0x192: {  	vm7 =	vgt.s32 v42, $0x1869F;
	v47 =	vsel vm6, $0x0, v40;
	[tilespmem:$0x6350] =	vst v46  }
0x193: {  	v48 =	vsel vm7, $0x0, v42;
	[tilespmem:$0x6360] =	vst v47  }
0x194: {  	s14 =	simm.s32 $0x6300;
	[tilespmem:$0x6370] =	vst v48  }
0x195: {  	[tilespmem:s28], [sflag:$0x3] =	stream.indirect.gather [hbm4b:s1+s22], $0x80, s14, s22, $0xb8;
	[tilespmem:$0x1E400] =	vst v63  }
0x196: {  	_ =	swait.ge [sflag:s29], $0x4000  }
0x197: {  	[sflag:s29] =	ssyncset.done $0x0  }
0x198: {  	[sflag:s29] =	ssyncadd.s32 $0xFFFFC000  }
0x199: {  	_ =	swait.ge [sflag:s31], $0x800  }
0x19a: {  	[sflag:s31] =	ssyncset.done $0x0  }
0x19b: {  	[sflag:s31] =	ssyncadd.s32 $0xFFFFF800  }
0x19c: {  	[spmem:s7] =	stream.linear.scatter [tilespmem:s24], [sflag:$0x6], $0x4000, $0x38;
	[tilespmem:$0x1E400] =	vst v63  }
0x19d: {  	_ =	swait.ge [sflag:s30], $0x4000  }
0x19e: {  	[sflag:s30] =	ssyncset.done $0x0  }
0x19f: {  	[sflag:s30] =	ssyncadd.s32 $0xFFFFC000  }
0x1a0: {  	[hbm:s15], [sflag:s8] =	dma.local [spmem:s9], $0x800  }
0x1a1: {  	v49 =	vld [tilespmem:$0x6380]  }
0x1a2: {  	v50 =	vld [tilespmem:$0x6390]  }
0x1a3: {  	v51 =	vld [tilespmem:$0x63A0]  }
0x1a4: {  	v52 =	vld [tilespmem:$0x63B0]  }
0x1a5: {  	v53 =	vld [tilespmem:$0x63C0]  }
0x1a6: {  	v54 =	vld [tilespmem:$0x63D0];
	vm8 =	vgt.s32 v49, $0x1869F  }
0x1a7: {  	v55 =	vld [tilespmem:$0x63E0];
	vm9 =	vgt.s32 v50, $0x1869F;
	v0 =	vsel vm8, $0x0, v49  }
0x1a8: {  	v57 =	vld [tilespmem:$0x63F0];
	vm10 =	vgt.s32 v51, $0x1869F;
	v56 =	vsel vm9, $0x0, v50;
	[tilespmem:$0x6380] =	vst v0  }
0x1a9: {  	vm11 =	vgt.s32 v52, $0x1869F;
	v58 =	vsel vm10, $0x0, v51;
	[tilespmem:$0x6390] =	vst v56  }
0x1aa: {  	vm12 =	vgt.s32 v53, $0x1869F;
	v59 =	vsel vm11, $0x0, v52;
	[tilespmem:$0x63A0] =	vst v58  }
0x1ab: {  	vm13 =	vgt.s32 v54, $0x1869F;
	v60 =	vsel vm12, $0x0, v53;
	[tilespmem:$0x63B0] =	vst v59  }
0x1ac: {  	vm14 =	vgt.s32 v55, $0x1869F;
	v61 =	vsel vm13, $0x0, v54;
	[tilespmem:$0x63C0] =	vst v60  }
0x1ad: {  	vm15 =	vgt.s32 v57, $0x1869F;
	v62 =	vsel vm14, $0x0, v55;
	[tilespmem:$0x63D0] =	vst v61  }
0x1ae: {  	v63 =	vsel vm15, $0x0, v57;
	[tilespmem:$0x63E0] =	vst v62  }
0x1af: {  	s20 =	simm.s32 $0x6380;
	[tilespmem:$0x63F0] =	vst v63  }
0x1b0: {  	[tilespmem:s2], [sflag:$0x4] =	stream.indirect.gather [hbm4b:s1+s22], $0x80, s20, s22, $0xb8;
	[tilespmem:$0x1E400] =	vst v63  }
0x1b1: {  	_ =	swait.ge [sflag:s26], $0x4000  }
0x1b2: {  	[sflag:s26] =	ssyncset.done $0x0  }
0x1b3: {  	[sflag:s26] =	ssyncadd.s32 $0xFFFFC000  }
0x1b4: {  	_ =	swait.ge [sflag:s31], $0x800  }
0x1b5: {  	[sflag:s31] =	ssyncset.done $0x0  }
0x1b6: {  	[sflag:s31] =	ssyncadd.s32 $0xFFFFF800  }
0x1b7: {  	[spmem:s5] =	stream.linear.scatter [tilespmem:s28], [sflag:$0x5], $0x4000, $0x38;
	[tilespmem:$0x1E400] =	vst v63  }
0x1b8: {  	_ =	swait.ge [sflag:s0], $0x4000  }
0x1b9: {  	[sflag:s0] =	ssyncset.done $0x0  }
0x1ba: {  	[sflag:s0] =	ssyncadd.s32 $0xFFFFC000  }
0x1bb: {  	[hbm:s16], [sflag:s8] =	dma.local [spmem:s10], $0x800  }
0x1bc: {  	_ =	swait.ge [sflag:s3], $0x4000  }
0x1bd: {  	[sflag:s3] =	ssyncset.done $0x0  }
0x1be: {  	[sflag:s3] =	ssyncadd.s32 $0xFFFFC000  }
0x1bf: {  	_ =	swait.ge [sflag:s31], $0x800  }
0x1c0: {  	[sflag:s31] =	ssyncset.done $0x0  }
0x1c1: {  	[sflag:s31] =	ssyncadd.s32 $0xFFFFF800  }
0x1c2: {  	[spmem:s7] =	stream.linear.scatter [tilespmem:s2], [sflag:$0x6], $0x4000, $0x38;
	[tilespmem:$0x1E400] =	vst v63  }
0x1c3: {  	_ =	swait.ge [sflag:s30], $0x4000  }
0x1c4: {  	[sflag:s30] =	ssyncset.done $0x0  }
0x1c5: {  	[sflag:s30] =	ssyncadd.s32 $0xFFFFC000  }
0x1c6: {  	[hbm:s17], [sflag:s8] =	dma.local [spmem:s9], $0x800  }
0x1c7: {  	_ =	swait.ge [sflag:s0], $0x4000  }
0x1c8: {  	[sflag:s0] =	ssyncset.done $0x0  }
0x1c9: {  	s4 =	sadd.s32 $0x1, s4;
	[sflag:s0] =	ssyncadd.s32 $0xFFFFC000  }
0x1ca: {  	[hbm:s18], [sflag:s8] =	dma.local [spmem:s10], $0x800  }
0x1cb: {  	p0 =	sne.s32 s4, s19;
	_ =	swait.ge [sflag:s31], $0x800  }
.Ltmp1:
0x1cc: {  	[sflag:s31] =	ssyncset.done $0x0;
	(pc) =	sbr.rel @p0 .LBB2_1-.Ltmp1, $4  }
0x1cd: {  	[sflag:s31] =	ssyncadd.s32 $0xFFFFF800  }
0x1ce: {  	_ =	swait.ge [sflag:s31], $0x800  }
0x1cf: {  	[sflag:s31] =	ssyncset.done $0x0  }
0x1d0: {  	[sflag:s31] =	ssyncadd.s32 $0xFFFFF800  }
0x1d1: {  	_ =	sfence.sel $0x180000  }
0x1d2: {  	[bflag:$0x0] =	sbarrier.arrive $0xFFFF  }
0x1d3: {  	_ =	strace $0x90000047  }
0x1d4: {  	s0 =	stileid.u32;
	[bflag:$0x2] =	sbarrier.arrive $0xFFFF  }
0x1d5: {  	p0 =	sne.s32 s0, $0x0;
	s0 =	rddreg [dreg:$0x4]  }
0x1d6: {  	s0 =	sadd.s32 @!p0 $0x100000, s0  }
0x1d7: {  	[sflag:s0] =	ssyncadd.tile.s32 @!p0 $0x1;
	_ =	shalt  }
.Lfunc_end2:
_tile_overlayer_lowered:
.L_overlay_start_2:
0x1d8: {  	(tag) =	ssettag $0x2  }
0x1d9: {  	s0 =	rddreg [dreg:$0x0];
	s2 =	stileid.u32  }
0x1da: {  	s1 =	rddreg [dreg:$0x1];
	p0 =	sne.s32 s2, $0x0  }
0x1db: {  	s3 =	rddreg [dreg:$0x2];
	[bflag:$0x3] =	sbarrier.arrive $0xFFFF;
	s2 =	simm.s32 @!p0 $0x1C08  }
0x1dc: {  	[timem:s3], [sflag:s2] =	dma.local @!p0 [hbm:s0], s1  }
0x1dd: {  	s0 =	simm.s32 @!p0 $0x8  }
0x1de: {  	_ =	swait.ge @!p0 [sflag:s0], s1  }
0x1df: {  	s1 =	ssub.s32 @!p0 $0x0, s1;
	[sflag:s0] =	ssyncset.done @!p0 $0x0  }
0x1e0: {  	[sflag:s0] =	ssyncadd.s32 @!p0 s1  }
0x1e1: {  	[bflag:$0x3] =	sbarrier.arrive $0xFFFF  }
0x1e2: {  	_ =	shalt  }

</sc_bundles>
